<compile_context>
chip_gen: v7x
topology: tpu7x:2x2x1
jax: 0.10.2.dev20260603
libtpu: 0.0.44.dev20260713+nightly
codegen_flags: <defaults>
</compile_context>

<pallas_src>
import functools

import jax
import jax.numpy as jnp
from jax import lax
from jax.experimental import pallas as pl
from jax.experimental.pallas import tpu as pltpu
from jax.experimental.pallas import tpu_sc as plsc

_N = 10000
_E = 320000
_D = 128
_ED = 16
_H = 128
_G = 64

_NC = 2
_NS = 16
_NW = _NC * _NS
_CHUNK = 128
_EPAD = 327680
_PERW = _EPAD // _NW
_NCHUNK = _PERW // _CHUNK
_NPAD = 10240
_RPT = _NPAD // _NS

_BN = 512
_BE = 1024
_F32 = jnp.float32
_PREC = lax.Precision.DEFAULT


def _mesh():
    return plsc.VectorSubcoreMesh(core_axis_name="c", subcore_axis_name="s")



def _sc_gather(table, idx):

    @functools.partial(
        pl.kernel,
        out_type=jax.ShapeDtypeStruct((_EPAD, _H), _F32),
        mesh=_mesh(),
        scratch_types=[
            pltpu.VMEM((_NCHUNK, _CHUNK), jnp.int32),
            pltpu.VMEM((_CHUNK, _H), _F32),
            pltpu.VMEM((_CHUNK, _H), _F32),
            pltpu.VMEM((_CHUNK, _H), _F32),
            pltpu.VMEM((_CHUNK, _H), _F32),
            pltpu.SemaphoreType.DMA,
            pltpu.SemaphoreType.DMA,
            pltpu.SemaphoreType.DMA,
            pltpu.SemaphoreType.DMA,
        ],
    )
    def k(table_hbm, idx_hbm, out_hbm, idx_v, buf0, buf1, buf2, buf3,
          sem0, sem1, sem2, sem3):
        c = lax.axis_index("c")
        s = lax.axis_index("s")
        wid = s * _NC + c
        base = wid * _PERW
        pltpu.sync_copy(idx_hbm.at[wid], idx_v)
        bufs = (buf0, buf1, buf2, buf3)
        sems = (sem0, sem1, sem2, sem3)

        def start(j, b):
            pltpu.async_copy(table_hbm.at[idx_v.at[j]], bufs[b], sems[b])

        for b in range(4):
            start(b, b)

        def body(jj, carry):
            for b in range(4):
                j = jj * 4 + b
                pltpu.make_async_copy(
                    table_hbm.at[idx_v.at[j]], bufs[b], sems[b]).wait()
                pltpu.sync_copy(
                    bufs[b], out_hbm.at[pl.ds(base + j * _CHUNK, _CHUNK)])

                @pl.when(j + 4 < _NCHUNK)
                def _():
                    start(j + 4, b)
            return carry

        lax.fori_loop(0, _NCHUNK // 4, body, 0)

    return k(table, idx)


def _sc_scatter_add(m, idx, zblk):

    @functools.partial(
        pl.kernel,
        out_type=jax.ShapeDtypeStruct((_NC, _NPAD, _H), _F32),
        mesh=_mesh(),
        scratch_types=[
            pltpu.VMEM((_NCHUNK, _CHUNK), jnp.int32),
            pltpu.VMEM((_CHUNK, _H), _F32),
            pltpu.VMEM((_CHUNK, _H), _F32),
            pltpu.VMEM_SHARED((_NPAD, _H), _F32),
            pltpu.SemaphoreType.DMA,
            pltpu.SemaphoreType.DMA,
        ],
    )
    def k(m_hbm, idx_hbm, z_hbm, out_hbm, idx_v, buf0, buf1, acc, sem0, sem1):
        c = lax.axis_index("c")
        s = lax.axis_index("s")
        wid = s * _NC + c
        base = wid * _PERW
        for r in range(_RPT // _CHUNK):
            pltpu.sync_copy(
                z_hbm, acc.at[pl.ds(s * _RPT + r * _CHUNK, _CHUNK)])
        pltpu.sync_copy(idx_hbm.at[wid], idx_v)
        plsc.subcore_barrier()

        bufs = (buf0, buf1)
        sems = (sem0, sem1)

        def start(j, b):
            pltpu.async_copy(
                m_hbm.at[pl.ds(base + j * _CHUNK, _CHUNK)], bufs[b], sems[b])

        start(0, 0)
        start(1, 1)

        def body(jj, carry):
            for b in range(2):
                j = jj * 2 + b
                pltpu.make_async_copy(
                    m_hbm.at[pl.ds(base + j * _CHUNK, _CHUNK)],
                    bufs[b], sems[b]).wait()
                pltpu.sync_copy(bufs[b], acc.at[idx_v.at[j]], add=True)

                @pl.when(j + 2 < _NCHUNK)
                def _():
                    start(j + 2, b)
            return carry

        lax.fori_loop(0, _NCHUNK // 2, body, 0)
        plsc.subcore_barrier()
        pltpu.sync_copy(
            acc.at[pl.ds(s * _RPT, _RPT)],
            out_hbm.at[c, pl.ds(s * _RPT, _RPT)])

    return k(m, idx, zblk)



def _tc_params():
    return pltpu.CompilerParams(dimension_semantics=("arbitrary",))


def _tc_dense(x, w, b):
    n, din = x.shape
    dout = w.shape[1]

    def body(x_ref, w_ref, b_ref, o_ref):
        o_ref[...] = jnp.dot(
            x_ref[...], w_ref[...], preferred_element_type=_F32, precision=_PREC) + b_ref[...]

    return pl.pallas_call(
        body,
        grid=(pl.cdiv(n, _BN),),
        in_specs=[
            pl.BlockSpec((_BN, din), lambda i: (i, 0)),
            pl.BlockSpec((din, dout), lambda i: (0, 0)),
            pl.BlockSpec((1, dout), lambda i: (0, 0)),
        ],
        out_specs=pl.BlockSpec((_BN, dout), lambda i: (i, 0)),
        out_shape=jax.ShapeDtypeStruct((n, dout), _F32),
        compiler_params=_tc_params(),
    )(x, w, b.reshape(1, -1))


def _tc_edge_mlp(xj, ea, w1x, w1e, b1, w2, b2):

    def body(xj_ref, ea_ref, w1x_ref, w1e_ref, b1_ref, w2_ref, b2_ref, o_ref):
        t = jnp.dot(xj_ref[...], w1x_ref[...], preferred_element_type=_F32, precision=_PREC)
        t += jnp.dot(ea_ref[...], w1e_ref[...], preferred_element_type=_F32, precision=_PREC)
        t = jnp.maximum(t + b1_ref[...], 0.0)
        o_ref[...] = jnp.dot(
            t, w2_ref[...], preferred_element_type=_F32, precision=_PREC) + b2_ref[...]

    return pl.pallas_call(
        body,
        grid=(_EPAD // _BE,),
        in_specs=[
            pl.BlockSpec((_BE, _H), lambda i: (i, 0)),
            pl.BlockSpec((_BE, _ED), lambda i: (i, 0)),
            pl.BlockSpec((_H, _H), lambda i: (0, 0)),
            pl.BlockSpec((_ED, _H), lambda i: (0, 0)),
            pl.BlockSpec((1, _H), lambda i: (0, 0)),
            pl.BlockSpec((_H, _H), lambda i: (0, 0)),
            pl.BlockSpec((1, _H), lambda i: (0, 0)),
        ],
        out_specs=pl.BlockSpec((_BE, _H), lambda i: (i, 0)),
        out_shape=jax.ShapeDtypeStruct((_EPAD, _H), _F32),
        compiler_params=_tc_params(),
    )(xj, ea, w1x, w1e, b1.reshape(1, -1), w2, b2.reshape(1, -1))


def _tc_update(h, a0, a1, uwh, uwa, ub, lng, lnb):

    def body(h_ref, a0_ref, a1_ref, uwh_ref, uwa_ref, ub_ref, g_ref, b_ref,
             o_ref):
        hb = h_ref[...]
        ag = a0_ref[...] + a1_ref[...]
        u = jnp.dot(hb, uwh_ref[...], preferred_element_type=_F32, precision=_PREC)
        u += jnp.dot(ag, uwa_ref[...], preferred_element_type=_F32, precision=_PREC)
        u = jnp.maximum(u + ub_ref[...], 0.0)
        mu = jnp.mean(u, axis=1, keepdims=True)
        var = jnp.mean((u - mu) ** 2, axis=1, keepdims=True)
        hn = (u - mu) / jnp.sqrt(var + 1e-5) * g_ref[...] + b_ref[...]
        o_ref[...] = jnp.maximum(hn, 0.0) + hb

    return pl.pallas_call(
        body,
        grid=(pl.cdiv(_N, _BN),),
        in_specs=[
            pl.BlockSpec((_BN, _H), lambda i: (i, 0)),
            pl.BlockSpec((_BN, _H), lambda i: (i, 0)),
            pl.BlockSpec((_BN, _H), lambda i: (i, 0)),
            pl.BlockSpec((_H, _H), lambda i: (0, 0)),
            pl.BlockSpec((_H, _H), lambda i: (0, 0)),
            pl.BlockSpec((1, _H), lambda i: (0, 0)),
            pl.BlockSpec((1, _H), lambda i: (0, 0)),
            pl.BlockSpec((1, _H), lambda i: (0, 0)),
        ],
        out_specs=pl.BlockSpec((_BN, _H), lambda i: (i, 0)),
        out_shape=jax.ShapeDtypeStruct((_N, _H), _F32),
        compiler_params=_tc_params(),
    )(h, a0, a1, uwh, uwa, ub.reshape(1, -1), lng.reshape(1, -1),
      lnb.reshape(1, -1))


def _tc_pool_readout(h_pad, brow, bcol, f1m, f1x, f1b, f2w, f2b):
    grid = _NPAD // _BN

    def body(h_ref, br_ref, bc_ref, f1m_ref, f1x_ref, f1b_ref, f2w_ref,
             f2b_ref, o_ref, sum_s, max_s, cnt_s):
        i = pl.program_id(0)

        @pl.when(i == 0)
        def _():
            sum_s[...] = jnp.zeros_like(sum_s)
            max_s[...] = jnp.full_like(max_s, -jnp.inf)
            cnt_s[...] = jnp.zeros_like(cnt_s)

        hb = h_ref[...]
        bt = br_ref[0]
        btc = bc_ref[0]
        gi = lax.broadcasted_iota(jnp.int32, (_G, 1), 0)
        onehot = (gi == bt).astype(_F32)
        sum_s[...] += jnp.dot(onehot, hb, preferred_element_type=_F32,
                              precision=lax.Precision.HIGHEST)
        cnt_s[...] += jnp.sum(onehot, axis=1, keepdims=True)

        g_lo = jnp.min(btc)
        g_hi = jnp.minimum(jnp.max(btc), _G - 1)

        def gbody(g, carry):
            mask = btc == g
            vals = jnp.where(mask, hb, -jnp.inf)
            mg = jnp.max(vals, axis=0, keepdims=True)
            max_s[pl.ds(g, 1), :] = jnp.maximum(max_s[pl.ds(g, 1), :], mg)
            return carry

        lax.fori_loop(g_lo, g_hi + 1, gbody, 0)

        @pl.when(i == grid - 1)
        def _():
            cnt = jnp.maximum(cnt_s[...], 1.0)
            mean = sum_s[...] / cnt
            z = jnp.dot(mean, f1m_ref[...], preferred_element_type=_F32, precision=_PREC)
            z += jnp.dot(max_s[...], f1x_ref[...], preferred_element_type=_F32, precision=_PREC)
            z = jnp.maximum(z + f1b_ref[...], 0.0)
            o_ref[...] = jnp.dot(
                z, f2w_ref[...], preferred_element_type=_F32, precision=_PREC) + f2b_ref[...]

    return pl.pallas_call(
        body,
        grid=(grid,),
        in_specs=[
            pl.BlockSpec((_BN, _H), lambda i: (i, 0)),
            pl.BlockSpec((1, 1, _BN), lambda i: (i, 0, 0)),
            pl.BlockSpec((1, _BN, 1), lambda i: (i, 0, 0)),
            pl.BlockSpec((_H, _H), lambda i: (0, 0)),
            pl.BlockSpec((_H, _H), lambda i: (0, 0)),
            pl.BlockSpec((1, _H), lambda i: (0, 0)),
            pl.BlockSpec((_H, 1), lambda i: (0, 0)),
            pl.BlockSpec((1, 1), lambda i: (0, 0)),
        ],
        out_specs=pl.BlockSpec((_G, 1), lambda i: (0, 0)),
        out_shape=jax.ShapeDtypeStruct((_G, 1), _F32),
        scratch_shapes=[
            pltpu.VMEM((_G, _H), _F32),
            pltpu.VMEM((_G, _H), _F32),
            pltpu.VMEM((_G, 1), _F32),
        ],
        compiler_params=_tc_params(),
    )(h_pad, brow, bcol, f1m, f1x, f1b.reshape(1, -1), f2w,
      f2b.reshape(1, -1))



def kernel(x, edge_index, edge_attr, batch, params):
    src = edge_index[0]
    dst = edge_index[1]
    pad = _EPAD - _E
    src_p = jnp.concatenate(
        [src, jnp.zeros((pad,), jnp.int32)]).reshape(_NW, _NCHUNK, _CHUNK)
    dst_p = jnp.concatenate(
        [dst, jnp.full((pad,), _N, jnp.int32)]).reshape(_NW, _NCHUNK, _CHUNK)
    ea_p = jnp.concatenate(
        [edge_attr, jnp.zeros((pad, _ED), _F32)], axis=0)
    zblk = jnp.zeros((_CHUNK, _H), _F32)

    h = _tc_dense(x, params['node_proj_w'], params['node_proj_b'])
    for lp in params['layers']:
        xj = _sc_gather(h, src_p)
        m = _tc_edge_mlp(xj, ea_p, lp['m1w'][:_H], lp['m1w'][_H:],
                         lp['m1b'], lp['m2w'], lp['m2b'])
        parts = _sc_scatter_add(m, dst_p, zblk)
        h = _tc_update(h, parts[0, :_N], parts[1, :_N],
                       lp['uw'][:_H], lp['uw'][_H:], lp['ub'],
                       lp['ln_g'], lp['ln_b'])

    npad = _NPAD - _N
    h_pad = jnp.concatenate([h, jnp.zeros((npad, _H), _F32)], axis=0)
    b_pad = jnp.concatenate([batch, jnp.full((npad,), _G, jnp.int32)])
    brow = b_pad.reshape(_NPAD // _BN, 1, _BN)
    bcol = b_pad.reshape(_NPAD // _BN, _BN, 1)
    return _tc_pool_readout(h_pad, brow, bcol,
                            params['f1w'][:_H], params['f1w'][_H:],
                            params['f1b'], params['f2w'], params['f2b'])

# --- scband reference (transcript-rebuilt; emitter-appended) ---
"""Pipeline reference for scband-mpnnmodel-89970974917473 (READ-ONLY COPY).

The authoritative reference and input builder live on the scoring server;
editing this copy changes nothing except your own understanding.
"""

import jax, jax.numpy as jnp
import numpy as np

N = 10000
E = 320000
D = 128
ED = 16
H = 128
G = 64
NUM_LAYERS = 3


def _lin(key, fan_in, fan_out):
    w = jax.random.normal(key, (fan_in, fan_out), dtype=jnp.float32) * (1.0 / np.sqrt(fan_in))
    b = jnp.zeros((fan_out,), dtype=jnp.float32)
    return w, b


def setup_inputs(seed: int = 0) -> dict:
    key = jax.random.key(seed)
    ks = jax.random.split(key, 8 + 5 * NUM_LAYERS)
    x = jax.random.normal(ks[0], (N, D), dtype=jnp.float32)
    edge_index = jax.random.randint(ks[1], (2, E), 0, N, dtype=jnp.int32)
    edge_attr = jax.random.normal(ks[2], (E, ED), dtype=jnp.float32)
    batch = jnp.sort(jax.random.randint(ks[3], (N,), 0, G, dtype=jnp.int32))
    npw, npb = _lin(ks[4], D, H)
    layers = []
    for i in range(NUM_LAYERS):
        k0, k1, k2 = jax.random.split(ks[5 + i], 3)
        m1w, m1b = _lin(k0, H + ED, H)
        m2w, m2b = _lin(k1, H, H)
        uw, ub = _lin(k2, H + H, H)
        layers.append({
            'm1w': m1w, 'm1b': m1b,
            'm2w': m2w, 'm2b': m2b,
            'uw': uw, 'ub': ub,
            'ln_g': jnp.ones((H,), dtype=jnp.float32),
            'ln_b': jnp.zeros((H,), dtype=jnp.float32),
        })
    f1w, f1b = _lin(ks[5 + NUM_LAYERS], 2 * H, H)
    f2w, f2b = _lin(ks[6 + NUM_LAYERS], H, 1)
    params = {
        'node_proj_w': npw, 'node_proj_b': npb,
        'layers': layers,
        'f1w': f1w, 'f1b': f1b,
        'f2w': f2w, 'f2b': f2b,
    }
    return {'x': x, 'edge_index': edge_index, 'edge_attr': edge_attr, 'batch': batch, 'params': params}


def _layer_norm(h, g, b, eps=1e-5):
    m = jnp.mean(h, axis=-1, keepdims=True)
    v = jnp.mean((h - m) ** 2, axis=-1, keepdims=True)
    return (h - m) / jnp.sqrt(v + eps) * g + b


def reference(x, edge_index, edge_attr, batch, params):
    # node projection
    h = x @ params['node_proj_w'] + params['node_proj_b']
    src = edge_index[0]
    dst = edge_index[1]
    for lp in params['layers']:
        x_res = h
        # message: MLP(cat(x_j, edge_attr))
        x_j = jnp.take(h, src, axis=0)
        m = jnp.concatenate([x_j, edge_attr], axis=-1)
        m = jax.nn.relu(m @ lp['m1w'] + lp['m1b'])
        m = m @ lp['m2w'] + lp['m2b']
        # aggregate: scatter-add by dst node
        aggr = jax.ops.segment_sum(m, dst, num_segments=N)
        # update: MLP(cat(x, aggr)) then LayerNorm
        u = jnp.concatenate([h, aggr], axis=-1)
        u = jax.nn.relu(u @ lp['uw'] + lp['ub'])
        hn = _layer_norm(u, lp['ln_g'], lp['ln_b'])
        # relu + (dropout is identity at eval) + residual
        h = jax.nn.relu(hn) + x_res
    # global mean/max pooling per graph
    counts = jax.ops.segment_sum(jnp.ones((N, 1), dtype=h.dtype), batch, num_segments=G)
    counts = jnp.maximum(counts, 1.0)
    x_mean = jax.ops.segment_sum(h, batch, num_segments=G) / counts
    x_max = jax.ops.segment_max(h, batch, num_segments=G)
    z = jnp.concatenate([x_mean, x_max], axis=1)
    z = jax.nn.relu(z @ params['f1w'] + params['f1b'])
    out = z @ params['f2w'] + params['f2b']
    return out

if __name__ == "__main__":
    import jax
    _d = setup_inputs()
    print(jax.jit(kernel)(*tuple(_d.values())))

</pallas_src>

<mosaic_0001>
#map = affine_map<(d0, d1) -> (0, 0)>
#map1 = affine_map<(d0, d1) -> (0, 0, 0)>
module attributes {stable_mosaic.version = 14 : i64} {
  func.func @k(%arg0: i32, %arg1: i32, %arg2: memref<327680x128xf32, #tpu.memory_space<hbm>>, %arg3: memref<32x80x128xi32, #tpu.memory_space<hbm>>, %arg4: memref<128x128xf32, #tpu.memory_space<hbm>>, %arg5: memref<2x10240x128xf32, #tpu.memory_space<hbm>>, %arg6: memref<80x128xi32, #tpu.memory_space<vmem>>, %arg7: memref<128x128xf32, #tpu.memory_space<vmem>>, %arg8: memref<128x128xf32, #tpu.memory_space<vmem>>, %arg9: memref<10240x128xf32, #tpu.memory_space<vmem_shared>>, %arg10: memref<!tpu.dma_semaphore, #tpu.memory_space<semaphore_mem>>, %arg11: memref<!tpu.dma_semaphore, #tpu.memory_space<semaphore_mem>>) attributes {dimension_semantics = [#tpu.dimension_semantics<core_parallel>, #tpu.dimension_semantics<subcore_parallel>], iteration_bounds = array<i64: 2, 16>, scalar_prefetch = 0 : i64, scratch_operands = 6 : i64, tpu.core_type = #tpu.core_type<sc_vector_subcore>, window_params = [{transform_indices = #map}, {transform_indices = #map1}, {transform_indices = #map}, {transform_indices = #map1}]} {
    %mul3A = arith.constant 2 : i32
    %mul3A_0 = arith.muli %arg1, %mul3A : i32
    %add3A = arith.addi %mul3A_0, %arg0 : i32
    %mul3A_1 = arith.constant 10240 : i32
    %mul3A_2 = arith.muli %add3A, %mul3A_1 : i32
    %mul3A_3 = arith.constant 640 : i32
    %mul3A_4 = arith.muli %arg1, %mul3A_3 : i32
    %add3A_5 = arith.constant 0 : i32
    %add3A_6 = arith.addi %mul3A_4, %add3A_5 : i32
    "tpu.region"() ({
      %run_scoped3A = tpu.sem_alloc : memref<!tpu.dma_semaphore, #tpu.memory_space<semaphore_mem>>
      %dma_start3A_44 = arith.constant 0 : i32
      %dma_start3A_45 = tpu.memref_slice %arg9[%add3A_6, %dma_start3A_44] : memref<10240x128xf32, #tpu.memory_space<vmem_shared>> -> memref<128x128xf32, #tpu.memory_space<vmem_shared>>
      tpu.enqueue_dma source(%arg4 : memref<128x128xf32, #tpu.memory_space<hbm>>) target(%dma_start3A_45 : memref<128x128xf32, #tpu.memory_space<vmem_shared>>) target_semaphore(%run_scoped3A : memref<!tpu.dma_semaphore, #tpu.memory_space<semaphore_mem>>)
      %dma_wait3A = arith.constant 0 : i32
      %dma_wait3A_46 = tpu.memref_slice %arg9[%add3A_6, %dma_wait3A] : memref<10240x128xf32, #tpu.memory_space<vmem_shared>> -> memref<128x128xf32, #tpu.memory_space<vmem_shared>>
      tpu.wait_dma2 semaphore(%run_scoped3A : memref<!tpu.dma_semaphore, #tpu.memory_space<semaphore_mem>>) src(%arg4 : memref<128x128xf32, #tpu.memory_space<hbm>>) dst(%dma_wait3A_46 : memref<128x128xf32, #tpu.memory_space<vmem_shared>>)
      tpu.yield
    }) : () -> ()
    %mul3A_7 = arith.constant 640 : i32
    %mul3A_8 = arith.muli %arg1, %mul3A_7 : i32
    %add3A_9 = arith.constant 128 : i32
    %add3A_10 = arith.addi %mul3A_8, %add3A_9 : i32
    "tpu.region"() ({
      %run_scoped3A = tpu.sem_alloc : memref<!tpu.dma_semaphore, #tpu.memory_space<semaphore_mem>>
      %dma_start3A_44 = arith.constant 0 : i32
      %dma_start3A_45 = tpu.memref_slice %arg9[%add3A_10, %dma_start3A_44] : memref<10240x128xf32, #tpu.memory_space<vmem_shared>> -> memref<128x128xf32, #tpu.memory_space<vmem_shared>>
      tpu.enqueue_dma source(%arg4 : memref<128x128xf32, #tpu.memory_space<hbm>>) target(%dma_start3A_45 : memref<128x128xf32, #tpu.memory_space<vmem_shared>>) target_semaphore(%run_scoped3A : memref<!tpu.dma_semaphore, #tpu.memory_space<semaphore_mem>>)
      %dma_wait3A = arith.constant 0 : i32
      %dma_wait3A_46 = tpu.memref_slice %arg9[%add3A_10, %dma_wait3A] : memref<10240x128xf32, #tpu.memory_space<vmem_shared>> -> memref<128x128xf32, #tpu.memory_space<vmem_shared>>
      tpu.wait_dma2 semaphore(%run_scoped3A : memref<!tpu.dma_semaphore, #tpu.memory_space<semaphore_mem>>) src(%arg4 : memref<128x128xf32, #tpu.memory_space<hbm>>) dst(%dma_wait3A_46 : memref<128x128xf32, #tpu.memory_space<vmem_shared>>)
      tpu.yield
    }) : () -> ()
    %mul3A_11 = arith.constant 640 : i32
    %mul3A_12 = arith.muli %arg1, %mul3A_11 : i32
    %add3A_13 = arith.constant 256 : i32
    %add3A_14 = arith.addi %mul3A_12, %add3A_13 : i32
    "tpu.region"() ({
      %run_scoped3A = tpu.sem_alloc : memref<!tpu.dma_semaphore, #tpu.memory_space<semaphore_mem>>
      %dma_start3A_44 = arith.constant 0 : i32
      %dma_start3A_45 = tpu.memref_slice %arg9[%add3A_14, %dma_start3A_44] : memref<10240x128xf32, #tpu.memory_space<vmem_shared>> -> memref<128x128xf32, #tpu.memory_space<vmem_shared>>
      tpu.enqueue_dma source(%arg4 : memref<128x128xf32, #tpu.memory_space<hbm>>) target(%dma_start3A_45 : memref<128x128xf32, #tpu.memory_space<vmem_shared>>) target_semaphore(%run_scoped3A : memref<!tpu.dma_semaphore, #tpu.memory_space<semaphore_mem>>)
      %dma_wait3A = arith.constant 0 : i32
      %dma_wait3A_46 = tpu.memref_slice %arg9[%add3A_14, %dma_wait3A] : memref<10240x128xf32, #tpu.memory_space<vmem_shared>> -> memref<128x128xf32, #tpu.memory_space<vmem_shared>>
      tpu.wait_dma2 semaphore(%run_scoped3A : memref<!tpu.dma_semaphore, #tpu.memory_space<semaphore_mem>>) src(%arg4 : memref<128x128xf32, #tpu.memory_space<hbm>>) dst(%dma_wait3A_46 : memref<128x128xf32, #tpu.memory_space<vmem_shared>>)
      tpu.yield
    }) : () -> ()
    %mul3A_15 = arith.constant 640 : i32
    %mul3A_16 = arith.muli %arg1, %mul3A_15 : i32
    %add3A_17 = arith.constant 384 : i32
    %add3A_18 = arith.addi %mul3A_16, %add3A_17 : i32
    "tpu.region"() ({
      %run_scoped3A = tpu.sem_alloc : memref<!tpu.dma_semaphore, #tpu.memory_space<semaphore_mem>>
      %dma_start3A_44 = arith.constant 0 : i32
      %dma_start3A_45 = tpu.memref_slice %arg9[%add3A_18, %dma_start3A_44] : memref<10240x128xf32, #tpu.memory_space<vmem_shared>> -> memref<128x128xf32, #tpu.memory_space<vmem_shared>>
      tpu.enqueue_dma source(%arg4 : memref<128x128xf32, #tpu.memory_space<hbm>>) target(%dma_start3A_45 : memref<128x128xf32, #tpu.memory_space<vmem_shared>>) target_semaphore(%run_scoped3A : memref<!tpu.dma_semaphore, #tpu.memory_space<semaphore_mem>>)
      %dma_wait3A = arith.constant 0 : i32
      %dma_wait3A_46 = tpu.memref_slice %arg9[%add3A_18, %dma_wait3A] : memref<10240x128xf32, #tpu.memory_space<vmem_shared>> -> memref<128x128xf32, #tpu.memory_space<vmem_shared>>
      tpu.wait_dma2 semaphore(%run_scoped3A : memref<!tpu.dma_semaphore, #tpu.memory_space<semaphore_mem>>) src(%arg4 : memref<128x128xf32, #tpu.memory_space<hbm>>) dst(%dma_wait3A_46 : memref<128x128xf32, #tpu.memory_space<vmem_shared>>)
      tpu.yield
    }) : () -> ()
    %mul3A_19 = arith.constant 640 : i32
    %mul3A_20 = arith.muli %arg1, %mul3A_19 : i32
    %add3A_21 = arith.constant 512 : i32
    %add3A_22 = arith.addi %mul3A_20, %add3A_21 : i32
    "tpu.region"() ({
      %run_scoped3A = tpu.sem_alloc : memref<!tpu.dma_semaphore, #tpu.memory_space<semaphore_mem>>
      %dma_start3A_44 = arith.constant 0 : i32
      %dma_start3A_45 = tpu.memref_slice %arg9[%add3A_22, %dma_start3A_44] : memref<10240x128xf32, #tpu.memory_space<vmem_shared>> -> memref<128x128xf32, #tpu.memory_space<vmem_shared>>
      tpu.enqueue_dma source(%arg4 : memref<128x128xf32, #tpu.memory_space<hbm>>) target(%dma_start3A_45 : memref<128x128xf32, #tpu.memory_space<vmem_shared>>) target_semaphore(%run_scoped3A : memref<!tpu.dma_semaphore, #tpu.memory_space<semaphore_mem>>)
      %dma_wait3A = arith.constant 0 : i32
      %dma_wait3A_46 = tpu.memref_slice %arg9[%add3A_22, %dma_wait3A] : memref<10240x128xf32, #tpu.memory_space<vmem_shared>> -> memref<128x128xf32, #tpu.memory_space<vmem_shared>>
      tpu.wait_dma2 semaphore(%run_scoped3A : memref<!tpu.dma_semaphore, #tpu.memory_space<semaphore_mem>>) src(%arg4 : memref<128x128xf32, #tpu.memory_space<hbm>>) dst(%dma_wait3A_46 : memref<128x128xf32, #tpu.memory_space<vmem_shared>>)
      tpu.yield
    }) : () -> ()
    "tpu.region"() ({
      %run_scoped3A = tpu.sem_alloc : memref<!tpu.dma_semaphore, #tpu.memory_space<semaphore_mem>>
      %dma_start3A_44 = arith.constant 0 : i32
      %dma_start3A_45 = arith.constant 0 : i32
      %dma_start3A_46 = tpu.memref_slice %arg3[%add3A, %dma_start3A_44, %dma_start3A_45] : memref<32x80x128xi32, #tpu.memory_space<hbm>> -> memref<1x80x128xi32, #tpu.memory_space<hbm>>
      %dma_start3A_47 = tpu.memref_squeeze %dma_start3A_46 : memref<1x80x128xi32, #tpu.memory_space<hbm>> -> memref<80x128xi32, #tpu.memory_space<hbm>>
      %dma_start3A_48 = arith.constant 0 : i32
      %dma_start3A_49 = arith.constant 0 : i32
      %dma_start3A_50 = tpu.memref_slice %arg3[%add3A, %dma_start3A_48, %dma_start3A_49] : memref<32x80x128xi32, #tpu.memory_space<hbm>> -> memref<1x80x128xi32, #tpu.memory_space<hbm>>
      %dma_start3A_51 = tpu.memref_squeeze %dma_start3A_50 : memref<1x80x128xi32, #tpu.memory_space<hbm>> -> memref<80x128xi32, #tpu.memory_space<hbm>>
      tpu.enqueue_dma source(%dma_start3A_51 : memref<80x128xi32, #tpu.memory_space<hbm>>) target(%arg6 : memref<80x128xi32, #tpu.memory_space<vmem>>) target_semaphore(%run_scoped3A : memref<!tpu.dma_semaphore, #tpu.memory_space<semaphore_mem>>)
      %dma_wait3A = arith.constant 0 : i32
      %dma_wait3A_52 = arith.constant 0 : i32
      %dma_wait3A_53 = tpu.memref_slice %arg3[%add3A, %dma_wait3A, %dma_wait3A_52] : memref<32x80x128xi32, #tpu.memory_space<hbm>> -> memref<1x80x128xi32, #tpu.memory_space<hbm>>
      %dma_wait3A_54 = tpu.memref_squeeze %dma_wait3A_53 : memref<1x80x128xi32, #tpu.memory_space<hbm>> -> memref<80x128xi32, #tpu.memory_space<hbm>>
      %dma_wait3A_55 = arith.constant 0 : i32
      %dma_wait3A_56 = arith.constant 0 : i32
      %dma_wait3A_57 = tpu.memref_slice %arg3[%add3A, %dma_wait3A_55, %dma_wait3A_56] : memref<32x80x128xi32, #tpu.memory_space<hbm>> -> memref<1x80x128xi32, #tpu.memory_space<hbm>>
      %dma_wait3A_58 = tpu.memref_squeeze %dma_wait3A_57 : memref<1x80x128xi32, #tpu.memory_space<hbm>> -> memref<80x128xi32, #tpu.memory_space<hbm>>
      tpu.wait_dma2 semaphore(%run_scoped3A : memref<!tpu.dma_semaphore, #tpu.memory_space<semaphore_mem>>) src(%dma_wait3A_58 : memref<80x128xi32, #tpu.memory_space<hbm>>) dst(%arg6 : memref<80x128xi32, #tpu.memory_space<vmem>>)
      tpu.yield
    }) : () -> ()
    %barrier3A = arith.constant 0 : index
    tpu.barrier barrier_id(%barrier3A)
    %add3A_23 = arith.constant 0 : i32
    %add3A_24 = arith.addi %mul3A_2, %add3A_23 : i32
    %dma_start3A = arith.constant 0 : i32
    %dma_start3A_25 = tpu.memref_slice %arg2[%add3A_24, %dma_start3A] : memref<327680x128xf32, #tpu.memory_space<hbm>> -> memref<128x128xf32, #tpu.memory_space<hbm>>
    %dma_start3A_26 = arith.constant 0 : i32
    %dma_start3A_27 = tpu.memref_slice %arg2[%add3A_24, %dma_start3A_26] : memref<327680x128xf32, #tpu.memory_space<hbm>> -> memref<128x128xf32, #tpu.memory_space<hbm>>
    tpu.enqueue_dma source(%dma_start3A_27 : memref<128x128xf32, #tpu.memory_space<hbm>>) target(%arg7 : memref<128x128xf32, #tpu.memory_space<vmem>>) target_semaphore(%arg10 : memref<!tpu.dma_semaphore, #tpu.memory_space<semaphore_mem>>)
    %add3A_28 = arith.constant 128 : i32
    %add3A_29 = arith.addi %mul3A_2, %add3A_28 : i32
    %dma_start3A_30 = arith.constant 0 : i32
    %dma_start3A_31 = tpu.memref_slice %arg2[%add3A_29, %dma_start3A_30] : memref<327680x128xf32, #tpu.memory_space<hbm>> -> memref<128x128xf32, #tpu.memory_space<hbm>>
    %dma_start3A_32 = arith.constant 0 : i32
    %dma_start3A_33 = tpu.memref_slice %arg2[%add3A_29, %dma_start3A_32] : memref<327680x128xf32, #tpu.memory_space<hbm>> -> memref<128x128xf32, #tpu.memory_space<hbm>>
    tpu.enqueue_dma source(%dma_start3A_33 : memref<128x128xf32, #tpu.memory_space<hbm>>) target(%arg8 : memref<128x128xf32, #tpu.memory_space<vmem>>) target_semaphore(%arg11 : memref<!tpu.dma_semaphore, #tpu.memory_space<semaphore_mem>>)
    %scan3A = arith.constant 0 : i32
    %scan3A_34 = arith.constant 0 : i32
    %scan3A_35 = arith.constant 40 : i32
    %scan3A_36 = arith.addi %scan3A_34, %scan3A_35 : i32
    %scan3A_37 = arith.constant 1 : i32
    scf.for %scan3A_44 = %scan3A_34 to %scan3A_36 step %scan3A_37  : i32 {
      %mul3A_45 = arith.constant 2 : i32
      %mul3A_46 = arith.muli %scan3A_44, %mul3A_45 : i32
      %add3A_47 = arith.constant 0 : i32
      %add3A_48 = arith.addi %mul3A_46, %add3A_47 : i32
      %mul3A_49 = arith.constant 128 : i32
      %mul3A_50 = arith.muli %add3A_48, %mul3A_49 : i32
      %add3A_51 = arith.addi %mul3A_2, %mul3A_50 : i32
      %dma_wait3A = arith.constant 0 : i32
      %dma_wait3A_52 = tpu.memref_slice %arg2[%add3A_51, %dma_wait3A] : memref<327680x128xf32, #tpu.memory_space<hbm>> -> memref<128x128xf32, #tpu.memory_space<hbm>>
      %dma_wait3A_53 = arith.constant 0 : i32
      %dma_wait3A_54 = tpu.memref_slice %arg2[%add3A_51, %dma_wait3A_53] : memref<327680x128xf32, #tpu.memory_space<hbm>> -> memref<128x128xf32, #tpu.memory_space<hbm>>
      tpu.wait_dma2 semaphore(%arg10 : memref<!tpu.dma_semaphore, #tpu.memory_space<semaphore_mem>>) src(%dma_wait3A_54 : memref<128x128xf32, #tpu.memory_space<hbm>>) dst(%arg7 : memref<128x128xf32, #tpu.memory_space<vmem>>)
      "tpu.region"() ({
        %run_scoped3A = tpu.sem_alloc : memref<!tpu.dma_semaphore, #tpu.memory_space<semaphore_mem>>
        %dma_start3A_77 = arith.constant 0 : i32
        %dma_start3A_78 = tpu.memref_slice %arg6[%add3A_48, %dma_start3A_77] : memref<80x128xi32, #tpu.memory_space<vmem>> -> memref<1x128xi32, #tpu.memory_space<vmem>>
        %dma_start3A_79 = tpu.memref_squeeze %dma_start3A_78 : memref<1x128xi32, #tpu.memory_space<vmem>> -> memref<128xi32, #tpu.memory_space<vmem>>
        %dma_start3A_80 = arith.constant 0 : i32
        %dma_start3A_81 = arith.constant 0 : i32
        %dma_start3A_82 = tpu.memref_slice %arg9[%dma_start3A_80, %dma_start3A_81] : memref<10240x128xf32, #tpu.memory_space<vmem_shared>> -> memref<10240x128xf32, #tpu.memory_space<vmem_shared>>
        tpu.enqueue_indirect_dma source(%arg7 : memref<128x128xf32, #tpu.memory_space<vmem>>) target(%dma_start3A_82 : memref<10240x128xf32, #tpu.memory_space<vmem_shared>>) offsets(%dma_start3A_79 : memref<128xi32, #tpu.memory_space<vmem>>) semaphore(%run_scoped3A : memref<!tpu.dma_semaphore, #tpu.memory_space<semaphore_mem>>) {add = true}
        %dma_wait3A_83 = arith.constant 0 : i32
        %dma_wait3A_84 = tpu.memref_slice %arg6[%add3A_48, %dma_wait3A_83] : memref<80x128xi32, #tpu.memory_space<vmem>> -> memref<1x128xi32, #tpu.memory_space<vmem>>
        %dma_wait3A_85 = tpu.memref_squeeze %dma_wait3A_84 : memref<1x128xi32, #tpu.memory_space<vmem>> -> memref<128xi32, #tpu.memory_space<vmem>>
        %dma_wait3A_86 = arith.constant 0 : i32
        %dma_wait3A_87 = arith.constant 0 : i32
        %dma_wait3A_88 = tpu.memref_slice %arg9[%dma_wait3A_86, %dma_wait3A_87] : memref<10240x128xf32, #tpu.memory_space<vmem_shared>> -> memref<10240x128xf32, #tpu.memory_space<vmem_shared>>
        tpu.wait_indirect_dma semaphore(%run_scoped3A : memref<!tpu.dma_semaphore, #tpu.memory_space<semaphore_mem>>) src(%arg7 : memref<128x128xf32, #tpu.memory_space<vmem>>) dst(%dma_wait3A_88 : memref<10240x128xf32, #tpu.memory_space<vmem_shared>>)
        tpu.yield
      }) : () -> ()
      %add3A_55 = arith.constant 2 : i32
      %add3A_56 = arith.addi %add3A_48, %add3A_55 : i32
      %lt3A = arith.constant 80 : i32
      %lt3A_57 = arith.cmpi slt, %add3A_56, %lt3A : i32
      %convert_element_type3A = arith.extui %lt3A_57 : i1 to i32
      %cond3A = arith.constant 0 : i32
      %cond3A_58 = arith.cmpi ne, %convert_element_type3A, %cond3A : i32
      scf.if %cond3A_58 {
        %add3A_77 = arith.constant 2 : i32
        %add3A_78 = arith.addi %add3A_48, %add3A_77 : i32
        %mul3A_79 = arith.constant 128 : i32
        %mul3A_80 = arith.muli %add3A_78, %mul3A_79 : i32
        %add3A_81 = arith.addi %mul3A_2, %mul3A_80 : i32
        %dma_start3A_82 = arith.constant 0 : i32
        %dma_start3A_83 = tpu.memref_slice %arg2[%add3A_81, %dma_start3A_82] : memref<327680x128xf32, #tpu.memory_space<hbm>> -> memref<128x128xf32, #tpu.memory_space<hbm>>
        %dma_start3A_84 = arith.constant 0 : i32
        %dma_start3A_85 = tpu.memref_slice %arg2[%add3A_81, %dma_start3A_84] : memref<327680x128xf32, #tpu.memory_space<hbm>> -> memref<128x128xf32, #tpu.memory_space<hbm>>
        tpu.enqueue_dma source(%dma_start3A_85 : memref<128x128xf32, #tpu.memory_space<hbm>>) target(%arg7 : memref<128x128xf32, #tpu.memory_space<vmem>>) target_semaphore(%arg10 : memref<!tpu.dma_semaphore, #tpu.memory_space<semaphore_mem>>)
      } else {
      }
      %mul3A_59 = arith.constant 2 : i32
      %mul3A_60 = arith.muli %scan3A_44, %mul3A_59 : i32
      %add3A_61 = arith.constant 1 : i32
      %add3A_62 = arith.addi %mul3A_60, %add3A_61 : i32
      %mul3A_63 = arith.constant 128 : i32
      %mul3A_64 = arith.muli %add3A_62, %mul3A_63 : i32
      %add3A_65 = arith.addi %mul3A_2, %mul3A_64 : i32
      %dma_wait3A_66 = arith.constant 0 : i32
      %dma_wait3A_67 = tpu.memref_slice %arg2[%add3A_65, %dma_wait3A_66] : memref<327680x128xf32, #tpu.memory_space<hbm>> -> memref<128x128xf32, #tpu.memory_space<hbm>>
      %dma_wait3A_68 = arith.constant 0 : i32
      %dma_wait3A_69 = tpu.memref_slice %arg2[%add3A_65, %dma_wait3A_68] : memref<327680x128xf32, #tpu.memory_space<hbm>> -> memref<128x128xf32, #tpu.memory_space<hbm>>
      tpu.wait_dma2 semaphore(%arg11 : memref<!tpu.dma_semaphore, #tpu.memory_space<semaphore_mem>>) src(%dma_wait3A_69 : memref<128x128xf32, #tpu.memory_space<hbm>>) dst(%arg8 : memref<128x128xf32, #tpu.memory_space<vmem>>)
      "tpu.region"() ({
        %run_scoped3A = tpu.sem_alloc : memref<!tpu.dma_semaphore, #tpu.memory_space<semaphore_mem>>
        %dma_start3A_77 = arith.constant 0 : i32
        %dma_start3A_78 = tpu.memref_slice %arg6[%add3A_62, %dma_start3A_77] : memref<80x128xi32, #tpu.memory_space<vmem>> -> memref<1x128xi32, #tpu.memory_space<vmem>>
        %dma_start3A_79 = tpu.memref_squeeze %dma_start3A_78 : memref<1x128xi32, #tpu.memory_space<vmem>> -> memref<128xi32, #tpu.memory_space<vmem>>
        %dma_start3A_80 = arith.constant 0 : i32
        %dma_start3A_81 = arith.constant 0 : i32
        %dma_start3A_82 = tpu.memref_slice %arg9[%dma_start3A_80, %dma_start3A_81] : memref<10240x128xf32, #tpu.memory_space<vmem_shared>> -> memref<10240x128xf32, #tpu.memory_space<vmem_shared>>
        tpu.enqueue_indirect_dma source(%arg8 : memref<128x128xf32, #tpu.memory_space<vmem>>) target(%dma_start3A_82 : memref<10240x128xf32, #tpu.memory_space<vmem_shared>>) offsets(%dma_start3A_79 : memref<128xi32, #tpu.memory_space<vmem>>) semaphore(%run_scoped3A : memref<!tpu.dma_semaphore, #tpu.memory_space<semaphore_mem>>) {add = true}
        %dma_wait3A_83 = arith.constant 0 : i32
        %dma_wait3A_84 = tpu.memref_slice %arg6[%add3A_62, %dma_wait3A_83] : memref<80x128xi32, #tpu.memory_space<vmem>> -> memref<1x128xi32, #tpu.memory_space<vmem>>
        %dma_wait3A_85 = tpu.memref_squeeze %dma_wait3A_84 : memref<1x128xi32, #tpu.memory_space<vmem>> -> memref<128xi32, #tpu.memory_space<vmem>>
        %dma_wait3A_86 = arith.constant 0 : i32
        %dma_wait3A_87 = arith.constant 0 : i32
        %dma_wait3A_88 = tpu.memref_slice %arg9[%dma_wait3A_86, %dma_wait3A_87] : memref<10240x128xf32, #tpu.memory_space<vmem_shared>> -> memref<10240x128xf32, #tpu.memory_space<vmem_shared>>
        tpu.wait_indirect_dma semaphore(%run_scoped3A : memref<!tpu.dma_semaphore, #tpu.memory_space<semaphore_mem>>) src(%arg8 : memref<128x128xf32, #tpu.memory_space<vmem>>) dst(%dma_wait3A_88 : memref<10240x128xf32, #tpu.memory_space<vmem_shared>>)
        tpu.yield
      }) : () -> ()
      %add3A_70 = arith.constant 2 : i32
      %add3A_71 = arith.addi %add3A_62, %add3A_70 : i32
      %lt3A_72 = arith.constant 80 : i32
      %lt3A_73 = arith.cmpi slt, %add3A_71, %lt3A_72 : i32
      %convert_element_type3A_74 = arith.extui %lt3A_73 : i1 to i32
      %cond3A_75 = arith.constant 0 : i32
      %cond3A_76 = arith.cmpi ne, %convert_element_type3A_74, %cond3A_75 : i32
      scf.if %cond3A_76 {
        %add3A_77 = arith.constant 2 : i32
        %add3A_78 = arith.addi %add3A_62, %add3A_77 : i32
        %mul3A_79 = arith.constant 128 : i32
        %mul3A_80 = arith.muli %add3A_78, %mul3A_79 : i32
        %add3A_81 = arith.addi %mul3A_2, %mul3A_80 : i32
        %dma_start3A_82 = arith.constant 0 : i32
        %dma_start3A_83 = tpu.memref_slice %arg2[%add3A_81, %dma_start3A_82] : memref<327680x128xf32, #tpu.memory_space<hbm>> -> memref<128x128xf32, #tpu.memory_space<hbm>>
        %dma_start3A_84 = arith.constant 0 : i32
        %dma_start3A_85 = tpu.memref_slice %arg2[%add3A_81, %dma_start3A_84] : memref<327680x128xf32, #tpu.memory_space<hbm>> -> memref<128x128xf32, #tpu.memory_space<hbm>>
        tpu.enqueue_dma source(%dma_start3A_85 : memref<128x128xf32, #tpu.memory_space<hbm>>) target(%arg8 : memref<128x128xf32, #tpu.memory_space<vmem>>) target_semaphore(%arg11 : memref<!tpu.dma_semaphore, #tpu.memory_space<semaphore_mem>>)
      } else {
      }
    }
    %scan3A_38 = arith.constant 40 : i32
    %barrier3A_39 = arith.constant 0 : index
    tpu.barrier barrier_id(%barrier3A_39)
    %mul3A_40 = arith.constant 640 : i32
    %mul3A_41 = arith.muli %arg1, %mul3A_40 : i32
    %mul3A_42 = arith.constant 640 : i32
    %mul3A_43 = arith.muli %arg1, %mul3A_42 : i32
    "tpu.region"() ({
      %run_scoped3A = tpu.sem_alloc : memref<!tpu.dma_semaphore, #tpu.memory_space<semaphore_mem>>
      %dma_start3A_44 = arith.constant 0 : i32
      %dma_start3A_45 = tpu.memref_slice %arg5[%arg0, %mul3A_43, %dma_start3A_44] : memref<2x10240x128xf32, #tpu.memory_space<hbm>> -> memref<1x640x128xf32, #tpu.memory_space<hbm>>
      %dma_start3A_46 = tpu.memref_squeeze %dma_start3A_45 : memref<1x640x128xf32, #tpu.memory_space<hbm>> -> memref<640x128xf32, #tpu.memory_space<hbm>>
      %dma_start3A_47 = arith.constant 0 : i32
      %dma_start3A_48 = tpu.memref_slice %arg9[%mul3A_41, %dma_start3A_47] : memref<10240x128xf32, #tpu.memory_space<vmem_shared>> -> memref<640x128xf32, #tpu.memory_space<vmem_shared>>
      tpu.enqueue_dma source(%dma_start3A_48 : memref<640x128xf32, #tpu.memory_space<vmem_shared>>) target(%dma_start3A_46 : memref<640x128xf32, #tpu.memory_space<hbm>>) target_semaphore(%run_scoped3A : memref<!tpu.dma_semaphore, #tpu.memory_space<semaphore_mem>>)
      %dma_wait3A = arith.constant 0 : i32
      %dma_wait3A_49 = tpu.memref_slice %arg5[%arg0, %mul3A_43, %dma_wait3A] : memref<2x10240x128xf32, #tpu.memory_space<hbm>> -> memref<1x640x128xf32, #tpu.memory_space<hbm>>
      %dma_wait3A_50 = tpu.memref_squeeze %dma_wait3A_49 : memref<1x640x128xf32, #tpu.memory_space<hbm>> -> memref<640x128xf32, #tpu.memory_space<hbm>>
      %dma_wait3A_51 = arith.constant 0 : i32
      %dma_wait3A_52 = tpu.memref_slice %arg9[%mul3A_41, %dma_wait3A_51] : memref<10240x128xf32, #tpu.memory_space<vmem_shared>> -> memref<640x128xf32, #tpu.memory_space<vmem_shared>>
      tpu.wait_dma2 semaphore(%run_scoped3A : memref<!tpu.dma_semaphore, #tpu.memory_space<semaphore_mem>>) src(%dma_wait3A_52 : memref<640x128xf32, #tpu.memory_space<vmem_shared>>) dst(%dma_wait3A_50 : memref<640x128xf32, #tpu.memory_space<hbm>>)
      tpu.yield
    }) : () -> ()
    return
  }
}

#map = affine_map<(d0, d1) -> (0, 0)>
#map1 = affine_map<(d0, d1) -> (0, 0, 0)>
module attributes {stable_mosaic.version = 14 : i64} {
  func.func @k(%arg0: i32, %arg1: i32, %arg2: memref<327680x128xf32, #tpu.memory_space<hbm>>, %arg3: memref<32x80x128xi32, #tpu.memory_space<hbm>>, %arg4: memref<128x128xf32, #tpu.memory_space<hbm>>, %arg5: memref<2x10240x128xf32, #tpu.memory_space<hbm>>, %arg6: memref<80x128xi32, #tpu.memory_space<vmem>>, %arg7: memref<128x128xf32, #tpu.memory_space<vmem>>, %arg8: memref<128x128xf32, #tpu.memory_space<vmem>>, %arg9: memref<10240x128xf32, #tpu.memory_space<vmem_shared>>, %arg10: memref<!tpu.dma_semaphore, #tpu.memory_space<semaphore_mem>>, %arg11: memref<!tpu.dma_semaphore, #tpu.memory_space<semaphore_mem>>) attributes {dimension_semantics = [#tpu.dimension_semantics<core_parallel>, #tpu.dimension_semantics<subcore_parallel>], iteration_bounds = array<i64: 2, 16>, scalar_prefetch = 0 : i64, scratch_operands = 6 : i64, tpu.core_type = #tpu.core_type<sc_vector_subcore>, window_params = [{transform_indices = #map}, {transform_indices = #map1}, {transform_indices = #map}, {transform_indices = #map1}]} {
    %mul3A = arith.constant 2 : i32
    %mul3A_0 = arith.muli %arg1, %mul3A : i32
    %add3A = arith.addi %mul3A_0, %arg0 : i32
    %mul3A_1 = arith.constant 10240 : i32
    %mul3A_2 = arith.muli %add3A, %mul3A_1 : i32
    %mul3A_3 = arith.constant 640 : i32
    %mul3A_4 = arith.muli %arg1, %mul3A_3 : i32
    %add3A_5 = arith.constant 0 : i32
    %add3A_6 = arith.addi %mul3A_4, %add3A_5 : i32
    "tpu.region"() ({
      %run_scoped3A = tpu.sem_alloc : memref<!tpu.dma_semaphore, #tpu.memory_space<semaphore_mem>>
      %dma_start3A_44 = arith.constant 0 : i32
      %dma_start3A_45 = tpu.memref_slice %arg9[%add3A_6, %dma_start3A_44] : memref<10240x128xf32, #tpu.memory_space<vmem_shared>> -> memref<128x128xf32, #tpu.memory_space<vmem_shared>>
      tpu.enqueue_dma source(%arg4 : memref<128x128xf32, #tpu.memory_space<hbm>>) target(%dma_start3A_45 : memref<128x128xf32, #tpu.memory_space<vmem_shared>>) target_semaphore(%run_scoped3A : memref<!tpu.dma_semaphore, #tpu.memory_space<semaphore_mem>>)
      %dma_wait3A = arith.constant 0 : i32
      %dma_wait3A_46 = tpu.memref_slice %arg9[%add3A_6, %dma_wait3A] : memref<10240x128xf32, #tpu.memory_space<vmem_shared>> -> memref<128x128xf32, #tpu.memory_space<vmem_shared>>
      tpu.wait_dma2 semaphore(%run_scoped3A : memref<!tpu.dma_semaphore, #tpu.memory_space<semaphore_mem>>) src(%arg4 : memref<128x128xf32, #tpu.memory_space<hbm>>) dst(%dma_wait3A_46 : memref<128x128xf32, #tpu.memory_space<vmem_shared>>)
      tpu.yield
    }) : () -> ()
    %mul3A_7 = arith.constant 640 : i32
    %mul3A_8 = arith.muli %arg1, %mul3A_7 : i32
    %add3A_9 = arith.constant 128 : i32
    %add3A_10 = arith.addi %mul3A_8, %add3A_9 : i32
    "tpu.region"() ({
      %run_scoped3A = tpu.sem_alloc : memref<!tpu.dma_semaphore, #tpu.memory_space<semaphore_mem>>
      %dma_start3A_44 = arith.constant 0 : i32
      %dma_start3A_45 = tpu.memref_slice %arg9[%add3A_10, %dma_start3A_44] : memref<10240x128xf32, #tpu.memory_space<vmem_shared>> -> memref<128x128xf32, #tpu.memory_space<vmem_shared>>
      tpu.enqueue_dma source(%arg4 : memref<128x128xf32, #tpu.memory_space<hbm>>) target(%dma_start3A_45 : memref<128x128xf32, #tpu.memory_space<vmem_shared>>) target_semaphore(%run_scoped3A : memref<!tpu.dma_semaphore, #tpu.memory_space<semaphore_mem>>)
      %dma_wait3A = arith.constant 0 : i32
      %dma_wait3A_46 = tpu.memref_slice %arg9[%add3A_10, %dma_wait3A] : memref<10240x128xf32, #tpu.memory_space<vmem_shared>> -> memref<128x128xf32, #tpu.memory_space<vmem_shared>>
      tpu.wait_dma2 semaphore(%run_scoped3A : memref<!tpu.dma_semaphore, #tpu.memory_space<semaphore_mem>>) src(%arg4 : memref<128x128xf32, #tpu.memory_space<hbm>>) dst(%dma_wait3A_46 : memref<128x128xf32, #tpu.memory_space<vmem_shared>>)
      tpu.yield
    }) : () -> ()
    %mul3A_11 = arith.constant 640 : i32
    %mul3A_12 = arith.muli %arg1, %mul3A_11 : i32
    %add3A_13 = arith.constant 256 : i32
    %add3A_14 = arith.addi %mul3A_12, %add3A_13 : i32
    "tpu.region"() ({
      %run_scoped3A = tpu.sem_alloc : memref<!tpu.dma_semaphore, #tpu.memory_space<semaphore_mem>>
      %dma_start3A_44 = arith.constant 0 : i32
      %dma_start3A_45 = tpu.memref_slice %arg9[%add3A_14, %dma_start3A_44] : memref<10240x128xf32, #tpu.memory_space<vmem_shared>> -> memref<128x128xf32, #tpu.memory_space<vmem_shared>>
      tpu.enqueue_dma source(%arg4 : memref<128x128xf32, #tpu.memory_space<hbm>>) target(%dma_start3A_45 : memref<128x128xf32, #tpu.memory_space<vmem_shared>>) target_semaphore(%run_scoped3A : memref<!tpu.dma_semaphore, #tpu.memory_space<semaphore_mem>>)
      %dma_wait3A = arith.constant 0 : i32
      %dma_wait3A_46 = tpu.memref_slice %arg9[%add3A_14, %dma_wait3A] : memref<10240x128xf32, #tpu.memory_space<vmem_shared>> -> memref<128x128xf32, #tpu.memory_space<vmem_shared>>
      tpu.wait_dma2 semaphore(%run_scoped3A : memref<!tpu.dma_semaphore, #tpu.memory_space<semaphore_mem>>) src(%arg4 : memref<128x128xf32, #tpu.memory_space<hbm>>) dst(%dma_wait3A_46 : memref<128x128xf32, #tpu.memory_space<vmem_shared>>)
      tpu.yield
    }) : () -> ()
    %mul3A_15 = arith.constant 640 : i32
    %mul3A_16 = arith.muli %arg1, %mul3A_15 : i32
    %add3A_17 = arith.constant 384 : i32
    %add3A_18 = arith.addi %mul3A_16, %add3A_17 : i32
    "tpu.region"() ({
      %run_scoped3A = tpu.sem_alloc : memref<!tpu.dma_semaphore, #tpu.memory_space<semaphore_mem>>
      %dma_start3A_44 = arith.constant 0 : i32
      %dma_start3A_45 = tpu.memref_slice %arg9[%add3A_18, %dma_start3A_44] : memref<10240x128xf32, #tpu.memory_space<vmem_shared>> -> memref<128x128xf32, #tpu.memory_space<vmem_shared>>
      tpu.enqueue_dma source(%arg4 : memref<128x128xf32, #tpu.memory_space<hbm>>) target(%dma_start3A_45 : memref<128x128xf32, #tpu.memory_space<vmem_shared>>) target_semaphore(%run_scoped3A : memref<!tpu.dma_semaphore, #tpu.memory_space<semaphore_mem>>)
      %dma_wait3A = arith.constant 0 : i32
      %dma_wait3A_46 = tpu.memref_slice %arg9[%add3A_18, %dma_wait3A] : memref<10240x128xf32, #tpu.memory_space<vmem_shared>> -> memref<128x128xf32, #tpu.memory_space<vmem_shared>>
      tpu.wait_dma2 semaphore(%run_scoped3A : memref<!tpu.dma_semaphore, #tpu.memory_space<semaphore_mem>>) src(%arg4 : memref<128x128xf32, #tpu.memory_space<hbm>>) dst(%dma_wait3A_46 : memref<128x128xf32, #tpu.memory_space<vmem_shared>>)
      tpu.yield
    }) : () -> ()
    %mul3A_19 = arith.constant 640 : i32
    %mul3A_20 = arith.muli %arg1, %mul3A_19 : i32
    %add3A_21 = arith.constant 512 : i32
    %add3A_22 = arith.addi %mul3A_20, %add3A_21 : i32
    "tpu.region"() ({
      %run_scoped3A = tpu.sem_alloc : memref<!tpu.dma_semaphore, #tpu.memory_space<semaphore_mem>>
      %dma_start3A_44 = arith.constant 0 : i32
      %dma_start3A_45 = tpu.memref_slice %arg9[%add3A_22, %dma_start3A_44] : memref<10240x128xf32, #tpu.memory_space<vmem_shared>> -> memref<128x128xf32, #tpu.memory_space<vmem_shared>>
      tpu.enqueue_dma source(%arg4 : memref<128x128xf32, #tpu.memory_space<hbm>>) target(%dma_start3A_45 : memref<128x128xf32, #tpu.memory_space<vmem_shared>>) target_semaphore(%run_scoped3A : memref<!tpu.dma_semaphore, #tpu.memory_space<semaphore_mem>>)
      %dma_wait3A = arith.constant 0 : i32
      %dma_wait3A_46 = tpu.memref_slice %arg9[%add3A_22, %dma_wait3A] : memref<10240x128xf32, #tpu.memory_space<vmem_shared>> -> memref<128x128xf32, #tpu.memory_space<vmem_shared>>
      tpu.wait_dma2 semaphore(%run_scoped3A : memref<!tpu.dma_semaphore, #tpu.memory_space<semaphore_mem>>) src(%arg4 : memref<128x128xf32, #tpu.memory_space<hbm>>) dst(%dma_wait3A_46 : memref<128x128xf32, #tpu.memory_space<vmem_shared>>)
      tpu.yield
    }) : () -> ()
    "tpu.region"() ({
      %run_scoped3A = tpu.sem_alloc : memref<!tpu.dma_semaphore, #tpu.memory_space<semaphore_mem>>
      %dma_start3A_44 = arith.constant 0 : i32
      %dma_start3A_45 = arith.constant 0 : i32
      %dma_start3A_46 = tpu.memref_slice %arg3[%add3A, %dma_start3A_44, %dma_start3A_45] : memref<32x80x128xi32, #tpu.memory_space<hbm>> -> memref<1x80x128xi32, #tpu.memory_space<hbm>>
      %dma_start3A_47 = tpu.memref_squeeze %dma_start3A_46 : memref<1x80x128xi32, #tpu.memory_space<hbm>> -> memref<80x128xi32, #tpu.memory_space<hbm>>
      %dma_start3A_48 = arith.constant 0 : i32
      %dma_start3A_49 = arith.constant 0 : i32
      %dma_start3A_50 = tpu.memref_slice %arg3[%add3A, %dma_start3A_48, %dma_start3A_49] : memref<32x80x128xi32, #tpu.memory_space<hbm>> -> memref<1x80x128xi32, #tpu.memory_space<hbm>>
      %dma_start3A_51 = tpu.memref_squeeze %dma_start3A_50 : memref<1x80x128xi32, #tpu.memory_space<hbm>> -> memref<80x128xi32, #tpu.memory_space<hbm>>
      tpu.enqueue_dma source(%dma_start3A_51 : memref<80x128xi32, #tpu.memory_space<hbm>>) target(%arg6 : memref<80x128xi32, #tpu.memory_space<vmem>>) target_semaphore(%run_scoped3A : memref<!tpu.dma_semaphore, #tpu.memory_space<semaphore_mem>>)
      %dma_wait3A = arith.constant 0 : i32
      %dma_wait3A_52 = arith.constant 0 : i32
      %dma_wait3A_53 = tpu.memref_slice %arg3[%add3A, %dma_wait3A, %dma_wait3A_52] : memref<32x80x128xi32, #tpu.memory_space<hbm>> -> memref<1x80x128xi32, #tpu.memory_space<hbm>>
      %dma_wait3A_54 = tpu.memref_squeeze %dma_wait3A_53 : memref<1x80x128xi32, #tpu.memory_space<hbm>> -> memref<80x128xi32, #tpu.memory_space<hbm>>
      %dma_wait3A_55 = arith.constant 0 : i32
      %dma_wait3A_56 = arith.constant 0 : i32
      %dma_wait3A_57 = tpu.memref_slice %arg3[%add3A, %dma_wait3A_55, %dma_wait3A_56] : memref<32x80x128xi32, #tpu.memory_space<hbm>> -> memref<1x80x128xi32, #tpu.memory_space<hbm>>
      %dma_wait3A_58 = tpu.memref_squeeze %dma_wait3A_57 : memref<1x80x128xi32, #tpu.memory_space<hbm>> -> memref<80x128xi32, #tpu.memory_space<hbm>>
      tpu.wait_dma2 semaphore(%run_scoped3A : memref<!tpu.dma_semaphore, #tpu.memory_space<semaphore_mem>>) src(%dma_wait3A_58 : memref<80x128xi32, #tpu.memory_space<hbm>>) dst(%arg6 : memref<80x128xi32, #tpu.memory_space<vmem>>)
      tpu.yield
    }) : () -> ()
    %barrier3A = arith.constant 0 : index
    tpu.barrier barrier_id(%barrier3A)
    %add3A_23 = arith.constant 0 : i32
    %add3A_24 = arith.addi %mul3A_2, %add3A_23 : i32
    %dma_start3A = arith.constant 0 : i32
    %dma_start3A_25 = tpu.memref_slice %arg2[%add3A_24, %dma_start3A] : memref<327680x128xf32, #tpu.memory_space<hbm>> -> memref<128x128xf32, #tpu.memory_space<hbm>>
    %dma_start3A_26 = arith.constant 0 : i32
    %dma_start3A_27 = tpu.memref_slice %arg2[%add3A_24, %dma_start3A_26] : memref<327680x128xf32, #tpu.memory_space<hbm>> -> memref<128x128xf32, #tpu.memory_space<hbm>>
    tpu.enqueue_dma source(%dma_start3A_27 : memref<128x128xf32, #tpu.memory_space<hbm>>) target(%arg7 : memref<128x128xf32, #tpu.memory_space<vmem>>) target_semaphore(%arg10 : memref<!tpu.dma_semaphore, #tpu.memory_space<semaphore_mem>>)
    %add3A_28 = arith.constant 128 : i32
    %add3A_29 = arith.addi %mul3A_2, %add3A_28 : i32
    %dma_start3A_30 = arith.constant 0 : i32
    %dma_start3A_31 = tpu.memref_slice %arg2[%add3A_29, %dma_start3A_30] : memref<327680x128xf32, #tpu.memory_space<hbm>> -> memref<128x128xf32, #tpu.memory_space<hbm>>
    %dma_start3A_32 = arith.constant 0 : i32
    %dma_start3A_33 = tpu.memref_slice %arg2[%add3A_29, %dma_start3A_32] : memref<327680x128xf32, #tpu.memory_space<hbm>> -> memref<128x128xf32, #tpu.memory_space<hbm>>
    tpu.enqueue_dma source(%dma_start3A_33 : memref<128x128xf32, #tpu.memory_space<hbm>>) target(%arg8 : memref<128x128xf32, #tpu.memory_space<vmem>>) target_semaphore(%arg11 : memref<!tpu.dma_semaphore, #tpu.memory_space<semaphore_mem>>)
    %scan3A = arith.constant 0 : i32
    %scan3A_34 = arith.constant 0 : i32
    %scan3A_35 = arith.constant 40 : i32
    %scan3A_36 = arith.addi %scan3A_34, %scan3A_35 : i32
    %scan3A_37 = arith.constant 1 : i32
    scf.for %scan3A_44 = %scan3A_34 to %scan3A_36 step %scan3A_37  : i32 {
      %mul3A_45 = arith.constant 2 : i32
      %mul3A_46 = arith.muli %scan3A_44, %mul3A_45 : i32
      %add3A_47 = arith.constant 0 : i32
      %add3A_48 = arith.addi %mul3A_46, %add3A_47 : i32
      %mul3A_49 = arith.constant 128 : i32
      %mul3A_50 = arith.muli %add3A_48, %mul3A_49 : i32
      %add3A_51 = arith.addi %mul3A_2, %mul3A_50 : i32
      %dma_wait3A = arith.constant 0 : i32
      %dma_wait3A_52 = tpu.memref_slice %arg2[%add3A_51, %dma_wait3A] : memref<327680x128xf32, #tpu.memory_space<hbm>> -> memref<128x128xf32, #tpu.memory_space<hbm>>
      %dma_wait3A_53 = arith.constant 0 : i32
      %dma_wait3A_54 = tpu.memref_slice %arg2[%add3A_51, %dma_wait3A_53] : memref<327680x128xf32, #tpu.memory_space<hbm>> -> memref<128x128xf32, #tpu.memory_space<hbm>>
      tpu.wait_dma2 semaphore(%arg10 : memref<!tpu.dma_semaphore, #tpu.memory_space<semaphore_mem>>) src(%dma_wait3A_54 : memref<128x128xf32, #tpu.memory_space<hbm>>) dst(%arg7 : memref<128x128xf32, #tpu.memory_space<vmem>>)
      "tpu.region"() ({
        %run_scoped3A = tpu.sem_alloc : memref<!tpu.dma_semaphore, #tpu.memory_space<semaphore_mem>>
        %dma_start3A_77 = arith.constant 0 : i32
        %dma_start3A_78 = tpu.memref_slice %arg6[%add3A_48, %dma_start3A_77] : memref<80x128xi32, #tpu.memory_space<vmem>> -> memref<1x128xi32, #tpu.memory_space<vmem>>
        %dma_start3A_79 = tpu.memref_squeeze %dma_start3A_78 : memref<1x128xi32, #tpu.memory_space<vmem>> -> memref<128xi32, #tpu.memory_space<vmem>>
        %dma_start3A_80 = arith.constant 0 : i32
        %dma_start3A_81 = arith.constant 0 : i32
        %dma_start3A_82 = tpu.memref_slice %arg9[%dma_start3A_80, %dma_start3A_81] : memref<10240x128xf32, #tpu.memory_space<vmem_shared>> -> memref<10240x128xf32, #tpu.memory_space<vmem_shared>>
        tpu.enqueue_indirect_dma source(%arg7 : memref<128x128xf32, #tpu.memory_space<vmem>>) target(%dma_start3A_82 : memref<10240x128xf32, #tpu.memory_space<vmem_shared>>) offsets(%dma_start3A_79 : memref<128xi32, #tpu.memory_space<vmem>>) semaphore(%run_scoped3A : memref<!tpu.dma_semaphore, #tpu.memory_space<semaphore_mem>>) {add = true}
        %dma_wait3A_83 = arith.constant 0 : i32
        %dma_wait3A_84 = tpu.memref_slice %arg6[%add3A_48, %dma_wait3A_83] : memref<80x128xi32, #tpu.memory_space<vmem>> -> memref<1x128xi32, #tpu.memory_space<vmem>>
        %dma_wait3A_85 = tpu.memref_squeeze %dma_wait3A_84 : memref<1x128xi32, #tpu.memory_space<vmem>> -> memref<128xi32, #tpu.memory_space<vmem>>
        %dma_wait3A_86 = arith.constant 0 : i32
        %dma_wait3A_87 = arith.constant 0 : i32
        %dma_wait3A_88 = tpu.memref_slice %arg9[%dma_wait3A_86, %dma_wait3A_87] : memref<10240x128xf32, #tpu.memory_space<vmem_shared>> -> memref<10240x128xf32, #tpu.memory_space<vmem_shared>>
        tpu.wait_indirect_dma semaphore(%run_scoped3A : memref<!tpu.dma_semaphore, #tpu.memory_space<semaphore_mem>>) src(%arg7 : memref<128x128xf32, #tpu.memory_space<vmem>>) dst(%dma_wait3A_88 : memref<10240x128xf32, #tpu.memory_space<vmem_shared>>)
        tpu.yield
      }) : () -> ()
      %add3A_55 = arith.constant 2 : i32
      %add3A_56 = arith.addi %add3A_48, %add3A_55 : i32
      %lt3A = arith.constant 80 : i32
      %lt3A_57 = arith.cmpi slt, %add3A_56, %lt3A : i32
      %convert_element_type3A = arith.extui %lt3A_57 : i1 to i32
      %cond3A = arith.constant 0 : i32
      %cond3A_58 = arith.cmpi ne, %convert_element_type3A, %cond3A : i32
      scf.if %cond3A_58 {
        %add3A_77 = arith.constant 2 : i32
        %add3A_78 = arith.addi %add3A_48, %add3A_77 : i32
        %mul3A_79 = arith.constant 128 : i32
        %mul3A_80 = arith.muli %add3A_78, %mul3A_79 : i32
        %add3A_81 = arith.addi %mul3A_2, %mul3A_80 : i32
        %dma_start3A_82 = arith.constant 0 : i32
        %dma_start3A_83 = tpu.memref_slice %arg2[%add3A_81, %dma_start3A_82] : memref<327680x128xf32, #tpu.memory_space<hbm>> -> memref<128x128xf32, #tpu.memory_space<hbm>>
        %dma_start3A_84 = arith.constant 0 : i32
        %dma_start3A_85 = tpu.memref_slice %arg2[%add3A_81, %dma_start3A_84] : memref<327680x128xf32, #tpu.memory_space<hbm>> -> memref<128x128xf32, #tpu.memory_space<hbm>>
        tpu.enqueue_dma source(%dma_start3A_85 : memref<128x128xf32, #tpu.memory_space<hbm>>) target(%arg7 : memref<128x128xf32, #tpu.memory_space<vmem>>) target_semaphore(%arg10 : memref<!tpu.dma_semaphore, #tpu.memory_space<semaphore_mem>>)
      } else {
      }
      %mul3A_59 = arith.constant 2 : i32
      %mul3A_60 = arith.muli %scan3A_44, %mul3A_59 : i32
      %add3A_61 = arith.constant 1 : i32
      %add3A_62 = arith.addi %mul3A_60, %add3A_61 : i32
      %mul3A_63 = arith.constant 128 : i32
      %mul3A_64 = arith.muli %add3A_62, %mul3A_63 : i32
      %add3A_65 = arith.addi %mul3A_2, %mul3A_64 : i32
      %dma_wait3A_66 = arith.constant 0 : i32
      %dma_wait3A_67 = tpu.memref_slice %arg2[%add3A_65, %dma_wait3A_66] : memref<327680x128xf32, #tpu.memory_space<hbm>> -> memref<128x128xf32, #tpu.memory_space<hbm>>
      %dma_wait3A_68 = arith.constant 0 : i32
      %dma_wait3A_69 = tpu.memref_slice %arg2[%add3A_65, %dma_wait3A_68] : memref<327680x128xf32, #tpu.memory_space<hbm>> -> memref<128x128xf32, #tpu.memory_space<hbm>>
      tpu.wait_dma2 semaphore(%arg11 : memref<!tpu.dma_semaphore, #tpu.memory_space<semaphore_mem>>) src(%dma_wait3A_69 : memref<128x128xf32, #tpu.memory_space<hbm>>) dst(%arg8 : memref<128x128xf32, #tpu.memory_space<vmem>>)
      "tpu.region"() ({
        %run_scoped3A = tpu.sem_alloc : memref<!tpu.dma_semaphore, #tpu.memory_space<semaphore_mem>>
        %dma_start3A_77 = arith.constant 0 : i32
        %dma_start3A_78 = tpu.memref_slice %arg6[%add3A_62, %dma_start3A_77] : memref<80x128xi32, #tpu.memory_space<vmem>> -> memref<1x128xi32, #tpu.memory_space<vmem>>
        %dma_start3A_79 = tpu.memref_squeeze %dma_start3A_78 : memref<1x128xi32, #tpu.memory_space<vmem>> -> memref<128xi32, #tpu.memory_space<vmem>>
        %dma_start3A_80 = arith.constant 0 : i32
        %dma_start3A_81 = arith.constant 0 : i32
        %dma_start3A_82 = tpu.memref_slice %arg9[%dma_start3A_80, %dma_start3A_81] : memref<10240x128xf32, #tpu.memory_space<vmem_shared>> -> memref<10240x128xf32, #tpu.memory_space<vmem_shared>>
        tpu.enqueue_indirect_dma source(%arg8 : memref<128x128xf32, #tpu.memory_space<vmem>>) target(%dma_start3A_82 : memref<10240x128xf32, #tpu.memory_space<vmem_shared>>) offsets(%dma_start3A_79 : memref<128xi32, #tpu.memory_space<vmem>>) semaphore(%run_scoped3A : memref<!tpu.dma_semaphore, #tpu.memory_space<semaphore_mem>>) {add = true}
        %dma_wait3A_83 = arith.constant 0 : i32
        %dma_wait3A_84 = tpu.memref_slice %arg6[%add3A_62, %dma_wait3A_83] : memref<80x128xi32, #tpu.memory_space<vmem>> -> memref<1x128xi32, #tpu.memory_space<vmem>>
        %dma_wait3A_85 = tpu.memref_squeeze %dma_wait3A_84 : memref<1x128xi32, #tpu.memory_space<vmem>> -> memref<128xi32, #tpu.memory_space<vmem>>
        %dma_wait3A_86 = arith.constant 0 : i32
        %dma_wait3A_87 = arith.constant 0 : i32
        %dma_wait3A_88 = tpu.memref_slice %arg9[%dma_wait3A_86, %dma_wait3A_87] : memref<10240x128xf32, #tpu.memory_space<vmem_shared>> -> memref<10240x128xf32, #tpu.memory_space<vmem_shared>>
        tpu.wait_indirect_dma semaphore(%run_scoped3A : memref<!tpu.dma_semaphore, #tpu.memory_space<semaphore_mem>>) src(%arg8 : memref<128x128xf32, #tpu.memory_space<vmem>>) dst(%dma_wait3A_88 : memref<10240x128xf32, #tpu.memory_space<vmem_shared>>)
        tpu.yield
      }) : () -> ()
      %add3A_70 = arith.constant 2 : i32
      %add3A_71 = arith.addi %add3A_62, %add3A_70 : i32
      %lt3A_72 = arith.constant 80 : i32
      %lt3A_73 = arith.cmpi slt, %add3A_71, %lt3A_72 : i32
      %convert_element_type3A_74 = arith.extui %lt3A_73 : i1 to i32
      %cond3A_75 = arith.constant 0 : i32
      %cond3A_76 = arith.cmpi ne, %convert_element_type3A_74, %cond3A_75 : i32
      scf.if %cond3A_76 {
        %add3A_77 = arith.constant 2 : i32
        %add3A_78 = arith.addi %add3A_62, %add3A_77 : i32
        %mul3A_79 = arith.constant 128 : i32
        %mul3A_80 = arith.muli %add3A_78, %mul3A_79 : i32
        %add3A_81 = arith.addi %mul3A_2, %mul3A_80 : i32
        %dma_start3A_82 = arith.constant 0 : i32
        %dma_start3A_83 = tpu.memref_slice %arg2[%add3A_81, %dma_start3A_82] : memref<327680x128xf32, #tpu.memory_space<hbm>> -> memref<128x128xf32, #tpu.memory_space<hbm>>
        %dma_start3A_84 = arith.constant 0 : i32
        %dma_start3A_85 = tpu.memref_slice %arg2[%add3A_81, %dma_start3A_84] : memref<327680x128xf32, #tpu.memory_space<hbm>> -> memref<128x128xf32, #tpu.memory_space<hbm>>
        tpu.enqueue_dma source(%dma_start3A_85 : memref<128x128xf32, #tpu.memory_space<hbm>>) target(%arg8 : memref<128x128xf32, #tpu.memory_space<vmem>>) target_semaphore(%arg11 : memref<!tpu.dma_semaphore, #tpu.memory_space<semaphore_mem>>)
      } else {
      }
    }
    %scan3A_38 = arith.constant 40 : i32
    %barrier3A_39 = arith.constant 0 : index
    tpu.barrier barrier_id(%barrier3A_39)
    %mul3A_40 = arith.constant 640 : i32
    %mul3A_41 = arith.muli %arg1, %mul3A_40 : i32
    %mul3A_42 = arith.constant 640 : i32
    %mul3A_43 = arith.muli %arg1, %mul3A_42 : i32
    "tpu.region"() ({
      %run_scoped3A = tpu.sem_alloc : memref<!tpu.dma_semaphore, #tpu.memory_space<semaphore_mem>>
      %dma_start3A_44 = arith.constant 0 : i32
      %dma_start3A_45 = tpu.memref_slice %arg5[%arg0, %mul3A_43, %dma_start3A_44] : memref<2x10240x128xf32, #tpu.memory_space<hbm>> -> memref<1x640x128xf32, #tpu.memory_space<hbm>>
      %dma_start3A_46 = tpu.memref_squeeze %dma_start3A_45 : memref<1x640x128xf32, #tpu.memory_space<hbm>> -> memref<640x128xf32, #tpu.memory_space<hbm>>
      %dma_start3A_47 = arith.constant 0 : i32
      %dma_start3A_48 = tpu.memref_slice %arg9[%mul3A_41, %dma_start3A_47] : memref<10240x128xf32, #tpu.memory_space<vmem_shared>> -> memref<640x128xf32, #tpu.memory_space<vmem_shared>>
      tpu.enqueue_dma source(%dma_start3A_48 : memref<640x128xf32, #tpu.memory_space<vmem_shared>>) target(%dma_start3A_46 : memref<640x128xf32, #tpu.memory_space<hbm>>) target_semaphore(%run_scoped3A : memref<!tpu.dma_semaphore, #tpu.memory_space<semaphore_mem>>)
      %dma_wait3A = arith.constant 0 : i32
      %dma_wait3A_49 = tpu.memref_slice %arg5[%arg0, %mul3A_43, %dma_wait3A] : memref<2x10240x128xf32, #tpu.memory_space<hbm>> -> memref<1x640x128xf32, #tpu.memory_space<hbm>>
      %dma_wait3A_50 = tpu.memref_squeeze %dma_wait3A_49 : memref<1x640x128xf32, #tpu.memory_space<hbm>> -> memref<640x128xf32, #tpu.memory_space<hbm>>
      %dma_wait3A_51 = arith.constant 0 : i32
      %dma_wait3A_52 = tpu.memref_slice %arg9[%mul3A_41, %dma_wait3A_51] : memref<10240x128xf32, #tpu.memory_space<vmem_shared>> -> memref<640x128xf32, #tpu.memory_space<vmem_shared>>
      tpu.wait_dma2 semaphore(%run_scoped3A : memref<!tpu.dma_semaphore, #tpu.memory_space<semaphore_mem>>) src(%dma_wait3A_52 : memref<640x128xf32, #tpu.memory_space<vmem_shared>>) dst(%dma_wait3A_50 : memref<640x128xf32, #tpu.memory_space<hbm>>)
      tpu.yield
    }) : () -> ()
    return
  }
}

#map = affine_map<(d0, d1) -> (0, 0)>
#map1 = affine_map<(d0, d1) -> (0, 0, 0)>
module attributes {stable_mosaic.version = 14 : i64} {
  func.func @k(%arg0: i32, %arg1: i32, %arg2: memref<10000x128xf32, #tpu.memory_space<hbm>>, %arg3: memref<32x80x128xi32, #tpu.memory_space<hbm>>, %arg4: memref<327680x128xf32, #tpu.memory_space<hbm>>, %arg5: memref<80x128xi32, #tpu.memory_space<vmem>>, %arg6: memref<128x128xf32, #tpu.memory_space<vmem>>, %arg7: memref<128x128xf32, #tpu.memory_space<vmem>>, %arg8: memref<128x128xf32, #tpu.memory_space<vmem>>, %arg9: memref<128x128xf32, #tpu.memory_space<vmem>>, %arg10: memref<!tpu.dma_semaphore, #tpu.memory_space<semaphore_mem>>, %arg11: memref<!tpu.dma_semaphore, #tpu.memory_space<semaphore_mem>>, %arg12: memref<!tpu.dma_semaphore, #tpu.memory_space<semaphore_mem>>, %arg13: memref<!tpu.dma_semaphore, #tpu.memory_space<semaphore_mem>>) attributes {dimension_semantics = [#tpu.dimension_semantics<core_parallel>, #tpu.dimension_semantics<subcore_parallel>], iteration_bounds = array<i64: 2, 16>, scalar_prefetch = 0 : i64, scratch_operands = 9 : i64, tpu.core_type = #tpu.core_type<sc_vector_subcore>, window_params = [{transform_indices = #map}, {transform_indices = #map1}, {transform_indices = #map}]} {
    %mul3A = arith.constant 2 : i32
    %mul3A_0 = arith.muli %arg1, %mul3A : i32
    %add3A = arith.addi %mul3A_0, %arg0 : i32
    %mul3A_1 = arith.constant 10240 : i32
    %mul3A_2 = arith.muli %add3A, %mul3A_1 : i32
    "tpu.region"() ({
      %run_scoped3A = tpu.sem_alloc : memref<!tpu.dma_semaphore, #tpu.memory_space<semaphore_mem>>
      %dma_start3A_35 = arith.constant 0 : i32
      %dma_start3A_36 = arith.constant 0 : i32
      %dma_start3A_37 = tpu.memref_slice %arg3[%add3A, %dma_start3A_35, %dma_start3A_36] : memref<32x80x128xi32, #tpu.memory_space<hbm>> -> memref<1x80x128xi32, #tpu.memory_space<hbm>>
      %dma_start3A_38 = tpu.memref_squeeze %dma_start3A_37 : memref<1x80x128xi32, #tpu.memory_space<hbm>> -> memref<80x128xi32, #tpu.memory_space<hbm>>
      %dma_start3A_39 = arith.constant 0 : i32
      %dma_start3A_40 = arith.constant 0 : i32
      %dma_start3A_41 = tpu.memref_slice %arg3[%add3A, %dma_start3A_39, %dma_start3A_40] : memref<32x80x128xi32, #tpu.memory_space<hbm>> -> memref<1x80x128xi32, #tpu.memory_space<hbm>>
      %dma_start3A_42 = tpu.memref_squeeze %dma_start3A_41 : memref<1x80x128xi32, #tpu.memory_space<hbm>> -> memref<80x128xi32, #tpu.memory_space<hbm>>
      tpu.enqueue_dma source(%dma_start3A_42 : memref<80x128xi32, #tpu.memory_space<hbm>>) target(%arg5 : memref<80x128xi32, #tpu.memory_space<vmem>>) target_semaphore(%run_scoped3A : memref<!tpu.dma_semaphore, #tpu.memory_space<semaphore_mem>>)
      %dma_wait3A = arith.constant 0 : i32
      %dma_wait3A_43 = arith.constant 0 : i32
      %dma_wait3A_44 = tpu.memref_slice %arg3[%add3A, %dma_wait3A, %dma_wait3A_43] : memref<32x80x128xi32, #tpu.memory_space<hbm>> -> memref<1x80x128xi32, #tpu.memory_space<hbm>>
      %dma_wait3A_45 = tpu.memref_squeeze %dma_wait3A_44 : memref<1x80x128xi32, #tpu.memory_space<hbm>> -> memref<80x128xi32, #tpu.memory_space<hbm>>
      %dma_wait3A_46 = arith.constant 0 : i32
      %dma_wait3A_47 = arith.constant 0 : i32
      %dma_wait3A_48 = tpu.memref_slice %arg3[%add3A, %dma_wait3A_46, %dma_wait3A_47] : memref<32x80x128xi32, #tpu.memory_space<hbm>> -> memref<1x80x128xi32, #tpu.memory_space<hbm>>
      %dma_wait3A_49 = tpu.memref_squeeze %dma_wait3A_48 : memref<1x80x128xi32, #tpu.memory_space<hbm>> -> memref<80x128xi32, #tpu.memory_space<hbm>>
      tpu.wait_dma2 semaphore(%run_scoped3A : memref<!tpu.dma_semaphore, #tpu.memory_space<semaphore_mem>>) src(%dma_wait3A_49 : memref<80x128xi32, #tpu.memory_space<hbm>>) dst(%arg5 : memref<80x128xi32, #tpu.memory_space<vmem>>)
      tpu.yield
    }) : () -> ()
    %dma_start3A = arith.constant 0 : i32
    %dma_start3A_3 = arith.constant 0 : i32
    %dma_start3A_4 = tpu.memref_slice %arg5[%dma_start3A, %dma_start3A_3] : memref<80x128xi32, #tpu.memory_space<vmem>> -> memref<1x128xi32, #tpu.memory_space<vmem>>
    %dma_start3A_5 = tpu.memref_squeeze %dma_start3A_4 : memref<1x128xi32, #tpu.memory_space<vmem>> -> memref<128xi32, #tpu.memory_space<vmem>>
    %dma_start3A_6 = arith.constant 0 : i32
    %dma_start3A_7 = arith.constant 0 : i32
    %dma_start3A_8 = tpu.memref_slice %arg2[%dma_start3A_6, %dma_start3A_7] : memref<10000x128xf32, #tpu.memory_space<hbm>> -> memref<10000x128xf32, #tpu.memory_space<hbm>>
    tpu.enqueue_indirect_dma source(%dma_start3A_8 : memref<10000x128xf32, #tpu.memory_space<hbm>>) target(%arg6 : memref<128x128xf32, #tpu.memory_space<vmem>>) offsets(%dma_start3A_5 : memref<128xi32, #tpu.memory_space<vmem>>) semaphore(%arg10 : memref<!tpu.dma_semaphore, #tpu.memory_space<semaphore_mem>>)
    %dma_start3A_9 = arith.constant 1 : i32
    %dma_start3A_10 = arith.constant 0 : i32
    %dma_start3A_11 = tpu.memref_slice %arg5[%dma_start3A_9, %dma_start3A_10] : memref<80x128xi32, #tpu.memory_space<vmem>> -> memref<1x128xi32, #tpu.memory_space<vmem>>
    %dma_start3A_12 = tpu.memref_squeeze %dma_start3A_11 : memref<1x128xi32, #tpu.memory_space<vmem>> -> memref<128xi32, #tpu.memory_space<vmem>>
    %dma_start3A_13 = arith.constant 0 : i32
    %dma_start3A_14 = arith.constant 0 : i32
    %dma_start3A_15 = tpu.memref_slice %arg2[%dma_start3A_13, %dma_start3A_14] : memref<10000x128xf32, #tpu.memory_space<hbm>> -> memref<10000x128xf32, #tpu.memory_space<hbm>>
    tpu.enqueue_indirect_dma source(%dma_start3A_15 : memref<10000x128xf32, #tpu.memory_space<hbm>>) target(%arg7 : memref<128x128xf32, #tpu.memory_space<vmem>>) offsets(%dma_start3A_12 : memref<128xi32, #tpu.memory_space<vmem>>) semaphore(%arg11 : memref<!tpu.dma_semaphore, #tpu.memory_space<semaphore_mem>>)
    %dma_start3A_16 = arith.constant 2 : i32
    %dma_start3A_17 = arith.constant 0 : i32
    %dma_start3A_18 = tpu.memref_slice %arg5[%dma_start3A_16, %dma_start3A_17] : memref<80x128xi32, #tpu.memory_space<vmem>> -> memref<1x128xi32, #tpu.memory_space<vmem>>
    %dma_start3A_19 = tpu.memref_squeeze %dma_start3A_18 : memref<1x128xi32, #tpu.memory_space<vmem>> -> memref<128xi32, #tpu.memory_space<vmem>>
    %dma_start3A_20 = arith.constant 0 : i32
    %dma_start3A_21 = arith.constant 0 : i32
    %dma_start3A_22 = tpu.memref_slice %arg2[%dma_start3A_20, %dma_start3A_21] : memref<10000x128xf32, #tpu.memory_space<hbm>> -> memref<10000x128xf32, #tpu.memory_space<hbm>>
    tpu.enqueue_indirect_dma source(%dma_start3A_22 : memref<10000x128xf32, #tpu.memory_space<hbm>>) target(%arg8 : memref<128x128xf32, #tpu.memory_space<vmem>>) offsets(%dma_start3A_19 : memref<128xi32, #tpu.memory_space<vmem>>) semaphore(%arg12 : memref<!tpu.dma_semaphore, #tpu.memory_space<semaphore_mem>>)
    %dma_start3A_23 = arith.constant 3 : i32
    %dma_start3A_24 = arith.constant 0 : i32
    %dma_start3A_25 = tpu.memref_slice %arg5[%dma_start3A_23, %dma_start3A_24] : memref<80x128xi32, #tpu.memory_space<vmem>> -> memref<1x128xi32, #tpu.memory_space<vmem>>
    %dma_start3A_26 = tpu.memref_squeeze %dma_start3A_25 : memref<1x128xi32, #tpu.memory_space<vmem>> -> memref<128xi32, #tpu.memory_space<vmem>>
    %dma_start3A_27 = arith.constant 0 : i32
    %dma_start3A_28 = arith.constant 0 : i32
    %dma_start3A_29 = tpu.memref_slice %arg2[%dma_start3A_27, %dma_start3A_28] : memref<10000x128xf32, #tpu.memory_space<hbm>> -> memref<10000x128xf32, #tpu.memory_space<hbm>>
    tpu.enqueue_indirect_dma source(%dma_start3A_29 : memref<10000x128xf32, #tpu.memory_space<hbm>>) target(%arg9 : memref<128x128xf32, #tpu.memory_space<vmem>>) offsets(%dma_start3A_26 : memref<128xi32, #tpu.memory_space<vmem>>) semaphore(%arg13 : memref<!tpu.dma_semaphore, #tpu.memory_space<semaphore_mem>>)
    %scan3A = arith.constant 0 : i32
    %scan3A_30 = arith.constant 0 : i32
    %scan3A_31 = arith.constant 20 : i32
    %scan3A_32 = arith.addi %scan3A_30, %scan3A_31 : i32
    %scan3A_33 = arith.constant 1 : i32
    scf.for %scan3A_35 = %scan3A_30 to %scan3A_32 step %scan3A_33  : i32 {
      %mul3A_36 = arith.constant 4 : i32
      %mul3A_37 = arith.muli %scan3A_35, %mul3A_36 : i32
      %add3A_38 = arith.constant 0 : i32
      %add3A_39 = arith.addi %mul3A_37, %add3A_38 : i32
      %dma_wait3A = arith.constant 0 : i32
      %dma_wait3A_40 = tpu.memref_slice %arg5[%add3A_39, %dma_wait3A] : memref<80x128xi32, #tpu.memory_space<vmem>> -> memref<1x128xi32, #tpu.memory_space<vmem>>
      %dma_wait3A_41 = tpu.memref_squeeze %dma_wait3A_40 : memref<1x128xi32, #tpu.memory_space<vmem>> -> memref<128xi32, #tpu.memory_space<vmem>>
      %dma_wait3A_42 = arith.constant 0 : i32
      %dma_wait3A_43 = arith.constant 0 : i32
      %dma_wait3A_44 = tpu.memref_slice %arg2[%dma_wait3A_42, %dma_wait3A_43] : memref<10000x128xf32, #tpu.memory_space<hbm>> -> memref<10000x128xf32, #tpu.memory_space<hbm>>
      tpu.wait_indirect_dma semaphore(%arg10 : memref<!tpu.dma_semaphore, #tpu.memory_space<semaphore_mem>>) src(%dma_wait3A_44 : memref<10000x128xf32, #tpu.memory_space<hbm>>) dst(%arg6 : memref<128x128xf32, #tpu.memory_space<vmem>>)
      %mul3A_45 = arith.constant 128 : i32
      %mul3A_46 = arith.muli %add3A_39, %mul3A_45 : i32
      %add3A_47 = arith.addi %mul3A_2, %mul3A_46 : i32
      "tpu.region"() ({
        %run_scoped3A = tpu.sem_alloc : memref<!tpu.dma_semaphore, #tpu.memory_space<semaphore_mem>>
        %dma_start3A_112 = arith.constant 0 : i32
        %dma_start3A_113 = tpu.memref_slice %arg4[%add3A_47, %dma_start3A_112] : memref<327680x128xf32, #tpu.memory_space<hbm>> -> memref<128x128xf32, #tpu.memory_space<hbm>>
        %dma_start3A_114 = arith.constant 0 : i32
        %dma_start3A_115 = tpu.memref_slice %arg4[%add3A_47, %dma_start3A_114] : memref<327680x128xf32, #tpu.memory_space<hbm>> -> memref<128x128xf32, #tpu.memory_space<hbm>>
        tpu.enqueue_dma source(%arg6 : memref<128x128xf32, #tpu.memory_space<vmem>>) target(%dma_start3A_115 : memref<128x128xf32, #tpu.memory_space<hbm>>) target_semaphore(%run_scoped3A : memref<!tpu.dma_semaphore, #tpu.memory_space<semaphore_mem>>)
        %dma_wait3A_116 = arith.constant 0 : i32
        %dma_wait3A_117 = tpu.memref_slice %arg4[%add3A_47, %dma_wait3A_116] : memref<327680x128xf32, #tpu.memory_space<hbm>> -> memref<128x128xf32, #tpu.memory_space<hbm>>
        %dma_wait3A_118 = arith.constant 0 : i32
        %dma_wait3A_119 = tpu.memref_slice %arg4[%add3A_47, %dma_wait3A_118] : memref<327680x128xf32, #tpu.memory_space<hbm>> -> memref<128x128xf32, #tpu.memory_space<hbm>>
        tpu.wait_dma2 semaphore(%run_scoped3A : memref<!tpu.dma_semaphore, #tpu.memory_space<semaphore_mem>>) src(%arg6 : memref<128x128xf32, #tpu.memory_space<vmem>>) dst(%dma_wait3A_119 : memref<128x128xf32, #tpu.memory_space<hbm>>)
        tpu.yield
      }) : () -> ()
      %add3A_48 = arith.constant 4 : i32
      %add3A_49 = arith.addi %add3A_39, %add3A_48 : i32
      %lt3A = arith.constant 80 : i32
      %lt3A_50 = arith.cmpi slt, %add3A_49, %lt3A : i32
      %convert_element_type3A = arith.extui %lt3A_50 : i1 to i32
      %cond3A = arith.constant 0 : i32
      %cond3A_51 = arith.cmpi ne, %convert_element_type3A, %cond3A : i32
      scf.if %cond3A_51 {
        %add3A_112 = arith.constant 4 : i32
        %add3A_113 = arith.addi %add3A_39, %add3A_112 : i32
        %dma_start3A_114 = arith.constant 0 : i32
        %dma_start3A_115 = tpu.memref_slice %arg5[%add3A_113, %dma_start3A_114] : memref<80x128xi32, #tpu.memory_space<vmem>> -> memref<1x128xi32, #tpu.memory_space<vmem>>
        %dma_start3A_116 = tpu.memref_squeeze %dma_start3A_115 : memref<1x128xi32, #tpu.memory_space<vmem>> -> memref<128xi32, #tpu.memory_space<vmem>>
        %dma_start3A_117 = arith.constant 0 : i32
        %dma_start3A_118 = arith.constant 0 : i32
        %dma_start3A_119 = tpu.memref_slice %arg2[%dma_start3A_117, %dma_start3A_118] : memref<10000x128xf32, #tpu.memory_space<hbm>> -> memref<10000x128xf32, #tpu.memory_space<hbm>>
        tpu.enqueue_indirect_dma source(%dma_start3A_119 : memref<10000x128xf32, #tpu.memory_space<hbm>>) target(%arg6 : memref<128x128xf32, #tpu.memory_space<vmem>>) offsets(%dma_start3A_116 : memref<128xi32, #tpu.memory_space<vmem>>) semaphore(%arg10 : memref<!tpu.dma_semaphore, #tpu.memory_space<semaphore_mem>>)
      } else {
      }
      %mul3A_52 = arith.constant 4 : i32
      %mul3A_53 = arith.muli %scan3A_35, %mul3A_52 : i32
      %add3A_54 = arith.constant 1 : i32
      %add3A_55 = arith.addi %mul3A_53, %add3A_54 : i32
      %dma_wait3A_56 = arith.constant 0 : i32
      %dma_wait3A_57 = tpu.memref_slice %arg5[%add3A_55, %dma_wait3A_56] : memref<80x128xi32, #tpu.memory_space<vmem>> -> memref<1x128xi32, #tpu.memory_space<vmem>>
      %dma_wait3A_58 = tpu.memref_squeeze %dma_wait3A_57 : memref<1x128xi32, #tpu.memory_space<vmem>> -> memref<128xi32, #tpu.memory_space<vmem>>
      %dma_wait3A_59 = arith.constant 0 : i32
      %dma_wait3A_60 = arith.constant 0 : i32
      %dma_wait3A_61 = tpu.memref_slice %arg2[%dma_wait3A_59, %dma_wait3A_60] : memref<10000x128xf32, #tpu.memory_space<hbm>> -> memref<10000x128xf32, #tpu.memory_space<hbm>>
      tpu.wait_indirect_dma semaphore(%arg11 : memref<!tpu.dma_semaphore, #tpu.memory_space<semaphore_mem>>) src(%dma_wait3A_61 : memref<10000x128xf32, #tpu.memory_space<hbm>>) dst(%arg7 : memref<128x128xf32, #tpu.memory_space<vmem>>)
      %mul3A_62 = arith.constant 128 : i32
      %mul3A_63 = arith.muli %add3A_55, %mul3A_62 : i32
      %add3A_64 = arith.addi %mul3A_2, %mul3A_63 : i32
      "tpu.region"() ({
        %run_scoped3A = tpu.sem_alloc : memref<!tpu.dma_semaphore, #tpu.memory_space<semaphore_mem>>
        %dma_start3A_112 = arith.constant 0 : i32
        %dma_start3A_113 = tpu.memref_slice %arg4[%add3A_64, %dma_start3A_112] : memref<327680x128xf32, #tpu.memory_space<hbm>> -> memref<128x128xf32, #tpu.memory_space<hbm>>
        %dma_start3A_114 = arith.constant 0 : i32
        %dma_start3A_115 = tpu.memref_slice %arg4[%add3A_64, %dma_start3A_114] : memref<327680x128xf32, #tpu.memory_space<hbm>> -> memref<128x128xf32, #tpu.memory_space<hbm>>
        tpu.enqueue_dma source(%arg7 : memref<128x128xf32, #tpu.memory_space<vmem>>) target(%dma_start3A_115 : memref<128x128xf32, #tpu.memory_space<hbm>>) target_semaphore(%run_scoped3A : memref<!tpu.dma_semaphore, #tpu.memory_space<semaphore_mem>>)
        %dma_wait3A_116 = arith.constant 0 : i32
        %dma_wait3A_117 = tpu.memref_slice %arg4[%add3A_64, %dma_wait3A_116] : memref<327680x128xf32, #tpu.memory_space<hbm>> -> memref<128x128xf32, #tpu.memory_space<hbm>>
        %dma_wait3A_118 = arith.constant 0 : i32
        %dma_wait3A_119 = tpu.memref_slice %arg4[%add3A_64, %dma_wait3A_118] : memref<327680x128xf32, #tpu.memory_space<hbm>> -> memref<128x128xf32, #tpu.memory_space<hbm>>
        tpu.wait_dma2 semaphore(%run_scoped3A : memref<!tpu.dma_semaphore, #tpu.memory_space<semaphore_mem>>) src(%arg7 : memref<128x128xf32, #tpu.memory_space<vmem>>) dst(%dma_wait3A_119 : memref<128x128xf32, #tpu.memory_space<hbm>>)
        tpu.yield
      }) : () -> ()
      %add3A_65 = arith.constant 4 : i32
      %add3A_66 = arith.addi %add3A_55, %add3A_65 : i32
      %lt3A_67 = arith.constant 80 : i32
      %lt3A_68 = arith.cmpi slt, %add3A_66, %lt3A_67 : i32
      %convert_element_type3A_69 = arith.extui %lt3A_68 : i1 to i32
      %cond3A_70 = arith.constant 0 : i32
      %cond3A_71 = arith.cmpi ne, %convert_element_type3A_69, %cond3A_70 : i32
      scf.if %cond3A_71 {
        %add3A_112 = arith.constant 4 : i32
        %add3A_113 = arith.addi %add3A_55, %add3A_112 : i32
        %dma_start3A_114 = arith.constant 0 : i32
        %dma_start3A_115 = tpu.memref_slice %arg5[%add3A_113, %dma_start3A_114] : memref<80x128xi32, #tpu.memory_space<vmem>> -> memref<1x128xi32, #tpu.memory_space<vmem>>
        %dma_start3A_116 = tpu.memref_squeeze %dma_start3A_115 : memref<1x128xi32, #tpu.memory_space<vmem>> -> memref<128xi32, #tpu.memory_space<vmem>>
        %dma_start3A_117 = arith.constant 0 : i32
        %dma_start3A_118 = arith.constant 0 : i32
        %dma_start3A_119 = tpu.memref_slice %arg2[%dma_start3A_117, %dma_start3A_118] : memref<10000x128xf32, #tpu.memory_space<hbm>> -> memref<10000x128xf32, #tpu.memory_space<hbm>>
        tpu.enqueue_indirect_dma source(%dma_start3A_119 : memref<10000x128xf32, #tpu.memory_space<hbm>>) target(%arg7 : memref<128x128xf32, #tpu.memory_space<vmem>>) offsets(%dma_start3A_116 : memref<128xi32, #tpu.memory_space<vmem>>) semaphore(%arg11 : memref<!tpu.dma_semaphore, #tpu.memory_space<semaphore_mem>>)
      } else {
      }
      %mul3A_72 = arith.constant 4 : i32
      %mul3A_73 = arith.muli %scan3A_35, %mul3A_72 : i32
      %add3A_74 = arith.constant 2 : i32
      %add3A_75 = arith.addi %mul3A_73, %add3A_74 : i32
      %dma_wait3A_76 = arith.constant 0 : i32
      %dma_wait3A_77 = tpu.memref_slice %arg5[%add3A_75, %dma_wait3A_76] : memref<80x128xi32, #tpu.memory_space<vmem>> -> memref<1x128xi32, #tpu.memory_space<vmem>>
      %dma_wait3A_78 = tpu.memref_squeeze %dma_wait3A_77 : memref<1x128xi32, #tpu.memory_space<vmem>> -> memref<128xi32, #tpu.memory_space<vmem>>
      %dma_wait3A_79 = arith.constant 0 : i32
      %dma_wait3A_80 = arith.constant 0 : i32
      %dma_wait3A_81 = tpu.memref_slice %arg2[%dma_wait3A_79, %dma_wait3A_80] : memref<10000x128xf32, #tpu.memory_space<hbm>> -> memref<10000x128xf32, #tpu.memory_space<hbm>>
      tpu.wait_indirect_dma semaphore(%arg12 : memref<!tpu.dma_semaphore, #tpu.memory_space<semaphore_mem>>) src(%dma_wait3A_81 : memref<10000x128xf32, #tpu.memory_space<hbm>>) dst(%arg8 : memref<128x128xf32, #tpu.memory_space<vmem>>)
      %mul3A_82 = arith.constant 128 : i32
      %mul3A_83 = arith.muli %add3A_75, %mul3A_82 : i32
      %add3A_84 = arith.addi %mul3A_2, %mul3A_83 : i32
      "tpu.region"() ({
        %run_scoped3A = tpu.sem_alloc : memref<!tpu.dma_semaphore, #tpu.memory_space<semaphore_mem>>
        %dma_start3A_112 = arith.constant 0 : i32
        %dma_start3A_113 = tpu.memref_slice %arg4[%add3A_84, %dma_start3A_112] : memref<327680x128xf32, #tpu.memory_space<hbm>> -> memref<128x128xf32, #tpu.memory_space<hbm>>
        %dma_start3A_114 = arith.constant 0 : i32
        %dma_start3A_115 = tpu.memref_slice %arg4[%add3A_84, %dma_start3A_114] : memref<327680x128xf32, #tpu.memory_space<hbm>> -> memref<128x128xf32, #tpu.memory_space<hbm>>
        tpu.enqueue_dma source(%arg8 : memref<128x128xf32, #tpu.memory_space<vmem>>) target(%dma_start3A_115 : memref<128x128xf32, #tpu.memory_space<hbm>>) target_semaphore(%run_scoped3A : memref<!tpu.dma_semaphore, #tpu.memory_space<semaphore_mem>>)
        %dma_wait3A_116 = arith.constant 0 : i32
        %dma_wait3A_117 = tpu.memref_slice %arg4[%add3A_84, %dma_wait3A_116] : memref<327680x128xf32, #tpu.memory_space<hbm>> -> memref<128x128xf32, #tpu.memory_space<hbm>>
        %dma_wait3A_118 = arith.constant 0 : i32
        %dma_wait3A_119 = tpu.memref_slice %arg4[%add3A_84, %dma_wait3A_118] : memref<327680x128xf32, #tpu.memory_space<hbm>> -> memref<128x128xf32, #tpu.memory_space<hbm>>
        tpu.wait_dma2 semaphore(%run_scoped3A : memref<!tpu.dma_semaphore, #tpu.memory_space<semaphore_mem>>) src(%arg8 : memref<128x128xf32, #tpu.memory_space<vmem>>) dst(%dma_wait3A_119 : memref<128x128xf32, #tpu.memory_space<hbm>>)
        tpu.yield
      }) : () -> ()
      %add3A_85 = arith.constant 4 : i32
      %add3A_86 = arith.addi %add3A_75, %add3A_85 : i32
      %lt3A_87 = arith.constant 80 : i32
      %lt3A_88 = arith.cmpi slt, %add3A_86, %lt3A_87 : i32
      %convert_element_type3A_89 = arith.extui %lt3A_88 : i1 to i32
      %cond3A_90 = arith.constant 0 : i32
      %cond3A_91 = arith.cmpi ne, %convert_element_type3A_89, %cond3A_90 : i32
      scf.if %cond3A_91 {
        %add3A_112 = arith.constant 4 : i32
        %add3A_113 = arith.addi %add3A_75, %add3A_112 : i32
        %dma_start3A_114 = arith.constant 0 : i32
        %dma_start3A_115 = tpu.memref_slice %arg5[%add3A_113, %dma_start3A_114] : memref<80x128xi32, #tpu.memory_space<vmem>> -> memref<1x128xi32, #tpu.memory_space<vmem>>
        %dma_start3A_116 = tpu.memref_squeeze %dma_start3A_115 : memref<1x128xi32, #tpu.memory_space<vmem>> -> memref<128xi32, #tpu.memory_space<vmem>>
        %dma_start3A_117 = arith.constant 0 : i32
        %dma_start3A_118 = arith.constant 0 : i32
        %dma_start3A_119 = tpu.memref_slice %arg2[%dma_start3A_117, %dma_start3A_118] : memref<10000x128xf32, #tpu.memory_space<hbm>> -> memref<10000x128xf32, #tpu.memory_space<hbm>>
        tpu.enqueue_indirect_dma source(%dma_start3A_119 : memref<10000x128xf32, #tpu.memory_space<hbm>>) target(%arg8 : memref<128x128xf32, #tpu.memory_space<vmem>>) offsets(%dma_start3A_116 : memref<128xi32, #tpu.memory_space<vmem>>) semaphore(%arg12 : memref<!tpu.dma_semaphore, #tpu.memory_space<semaphore_mem>>)
      } else {
      }
      %mul3A_92 = arith.constant 4 : i32
      %mul3A_93 = arith.muli %scan3A_35, %mul3A_92 : i32
      %add3A_94 = arith.constant 3 : i32
      %add3A_95 = arith.addi %mul3A_93, %add3A_94 : i32
      %dma_wait3A_96 = arith.constant 0 : i32
      %dma_wait3A_97 = tpu.memref_slice %arg5[%add3A_95, %dma_wait3A_96] : memref<80x128xi32, #tpu.memory_space<vmem>> -> memref<1x128xi32, #tpu.memory_space<vmem>>
      %dma_wait3A_98 = tpu.memref_squeeze %dma_wait3A_97 : memref<1x128xi32, #tpu.memory_space<vmem>> -> memref<128xi32, #tpu.memory_space<vmem>>
      %dma_wait3A_99 = arith.constant 0 : i32
      %dma_wait3A_100 = arith.constant 0 : i32
      %dma_wait3A_101 = tpu.memref_slice %arg2[%dma_wait3A_99, %dma_wait3A_100] : memref<10000x128xf32, #tpu.memory_space<hbm>> -> memref<10000x128xf32, #tpu.memory_space<hbm>>
      tpu.wait_indirect_dma semaphore(%arg13 : memref<!tpu.dma_semaphore, #tpu.memory_space<semaphore_mem>>) src(%dma_wait3A_101 : memref<10000x128xf32, #tpu.memory_space<hbm>>) dst(%arg9 : memref<128x128xf32, #tpu.memory_space<vmem>>)
      %mul3A_102 = arith.constant 128 : i32
      %mul3A_103 = arith.muli %add3A_95, %mul3A_102 : i32
      %add3A_104 = arith.addi %mul3A_2, %mul3A_103 : i32
      "tpu.region"() ({
        %run_scoped3A = tpu.sem_alloc : memref<!tpu.dma_semaphore, #tpu.memory_space<semaphore_mem>>
        %dma_start3A_112 = arith.constant 0 : i32
        %dma_start3A_113 = tpu.memref_slice %arg4[%add3A_104, %dma_start3A_112] : memref<327680x128xf32, #tpu.memory_space<hbm>> -> memref<128x128xf32, #tpu.memory_space<hbm>>
        %dma_start3A_114 = arith.constant 0 : i32
        %dma_start3A_115 = tpu.memref_slice %arg4[%add3A_104, %dma_start3A_114] : memref<327680x128xf32, #tpu.memory_space<hbm>> -> memref<128x128xf32, #tpu.memory_space<hbm>>
        tpu.enqueue_dma source(%arg9 : memref<128x128xf32, #tpu.memory_space<vmem>>) target(%dma_start3A_115 : memref<128x128xf32, #tpu.memory_space<hbm>>) target_semaphore(%run_scoped3A : memref<!tpu.dma_semaphore, #tpu.memory_space<semaphore_mem>>)
        %dma_wait3A_116 = arith.constant 0 : i32
        %dma_wait3A_117 = tpu.memref_slice %arg4[%add3A_104, %dma_wait3A_116] : memref<327680x128xf32, #tpu.memory_space<hbm>> -> memref<128x128xf32, #tpu.memory_space<hbm>>
        %dma_wait3A_118 = arith.constant 0 : i32
        %dma_wait3A_119 = tpu.memref_slice %arg4[%add3A_104, %dma_wait3A_118] : memref<327680x128xf32, #tpu.memory_space<hbm>> -> memref<128x128xf32, #tpu.memory_space<hbm>>
        tpu.wait_dma2 semaphore(%run_scoped3A : memref<!tpu.dma_semaphore, #tpu.memory_space<semaphore_mem>>) src(%arg9 : memref<128x128xf32, #tpu.memory_space<vmem>>) dst(%dma_wait3A_119 : memref<128x128xf32, #tpu.memory_space<hbm>>)
        tpu.yield
      }) : () -> ()
      %add3A_105 = arith.constant 4 : i32
      %add3A_106 = arith.addi %add3A_95, %add3A_105 : i32
      %lt3A_107 = arith.constant 80 : i32
      %lt3A_108 = arith.cmpi slt, %add3A_106, %lt3A_107 : i32
      %convert_element_type3A_109 = arith.extui %lt3A_108 : i1 to i32
      %cond3A_110 = arith.constant 0 : i32
      %cond3A_111 = arith.cmpi ne, %convert_element_type3A_109, %cond3A_110 : i32
      scf.if %cond3A_111 {
        %add3A_112 = arith.constant 4 : i32
        %add3A_113 = arith.addi %add3A_95, %add3A_112 : i32
        %dma_start3A_114 = arith.constant 0 : i32
        %dma_start3A_115 = tpu.memref_slice %arg5[%add3A_113, %dma_start3A_114] : memref<80x128xi32, #tpu.memory_space<vmem>> -> memref<1x128xi32, #tpu.memory_space<vmem>>
        %dma_start3A_116 = tpu.memref_squeeze %dma_start3A_115 : memref<1x128xi32, #tpu.memory_space<vmem>> -> memref<128xi32, #tpu.memory_space<vmem>>
        %dma_start3A_117 = arith.constant 0 : i32
        %dma_start3A_118 = arith.constant 0 : i32
        %dma_start3A_119 = tpu.memref_slice %arg2[%dma_start3A_117, %dma_start3A_118] : memref<10000x128xf32, #tpu.memory_space<hbm>> -> memref<10000x128xf32, #tpu.memory_space<hbm>>
        tpu.enqueue_indirect_dma source(%dma_start3A_119 : memref<10000x128xf32, #tpu.memory_space<hbm>>) target(%arg9 : memref<128x128xf32, #tpu.memory_space<vmem>>) offsets(%dma_start3A_116 : memref<128xi32, #tpu.memory_space<vmem>>) semaphore(%arg13 : memref<!tpu.dma_semaphore, #tpu.memory_space<semaphore_mem>>)
      } else {
      }
    }
    %scan3A_34 = arith.constant 20 : i32
    return
  }
}

#map = affine_map<(d0, d1) -> (0, 0)>
#map1 = affine_map<(d0, d1) -> (0, 0, 0)>
module attributes {stable_mosaic.version = 14 : i64} {
  func.func @k(%arg0: i32, %arg1: i32, %arg2: memref<10000x128xf32, #tpu.memory_space<hbm>>, %arg3: memref<32x80x128xi32, #tpu.memory_space<hbm>>, %arg4: memref<327680x128xf32, #tpu.memory_space<hbm>>, %arg5: memref<80x128xi32, #tpu.memory_space<vmem>>, %arg6: memref<128x128xf32, #tpu.memory_space<vmem>>, %arg7: memref<128x128xf32, #tpu.memory_space<vmem>>, %arg8: memref<128x128xf32, #tpu.memory_space<vmem>>, %arg9: memref<128x128xf32, #tpu.memory_space<vmem>>, %arg10: memref<!tpu.dma_semaphore, #tpu.memory_space<semaphore_mem>>, %arg11: memref<!tpu.dma_semaphore, #tpu.memory_space<semaphore_mem>>, %arg12: memref<!tpu.dma_semaphore, #tpu.memory_space<semaphore_mem>>, %arg13: memref<!tpu.dma_semaphore, #tpu.memory_space<semaphore_mem>>) attributes {dimension_semantics = [#tpu.dimension_semantics<core_parallel>, #tpu.dimension_semantics<subcore_parallel>], iteration_bounds = array<i64: 2, 16>, scalar_prefetch = 0 : i64, scratch_operands = 9 : i64, tpu.core_type = #tpu.core_type<sc_vector_subcore>, window_params = [{transform_indices = #map}, {transform_indices = #map1}, {transform_indices = #map}]} {
    %mul3A = arith.constant 2 : i32
    %mul3A_0 = arith.muli %arg1, %mul3A : i32
    %add3A = arith.addi %mul3A_0, %arg0 : i32
    %mul3A_1 = arith.constant 10240 : i32
    %mul3A_2 = arith.muli %add3A, %mul3A_1 : i32
    "tpu.region"() ({
      %run_scoped3A = tpu.sem_alloc : memref<!tpu.dma_semaphore, #tpu.memory_space<semaphore_mem>>
      %dma_start3A_35 = arith.constant 0 : i32
      %dma_start3A_36 = arith.constant 0 : i32
      %dma_start3A_37 = tpu.memref_slice %arg3[%add3A, %dma_start3A_35, %dma_start3A_36] : memref<32x80x128xi32, #tpu.memory_space<hbm>> -> memref<1x80x128xi32, #tpu.memory_space<hbm>>
      %dma_start3A_38 = tpu.memref_squeeze %dma_start3A_37 : memref<1x80x128xi32, #tpu.memory_space<hbm>> -> memref<80x128xi32, #tpu.memory_space<hbm>>
      %dma_start3A_39 = arith.constant 0 : i32
      %dma_start3A_40 = arith.constant 0 : i32
      %dma_start3A_41 = tpu.memref_slice %arg3[%add3A, %dma_start3A_39, %dma_start3A_40] : memref<32x80x128xi32, #tpu.memory_space<hbm>> -> memref<1x80x128xi32, #tpu.memory_space<hbm>>
      %dma_start3A_42 = tpu.memref_squeeze %dma_start3A_41 : memref<1x80x128xi32, #tpu.memory_space<hbm>> -> memref<80x128xi32, #tpu.memory_space<hbm>>
      tpu.enqueue_dma source(%dma_start3A_42 : memref<80x128xi32, #tpu.memory_space<hbm>>) target(%arg5 : memref<80x128xi32, #tpu.memory_space<vmem>>) target_semaphore(%run_scoped3A : memref<!tpu.dma_semaphore, #tpu.memory_space<semaphore_mem>>)
      %dma_wait3A = arith.constant 0 : i32
      %dma_wait3A_43 = arith.constant 0 : i32
      %dma_wait3A_44 = tpu.memref_slice %arg3[%add3A, %dma_wait3A, %dma_wait3A_43] : memref<32x80x128xi32, #tpu.memory_space<hbm>> -> memref<1x80x128xi32, #tpu.memory_space<hbm>>
      %dma_wait3A_45 = tpu.memref_squeeze %dma_wait3A_44 : memref<1x80x128xi32, #tpu.memory_space<hbm>> -> memref<80x128xi32, #tpu.memory_space<hbm>>
      %dma_wait3A_46 = arith.constant 0 : i32
      %dma_wait3A_47 = arith.constant 0 : i32
      %dma_wait3A_48 = tpu.memref_slice %arg3[%add3A, %dma_wait3A_46, %dma_wait3A_47] : memref<32x80x128xi32, #tpu.memory_space<hbm>> -> memref<1x80x128xi32, #tpu.memory_space<hbm>>
      %dma_wait3A_49 = tpu.memref_squeeze %dma_wait3A_48 : memref<1x80x128xi32, #tpu.memory_space<hbm>> -> memref<80x128xi32, #tpu.memory_space<hbm>>
      tpu.wait_dma2 semaphore(%run_scoped3A : memref<!tpu.dma_semaphore, #tpu.memory_space<semaphore_mem>>) src(%dma_wait3A_49 : memref<80x128xi32, #tpu.memory_space<hbm>>) dst(%arg5 : memref<80x128xi32, #tpu.memory_space<vmem>>)
      tpu.yield
    }) : () -> ()
    %dma_start3A = arith.constant 0 : i32
    %dma_start3A_3 = arith.constant 0 : i32
    %dma_start3A_4 = tpu.memref_slice %arg5[%dma_start3A, %dma_start3A_3] : memref<80x128xi32, #tpu.memory_space<vmem>> -> memref<1x128xi32, #tpu.memory_space<vmem>>
    %dma_start3A_5 = tpu.memref_squeeze %dma_start3A_4 : memref<1x128xi32, #tpu.memory_space<vmem>> -> memref<128xi32, #tpu.memory_space<vmem>>
    %dma_start3A_6 = arith.constant 0 : i32
    %dma_start3A_7 = arith.constant 0 : i32
    %dma_start3A_8 = tpu.memref_slice %arg2[%dma_start3A_6, %dma_start3A_7] : memref<10000x128xf32, #tpu.memory_space<hbm>> -> memref<10000x128xf32, #tpu.memory_space<hbm>>
    tpu.enqueue_indirect_dma source(%dma_start3A_8 : memref<10000x128xf32, #tpu.memory_space<hbm>>) target(%arg6 : memref<128x128xf32, #tpu.memory_space<vmem>>) offsets(%dma_start3A_5 : memref<128xi32, #tpu.memory_space<vmem>>) semaphore(%arg10 : memref<!tpu.dma_semaphore, #tpu.memory_space<semaphore_mem>>)
    %dma_start3A_9 = arith.constant 1 : i32
    %dma_start3A_10 = arith.constant 0 : i32
    %dma_start3A_11 = tpu.memref_slice %arg5[%dma_start3A_9, %dma_start3A_10] : memref<80x128xi32, #tpu.memory_space<vmem>> -> memref<1x128xi32, #tpu.memory_space<vmem>>
    %dma_start3A_12 = tpu.memref_squeeze %dma_start3A_11 : memref<1x128xi32, #tpu.memory_space<vmem>> -> memref<128xi32, #tpu.memory_space<vmem>>
    %dma_start3A_13 = arith.constant 0 : i32
    %dma_start3A_14 = arith.constant 0 : i32
    %dma_start3A_15 = tpu.memref_slice %arg2[%dma_start3A_13, %dma_start3A_14] : memref<10000x128xf32, #tpu.memory_space<hbm>> -> memref<10000x128xf32, #tpu.memory_space<hbm>>
    tpu.enqueue_indirect_dma source(%dma_start3A_15 : memref<10000x128xf32, #tpu.memory_space<hbm>>) target(%arg7 : memref<128x128xf32, #tpu.memory_space<vmem>>) offsets(%dma_start3A_12 : memref<128xi32, #tpu.memory_space<vmem>>) semaphore(%arg11 : memref<!tpu.dma_semaphore, #tpu.memory_space<semaphore_mem>>)
    %dma_start3A_16 = arith.constant 2 : i32
    %dma_start3A_17 = arith.constant 0 : i32
    %dma_start3A_18 = tpu.memref_slice %arg5[%dma_start3A_16, %dma_start3A_17] : memref<80x128xi32, #tpu.memory_space<vmem>> -> memref<1x128xi32, #tpu.memory_space<vmem>>
    %dma_start3A_19 = tpu.memref_squeeze %dma_start3A_18 : memref<1x128xi32, #tpu.memory_space<vmem>> -> memref<128xi32, #tpu.memory_space<vmem>>
    %dma_start3A_20 = arith.constant 0 : i32
    %dma_start3A_21 = arith.constant 0 : i32
    %dma_start3A_22 = tpu.memref_slice %arg2[%dma_start3A_20, %dma_start3A_21] : memref<10000x128xf32, #tpu.memory_space<hbm>> -> memref<10000x128xf32, #tpu.memory_space<hbm>>
    tpu.enqueue_indirect_dma source(%dma_start3A_22 : memref<10000x128xf32, #tpu.memory_space<hbm>>) target(%arg8 : memref<128x128xf32, #tpu.memory_space<vmem>>) offsets(%dma_start3A_19 : memref<128xi32, #tpu.memory_space<vmem>>) semaphore(%arg12 : memref<!tpu.dma_semaphore, #tpu.memory_space<semaphore_mem>>)
    %dma_start3A_23 = arith.constant 3 : i32
    %dma_start3A_24 = arith.constant 0 : i32
    %dma_start3A_25 = tpu.memref_slice %arg5[%dma_start3A_23, %dma_start3A_24] : memref<80x128xi32, #tpu.memory_space<vmem>> -> memref<1x128xi32, #tpu.memory_space<vmem>>
    %dma_start3A_26 = tpu.memref_squeeze %dma_start3A_25 : memref<1x128xi32, #tpu.memory_space<vmem>> -> memref<128xi32, #tpu.memory_space<vmem>>
    %dma_start3A_27 = arith.constant 0 : i32
    %dma_start3A_28 = arith.constant 0 : i32
    %dma_start3A_29 = tpu.memref_slice %arg2[%dma_start3A_27, %dma_start3A_28] : memref<10000x128xf32, #tpu.memory_space<hbm>> -> memref<10000x128xf32, #tpu.memory_space<hbm>>
    tpu.enqueue_indirect_dma source(%dma_start3A_29 : memref<10000x128xf32, #tpu.memory_space<hbm>>) target(%arg9 : memref<128x128xf32, #tpu.memory_space<vmem>>) offsets(%dma_start3A_26 : memref<128xi32, #tpu.memory_space<vmem>>) semaphore(%arg13 : memref<!tpu.dma_semaphore, #tpu.memory_space<semaphore_mem>>)
    %scan3A = arith.constant 0 : i32
    %scan3A_30 = arith.constant 0 : i32
    %scan3A_31 = arith.constant 20 : i32
    %scan3A_32 = arith.addi %scan3A_30, %scan3A_31 : i32
    %scan3A_33 = arith.constant 1 : i32
    scf.for %scan3A_35 = %scan3A_30 to %scan3A_32 step %scan3A_33  : i32 {
      %mul3A_36 = arith.constant 4 : i32
      %mul3A_37 = arith.muli %scan3A_35, %mul3A_36 : i32
      %add3A_38 = arith.constant 0 : i32
      %add3A_39 = arith.addi %mul3A_37, %add3A_38 : i32
      %dma_wait3A = arith.constant 0 : i32
      %dma_wait3A_40 = tpu.memref_slice %arg5[%add3A_39, %dma_wait3A] : memref<80x128xi32, #tpu.memory_space<vmem>> -> memref<1x128xi32, #tpu.memory_space<vmem>>
      %dma_wait3A_41 = tpu.memref_squeeze %dma_wait3A_40 : memref<1x128xi32, #tpu.memory_space<vmem>> -> memref<128xi32, #tpu.memory_space<vmem>>
      %dma_wait3A_42 = arith.constant 0 : i32
      %dma_wait3A_43 = arith.constant 0 : i32
      %dma_wait3A_44 = tpu.memref_slice %arg2[%dma_wait3A_42, %dma_wait3A_43] : memref<10000x128xf32, #tpu.memory_space<hbm>> -> memref<10000x128xf32, #tpu.memory_space<hbm>>
      tpu.wait_indirect_dma semaphore(%arg10 : memref<!tpu.dma_semaphore, #tpu.memory_space<semaphore_mem>>) src(%dma_wait3A_44 : memref<10000x128xf32, #tpu.memory_space<hbm>>) dst(%arg6 : memref<128x128xf32, #tpu.memory_space<vmem>>)
      %mul3A_45 = arith.constant 128 : i32
      %mul3A_46 = arith.muli %add3A_39, %mul3A_45 : i32
      %add3A_47 = arith.addi %mul3A_2, %mul3A_46 : i32
      "tpu.region"() ({
        %run_scoped3A = tpu.sem_alloc : memref<!tpu.dma_semaphore, #tpu.memory_space<semaphore_mem>>
        %dma_start3A_112 = arith.constant 0 : i32
        %dma_start3A_113 = tpu.memref_slice %arg4[%add3A_47, %dma_start3A_112] : memref<327680x128xf32, #tpu.memory_space<hbm>> -> memref<128x128xf32, #tpu.memory_space<hbm>>
        %dma_start3A_114 = arith.constant 0 : i32
        %dma_start3A_115 = tpu.memref_slice %arg4[%add3A_47, %dma_start3A_114] : memref<327680x128xf32, #tpu.memory_space<hbm>> -> memref<128x128xf32, #tpu.memory_space<hbm>>
        tpu.enqueue_dma source(%arg6 : memref<128x128xf32, #tpu.memory_space<vmem>>) target(%dma_start3A_115 : memref<128x128xf32, #tpu.memory_space<hbm>>) target_semaphore(%run_scoped3A : memref<!tpu.dma_semaphore, #tpu.memory_space<semaphore_mem>>)
        %dma_wait3A_116 = arith.constant 0 : i32
        %dma_wait3A_117 = tpu.memref_slice %arg4[%add3A_47, %dma_wait3A_116] : memref<327680x128xf32, #tpu.memory_space<hbm>> -> memref<128x128xf32, #tpu.memory_space<hbm>>
        %dma_wait3A_118 = arith.constant 0 : i32
        %dma_wait3A_119 = tpu.memref_slice %arg4[%add3A_47, %dma_wait3A_118] : memref<327680x128xf32, #tpu.memory_space<hbm>> -> memref<128x128xf32, #tpu.memory_space<hbm>>
        tpu.wait_dma2 semaphore(%run_scoped3A : memref<!tpu.dma_semaphore, #tpu.memory_space<semaphore_mem>>) src(%arg6 : memref<128x128xf32, #tpu.memory_space<vmem>>) dst(%dma_wait3A_119 : memref<128x128xf32, #tpu.memory_space<hbm>>)
        tpu.yield
      }) : () -> ()
      %add3A_48 = arith.constant 4 : i32
      %add3A_49 = arith.addi %add3A_39, %add3A_48 : i32
      %lt3A = arith.constant 80 : i32
      %lt3A_50 = arith.cmpi slt, %add3A_49, %lt3A : i32
      %convert_element_type3A = arith.extui %lt3A_50 : i1 to i32
      %cond3A = arith.constant 0 : i32
      %cond3A_51 = arith.cmpi ne, %convert_element_type3A, %cond3A : i32
      scf.if %cond3A_51 {
        %add3A_112 = arith.constant 4 : i32
        %add3A_113 = arith.addi %add3A_39, %add3A_112 : i32
        %dma_start3A_114 = arith.constant 0 : i32
        %dma_start3A_115 = tpu.memref_slice %arg5[%add3A_113, %dma_start3A_114] : memref<80x128xi32, #tpu.memory_space<vmem>> -> memref<1x128xi32, #tpu.memory_space<vmem>>
        %dma_start3A_116 = tpu.memref_squeeze %dma_start3A_115 : memref<1x128xi32, #tpu.memory_space<vmem>> -> memref<128xi32, #tpu.memory_space<vmem>>
        %dma_start3A_117 = arith.constant 0 : i32
        %dma_start3A_118 = arith.constant 0 : i32
        %dma_start3A_119 = tpu.memref_slice %arg2[%dma_start3A_117, %dma_start3A_118] : memref<10000x128xf32, #tpu.memory_space<hbm>> -> memref<10000x128xf32, #tpu.memory_space<hbm>>
        tpu.enqueue_indirect_dma source(%dma_start3A_119 : memref<10000x128xf32, #tpu.memory_space<hbm>>) target(%arg6 : memref<128x128xf32, #tpu.memory_space<vmem>>) offsets(%dma_start3A_116 : memref<128xi32, #tpu.memory_space<vmem>>) semaphore(%arg10 : memref<!tpu.dma_semaphore, #tpu.memory_space<semaphore_mem>>)
      } else {
      }
      %mul3A_52 = arith.constant 4 : i32
      %mul3A_53 = arith.muli %scan3A_35, %mul3A_52 : i32
      %add3A_54 = arith.constant 1 : i32
      %add3A_55 = arith.addi %mul3A_53, %add3A_54 : i32
      %dma_wait3A_56 = arith.constant 0 : i32
      %dma_wait3A_57 = tpu.memref_slice %arg5[%add3A_55, %dma_wait3A_56] : memref<80x128xi32, #tpu.memory_space<vmem>> -> memref<1x128xi32, #tpu.memory_space<vmem>>
      %dma_wait3A_58 = tpu.memref_squeeze %dma_wait3A_57 : memref<1x128xi32, #tpu.memory_space<vmem>> -> memref<128xi32, #tpu.memory_space<vmem>>
      %dma_wait3A_59 = arith.constant 0 : i32
      %dma_wait3A_60 = arith.constant 0 : i32
      %dma_wait3A_61 = tpu.memref_slice %arg2[%dma_wait3A_59, %dma_wait3A_60] : memref<10000x128xf32, #tpu.memory_space<hbm>> -> memref<10000x128xf32, #tpu.memory_space<hbm>>
      tpu.wait_indirect_dma semaphore(%arg11 : memref<!tpu.dma_semaphore, #tpu.memory_space<semaphore_mem>>) src(%dma_wait3A_61 : memref<10000x128xf32, #tpu.memory_space<hbm>>) dst(%arg7 : memref<128x128xf32, #tpu.memory_space<vmem>>)
      %mul3A_62 = arith.constant 128 : i32
      %mul3A_63 = arith.muli %add3A_55, %mul3A_62 : i32
      %add3A_64 = arith.addi %mul3A_2, %mul3A_63 : i32
      "tpu.region"() ({
        %run_scoped3A = tpu.sem_alloc : memref<!tpu.dma_semaphore, #tpu.memory_space<semaphore_mem>>
        %dma_start3A_112 = arith.constant 0 : i32
        %dma_start3A_113 = tpu.memref_slice %arg4[%add3A_64, %dma_start3A_112] : memref<327680x128xf32, #tpu.memory_space<hbm>> -> memref<128x128xf32, #tpu.memory_space<hbm>>
        %dma_start3A_114 = arith.constant 0 : i32
        %dma_start3A_115 = tpu.memref_slice %arg4[%add3A_64, %dma_start3A_114] : memref<327680x128xf32, #tpu.memory_space<hbm>> -> memref<128x128xf32, #tpu.memory_space<hbm>>
        tpu.enqueue_dma source(%arg7 : memref<128x128xf32, #tpu.memory_space<vmem>>) target(%dma_start3A_115 : memref<128x128xf32, #tpu.memory_space<hbm>>) target_semaphore(%run_scoped3A : memref<!tpu.dma_semaphore, #tpu.memory_space<semaphore_mem>>)
        %dma_wait3A_116 = arith.constant 0 : i32
        %dma_wait3A_117 = tpu.memref_slice %arg4[%add3A_64, %dma_wait3A_116] : memref<327680x128xf32, #tpu.memory_space<hbm>> -> memref<128x128xf32, #tpu.memory_space<hbm>>
        %dma_wait3A_118 = arith.constant 0 : i32
        %dma_wait3A_119 = tpu.memref_slice %arg4[%add3A_64, %dma_wait3A_118] : memref<327680x128xf32, #tpu.memory_space<hbm>> -> memref<128x128xf32, #tpu.memory_space<hbm>>
        tpu.wait_dma2 semaphore(%run_scoped3A : memref<!tpu.dma_semaphore, #tpu.memory_space<semaphore_mem>>) src(%arg7 : memref<128x128xf32, #tpu.memory_space<vmem>>) dst(%dma_wait3A_119 : memref<128x128xf32, #tpu.memory_space<hbm>>)
        tpu.yield
      }) : () -> ()
      %add3A_65 = arith.constant 4 : i32
      %add3A_66 = arith.addi %add3A_55, %add3A_65 : i32
      %lt3A_67 = arith.constant 80 : i32
      %lt3A_68 = arith.cmpi slt, %add3A_66, %lt3A_67 : i32
      %convert_element_type3A_69 = arith.extui %lt3A_68 : i1 to i32
      %cond3A_70 = arith.constant 0 : i32
      %cond3A_71 = arith.cmpi ne, %convert_element_type3A_69, %cond3A_70 : i32
      scf.if %cond3A_71 {
        %add3A_112 = arith.constant 4 : i32
        %add3A_113 = arith.addi %add3A_55, %add3A_112 : i32
        %dma_start3A_114 = arith.constant 0 : i32
        %dma_start3A_115 = tpu.memref_slice %arg5[%add3A_113, %dma_start3A_114] : memref<80x128xi32, #tpu.memory_space<vmem>> -> memref<1x128xi32, #tpu.memory_space<vmem>>
        %dma_start3A_116 = tpu.memref_squeeze %dma_start3A_115 : memref<1x128xi32, #tpu.memory_space<vmem>> -> memref<128xi32, #tpu.memory_space<vmem>>
        %dma_start3A_117 = arith.constant 0 : i32
        %dma_start3A_118 = arith.constant 0 : i32
        %dma_start3A_119 = tpu.memref_slice %arg2[%dma_start3A_117, %dma_start3A_118] : memref<10000x128xf32, #tpu.memory_space<hbm>> -> memref<10000x128xf32, #tpu.memory_space<hbm>>
        tpu.enqueue_indirect_dma source(%dma_start3A_119 : memref<10000x128xf32, #tpu.memory_space<hbm>>) target(%arg7 : memref<128x128xf32, #tpu.memory_space<vmem>>) offsets(%dma_start3A_116 : memref<128xi32, #tpu.memory_space<vmem>>) semaphore(%arg11 : memref<!tpu.dma_semaphore, #tpu.memory_space<semaphore_mem>>)
      } else {
      }
      %mul3A_72 = arith.constant 4 : i32
      %mul3A_73 = arith.muli %scan3A_35, %mul3A_72 : i32
      %add3A_74 = arith.constant 2 : i32
      %add3A_75 = arith.addi %mul3A_73, %add3A_74 : i32
      %dma_wait3A_76 = arith.constant 0 : i32
      %dma_wait3A_77 = tpu.memref_slice %arg5[%add3A_75, %dma_wait3A_76] : memref<80x128xi32, #tpu.memory_space<vmem>> -> memref<1x128xi32, #tpu.memory_space<vmem>>
      %dma_wait3A_78 = tpu.memref_squeeze %dma_wait3A_77 : memref<1x128xi32, #tpu.memory_space<vmem>> -> memref<128xi32, #tpu.memory_space<vmem>>
      %dma_wait3A_79 = arith.constant 0 : i32
      %dma_wait3A_80 = arith.constant 0 : i32
      %dma_wait3A_81 = tpu.memref_slice %arg2[%dma_wait3A_79, %dma_wait3A_80] : memref<10000x128xf32, #tpu.memory_space<hbm>> -> memref<10000x128xf32, #tpu.memory_space<hbm>>
      tpu.wait_indirect_dma semaphore(%arg12 : memref<!tpu.dma_semaphore, #tpu.memory_space<semaphore_mem>>) src(%dma_wait3A_81 : memref<10000x128xf32, #tpu.memory_space<hbm>>) dst(%arg8 : memref<128x128xf32, #tpu.memory_space<vmem>>)
      %mul3A_82 = arith.constant 128 : i32
      %mul3A_83 = arith.muli %add3A_75, %mul3A_82 : i32
      %add3A_84 = arith.addi %mul3A_2, %mul3A_83 : i32
      "tpu.region"() ({
        %run_scoped3A = tpu.sem_alloc : memref<!tpu.dma_semaphore, #tpu.memory_space<semaphore_mem>>
        %dma_start3A_112 = arith.constant 0 : i32
        %dma_start3A_113 = tpu.memref_slice %arg4[%add3A_84, %dma_start3A_112] : memref<327680x128xf32, #tpu.memory_space<hbm>> -> memref<128x128xf32, #tpu.memory_space<hbm>>
        %dma_start3A_114 = arith.constant 0 : i32
        %dma_start3A_115 = tpu.memref_slice %arg4[%add3A_84, %dma_start3A_114] : memref<327680x128xf32, #tpu.memory_space<hbm>> -> memref<128x128xf32, #tpu.memory_space<hbm>>
        tpu.enqueue_dma source(%arg8 : memref<128x128xf32, #tpu.memory_space<vmem>>) target(%dma_start3A_115 : memref<128x128xf32, #tpu.memory_space<hbm>>) target_semaphore(%run_scoped3A : memref<!tpu.dma_semaphore, #tpu.memory_space<semaphore_mem>>)
        %dma_wait3A_116 = arith.constant 0 : i32
        %dma_wait3A_117 = tpu.memref_slice %arg4[%add3A_84, %dma_wait3A_116] : memref<327680x128xf32, #tpu.memory_space<hbm>> -> memref<128x128xf32, #tpu.memory_space<hbm>>
        %dma_wait3A_118 = arith.constant 0 : i32
        %dma_wait3A_119 = tpu.memref_slice %arg4[%add3A_84, %dma_wait3A_118] : memref<327680x128xf32, #tpu.memory_space<hbm>> -> memref<128x128xf32, #tpu.memory_space<hbm>>
        tpu.wait_dma2 semaphore(%run_scoped3A : memref<!tpu.dma_semaphore, #tpu.memory_space<semaphore_mem>>) src(%arg8 : memref<128x128xf32, #tpu.memory_space<vmem>>) dst(%dma_wait3A_119 : memref<128x128xf32, #tpu.memory_space<hbm>>)
        tpu.yield
      }) : () -> ()
      %add3A_85 = arith.constant 4 : i32
      %add3A_86 = arith.addi %add3A_75, %add3A_85 : i32
      %lt3A_87 = arith.constant 80 : i32
      %lt3A_88 = arith.cmpi slt, %add3A_86, %lt3A_87 : i32
      %convert_element_type3A_89 = arith.extui %lt3A_88 : i1 to i32
      %cond3A_90 = arith.constant 0 : i32
      %cond3A_91 = arith.cmpi ne, %convert_element_type3A_89, %cond3A_90 : i32
      scf.if %cond3A_91 {
        %add3A_112 = arith.constant 4 : i32
        %add3A_113 = arith.addi %add3A_75, %add3A_112 : i32
        %dma_start3A_114 = arith.constant 0 : i32
        %dma_start3A_115 = tpu.memref_slice %arg5[%add3A_113, %dma_start3A_114] : memref<80x128xi32, #tpu.memory_space<vmem>> -> memref<1x128xi32, #tpu.memory_space<vmem>>
        %dma_start3A_116 = tpu.memref_squeeze %dma_start3A_115 : memref<1x128xi32, #tpu.memory_space<vmem>> -> memref<128xi32, #tpu.memory_space<vmem>>
        %dma_start3A_117 = arith.constant 0 : i32
        %dma_start3A_118 = arith.constant 0 : i32
        %dma_start3A_119 = tpu.memref_slice %arg2[%dma_start3A_117, %dma_start3A_118] : memref<10000x128xf32, #tpu.memory_space<hbm>> -> memref<10000x128xf32, #tpu.memory_space<hbm>>
        tpu.enqueue_indirect_dma source(%dma_start3A_119 : memref<10000x128xf32, #tpu.memory_space<hbm>>) target(%arg8 : memref<128x128xf32, #tpu.memory_space<vmem>>) offsets(%dma_start3A_116 : memref<128xi32, #tpu.memory_space<vmem>>) semaphore(%arg12 : memref<!tpu.dma_semaphore, #tpu.memory_space<semaphore_mem>>)
      } else {
      }
      %mul3A_92 = arith.constant 4 : i32
      %mul3A_93 = arith.muli %scan3A_35, %mul3A_92 : i32
      %add3A_94 = arith.constant 3 : i32
      %add3A_95 = arith.addi %mul3A_93, %add3A_94 : i32
      %dma_wait3A_96 = arith.constant 0 : i32
      %dma_wait3A_97 = tpu.memref_slice %arg5[%add3A_95, %dma_wait3A_96] : memref<80x128xi32, #tpu.memory_space<vmem>> -> memref<1x128xi32, #tpu.memory_space<vmem>>
      %dma_wait3A_98 = tpu.memref_squeeze %dma_wait3A_97 : memref<1x128xi32, #tpu.memory_space<vmem>> -> memref<128xi32, #tpu.memory_space<vmem>>
      %dma_wait3A_99 = arith.constant 0 : i32
      %dma_wait3A_100 = arith.constant 0 : i32
      %dma_wait3A_101 = tpu.memref_slice %arg2[%dma_wait3A_99, %dma_wait3A_100] : memref<10000x128xf32, #tpu.memory_space<hbm>> -> memref<10000x128xf32, #tpu.memory_space<hbm>>
      tpu.wait_indirect_dma semaphore(%arg13 : memref<!tpu.dma_semaphore, #tpu.memory_space<semaphore_mem>>) src(%dma_wait3A_101 : memref<10000x128xf32, #tpu.memory_space<hbm>>) dst(%arg9 : memref<128x128xf32, #tpu.memory_space<vmem>>)
      %mul3A_102 = arith.constant 128 : i32
      %mul3A_103 = arith.muli %add3A_95, %mul3A_102 : i32
      %add3A_104 = arith.addi %mul3A_2, %mul3A_103 : i32
      "tpu.region"() ({
        %run_scoped3A = tpu.sem_alloc : memref<!tpu.dma_semaphore, #tpu.memory_space<semaphore_mem>>
        %dma_start3A_112 = arith.constant 0 : i32
        %dma_start3A_113 = tpu.memref_slice %arg4[%add3A_104, %dma_start3A_112] : memref<327680x128xf32, #tpu.memory_space<hbm>> -> memref<128x128xf32, #tpu.memory_space<hbm>>
        %dma_start3A_114 = arith.constant 0 : i32
        %dma_start3A_115 = tpu.memref_slice %arg4[%add3A_104, %dma_start3A_114] : memref<327680x128xf32, #tpu.memory_space<hbm>> -> memref<128x128xf32, #tpu.memory_space<hbm>>
        tpu.enqueue_dma source(%arg9 : memref<128x128xf32, #tpu.memory_space<vmem>>) target(%dma_start3A_115 : memref<128x128xf32, #tpu.memory_space<hbm>>) target_semaphore(%run_scoped3A : memref<!tpu.dma_semaphore, #tpu.memory_space<semaphore_mem>>)
        %dma_wait3A_116 = arith.constant 0 : i32
        %dma_wait3A_117 = tpu.memref_slice %arg4[%add3A_104, %dma_wait3A_116] : memref<327680x128xf32, #tpu.memory_space<hbm>> -> memref<128x128xf32, #tpu.memory_space<hbm>>
        %dma_wait3A_118 = arith.constant 0 : i32
        %dma_wait3A_119 = tpu.memref_slice %arg4[%add3A_104, %dma_wait3A_118] : memref<327680x128xf32, #tpu.memory_space<hbm>> -> memref<128x128xf32, #tpu.memory_space<hbm>>
        tpu.wait_dma2 semaphore(%run_scoped3A : memref<!tpu.dma_semaphore, #tpu.memory_space<semaphore_mem>>) src(%arg9 : memref<128x128xf32, #tpu.memory_space<vmem>>) dst(%dma_wait3A_119 : memref<128x128xf32, #tpu.memory_space<hbm>>)
        tpu.yield
      }) : () -> ()
      %add3A_105 = arith.constant 4 : i32
      %add3A_106 = arith.addi %add3A_95, %add3A_105 : i32
      %lt3A_107 = arith.constant 80 : i32
      %lt3A_108 = arith.cmpi slt, %add3A_106, %lt3A_107 : i32
      %convert_element_type3A_109 = arith.extui %lt3A_108 : i1 to i32
      %cond3A_110 = arith.constant 0 : i32
      %cond3A_111 = arith.cmpi ne, %convert_element_type3A_109, %cond3A_110 : i32
      scf.if %cond3A_111 {
        %add3A_112 = arith.constant 4 : i32
        %add3A_113 = arith.addi %add3A_95, %add3A_112 : i32
        %dma_start3A_114 = arith.constant 0 : i32
        %dma_start3A_115 = tpu.memref_slice %arg5[%add3A_113, %dma_start3A_114] : memref<80x128xi32, #tpu.memory_space<vmem>> -> memref<1x128xi32, #tpu.memory_space<vmem>>
        %dma_start3A_116 = tpu.memref_squeeze %dma_start3A_115 : memref<1x128xi32, #tpu.memory_space<vmem>> -> memref<128xi32, #tpu.memory_space<vmem>>
        %dma_start3A_117 = arith.constant 0 : i32
        %dma_start3A_118 = arith.constant 0 : i32
        %dma_start3A_119 = tpu.memref_slice %arg2[%dma_start3A_117, %dma_start3A_118] : memref<10000x128xf32, #tpu.memory_space<hbm>> -> memref<10000x128xf32, #tpu.memory_space<hbm>>
        tpu.enqueue_indirect_dma source(%dma_start3A_119 : memref<10000x128xf32, #tpu.memory_space<hbm>>) target(%arg9 : memref<128x128xf32, #tpu.memory_space<vmem>>) offsets(%dma_start3A_116 : memref<128xi32, #tpu.memory_space<vmem>>) semaphore(%arg13 : memref<!tpu.dma_semaphore, #tpu.memory_space<semaphore_mem>>)
      } else {
      }
    }
    %scan3A_34 = arith.constant 20 : i32
    return
  }
}

#map = affine_map<(d0, d1) -> (0, 0)>
#map1 = affine_map<(d0, d1) -> (0, 0, 0)>
module attributes {stable_mosaic.version = 14 : i64} {
  func.func @k(%arg0: i32, %arg1: i32, %arg2: memref<10000x128xf32, #tpu.memory_space<hbm>>, %arg3: memref<32x80x128xi32, #tpu.memory_space<hbm>>, %arg4: memref<327680x128xf32, #tpu.memory_space<hbm>>, %arg5: memref<80x128xi32, #tpu.memory_space<vmem>>, %arg6: memref<128x128xf32, #tpu.memory_space<vmem>>, %arg7: memref<128x128xf32, #tpu.memory_space<vmem>>, %arg8: memref<128x128xf32, #tpu.memory_space<vmem>>, %arg9: memref<128x128xf32, #tpu.memory_space<vmem>>, %arg10: memref<!tpu.dma_semaphore, #tpu.memory_space<semaphore_mem>>, %arg11: memref<!tpu.dma_semaphore, #tpu.memory_space<semaphore_mem>>, %arg12: memref<!tpu.dma_semaphore, #tpu.memory_space<semaphore_mem>>, %arg13: memref<!tpu.dma_semaphore, #tpu.memory_space<semaphore_mem>>) attributes {dimension_semantics = [#tpu.dimension_semantics<core_parallel>, #tpu.dimension_semantics<subcore_parallel>], iteration_bounds = array<i64: 2, 16>, scalar_prefetch = 0 : i64, scratch_operands = 9 : i64, tpu.core_type = #tpu.core_type<sc_vector_subcore>, window_params = [{transform_indices = #map}, {transform_indices = #map1}, {transform_indices = #map}]} {
    %mul3A = arith.constant 2 : i32
    %mul3A_0 = arith.muli %arg1, %mul3A : i32
    %add3A = arith.addi %mul3A_0, %arg0 : i32
    %mul3A_1 = arith.constant 10240 : i32
    %mul3A_2 = arith.muli %add3A, %mul3A_1 : i32
    "tpu.region"() ({
      %run_scoped3A = tpu.sem_alloc : memref<!tpu.dma_semaphore, #tpu.memory_space<semaphore_mem>>
      %dma_start3A_35 = arith.constant 0 : i32
      %dma_start3A_36 = arith.constant 0 : i32
      %dma_start3A_37 = tpu.memref_slice %arg3[%add3A, %dma_start3A_35, %dma_start3A_36] : memref<32x80x128xi32, #tpu.memory_space<hbm>> -> memref<1x80x128xi32, #tpu.memory_space<hbm>>
      %dma_start3A_38 = tpu.memref_squeeze %dma_start3A_37 : memref<1x80x128xi32, #tpu.memory_space<hbm>> -> memref<80x128xi32, #tpu.memory_space<hbm>>
      %dma_start3A_39 = arith.constant 0 : i32
      %dma_start3A_40 = arith.constant 0 : i32
      %dma_start3A_41 = tpu.memref_slice %arg3[%add3A, %dma_start3A_39, %dma_start3A_40] : memref<32x80x128xi32, #tpu.memory_space<hbm>> -> memref<1x80x128xi32, #tpu.memory_space<hbm>>
      %dma_start3A_42 = tpu.memref_squeeze %dma_start3A_41 : memref<1x80x128xi32, #tpu.memory_space<hbm>> -> memref<80x128xi32, #tpu.memory_space<hbm>>
      tpu.enqueue_dma source(%dma_start3A_42 : memref<80x128xi32, #tpu.memory_space<hbm>>) target(%arg5 : memref<80x128xi32, #tpu.memory_space<vmem>>) target_semaphore(%run_scoped3A : memref<!tpu.dma_semaphore, #tpu.memory_space<semaphore_mem>>)
      %dma_wait3A = arith.constant 0 : i32
      %dma_wait3A_43 = arith.constant 0 : i32
      %dma_wait3A_44 = tpu.memref_slice %arg3[%add3A, %dma_wait3A, %dma_wait3A_43] : memref<32x80x128xi32, #tpu.memory_space<hbm>> -> memref<1x80x128xi32, #tpu.memory_space<hbm>>
      %dma_wait3A_45 = tpu.memref_squeeze %dma_wait3A_44 : memref<1x80x128xi32, #tpu.memory_space<hbm>> -> memref<80x128xi32, #tpu.memory_space<hbm>>
      %dma_wait3A_46 = arith.constant 0 : i32
      %dma_wait3A_47 = arith.constant 0 : i32
      %dma_wait3A_48 = tpu.memref_slice %arg3[%add3A, %dma_wait3A_46, %dma_wait3A_47] : memref<32x80x128xi32, #tpu.memory_space<hbm>> -> memref<1x80x128xi32, #tpu.memory_space<hbm>>
      %dma_wait3A_49 = tpu.memref_squeeze %dma_wait3A_48 : memref<1x80x128xi32, #tpu.memory_space<hbm>> -> memref<80x128xi32, #tpu.memory_space<hbm>>
      tpu.wait_dma2 semaphore(%run_scoped3A : memref<!tpu.dma_semaphore, #tpu.memory_space<semaphore_mem>>) src(%dma_wait3A_49 : memref<80x128xi32, #tpu.memory_space<hbm>>) dst(%arg5 : memref<80x128xi32, #tpu.memory_space<vmem>>)
      tpu.yield
    }) : () -> ()
    %dma_start3A = arith.constant 0 : i32
    %dma_start3A_3 = arith.constant 0 : i32
    %dma_start3A_4 = tpu.memref_slice %arg5[%dma_start3A, %dma_start3A_3] : memref<80x128xi32, #tpu.memory_space<vmem>> -> memref<1x128xi32, #tpu.memory_space<vmem>>
    %dma_start3A_5 = tpu.memref_squeeze %dma_start3A_4 : memref<1x128xi32, #tpu.memory_space<vmem>> -> memref<128xi32, #tpu.memory_space<vmem>>
    %dma_start3A_6 = arith.constant 0 : i32
    %dma_start3A_7 = arith.constant 0 : i32
    %dma_start3A_8 = tpu.memref_slice %arg2[%dma_start3A_6, %dma_start3A_7] : memref<10000x128xf32, #tpu.memory_space<hbm>> -> memref<10000x128xf32, #tpu.memory_space<hbm>>
    tpu.enqueue_indirect_dma source(%dma_start3A_8 : memref<10000x128xf32, #tpu.memory_space<hbm>>) target(%arg6 : memref<128x128xf32, #tpu.memory_space<vmem>>) offsets(%dma_start3A_5 : memref<128xi32, #tpu.memory_space<vmem>>) semaphore(%arg10 : memref<!tpu.dma_semaphore, #tpu.memory_space<semaphore_mem>>)
    %dma_start3A_9 = arith.constant 1 : i32
    %dma_start3A_10 = arith.constant 0 : i32
    %dma_start3A_11 = tpu.memref_slice %arg5[%dma_start3A_9, %dma_start3A_10] : memref<80x128xi32, #tpu.memory_space<vmem>> -> memref<1x128xi32, #tpu.memory_space<vmem>>
    %dma_start3A_12 = tpu.memref_squeeze %dma_start3A_11 : memref<1x128xi32, #tpu.memory_space<vmem>> -> memref<128xi32, #tpu.memory_space<vmem>>
    %dma_start3A_13 = arith.constant 0 : i32
    %dma_start3A_14 = arith.constant 0 : i32
    %dma_start3A_15 = tpu.memref_slice %arg2[%dma_start3A_13, %dma_start3A_14] : memref<10000x128xf32, #tpu.memory_space<hbm>> -> memref<10000x128xf32, #tpu.memory_space<hbm>>
    tpu.enqueue_indirect_dma source(%dma_start3A_15 : memref<10000x128xf32, #tpu.memory_space<hbm>>) target(%arg7 : memref<128x128xf32, #tpu.memory_space<vmem>>) offsets(%dma_start3A_12 : memref<128xi32, #tpu.memory_space<vmem>>) semaphore(%arg11 : memref<!tpu.dma_semaphore, #tpu.memory_space<semaphore_mem>>)
    %dma_start3A_16 = arith.constant 2 : i32
    %dma_start3A_17 = arith.constant 0 : i32
    %dma_start3A_18 = tpu.memref_slice %arg5[%dma_start3A_16, %dma_start3A_17] : memref<80x128xi32, #tpu.memory_space<vmem>> -> memref<1x128xi32, #tpu.memory_space<vmem>>
    %dma_start3A_19 = tpu.memref_squeeze %dma_start3A_18 : memref<1x128xi32, #tpu.memory_space<vmem>> -> memref<128xi32, #tpu.memory_space<vmem>>
    %dma_start3A_20 = arith.constant 0 : i32
    %dma_start3A_21 = arith.constant 0 : i32
    %dma_start3A_22 = tpu.memref_slice %arg2[%dma_start3A_20, %dma_start3A_21] : memref<10000x128xf32, #tpu.memory_space<hbm>> -> memref<10000x128xf32, #tpu.memory_space<hbm>>
    tpu.enqueue_indirect_dma source(%dma_start3A_22 : memref<10000x128xf32, #tpu.memory_space<hbm>>) target(%arg8 : memref<128x128xf32, #tpu.memory_space<vmem>>) offsets(%dma_start3A_19 : memref<128xi32, #tpu.memory_space<vmem>>) semaphore(%arg12 : memref<!tpu.dma_semaphore, #tpu.memory_space<semaphore_mem>>)
    %dma_start3A_23 = arith.constant 3 : i32
    %dma_start3A_24 = arith.constant 0 : i32
    %dma_start3A_25 = tpu.memref_slice %arg5[%dma_start3A_23, %dma_start3A_24] : memref<80x128xi32, #tpu.memory_space<vmem>> -> memref<1x128xi32, #tpu.memory_space<vmem>>
    %dma_start3A_26 = tpu.memref_squeeze %dma_start3A_25 : memref<1x128xi32, #tpu.memory_space<vmem>> -> memref<128xi32, #tpu.memory_space<vmem>>
    %dma_start3A_27 = arith.constant 0 : i32
    %dma_start3A_28 = arith.constant 0 : i32
    %dma_start3A_29 = tpu.memref_slice %arg2[%dma_start3A_27, %dma_start3A_28] : memref<10000x128xf32, #tpu.memory_space<hbm>> -> memref<10000x128xf32, #tpu.memory_space<hbm>>
    tpu.enqueue_indirect_dma source(%dma_start3A_29 : memref<10000x128xf32, #tpu.memory_space<hbm>>) target(%arg9 : memref<128x128xf32, #tpu.memory_space<vmem>>) offsets(%dma_start3A_26 : memref<128xi32, #tpu.memory_space<vmem>>) semaphore(%arg13 : memref<!tpu.dma_semaphore, #tpu.memory_space<semaphore_mem>>)
    %scan3A = arith.constant 0 : i32
    %scan3A_30 = arith.constant 0 : i32
    %scan3A_31 = arith.constant 20 : i32
    %scan3A_32 = arith.addi %scan3A_30, %scan3A_31 : i32
    %scan3A_33 = arith.constant 1 : i32
    scf.for %scan3A_35 = %scan3A_30 to %scan3A_32 step %scan3A_33  : i32 {
      %mul3A_36 = arith.constant 4 : i32
      %mul3A_37 = arith.muli %scan3A_35, %mul3A_36 : i32
      %add3A_38 = arith.constant 0 : i32
      %add3A_39 = arith.addi %mul3A_37, %add3A_38 : i32
      %dma_wait3A = arith.constant 0 : i32
      %dma_wait3A_40 = tpu.memref_slice %arg5[%add3A_39, %dma_wait3A] : memref<80x128xi32, #tpu.memory_space<vmem>> -> memref<1x128xi32, #tpu.memory_space<vmem>>
      %dma_wait3A_41 = tpu.memref_squeeze %dma_wait3A_40 : memref<1x128xi32, #tpu.memory_space<vmem>> -> memref<128xi32, #tpu.memory_space<vmem>>
      %dma_wait3A_42 = arith.constant 0 : i32
      %dma_wait3A_43 = arith.constant 0 : i32
      %dma_wait3A_44 = tpu.memref_slice %arg2[%dma_wait3A_42, %dma_wait3A_43] : memref<10000x128xf32, #tpu.memory_space<hbm>> -> memref<10000x128xf32, #tpu.memory_space<hbm>>
      tpu.wait_indirect_dma semaphore(%arg10 : memref<!tpu.dma_semaphore, #tpu.memory_space<semaphore_mem>>) src(%dma_wait3A_44 : memref<10000x128xf32, #tpu.memory_space<hbm>>) dst(%arg6 : memref<128x128xf32, #tpu.memory_space<vmem>>)
      %mul3A_45 = arith.constant 128 : i32
      %mul3A_46 = arith.muli %add3A_39, %mul3A_45 : i32
      %add3A_47 = arith.addi %mul3A_2, %mul3A_46 : i32
      "tpu.region"() ({
        %run_scoped3A = tpu.sem_alloc : memref<!tpu.dma_semaphore, #tpu.memory_space<semaphore_mem>>
        %dma_start3A_112 = arith.constant 0 : i32
        %dma_start3A_113 = tpu.memref_slice %arg4[%add3A_47, %dma_start3A_112] : memref<327680x128xf32, #tpu.memory_space<hbm>> -> memref<128x128xf32, #tpu.memory_space<hbm>>
        %dma_start3A_114 = arith.constant 0 : i32
        %dma_start3A_115 = tpu.memref_slice %arg4[%add3A_47, %dma_start3A_114] : memref<327680x128xf32, #tpu.memory_space<hbm>> -> memref<128x128xf32, #tpu.memory_space<hbm>>
        tpu.enqueue_dma source(%arg6 : memref<128x128xf32, #tpu.memory_space<vmem>>) target(%dma_start3A_115 : memref<128x128xf32, #tpu.memory_space<hbm>>) target_semaphore(%run_scoped3A : memref<!tpu.dma_semaphore, #tpu.memory_space<semaphore_mem>>)
        %dma_wait3A_116 = arith.constant 0 : i32
        %dma_wait3A_117 = tpu.memref_slice %arg4[%add3A_47, %dma_wait3A_116] : memref<327680x128xf32, #tpu.memory_space<hbm>> -> memref<128x128xf32, #tpu.memory_space<hbm>>
        %dma_wait3A_118 = arith.constant 0 : i32
        %dma_wait3A_119 = tpu.memref_slice %arg4[%add3A_47, %dma_wait3A_118] : memref<327680x128xf32, #tpu.memory_space<hbm>> -> memref<128x128xf32, #tpu.memory_space<hbm>>
        tpu.wait_dma2 semaphore(%run_scoped3A : memref<!tpu.dma_semaphore, #tpu.memory_space<semaphore_mem>>) src(%arg6 : memref<128x128xf32, #tpu.memory_space<vmem>>) dst(%dma_wait3A_119 : memref<128x128xf32, #tpu.memory_space<hbm>>)
        tpu.yield
      }) : () -> ()
      %add3A_48 = arith.constant 4 : i32
      %add3A_49 = arith.addi %add3A_39, %add3A_48 : i32
      %lt3A = arith.constant 80 : i32
      %lt3A_50 = arith.cmpi slt, %add3A_49, %lt3A : i32
      %convert_element_type3A = arith.extui %lt3A_50 : i1 to i32
      %cond3A = arith.constant 0 : i32
      %cond3A_51 = arith.cmpi ne, %convert_element_type3A, %cond3A : i32
      scf.if %cond3A_51 {
        %add3A_112 = arith.constant 4 : i32
        %add3A_113 = arith.addi %add3A_39, %add3A_112 : i32
        %dma_start3A_114 = arith.constant 0 : i32
        %dma_start3A_115 = tpu.memref_slice %arg5[%add3A_113, %dma_start3A_114] : memref<80x128xi32, #tpu.memory_space<vmem>> -> memref<1x128xi32, #tpu.memory_space<vmem>>
        %dma_start3A_116 = tpu.memref_squeeze %dma_start3A_115 : memref<1x128xi32, #tpu.memory_space<vmem>> -> memref<128xi32, #tpu.memory_space<vmem>>
        %dma_start3A_117 = arith.constant 0 : i32
        %dma_start3A_118 = arith.constant 0 : i32
        %dma_start3A_119 = tpu.memref_slice %arg2[%dma_start3A_117, %dma_start3A_118] : memref<10000x128xf32, #tpu.memory_space<hbm>> -> memref<10000x128xf32, #tpu.memory_space<hbm>>
        tpu.enqueue_indirect_dma source(%dma_start3A_119 : memref<10000x128xf32, #tpu.memory_space<hbm>>) target(%arg6 : memref<128x128xf32, #tpu.memory_space<vmem>>) offsets(%dma_start3A_116 : memref<128xi32, #tpu.memory_space<vmem>>) semaphore(%arg10 : memref<!tpu.dma_semaphore, #tpu.memory_space<semaphore_mem>>)
      } else {
      }
      %mul3A_52 = arith.constant 4 : i32
      %mul3A_53 = arith.muli %scan3A_35, %mul3A_52 : i32
      %add3A_54 = arith.constant 1 : i32
      %add3A_55 = arith.addi %mul3A_53, %add3A_54 : i32
      %dma_wait3A_56 = arith.constant 0 : i32
      %dma_wait3A_57 = tpu.memref_slice %arg5[%add3A_55, %dma_wait3A_56] : memref<80x128xi32, #tpu.memory_space<vmem>> -> memref<1x128xi32, #tpu.memory_space<vmem>>
      %dma_wait3A_58 = tpu.memref_squeeze %dma_wait3A_57 : memref<1x128xi32, #tpu.memory_space<vmem>> -> memref<128xi32, #tpu.memory_space<vmem>>
      %dma_wait3A_59 = arith.constant 0 : i32
      %dma_wait3A_60 = arith.constant 0 : i32
      %dma_wait3A_61 = tpu.memref_slice %arg2[%dma_wait3A_59, %dma_wait3A_60] : memref<10000x128xf32, #tpu.memory_space<hbm>> -> memref<10000x128xf32, #tpu.memory_space<hbm>>
      tpu.wait_indirect_dma semaphore(%arg11 : memref<!tpu.dma_semaphore, #tpu.memory_space<semaphore_mem>>) src(%dma_wait3A_61 : memref<10000x128xf32, #tpu.memory_space<hbm>>) dst(%arg7 : memref<128x128xf32, #tpu.memory_space<vmem>>)
      %mul3A_62 = arith.constant 128 : i32
      %mul3A_63 = arith.muli %add3A_55, %mul3A_62 : i32
      %add3A_64 = arith.addi %mul3A_2, %mul3A_63 : i32
      "tpu.region"() ({
        %run_scoped3A = tpu.sem_alloc : memref<!tpu.dma_semaphore, #tpu.memory_space<semaphore_mem>>
        %dma_start3A_112 = arith.constant 0 : i32
        %dma_start3A_113 = tpu.memref_slice %arg4[%add3A_64, %dma_start3A_112] : memref<327680x128xf32, #tpu.memory_space<hbm>> -> memref<128x128xf32, #tpu.memory_space<hbm>>
        %dma_start3A_114 = arith.constant 0 : i32
        %dma_start3A_115 = tpu.memref_slice %arg4[%add3A_64, %dma_start3A_114] : memref<327680x128xf32, #tpu.memory_space<hbm>> -> memref<128x128xf32, #tpu.memory_space<hbm>>
        tpu.enqueue_dma source(%arg7 : memref<128x128xf32, #tpu.memory_space<vmem>>) target(%dma_start3A_115 : memref<128x128xf32, #tpu.memory_space<hbm>>) target_semaphore(%run_scoped3A : memref<!tpu.dma_semaphore, #tpu.memory_space<semaphore_mem>>)
        %dma_wait3A_116 = arith.constant 0 : i32
        %dma_wait3A_117 = tpu.memref_slice %arg4[%add3A_64, %dma_wait3A_116] : memref<327680x128xf32, #tpu.memory_space<hbm>> -> memref<128x128xf32, #tpu.memory_space<hbm>>
        %dma_wait3A_118 = arith.constant 0 : i32
        %dma_wait3A_119 = tpu.memref_slice %arg4[%add3A_64, %dma_wait3A_118] : memref<327680x128xf32, #tpu.memory_space<hbm>> -> memref<128x128xf32, #tpu.memory_space<hbm>>
        tpu.wait_dma2 semaphore(%run_scoped3A : memref<!tpu.dma_semaphore, #tpu.memory_space<semaphore_mem>>) src(%arg7 : memref<128x128xf32, #tpu.memory_space<vmem>>) dst(%dma_wait3A_119 : memref<128x128xf32, #tpu.memory_space<hbm>>)
        tpu.yield
      }) : () -> ()
      %add3A_65 = arith.constant 4 : i32
      %add3A_66 = arith.addi %add3A_55, %add3A_65 : i32
      %lt3A_67 = arith.constant 80 : i32
      %lt3A_68 = arith.cmpi slt, %add3A_66, %lt3A_67 : i32
      %convert_element_type3A_69 = arith.extui %lt3A_68 : i1 to i32
      %cond3A_70 = arith.constant 0 : i32
      %cond3A_71 = arith.cmpi ne, %convert_element_type3A_69, %cond3A_70 : i32
      scf.if %cond3A_71 {
        %add3A_112 = arith.constant 4 : i32
        %add3A_113 = arith.addi %add3A_55, %add3A_112 : i32
        %dma_start3A_114 = arith.constant 0 : i32
        %dma_start3A_115 = tpu.memref_slice %arg5[%add3A_113, %dma_start3A_114] : memref<80x128xi32, #tpu.memory_space<vmem>> -> memref<1x128xi32, #tpu.memory_space<vmem>>
        %dma_start3A_116 = tpu.memref_squeeze %dma_start3A_115 : memref<1x128xi32, #tpu.memory_space<vmem>> -> memref<128xi32, #tpu.memory_space<vmem>>
        %dma_start3A_117 = arith.constant 0 : i32
        %dma_start3A_118 = arith.constant 0 : i32
        %dma_start3A_119 = tpu.memref_slice %arg2[%dma_start3A_117, %dma_start3A_118] : memref<10000x128xf32, #tpu.memory_space<hbm>> -> memref<10000x128xf32, #tpu.memory_space<hbm>>
        tpu.enqueue_indirect_dma source(%dma_start3A_119 : memref<10000x128xf32, #tpu.memory_space<hbm>>) target(%arg7 : memref<128x128xf32, #tpu.memory_space<vmem>>) offsets(%dma_start3A_116 : memref<128xi32, #tpu.memory_space<vmem>>) semaphore(%arg11 : memref<!tpu.dma_semaphore, #tpu.memory_space<semaphore_mem>>)
      } else {
      }
      %mul3A_72 = arith.constant 4 : i32
      %mul3A_73 = arith.muli %scan3A_35, %mul3A_72 : i32
      %add3A_74 = arith.constant 2 : i32
      %add3A_75 = arith.addi %mul3A_73, %add3A_74 : i32
      %dma_wait3A_76 = arith.constant 0 : i32
      %dma_wait3A_77 = tpu.memref_slice %arg5[%add3A_75, %dma_wait3A_76] : memref<80x128xi32, #tpu.memory_space<vmem>> -> memref<1x128xi32, #tpu.memory_space<vmem>>
      %dma_wait3A_78 = tpu.memref_squeeze %dma_wait3A_77 : memref<1x128xi32, #tpu.memory_space<vmem>> -> memref<128xi32, #tpu.memory_space<vmem>>
      %dma_wait3A_79 = arith.constant 0 : i32
      %dma_wait3A_80 = arith.constant 0 : i32
      %dma_wait3A_81 = tpu.memref_slice %arg2[%dma_wait3A_79, %dma_wait3A_80] : memref<10000x128xf32, #tpu.memory_space<hbm>> -> memref<10000x128xf32, #tpu.memory_space<hbm>>
      tpu.wait_indirect_dma semaphore(%arg12 : memref<!tpu.dma_semaphore, #tpu.memory_space<semaphore_mem>>) src(%dma_wait3A_81 : memref<10000x128xf32, #tpu.memory_space<hbm>>) dst(%arg8 : memref<128x128xf32, #tpu.memory_space<vmem>>)
      %mul3A_82 = arith.constant 128 : i32
      %mul3A_83 = arith.muli %add3A_75, %mul3A_82 : i32
      %add3A_84 = arith.addi %mul3A_2, %mul3A_83 : i32
      "tpu.region"() ({
        %run_scoped3A = tpu.sem_alloc : memref<!tpu.dma_semaphore, #tpu.memory_space<semaphore_mem>>
        %dma_start3A_112 = arith.constant 0 : i32
        %dma_start3A_113 = tpu.memref_slice %arg4[%add3A_84, %dma_start3A_112] : memref<327680x128xf32, #tpu.memory_space<hbm>> -> memref<128x128xf32, #tpu.memory_space<hbm>>
        %dma_start3A_114 = arith.constant 0 : i32
        %dma_start3A_115 = tpu.memref_slice %arg4[%add3A_84, %dma_start3A_114] : memref<327680x128xf32, #tpu.memory_space<hbm>> -> memref<128x128xf32, #tpu.memory_space<hbm>>
        tpu.enqueue_dma source(%arg8 : memref<128x128xf32, #tpu.memory_space<vmem>>) target(%dma_start3A_115 : memref<128x128xf32, #tpu.memory_space<hbm>>) target_semaphore(%run_scoped3A : memref<!tpu.dma_semaphore, #tpu.memory_space<semaphore_mem>>)
        %dma_wait3A_116 = arith.constant 0 : i32
        %dma_wait3A_117 = tpu.memref_slice %arg4[%add3A_84, %dma_wait3A_116] : memref<327680x128xf32, #tpu.memory_space<hbm>> -> memref<128x128xf32, #tpu.memory_space<hbm>>
        %dma_wait3A_118 = arith.constant 0 : i32
        %dma_wait3A_119 = tpu.memref_slice %arg4[%add3A_84, %dma_wait3A_118] : memref<327680x128xf32, #tpu.memory_space<hbm>> -> memref<128x128xf32, #tpu.memory_space<hbm>>
        tpu.wait_dma2 semaphore(%run_scoped3A : memref<!tpu.dma_semaphore, #tpu.memory_space<semaphore_mem>>) src(%arg8 : memref<128x128xf32, #tpu.memory_space<vmem>>) dst(%dma_wait3A_119 : memref<128x128xf32, #tpu.memory_space<hbm>>)
        tpu.yield
      }) : () -> ()
      %add3A_85 = arith.constant 4 : i32
      %add3A_86 = arith.addi %add3A_75, %add3A_85 : i32
      %lt3A_87 = arith.constant 80 : i32
      %lt3A_88 = arith.cmpi slt, %add3A_86, %lt3A_87 : i32
      %convert_element_type3A_89 = arith.extui %lt3A_88 : i1 to i32
      %cond3A_90 = arith.constant 0 : i32
      %cond3A_91 = arith.cmpi ne, %convert_element_type3A_89, %cond3A_90 : i32
      scf.if %cond3A_91 {
        %add3A_112 = arith.constant 4 : i32
        %add3A_113 = arith.addi %add3A_75, %add3A_112 : i32
        %dma_start3A_114 = arith.constant 0 : i32
        %dma_start3A_115 = tpu.memref_slice %arg5[%add3A_113, %dma_start3A_114] : memref<80x128xi32, #tpu.memory_space<vmem>> -> memref<1x128xi32, #tpu.memory_space<vmem>>
        %dma_start3A_116 = tpu.memref_squeeze %dma_start3A_115 : memref<1x128xi32, #tpu.memory_space<vmem>> -> memref<128xi32, #tpu.memory_space<vmem>>
        %dma_start3A_117 = arith.constant 0 : i32
        %dma_start3A_118 = arith.constant 0 : i32
        %dma_start3A_119 = tpu.memref_slice %arg2[%dma_start3A_117, %dma_start3A_118] : memref<10000x128xf32, #tpu.memory_space<hbm>> -> memref<10000x128xf32, #tpu.memory_space<hbm>>
        tpu.enqueue_indirect_dma source(%dma_start3A_119 : memref<10000x128xf32, #tpu.memory_space<hbm>>) target(%arg8 : memref<128x128xf32, #tpu.memory_space<vmem>>) offsets(%dma_start3A_116 : memref<128xi32, #tpu.memory_space<vmem>>) semaphore(%arg12 : memref<!tpu.dma_semaphore, #tpu.memory_space<semaphore_mem>>)
      } else {
      }
      %mul3A_92 = arith.constant 4 : i32
      %mul3A_93 = arith.muli %scan3A_35, %mul3A_92 : i32
      %add3A_94 = arith.constant 3 : i32
      %add3A_95 = arith.addi %mul3A_93, %add3A_94 : i32
      %dma_wait3A_96 = arith.constant 0 : i32
      %dma_wait3A_97 = tpu.memref_slice %arg5[%add3A_95, %dma_wait3A_96] : memref<80x128xi32, #tpu.memory_space<vmem>> -> memref<1x128xi32, #tpu.memory_space<vmem>>
      %dma_wait3A_98 = tpu.memref_squeeze %dma_wait3A_97 : memref<1x128xi32, #tpu.memory_space<vmem>> -> memref<128xi32, #tpu.memory_space<vmem>>
      %dma_wait3A_99 = arith.constant 0 : i32
      %dma_wait3A_100 = arith.constant 0 : i32
      %dma_wait3A_101 = tpu.memref_slice %arg2[%dma_wait3A_99, %dma_wait3A_100] : memref<10000x128xf32, #tpu.memory_space<hbm>> -> memref<10000x128xf32, #tpu.memory_space<hbm>>
      tpu.wait_indirect_dma semaphore(%arg13 : memref<!tpu.dma_semaphore, #tpu.memory_space<semaphore_mem>>) src(%dma_wait3A_101 : memref<10000x128xf32, #tpu.memory_space<hbm>>) dst(%arg9 : memref<128x128xf32, #tpu.memory_space<vmem>>)
      %mul3A_102 = arith.constant 128 : i32
      %mul3A_103 = arith.muli %add3A_95, %mul3A_102 : i32
      %add3A_104 = arith.addi %mul3A_2, %mul3A_103 : i32
      "tpu.region"() ({
        %run_scoped3A = tpu.sem_alloc : memref<!tpu.dma_semaphore, #tpu.memory_space<semaphore_mem>>
        %dma_start3A_112 = arith.constant 0 : i32
        %dma_start3A_113 = tpu.memref_slice %arg4[%add3A_104, %dma_start3A_112] : memref<327680x128xf32, #tpu.memory_space<hbm>> -> memref<128x128xf32, #tpu.memory_space<hbm>>
        %dma_start3A_114 = arith.constant 0 : i32
        %dma_start3A_115 = tpu.memref_slice %arg4[%add3A_104, %dma_start3A_114] : memref<327680x128xf32, #tpu.memory_space<hbm>> -> memref<128x128xf32, #tpu.memory_space<hbm>>
        tpu.enqueue_dma source(%arg9 : memref<128x128xf32, #tpu.memory_space<vmem>>) target(%dma_start3A_115 : memref<128x128xf32, #tpu.memory_space<hbm>>) target_semaphore(%run_scoped3A : memref<!tpu.dma_semaphore, #tpu.memory_space<semaphore_mem>>)
        %dma_wait3A_116 = arith.constant 0 : i32
        %dma_wait3A_117 = tpu.memref_slice %arg4[%add3A_104, %dma_wait3A_116] : memref<327680x128xf32, #tpu.memory_space<hbm>> -> memref<128x128xf32, #tpu.memory_space<hbm>>
        %dma_wait3A_118 = arith.constant 0 : i32
        %dma_wait3A_119 = tpu.memref_slice %arg4[%add3A_104, %dma_wait3A_118] : memref<327680x128xf32, #tpu.memory_space<hbm>> -> memref<128x128xf32, #tpu.memory_space<hbm>>
        tpu.wait_dma2 semaphore(%run_scoped3A : memref<!tpu.dma_semaphore, #tpu.memory_space<semaphore_mem>>) src(%arg9 : memref<128x128xf32, #tpu.memory_space<vmem>>) dst(%dma_wait3A_119 : memref<128x128xf32, #tpu.memory_space<hbm>>)
        tpu.yield
      }) : () -> ()
      %add3A_105 = arith.constant 4 : i32
      %add3A_106 = arith.addi %add3A_95, %add3A_105 : i32
      %lt3A_107 = arith.constant 80 : i32
      %lt3A_108 = arith.cmpi slt, %add3A_106, %lt3A_107 : i32
      %convert_element_type3A_109 = arith.extui %lt3A_108 : i1 to i32
      %cond3A_110 = arith.constant 0 : i32
      %cond3A_111 = arith.cmpi ne, %convert_element_type3A_109, %cond3A_110 : i32
      scf.if %cond3A_111 {
        %add3A_112 = arith.constant 4 : i32
        %add3A_113 = arith.addi %add3A_95, %add3A_112 : i32
        %dma_start3A_114 = arith.constant 0 : i32
        %dma_start3A_115 = tpu.memref_slice %arg5[%add3A_113, %dma_start3A_114] : memref<80x128xi32, #tpu.memory_space<vmem>> -> memref<1x128xi32, #tpu.memory_space<vmem>>
        %dma_start3A_116 = tpu.memref_squeeze %dma_start3A_115 : memref<1x128xi32, #tpu.memory_space<vmem>> -> memref<128xi32, #tpu.memory_space<vmem>>
        %dma_start3A_117 = arith.constant 0 : i32
        %dma_start3A_118 = arith.constant 0 : i32
        %dma_start3A_119 = tpu.memref_slice %arg2[%dma_start3A_117, %dma_start3A_118] : memref<10000x128xf32, #tpu.memory_space<hbm>> -> memref<10000x128xf32, #tpu.memory_space<hbm>>
        tpu.enqueue_indirect_dma source(%dma_start3A_119 : memref<10000x128xf32, #tpu.memory_space<hbm>>) target(%arg9 : memref<128x128xf32, #tpu.memory_space<vmem>>) offsets(%dma_start3A_116 : memref<128xi32, #tpu.memory_space<vmem>>) semaphore(%arg13 : memref<!tpu.dma_semaphore, #tpu.memory_space<semaphore_mem>>)
      } else {
      }
    }
    %scan3A_34 = arith.constant 20 : i32
    return
  }
}

#map = affine_map<(d0, d1) -> (0, 0)>
#map1 = affine_map<(d0, d1) -> (0, 0, 0)>
module attributes {stable_mosaic.version = 14 : i64} {
  func.func @k(%arg0: i32, %arg1: i32, %arg2: memref<327680x128xf32, #tpu.memory_space<hbm>>, %arg3: memref<32x80x128xi32, #tpu.memory_space<hbm>>, %arg4: memref<128x128xf32, #tpu.memory_space<hbm>>, %arg5: memref<2x10240x128xf32, #tpu.memory_space<hbm>>, %arg6: memref<80x128xi32, #tpu.memory_space<vmem>>, %arg7: memref<128x128xf32, #tpu.memory_space<vmem>>, %arg8: memref<128x128xf32, #tpu.memory_space<vmem>>, %arg9: memref<10240x128xf32, #tpu.memory_space<vmem_shared>>, %arg10: memref<!tpu.dma_semaphore, #tpu.memory_space<semaphore_mem>>, %arg11: memref<!tpu.dma_semaphore, #tpu.memory_space<semaphore_mem>>) attributes {dimension_semantics = [#tpu.dimension_semantics<core_parallel>, #tpu.dimension_semantics<subcore_parallel>], iteration_bounds = array<i64: 2, 16>, scalar_prefetch = 0 : i64, scratch_operands = 6 : i64, tpu.core_type = #tpu.core_type<sc_vector_subcore>, window_params = [{transform_indices = #map}, {transform_indices = #map1}, {transform_indices = #map}, {transform_indices = #map1}]} {
    %mul3A = arith.constant 2 : i32
    %mul3A_0 = arith.muli %arg1, %mul3A : i32
    %add3A = arith.addi %mul3A_0, %arg0 : i32
    %mul3A_1 = arith.constant 10240 : i32
    %mul3A_2 = arith.muli %add3A, %mul3A_1 : i32
    %mul3A_3 = arith.constant 640 : i32
    %mul3A_4 = arith.muli %arg1, %mul3A_3 : i32
    %add3A_5 = arith.constant 0 : i32
    %add3A_6 = arith.addi %mul3A_4, %add3A_5 : i32
    "tpu.region"() ({
      %run_scoped3A = tpu.sem_alloc : memref<!tpu.dma_semaphore, #tpu.memory_space<semaphore_mem>>
      %dma_start3A_44 = arith.constant 0 : i32
      %dma_start3A_45 = tpu.memref_slice %arg9[%add3A_6, %dma_start3A_44] : memref<10240x128xf32, #tpu.memory_space<vmem_shared>> -> memref<128x128xf32, #tpu.memory_space<vmem_shared>>
      tpu.enqueue_dma source(%arg4 : memref<128x128xf32, #tpu.memory_space<hbm>>) target(%dma_start3A_45 : memref<128x128xf32, #tpu.memory_space<vmem_shared>>) target_semaphore(%run_scoped3A : memref<!tpu.dma_semaphore, #tpu.memory_space<semaphore_mem>>)
      %dma_wait3A = arith.constant 0 : i32
      %dma_wait3A_46 = tpu.memref_slice %arg9[%add3A_6, %dma_wait3A] : memref<10240x128xf32, #tpu.memory_space<vmem_shared>> -> memref<128x128xf32, #tpu.memory_space<vmem_shared>>
      tpu.wait_dma2 semaphore(%run_scoped3A : memref<!tpu.dma_semaphore, #tpu.memory_space<semaphore_mem>>) src(%arg4 : memref<128x128xf32, #tpu.memory_space<hbm>>) dst(%dma_wait3A_46 : memref<128x128xf32, #tpu.memory_space<vmem_shared>>)
      tpu.yield
    }) : () -> ()
    %mul3A_7 = arith.constant 640 : i32
    %mul3A_8 = arith.muli %arg1, %mul3A_7 : i32
    %add3A_9 = arith.constant 128 : i32
    %add3A_10 = arith.addi %mul3A_8, %add3A_9 : i32
    "tpu.region"() ({
      %run_scoped3A = tpu.sem_alloc : memref<!tpu.dma_semaphore, #tpu.memory_space<semaphore_mem>>
      %dma_start3A_44 = arith.constant 0 : i32
      %dma_start3A_45 = tpu.memref_slice %arg9[%add3A_10, %dma_start3A_44] : memref<10240x128xf32, #tpu.memory_space<vmem_shared>> -> memref<128x128xf32, #tpu.memory_space<vmem_shared>>
      tpu.enqueue_dma source(%arg4 : memref<128x128xf32, #tpu.memory_space<hbm>>) target(%dma_start3A_45 : memref<128x128xf32, #tpu.memory_space<vmem_shared>>) target_semaphore(%run_scoped3A : memref<!tpu.dma_semaphore, #tpu.memory_space<semaphore_mem>>)
      %dma_wait3A = arith.constant 0 : i32
      %dma_wait3A_46 = tpu.memref_slice %arg9[%add3A_10, %dma_wait3A] : memref<10240x128xf32, #tpu.memory_space<vmem_shared>> -> memref<128x128xf32, #tpu.memory_space<vmem_shared>>
      tpu.wait_dma2 semaphore(%run_scoped3A : memref<!tpu.dma_semaphore, #tpu.memory_space<semaphore_mem>>) src(%arg4 : memref<128x128xf32, #tpu.memory_space<hbm>>) dst(%dma_wait3A_46 : memref<128x128xf32, #tpu.memory_space<vmem_shared>>)
      tpu.yield
    }) : () -> ()
    %mul3A_11 = arith.constant 640 : i32
    %mul3A_12 = arith.muli %arg1, %mul3A_11 : i32
    %add3A_13 = arith.constant 256 : i32
    %add3A_14 = arith.addi %mul3A_12, %add3A_13 : i32
    "tpu.region"() ({
      %run_scoped3A = tpu.sem_alloc : memref<!tpu.dma_semaphore, #tpu.memory_space<semaphore_mem>>
      %dma_start3A_44 = arith.constant 0 : i32
      %dma_start3A_45 = tpu.memref_slice %arg9[%add3A_14, %dma_start3A_44] : memref<10240x128xf32, #tpu.memory_space<vmem_shared>> -> memref<128x128xf32, #tpu.memory_space<vmem_shared>>
      tpu.enqueue_dma source(%arg4 : memref<128x128xf32, #tpu.memory_space<hbm>>) target(%dma_start3A_45 : memref<128x128xf32, #tpu.memory_space<vmem_shared>>) target_semaphore(%run_scoped3A : memref<!tpu.dma_semaphore, #tpu.memory_space<semaphore_mem>>)
      %dma_wait3A = arith.constant 0 : i32
      %dma_wait3A_46 = tpu.memref_slice %arg9[%add3A_14, %dma_wait3A] : memref<10240x128xf32, #tpu.memory_space<vmem_shared>> -> memref<128x128xf32, #tpu.memory_space<vmem_shared>>
      tpu.wait_dma2 semaphore(%run_scoped3A : memref<!tpu.dma_semaphore, #tpu.memory_space<semaphore_mem>>) src(%arg4 : memref<128x128xf32, #tpu.memory_space<hbm>>) dst(%dma_wait3A_46 : memref<128x128xf32, #tpu.memory_space<vmem_shared>>)
      tpu.yield
    }) : () -> ()
    %mul3A_15 = arith.constant 640 : i32
    %mul3A_16 = arith.muli %arg1, %mul3A_15 : i32
    %add3A_17 = arith.constant 384 : i32
    %add3A_18 = arith.addi %mul3A_16, %add3A_17 : i32
    "tpu.region"() ({
      %run_scoped3A = tpu.sem_alloc : memref<!tpu.dma_semaphore, #tpu.memory_space<semaphore_mem>>
      %dma_start3A_44 = arith.constant 0 : i32
      %dma_start3A_45 = tpu.memref_slice %arg9[%add3A_18, %dma_start3A_44] : memref<10240x128xf32, #tpu.memory_space<vmem_shared>> -> memref<128x128xf32, #tpu.memory_space<vmem_shared>>
      tpu.enqueue_dma source(%arg4 : memref<128x128xf32, #tpu.memory_space<hbm>>) target(%dma_start3A_45 : memref<128x128xf32, #tpu.memory_space<vmem_shared>>) target_semaphore(%run_scoped3A : memref<!tpu.dma_semaphore, #tpu.memory_space<semaphore_mem>>)
      %dma_wait3A = arith.constant 0 : i32
      %dma_wait3A_46 = tpu.memref_slice %arg9[%add3A_18, %dma_wait3A] : memref<10240x128xf32, #tpu.memory_space<vmem_shared>> -> memref<128x128xf32, #tpu.memory_space<vmem_shared>>
      tpu.wait_dma2 semaphore(%run_scoped3A : memref<!tpu.dma_semaphore, #tpu.memory_space<semaphore_mem>>) src(%arg4 : memref<128x128xf32, #tpu.memory_space<hbm>>) dst(%dma_wait3A_46 : memref<128x128xf32, #tpu.memory_space<vmem_shared>>)
      tpu.yield
    }) : () -> ()
    %mul3A_19 = arith.constant 640 : i32
    %mul3A_20 = arith.muli %arg1, %mul3A_19 : i32
    %add3A_21 = arith.constant 512 : i32
    %add3A_22 = arith.addi %mul3A_20, %add3A_21 : i32
    "tpu.region"() ({
      %run_scoped3A = tpu.sem_alloc : memref<!tpu.dma_semaphore, #tpu.memory_space<semaphore_mem>>
      %dma_start3A_44 = arith.constant 0 : i32
      %dma_start3A_45 = tpu.memref_slice %arg9[%add3A_22, %dma_start3A_44] : memref<10240x128xf32, #tpu.memory_space<vmem_shared>> -> memref<128x128xf32, #tpu.memory_space<vmem_shared>>
      tpu.enqueue_dma source(%arg4 : memref<128x128xf32, #tpu.memory_space<hbm>>) target(%dma_start3A_45 : memref<128x128xf32, #tpu.memory_space<vmem_shared>>) target_semaphore(%run_scoped3A : memref<!tpu.dma_semaphore, #tpu.memory_space<semaphore_mem>>)
      %dma_wait3A = arith.constant 0 : i32
      %dma_wait3A_46 = tpu.memref_slice %arg9[%add3A_22, %dma_wait3A] : memref<10240x128xf32, #tpu.memory_space<vmem_shared>> -> memref<128x128xf32, #tpu.memory_space<vmem_shared>>
      tpu.wait_dma2 semaphore(%run_scoped3A : memref<!tpu.dma_semaphore, #tpu.memory_space<semaphore_mem>>) src(%arg4 : memref<128x128xf32, #tpu.memory_space<hbm>>) dst(%dma_wait3A_46 : memref<128x128xf32, #tpu.memory_space<vmem_shared>>)
      tpu.yield
    }) : () -> ()
    "tpu.region"() ({
      %run_scoped3A = tpu.sem_alloc : memref<!tpu.dma_semaphore, #tpu.memory_space<semaphore_mem>>
      %dma_start3A_44 = arith.constant 0 : i32
      %dma_start3A_45 = arith.constant 0 : i32
      %dma_start3A_46 = tpu.memref_slice %arg3[%add3A, %dma_start3A_44, %dma_start3A_45] : memref<32x80x128xi32, #tpu.memory_space<hbm>> -> memref<1x80x128xi32, #tpu.memory_space<hbm>>
      %dma_start3A_47 = tpu.memref_squeeze %dma_start3A_46 : memref<1x80x128xi32, #tpu.memory_space<hbm>> -> memref<80x128xi32, #tpu.memory_space<hbm>>
      %dma_start3A_48 = arith.constant 0 : i32
      %dma_start3A_49 = arith.constant 0 : i32
      %dma_start3A_50 = tpu.memref_slice %arg3[%add3A, %dma_start3A_48, %dma_start3A_49] : memref<32x80x128xi32, #tpu.memory_space<hbm>> -> memref<1x80x128xi32, #tpu.memory_space<hbm>>
      %dma_start3A_51 = tpu.memref_squeeze %dma_start3A_50 : memref<1x80x128xi32, #tpu.memory_space<hbm>> -> memref<80x128xi32, #tpu.memory_space<hbm>>
      tpu.enqueue_dma source(%dma_start3A_51 : memref<80x128xi32, #tpu.memory_space<hbm>>) target(%arg6 : memref<80x128xi32, #tpu.memory_space<vmem>>) target_semaphore(%run_scoped3A : memref<!tpu.dma_semaphore, #tpu.memory_space<semaphore_mem>>)
      %dma_wait3A = arith.constant 0 : i32
      %dma_wait3A_52 = arith.constant 0 : i32
      %dma_wait3A_53 = tpu.memref_slice %arg3[%add3A, %dma_wait3A, %dma_wait3A_52] : memref<32x80x128xi32, #tpu.memory_space<hbm>> -> memref<1x80x128xi32, #tpu.memory_space<hbm>>
      %dma_wait3A_54 = tpu.memref_squeeze %dma_wait3A_53 : memref<1x80x128xi32, #tpu.memory_space<hbm>> -> memref<80x128xi32, #tpu.memory_space<hbm>>
      %dma_wait3A_55 = arith.constant 0 : i32
      %dma_wait3A_56 = arith.constant 0 : i32
      %dma_wait3A_57 = tpu.memref_slice %arg3[%add3A, %dma_wait3A_55, %dma_wait3A_56] : memref<32x80x128xi32, #tpu.memory_space<hbm>> -> memref<1x80x128xi32, #tpu.memory_space<hbm>>
      %dma_wait3A_58 = tpu.memref_squeeze %dma_wait3A_57 : memref<1x80x128xi32, #tpu.memory_space<hbm>> -> memref<80x128xi32, #tpu.memory_space<hbm>>
      tpu.wait_dma2 semaphore(%run_scoped3A : memref<!tpu.dma_semaphore, #tpu.memory_space<semaphore_mem>>) src(%dma_wait3A_58 : memref<80x128xi32, #tpu.memory_space<hbm>>) dst(%arg6 : memref<80x128xi32, #tpu.memory_space<vmem>>)
      tpu.yield
    }) : () -> ()
    %barrier3A = arith.constant 0 : index
    tpu.barrier barrier_id(%barrier3A)
    %add3A_23 = arith.constant 0 : i32
    %add3A_24 = arith.addi %mul3A_2, %add3A_23 : i32
    %dma_start3A = arith.constant 0 : i32
    %dma_start3A_25 = tpu.memref_slice %arg2[%add3A_24, %dma_start3A] : memref<327680x128xf32, #tpu.memory_space<hbm>> -> memref<128x128xf32, #tpu.memory_space<hbm>>
    %dma_start3A_26 = arith.constant 0 : i32
    %dma_start3A_27 = tpu.memref_slice %arg2[%add3A_24, %dma_start3A_26] : memref<327680x128xf32, #tpu.memory_space<hbm>> -> memref<128x128xf32, #tpu.memory_space<hbm>>
    tpu.enqueue_dma source(%dma_start3A_27 : memref<128x128xf32, #tpu.memory_space<hbm>>) target(%arg7 : memref<128x128xf32, #tpu.memory_space<vmem>>) target_semaphore(%arg10 : memref<!tpu.dma_semaphore, #tpu.memory_space<semaphore_mem>>)
    %add3A_28 = arith.constant 128 : i32
    %add3A_29 = arith.addi %mul3A_2, %add3A_28 : i32
    %dma_start3A_30 = arith.constant 0 : i32
    %dma_start3A_31 = tpu.memref_slice %arg2[%add3A_29, %dma_start3A_30] : memref<327680x128xf32, #tpu.memory_space<hbm>> -> memref<128x128xf32, #tpu.memory_space<hbm>>
    %dma_start3A_32 = arith.constant 0 : i32
    %dma_start3A_33 = tpu.memref_slice %arg2[%add3A_29, %dma_start3A_32] : memref<327680x128xf32, #tpu.memory_space<hbm>> -> memref<128x128xf32, #tpu.memory_space<hbm>>
    tpu.enqueue_dma source(%dma_start3A_33 : memref<128x128xf32, #tpu.memory_space<hbm>>) target(%arg8 : memref<128x128xf32, #tpu.memory_space<vmem>>) target_semaphore(%arg11 : memref<!tpu.dma_semaphore, #tpu.memory_space<semaphore_mem>>)
    %scan3A = arith.constant 0 : i32
    %scan3A_34 = arith.constant 0 : i32
    %scan3A_35 = arith.constant 40 : i32
    %scan3A_36 = arith.addi %scan3A_34, %scan3A_35 : i32
    %scan3A_37 = arith.constant 1 : i32
    scf.for %scan3A_44 = %scan3A_34 to %scan3A_36 step %scan3A_37  : i32 {
      %mul3A_45 = arith.constant 2 : i32
      %mul3A_46 = arith.muli %scan3A_44, %mul3A_45 : i32
      %add3A_47 = arith.constant 0 : i32
      %add3A_48 = arith.addi %mul3A_46, %add3A_47 : i32
      %mul3A_49 = arith.constant 128 : i32
      %mul3A_50 = arith.muli %add3A_48, %mul3A_49 : i32
      %add3A_51 = arith.addi %mul3A_2, %mul3A_50 : i32
      %dma_wait3A = arith.constant 0 : i32
      %dma_wait3A_52 = tpu.memref_slice %arg2[%add3A_51, %dma_wait3A] : memref<327680x128xf32, #tpu.memory_space<hbm>> -> memref<128x128xf32, #tpu.memory_space<hbm>>
      %dma_wait3A_53 = arith.constant 0 : i32
      %dma_wait3A_54 = tpu.memref_slice %arg2[%add3A_51, %dma_wait3A_53] : memref<327680x128xf32, #tpu.memory_space<hbm>> -> memref<128x128xf32, #tpu.memory_space<hbm>>
      tpu.wait_dma2 semaphore(%arg10 : memref<!tpu.dma_semaphore, #tpu.memory_space<semaphore_mem>>) src(%dma_wait3A_54 : memref<128x128xf32, #tpu.memory_space<hbm>>) dst(%arg7 : memref<128x128xf32, #tpu.memory_space<vmem>>)
      "tpu.region"() ({
        %run_scoped3A = tpu.sem_alloc : memref<!tpu.dma_semaphore, #tpu.memory_space<semaphore_mem>>
        %dma_start3A_77 = arith.constant 0 : i32
        %dma_start3A_78 = tpu.memref_slice %arg6[%add3A_48, %dma_start3A_77] : memref<80x128xi32, #tpu.memory_space<vmem>> -> memref<1x128xi32, #tpu.memory_space<vmem>>
        %dma_start3A_79 = tpu.memref_squeeze %dma_start3A_78 : memref<1x128xi32, #tpu.memory_space<vmem>> -> memref<128xi32, #tpu.memory_space<vmem>>
        %dma_start3A_80 = arith.constant 0 : i32
        %dma_start3A_81 = arith.constant 0 : i32
        %dma_start3A_82 = tpu.memref_slice %arg9[%dma_start3A_80, %dma_start3A_81] : memref<10240x128xf32, #tpu.memory_space<vmem_shared>> -> memref<10240x128xf32, #tpu.memory_space<vmem_shared>>
        tpu.enqueue_indirect_dma source(%arg7 : memref<128x128xf32, #tpu.memory_space<vmem>>) target(%dma_start3A_82 : memref<10240x128xf32, #tpu.memory_space<vmem_shared>>) offsets(%dma_start3A_79 : memref<128xi32, #tpu.memory_space<vmem>>) semaphore(%run_scoped3A : memref<!tpu.dma_semaphore, #tpu.memory_space<semaphore_mem>>) {add = true}
        %dma_wait3A_83 = arith.constant 0 : i32
        %dma_wait3A_84 = tpu.memref_slice %arg6[%add3A_48, %dma_wait3A_83] : memref<80x128xi32, #tpu.memory_space<vmem>> -> memref<1x128xi32, #tpu.memory_space<vmem>>
        %dma_wait3A_85 = tpu.memref_squeeze %dma_wait3A_84 : memref<1x128xi32, #tpu.memory_space<vmem>> -> memref<128xi32, #tpu.memory_space<vmem>>
        %dma_wait3A_86 = arith.constant 0 : i32
        %dma_wait3A_87 = arith.constant 0 : i32
        %dma_wait3A_88 = tpu.memref_slice %arg9[%dma_wait3A_86, %dma_wait3A_87] : memref<10240x128xf32, #tpu.memory_space<vmem_shared>> -> memref<10240x128xf32, #tpu.memory_space<vmem_shared>>
        tpu.wait_indirect_dma semaphore(%run_scoped3A : memref<!tpu.dma_semaphore, #tpu.memory_space<semaphore_mem>>) src(%arg7 : memref<128x128xf32, #tpu.memory_space<vmem>>) dst(%dma_wait3A_88 : memref<10240x128xf32, #tpu.memory_space<vmem_shared>>)
        tpu.yield
      }) : () -> ()
      %add3A_55 = arith.constant 2 : i32
      %add3A_56 = arith.addi %add3A_48, %add3A_55 : i32
      %lt3A = arith.constant 80 : i32
      %lt3A_57 = arith.cmpi slt, %add3A_56, %lt3A : i32
      %convert_element_type3A = arith.extui %lt3A_57 : i1 to i32
      %cond3A = arith.constant 0 : i32
      %cond3A_58 = arith.cmpi ne, %convert_element_type3A, %cond3A : i32
      scf.if %cond3A_58 {
        %add3A_77 = arith.constant 2 : i32
        %add3A_78 = arith.addi %add3A_48, %add3A_77 : i32
        %mul3A_79 = arith.constant 128 : i32
        %mul3A_80 = arith.muli %add3A_78, %mul3A_79 : i32
        %add3A_81 = arith.addi %mul3A_2, %mul3A_80 : i32
        %dma_start3A_82 = arith.constant 0 : i32
        %dma_start3A_83 = tpu.memref_slice %arg2[%add3A_81, %dma_start3A_82] : memref<327680x128xf32, #tpu.memory_space<hbm>> -> memref<128x128xf32, #tpu.memory_space<hbm>>
        %dma_start3A_84 = arith.constant 0 : i32
        %dma_start3A_85 = tpu.memref_slice %arg2[%add3A_81, %dma_start3A_84] : memref<327680x128xf32, #tpu.memory_space<hbm>> -> memref<128x128xf32, #tpu.memory_space<hbm>>
        tpu.enqueue_dma source(%dma_start3A_85 : memref<128x128xf32, #tpu.memory_space<hbm>>) target(%arg7 : memref<128x128xf32, #tpu.memory_space<vmem>>) target_semaphore(%arg10 : memref<!tpu.dma_semaphore, #tpu.memory_space<semaphore_mem>>)
      } else {
      }
      %mul3A_59 = arith.constant 2 : i32
      %mul3A_60 = arith.muli %scan3A_44, %mul3A_59 : i32
      %add3A_61 = arith.constant 1 : i32
      %add3A_62 = arith.addi %mul3A_60, %add3A_61 : i32
      %mul3A_63 = arith.constant 128 : i32
      %mul3A_64 = arith.muli %add3A_62, %mul3A_63 : i32
      %add3A_65 = arith.addi %mul3A_2, %mul3A_64 : i32
      %dma_wait3A_66 = arith.constant 0 : i32
      %dma_wait3A_67 = tpu.memref_slice %arg2[%add3A_65, %dma_wait3A_66] : memref<327680x128xf32, #tpu.memory_space<hbm>> -> memref<128x128xf32, #tpu.memory_space<hbm>>
      %dma_wait3A_68 = arith.constant 0 : i32
      %dma_wait3A_69 = tpu.memref_slice %arg2[%add3A_65, %dma_wait3A_68] : memref<327680x128xf32, #tpu.memory_space<hbm>> -> memref<128x128xf32, #tpu.memory_space<hbm>>
      tpu.wait_dma2 semaphore(%arg11 : memref<!tpu.dma_semaphore, #tpu.memory_space<semaphore_mem>>) src(%dma_wait3A_69 : memref<128x128xf32, #tpu.memory_space<hbm>>) dst(%arg8 : memref<128x128xf32, #tpu.memory_space<vmem>>)
      "tpu.region"() ({
        %run_scoped3A = tpu.sem_alloc : memref<!tpu.dma_semaphore, #tpu.memory_space<semaphore_mem>>
        %dma_start3A_77 = arith.constant 0 : i32
        %dma_start3A_78 = tpu.memref_slice %arg6[%add3A_62, %dma_start3A_77] : memref<80x128xi32, #tpu.memory_space<vmem>> -> memref<1x128xi32, #tpu.memory_space<vmem>>
        %dma_start3A_79 = tpu.memref_squeeze %dma_start3A_78 : memref<1x128xi32, #tpu.memory_space<vmem>> -> memref<128xi32, #tpu.memory_space<vmem>>
        %dma_start3A_80 = arith.constant 0 : i32
        %dma_start3A_81 = arith.constant 0 : i32
        %dma_start3A_82 = tpu.memref_slice %arg9[%dma_start3A_80, %dma_start3A_81] : memref<10240x128xf32, #tpu.memory_space<vmem_shared>> -> memref<10240x128xf32, #tpu.memory_space<vmem_shared>>
        tpu.enqueue_indirect_dma source(%arg8 : memref<128x128xf32, #tpu.memory_space<vmem>>) target(%dma_start3A_82 : memref<10240x128xf32, #tpu.memory_space<vmem_shared>>) offsets(%dma_start3A_79 : memref<128xi32, #tpu.memory_space<vmem>>) semaphore(%run_scoped3A : memref<!tpu.dma_semaphore, #tpu.memory_space<semaphore_mem>>) {add = true}
        %dma_wait3A_83 = arith.constant 0 : i32
        %dma_wait3A_84 = tpu.memref_slice %arg6[%add3A_62, %dma_wait3A_83] : memref<80x128xi32, #tpu.memory_space<vmem>> -> memref<1x128xi32, #tpu.memory_space<vmem>>
        %dma_wait3A_85 = tpu.memref_squeeze %dma_wait3A_84 : memref<1x128xi32, #tpu.memory_space<vmem>> -> memref<128xi32, #tpu.memory_space<vmem>>
        %dma_wait3A_86 = arith.constant 0 : i32
        %dma_wait3A_87 = arith.constant 0 : i32
        %dma_wait3A_88 = tpu.memref_slice %arg9[%dma_wait3A_86, %dma_wait3A_87] : memref<10240x128xf32, #tpu.memory_space<vmem_shared>> -> memref<10240x128xf32, #tpu.memory_space<vmem_shared>>
        tpu.wait_indirect_dma semaphore(%run_scoped3A : memref<!tpu.dma_semaphore, #tpu.memory_space<semaphore_mem>>) src(%arg8 : memref<128x128xf32, #tpu.memory_space<vmem>>) dst(%dma_wait3A_88 : memref<10240x128xf32, #tpu.memory_space<vmem_shared>>)
        tpu.yield
      }) : () -> ()
      %add3A_70 = arith.constant 2 : i32
      %add3A_71 = arith.addi %add3A_62, %add3A_70 : i32
      %lt3A_72 = arith.constant 80 : i32
      %lt3A_73 = arith.cmpi slt, %add3A_71, %lt3A_72 : i32
      %convert_element_type3A_74 = arith.extui %lt3A_73 : i1 to i32
      %cond3A_75 = arith.constant 0 : i32
      %cond3A_76 = arith.cmpi ne, %convert_element_type3A_74, %cond3A_75 : i32
      scf.if %cond3A_76 {
        %add3A_77 = arith.constant 2 : i32
        %add3A_78 = arith.addi %add3A_62, %add3A_77 : i32
        %mul3A_79 = arith.constant 128 : i32
        %mul3A_80 = arith.muli %add3A_78, %mul3A_79 : i32
        %add3A_81 = arith.addi %mul3A_2, %mul3A_80 : i32
        %dma_start3A_82 = arith.constant 0 : i32
        %dma_start3A_83 = tpu.memref_slice %arg2[%add3A_81, %dma_start3A_82] : memref<327680x128xf32, #tpu.memory_space<hbm>> -> memref<128x128xf32, #tpu.memory_space<hbm>>
        %dma_start3A_84 = arith.constant 0 : i32
        %dma_start3A_85 = tpu.memref_slice %arg2[%add3A_81, %dma_start3A_84] : memref<327680x128xf32, #tpu.memory_space<hbm>> -> memref<128x128xf32, #tpu.memory_space<hbm>>
        tpu.enqueue_dma source(%dma_start3A_85 : memref<128x128xf32, #tpu.memory_space<hbm>>) target(%arg8 : memref<128x128xf32, #tpu.memory_space<vmem>>) target_semaphore(%arg11 : memref<!tpu.dma_semaphore, #tpu.memory_space<semaphore_mem>>)
      } else {
      }
    }
    %scan3A_38 = arith.constant 40 : i32
    %barrier3A_39 = arith.constant 0 : index
    tpu.barrier barrier_id(%barrier3A_39)
    %mul3A_40 = arith.constant 640 : i32
    %mul3A_41 = arith.muli %arg1, %mul3A_40 : i32
    %mul3A_42 = arith.constant 640 : i32
    %mul3A_43 = arith.muli %arg1, %mul3A_42 : i32
    "tpu.region"() ({
      %run_scoped3A = tpu.sem_alloc : memref<!tpu.dma_semaphore, #tpu.memory_space<semaphore_mem>>
      %dma_start3A_44 = arith.constant 0 : i32
      %dma_start3A_45 = tpu.memref_slice %arg5[%arg0, %mul3A_43, %dma_start3A_44] : memref<2x10240x128xf32, #tpu.memory_space<hbm>> -> memref<1x640x128xf32, #tpu.memory_space<hbm>>
      %dma_start3A_46 = tpu.memref_squeeze %dma_start3A_45 : memref<1x640x128xf32, #tpu.memory_space<hbm>> -> memref<640x128xf32, #tpu.memory_space<hbm>>
      %dma_start3A_47 = arith.constant 0 : i32
      %dma_start3A_48 = tpu.memref_slice %arg9[%mul3A_41, %dma_start3A_47] : memref<10240x128xf32, #tpu.memory_space<vmem_shared>> -> memref<640x128xf32, #tpu.memory_space<vmem_shared>>
      tpu.enqueue_dma source(%dma_start3A_48 : memref<640x128xf32, #tpu.memory_space<vmem_shared>>) target(%dma_start3A_46 : memref<640x128xf32, #tpu.memory_space<hbm>>) target_semaphore(%run_scoped3A : memref<!tpu.dma_semaphore, #tpu.memory_space<semaphore_mem>>)
      %dma_wait3A = arith.constant 0 : i32
      %dma_wait3A_49 = tpu.memref_slice %arg5[%arg0, %mul3A_43, %dma_wait3A] : memref<2x10240x128xf32, #tpu.memory_space<hbm>> -> memref<1x640x128xf32, #tpu.memory_space<hbm>>
      %dma_wait3A_50 = tpu.memref_squeeze %dma_wait3A_49 : memref<1x640x128xf32, #tpu.memory_space<hbm>> -> memref<640x128xf32, #tpu.memory_space<hbm>>
      %dma_wait3A_51 = arith.constant 0 : i32
      %dma_wait3A_52 = tpu.memref_slice %arg9[%mul3A_41, %dma_wait3A_51] : memref<10240x128xf32, #tpu.memory_space<vmem_shared>> -> memref<640x128xf32, #tpu.memory_space<vmem_shared>>
      tpu.wait_dma2 semaphore(%run_scoped3A : memref<!tpu.dma_semaphore, #tpu.memory_space<semaphore_mem>>) src(%dma_wait3A_52 : memref<640x128xf32, #tpu.memory_space<vmem_shared>>) dst(%dma_wait3A_50 : memref<640x128xf32, #tpu.memory_space<hbm>>)
      tpu.yield
    }) : () -> ()
    return
  }
}

module attributes {stable_mosaic.version = 14 : i64} {
  func.func @body(%arg0: i32, %arg1: memref<512x128xf32, #tpu.memory_space<vmem>>, %arg2: memref<128x128xf32, #tpu.memory_space<vmem>>, %arg3: memref<1x128xf32, #tpu.memory_space<vmem>>, %arg4: memref<512x128xf32, #tpu.memory_space<vmem>>) attributes {dimension_semantics = [#tpu.dimension_semantics<arbitrary>], iteration_bounds = array<i64: 20>, scalar_prefetch = 0 : i64, scratch_operands = 0 : i64, tpu.core_type = #tpu.core_type<tc>, window_params = [{transform_indices = @transform_0, window_bounds = array<i64: 512, 128>}, {pipeline_mode = #tpu.pipeline_mode<synchronous>, transform_indices = @transform_1, window_bounds = array<i64: 128, 128>}, {pipeline_mode = #tpu.pipeline_mode<synchronous>, transform_indices = @transform_2, window_bounds = array<i64: 1, 128>}, {transform_indices = @transform_3, window_bounds = array<i64: 512, 128>}]} {
    %get3A = arith.constant 0 : index
    %get3A_0 = arith.constant 0 : index
    %get3A_1 = vector.load %arg1[%get3A, %get3A_0] : memref<512x128xf32, #tpu.memory_space<vmem>>, vector<512x128xf32>
    %get3A_2 = arith.constant 0 : index
    %get3A_3 = arith.constant 0 : index
    %get3A_4 = vector.load %arg2[%get3A_2, %get3A_3] : memref<128x128xf32, #tpu.memory_space<vmem>>, vector<128x128xf32>
    %dot_general3A = arith.constant dense<0.000000e+00> : vector<512x128xf32>
    %dot_general3A_5 = tpu.matmul %get3A_1, %get3A_4, %dot_general3A {dimension_numbers = #tpu.dot_dimension_numbers<[1], [0], [0], [1], [0, 0, 1, 1], [], []>, transpose_lhs_hint = false} : vector<512x128xf32>, vector<128x128xf32>, vector<512x128xf32> -> vector<512x128xf32>
    %get3A_6 = arith.constant 0 : index
    %get3A_7 = arith.constant 0 : index
    %get3A_8 = vector.load %arg3[%get3A_6, %get3A_7] : memref<1x128xf32, #tpu.memory_space<vmem>>, vector<1x128xf32>
    %add3A = vector.broadcast %get3A_8 : vector<1x128xf32> to vector<512x128xf32>
    %add3A_9 = arith.addf %dot_general3A_5, %add3A : vector<512x128xf32>
    %swap3A = arith.constant 0 : index
    %swap3A_10 = arith.constant 0 : index
    %swap3A_11 = vector.load %arg4[%swap3A, %swap3A_10] : memref<512x128xf32, #tpu.memory_space<vmem>>, vector<512x128xf32>
    tpu.vector_store %arg4[%swap3A, %swap3A_10], %add3A_9 {strides = array<i32>} : memref<512x128xf32, #tpu.memory_space<vmem>>, vector<512x128xf32>,
    return
  }
  func.func @transform_0(%arg0: i32) -> (i32, i32) {
    %c0_i32 = arith.constant 0 : i32
    %c0_i32_0 = arith.constant 0 : i32
    return %arg0, %c0_i32 : i32, i32
  }
  func.func @transform_1(%arg0: i32) -> (i32, i32) {
    %c0_i32 = arith.constant 0 : i32
    %c0_i32_0 = arith.constant 0 : i32
    %c0_i32_1 = arith.constant 0 : i32
    return %c0_i32, %c0_i32_0 : i32, i32
  }
  func.func @transform_2(%arg0: i32) -> (i32, i32) {
    %c0_i32 = arith.constant 0 : i32
    %c0_i32_0 = arith.constant 0 : i32
    %c0_i32_1 = arith.constant 0 : i32
    return %c0_i32, %c0_i32_0 : i32, i32
  }
  func.func @transform_3(%arg0: i32) -> (i32, i32) {
    %c0_i32 = arith.constant 0 : i32
    %c0_i32_0 = arith.constant 0 : i32
    return %arg0, %c0_i32 : i32, i32
  }
}

module attributes {stable_mosaic.version = 14 : i64} {
  func.func @body(%arg0: i32, %arg1: memref<1024x128xf32, #tpu.memory_space<vmem>>, %arg2: memref<1024x16xf32, #tpu.memory_space<vmem>>, %arg3: memref<128x128xf32, #tpu.memory_space<vmem>>, %arg4: memref<16x128xf32, #tpu.memory_space<vmem>>, %arg5: memref<1x128xf32, #tpu.memory_space<vmem>>, %arg6: memref<128x128xf32, #tpu.memory_space<vmem>>, %arg7: memref<1x128xf32, #tpu.memory_space<vmem>>, %arg8: memref<1024x128xf32, #tpu.memory_space<vmem>>) attributes {dimension_semantics = [#tpu.dimension_semantics<arbitrary>], iteration_bounds = array<i64: 320>, scalar_prefetch = 0 : i64, scratch_operands = 0 : i64, tpu.core_type = #tpu.core_type<tc>, window_params = [{transform_indices = @transform_0, window_bounds = array<i64: 1024, 128>}, {transform_indices = @transform_1, window_bounds = array<i64: 1024, 16>}, {pipeline_mode = #tpu.pipeline_mode<synchronous>, transform_indices = @transform_2, window_bounds = array<i64: 128, 128>}, {pipeline_mode = #tpu.pipeline_mode<synchronous>, transform_indices = @transform_3, window_bounds = array<i64: 16, 128>}, {pipeline_mode = #tpu.pipeline_mode<synchronous>, transform_indices = @transform_4, window_bounds = array<i64: 1, 128>}, {pipeline_mode = #tpu.pipeline_mode<synchronous>, transform_indices = @transform_5, window_bounds = array<i64: 128, 128>}, {pipeline_mode = #tpu.pipeline_mode<synchronous>, transform_indices = @transform_6, window_bounds = array<i64: 1, 128>}, {transform_indices = @transform_7, window_bounds = array<i64: 1024, 128>}]} {
    %get3A = arith.constant 0 : index
    %get3A_0 = arith.constant 0 : index
    %get3A_1 = vector.load %arg1[%get3A, %get3A_0] : memref<1024x128xf32, #tpu.memory_space<vmem>>, vector<1024x128xf32>
    %get3A_2 = arith.constant 0 : index
    %get3A_3 = arith.constant 0 : index
    %get3A_4 = vector.load %arg3[%get3A_2, %get3A_3] : memref<128x128xf32, #tpu.memory_space<vmem>>, vector<128x128xf32>
    %dot_general3A = arith.constant dense<0.000000e+00> : vector<1024x128xf32>
    %dot_general3A_5 = tpu.matmul %get3A_1, %get3A_4, %dot_general3A {dimension_numbers = #tpu.dot_dimension_numbers<[1], [0], [0], [1], [0, 0, 1, 1], [], []>, transpose_lhs_hint = false} : vector<1024x128xf32>, vector<128x128xf32>, vector<1024x128xf32> -> vector<1024x128xf32>
    %get3A_6 = arith.constant 0 : index
    %get3A_7 = arith.constant 0 : index
    %get3A_8 = vector.load %arg2[%get3A_6, %get3A_7] : memref<1024x16xf32, #tpu.memory_space<vmem>>, vector<1024x16xf32>
    %get3A_9 = arith.constant 0 : index
    %get3A_10 = arith.constant 0 : index
    %get3A_11 = vector.load %arg4[%get3A_9, %get3A_10] : memref<16x128xf32, #tpu.memory_space<vmem>>, vector<16x128xf32>
    %dot_general3A_12 = arith.constant dense<0.000000e+00> : vector<1024x128xf32>
    %dot_general3A_13 = tpu.matmul %get3A_8, %get3A_11, %dot_general3A_12 {dimension_numbers = #tpu.dot_dimension_numbers<[1], [0], [0], [1], [0, 0, 1, 1], [], []>, transpose_lhs_hint = false} : vector<1024x16xf32>, vector<16x128xf32>, vector<1024x128xf32> -> vector<1024x128xf32>
    %add3A = arith.addf %dot_general3A_5, %dot_general3A_13 : vector<1024x128xf32>
    %get3A_14 = arith.constant 0 : index
    %get3A_15 = arith.constant 0 : index
    %get3A_16 = vector.load %arg5[%get3A_14, %get3A_15] : memref<1x128xf32, #tpu.memory_space<vmem>>, vector<1x128xf32>
    %add3A_17 = vector.broadcast %get3A_16 : vector<1x128xf32> to vector<1024x128xf32>
    %add3A_18 = arith.addf %add3A, %add3A_17 : vector<1024x128xf32>
    %max3A = arith.constant 0.000000e+00 : f32
    %max3A_19 = vector.broadcast %max3A : f32 to vector<1024x128xf32>
    %max3A_20 = arith.maximumf %add3A_18, %max3A_19 : vector<1024x128xf32>
    %get3A_21 = arith.constant 0 : index
    %get3A_22 = arith.constant 0 : index
    %get3A_23 = vector.load %arg6[%get3A_21, %get3A_22] : memref<128x128xf32, #tpu.memory_space<vmem>>, vector<128x128xf32>
    %dot_general3A_24 = arith.constant dense<0.000000e+00> : vector<1024x128xf32>
    %dot_general3A_25 = tpu.matmul %max3A_20, %get3A_23, %dot_general3A_24 {dimension_numbers = #tpu.dot_dimension_numbers<[1], [0], [0], [1], [0, 0, 1, 1], [], []>, transpose_lhs_hint = false} : vector<1024x128xf32>, vector<128x128xf32>, vector<1024x128xf32> -> vector<1024x128xf32>
    %get3A_26 = arith.constant 0 : index
    %get3A_27 = arith.constant 0 : index
    %get3A_28 = vector.load %arg7[%get3A_26, %get3A_27] : memref<1x128xf32, #tpu.memory_space<vmem>>, vector<1x128xf32>
    %add3A_29 = vector.broadcast %get3A_28 : vector<1x128xf32> to vector<1024x128xf32>
    %add3A_30 = arith.addf %dot_general3A_25, %add3A_29 : vector<1024x128xf32>
    %swap3A = arith.constant 0 : index
    %swap3A_31 = arith.constant 0 : index
    %swap3A_32 = vector.load %arg8[%swap3A, %swap3A_31] : memref<1024x128xf32, #tpu.memory_space<vmem>>, vector<1024x128xf32>
    tpu.vector_store %arg8[%swap3A, %swap3A_31], %add3A_30 {strides = array<i32>} : memref<1024x128xf32, #tpu.memory_space<vmem>>, vector<1024x128xf32>,
    return
  }
  func.func @transform_0(%arg0: i32) -> (i32, i32) {
    %c0_i32 = arith.constant 0 : i32
    %c0_i32_0 = arith.constant 0 : i32
    return %arg0, %c0_i32 : i32, i32
  }
  func.func @transform_1(%arg0: i32) -> (i32, i32) {
    %c0_i32 = arith.constant 0 : i32
    %c0_i32_0 = arith.constant 0 : i32
    return %arg0, %c0_i32 : i32, i32
  }
  func.func @transform_2(%arg0: i32) -> (i32, i32) {
    %c0_i32 = arith.constant 0 : i32
    %c0_i32_0 = arith.constant 0 : i32
    %c0_i32_1 = arith.constant 0 : i32
    return %c0_i32, %c0_i32_0 : i32, i32
  }
  func.func @transform_3(%arg0: i32) -> (i32, i32) {
    %c0_i32 = arith.constant 0 : i32
    %c0_i32_0 = arith.constant 0 : i32
    %c0_i32_1 = arith.constant 0 : i32
    return %c0_i32, %c0_i32_0 : i32, i32
  }
  func.func @transform_4(%arg0: i32) -> (i32, i32) {
    %c0_i32 = arith.constant 0 : i32
    %c0_i32_0 = arith.constant 0 : i32
    %c0_i32_1 = arith.constant 0 : i32
    return %c0_i32, %c0_i32_0 : i32, i32
  }
  func.func @transform_5(%arg0: i32) -> (i32, i32) {
    %c0_i32 = arith.constant 0 : i32
    %c0_i32_0 = arith.constant 0 : i32
    %c0_i32_1 = arith.constant 0 : i32
    return %c0_i32, %c0_i32_0 : i32, i32
  }
  func.func @transform_6(%arg0: i32) -> (i32, i32) {
    %c0_i32 = arith.constant 0 : i32
    %c0_i32_0 = arith.constant 0 : i32
    %c0_i32_1 = arith.constant 0 : i32
    return %c0_i32, %c0_i32_0 : i32, i32
  }
  func.func @transform_7(%arg0: i32) -> (i32, i32) {
    %c0_i32 = arith.constant 0 : i32
    %c0_i32_0 = arith.constant 0 : i32
    return %arg0, %c0_i32 : i32, i32
  }
}

module attributes {stable_mosaic.version = 14 : i64} {
  func.func @body(%arg0: i32, %arg1: memref<512x128xf32, #tpu.memory_space<vmem>>, %arg2: memref<512x128xf32, #tpu.memory_space<vmem>>, %arg3: memref<512x128xf32, #tpu.memory_space<vmem>>, %arg4: memref<128x128xf32, #tpu.memory_space<vmem>>, %arg5: memref<128x128xf32, #tpu.memory_space<vmem>>, %arg6: memref<1x128xf32, #tpu.memory_space<vmem>>, %arg7: memref<1x128xf32, #tpu.memory_space<vmem>>, %arg8: memref<1x128xf32, #tpu.memory_space<vmem>>, %arg9: memref<512x128xf32, #tpu.memory_space<vmem>>) attributes {dimension_semantics = [#tpu.dimension_semantics<arbitrary>], iteration_bounds = array<i64: 20>, scalar_prefetch = 0 : i64, scratch_operands = 0 : i64, tpu.core_type = #tpu.core_type<tc>, window_params = [{transform_indices = @transform_0, window_bounds = array<i64: 512, 128>}, {transform_indices = @transform_1, window_bounds = array<i64: 512, 128>}, {transform_indices = @transform_2, window_bounds = array<i64: 512, 128>}, {pipeline_mode = #tpu.pipeline_mode<synchronous>, transform_indices = @transform_3, window_bounds = array<i64: 128, 128>}, {pipeline_mode = #tpu.pipeline_mode<synchronous>, transform_indices = @transform_4, window_bounds = array<i64: 128, 128>}, {pipeline_mode = #tpu.pipeline_mode<synchronous>, transform_indices = @transform_5, window_bounds = array<i64: 1, 128>}, {pipeline_mode = #tpu.pipeline_mode<synchronous>, transform_indices = @transform_6, window_bounds = array<i64: 1, 128>}, {pipeline_mode = #tpu.pipeline_mode<synchronous>, transform_indices = @transform_7, window_bounds = array<i64: 1, 128>}, {transform_indices = @transform_8, window_bounds = array<i64: 512, 128>}]} {
    %get3A = arith.constant 0 : index
    %get3A_0 = arith.constant 0 : index
    %get3A_1 = vector.load %arg1[%get3A, %get3A_0] : memref<512x128xf32, #tpu.memory_space<vmem>>, vector<512x128xf32>
    %get3A_2 = arith.constant 0 : index
    %get3A_3 = arith.constant 0 : index
    %get3A_4 = vector.load %arg2[%get3A_2, %get3A_3] : memref<512x128xf32, #tpu.memory_space<vmem>>, vector<512x128xf32>
    %get3A_5 = arith.constant 0 : index
    %get3A_6 = arith.constant 0 : index
    %get3A_7 = vector.load %arg3[%get3A_5, %get3A_6] : memref<512x128xf32, #tpu.memory_space<vmem>>, vector<512x128xf32>
    %add3A = arith.addf %get3A_4, %get3A_7 : vector<512x128xf32>
    %get3A_8 = arith.constant 0 : index
    %get3A_9 = arith.constant 0 : index
    %get3A_10 = vector.load %arg4[%get3A_8, %get3A_9] : memref<128x128xf32, #tpu.memory_space<vmem>>, vector<128x128xf32>
    %dot_general3A = arith.constant dense<0.000000e+00> : vector<512x128xf32>
    %dot_general3A_11 = tpu.matmul %get3A_1, %get3A_10, %dot_general3A {dimension_numbers = #tpu.dot_dimension_numbers<[1], [0], [0], [1], [0, 0, 1, 1], [], []>, transpose_lhs_hint = false} : vector<512x128xf32>, vector<128x128xf32>, vector<512x128xf32> -> vector<512x128xf32>
    %get3A_12 = arith.constant 0 : index
    %get3A_13 = arith.constant 0 : index
    %get3A_14 = vector.load %arg5[%get3A_12, %get3A_13] : memref<128x128xf32, #tpu.memory_space<vmem>>, vector<128x128xf32>
    %dot_general3A_15 = arith.constant dense<0.000000e+00> : vector<512x128xf32>
    %dot_general3A_16 = tpu.matmul %add3A, %get3A_14, %dot_general3A_15 {dimension_numbers = #tpu.dot_dimension_numbers<[1], [0], [0], [1], [0, 0, 1, 1], [], []>, transpose_lhs_hint = false} : vector<512x128xf32>, vector<128x128xf32>, vector<512x128xf32> -> vector<512x128xf32>
    %add3A_17 = arith.addf %dot_general3A_11, %dot_general3A_16 : vector<512x128xf32>
    %get3A_18 = arith.constant 0 : index
    %get3A_19 = arith.constant 0 : index
    %get3A_20 = vector.load %arg6[%get3A_18, %get3A_19] : memref<1x128xf32, #tpu.memory_space<vmem>>, vector<1x128xf32>
    %add3A_21 = vector.broadcast %get3A_20 : vector<1x128xf32> to vector<512x128xf32>
    %add3A_22 = arith.addf %add3A_17, %add3A_21 : vector<512x128xf32>
    %max3A = arith.constant 0.000000e+00 : f32
    %max3A_23 = vector.broadcast %max3A : f32 to vector<512x128xf32>
    %max3A_24 = arith.maximumf %add3A_22, %max3A_23 : vector<512x128xf32>
    %reduce_sum3A = arith.constant dense<0.000000e+00> : vector<512xf32>
    %reduce_sum3A_25 = vector.multi_reduction <add>, %max3A_24, %reduce_sum3A [1] : vector<512x128xf32> to vector<512xf32>
    %broadcast_in_dim3A = vector.shape_cast %reduce_sum3A_25 : vector<512xf32> to vector<512x1xf32>
    %div3A = arith.constant 1.280000e+02 : f32
    %div3A_26 = vector.broadcast %div3A : f32 to vector<512x1xf32>
    %div3A_27 = arith.divf %broadcast_in_dim3A, %div3A_26 : vector<512x1xf32>
    %sub3A = vector.broadcast %div3A_27 : vector<512x1xf32> to vector<512x128xf32>
    %sub3A_28 = arith.subf %max3A_24, %sub3A : vector<512x128xf32>
    %integer_pow3A = arith.mulf %sub3A_28, %sub3A_28 : vector<512x128xf32>
    %reduce_sum3A_29 = arith.constant dense<0.000000e+00> : vector<512xf32>
    %reduce_sum3A_30 = vector.multi_reduction <add>, %integer_pow3A, %reduce_sum3A_29 [1] : vector<512x128xf32> to vector<512xf32>
    %broadcast_in_dim3A_31 = vector.shape_cast %reduce_sum3A_30 : vector<512xf32> to vector<512x1xf32>
    %div3A_32 = arith.constant 1.280000e+02 : f32
    %div3A_33 = vector.broadcast %div3A_32 : f32 to vector<512x1xf32>
    %div3A_34 = arith.divf %broadcast_in_dim3A_31, %div3A_33 : vector<512x1xf32>
    %sub3A_35 = vector.broadcast %div3A_27 : vector<512x1xf32> to vector<512x128xf32>
    %sub3A_36 = arith.subf %max3A_24, %sub3A_35 : vector<512x128xf32>
    %add3A_37 = arith.constant 9.99999974E-6 : f32
    %add3A_38 = vector.broadcast %add3A_37 : f32 to vector<512x1xf32>
    %add3A_39 = arith.addf %div3A_34, %add3A_38 : vector<512x1xf32>
    %sqrt3A = math.sqrt %add3A_39 : vector<512x1xf32>
    %div3A_40 = vector.broadcast %sqrt3A : vector<512x1xf32> to vector<512x128xf32>
    %div3A_41 = arith.divf %sub3A_36, %div3A_40 : vector<512x128xf32>
    %get3A_42 = arith.constant 0 : index
    %get3A_43 = arith.constant 0 : index
    %get3A_44 = vector.load %arg7[%get3A_42, %get3A_43] : memref<1x128xf32, #tpu.memory_space<vmem>>, vector<1x128xf32>
    %mul3A = vector.broadcast %get3A_44 : vector<1x128xf32> to vector<512x128xf32>
    %mul3A_45 = arith.mulf %div3A_41, %mul3A : vector<512x128xf32>
    %get3A_46 = arith.constant 0 : index
    %get3A_47 = arith.constant 0 : index
    %get3A_48 = vector.load %arg8[%get3A_46, %get3A_47] : memref<1x128xf32, #tpu.memory_space<vmem>>, vector<1x128xf32>
    %add3A_49 = vector.broadcast %get3A_48 : vector<1x128xf32> to vector<512x128xf32>
    %add3A_50 = arith.addf %mul3A_45, %add3A_49 : vector<512x128xf32>
    %max3A_51 = arith.constant 0.000000e+00 : f32
    %max3A_52 = vector.broadcast %max3A_51 : f32 to vector<512x128xf32>
    %max3A_53 = arith.maximumf %add3A_50, %max3A_52 : vector<512x128xf32>
    %add3A_54 = arith.addf %max3A_53, %get3A_1 : vector<512x128xf32>
    %swap3A = arith.constant 0 : index
    %swap3A_55 = arith.constant 0 : index
    %swap3A_56 = vector.load %arg9[%swap3A, %swap3A_55] : memref<512x128xf32, #tpu.memory_space<vmem>>, vector<512x128xf32>
    tpu.vector_store %arg9[%swap3A, %swap3A_55], %add3A_54 {strides = array<i32>} : memref<512x128xf32, #tpu.memory_space<vmem>>, vector<512x128xf32>,
    return
  }
  func.func @transform_0(%arg0: i32) -> (i32, i32) {
    %c0_i32 = arith.constant 0 : i32
    %c0_i32_0 = arith.constant 0 : i32
    return %arg0, %c0_i32 : i32, i32
  }
  func.func @transform_1(%arg0: i32) -> (i32, i32) {
    %c0_i32 = arith.constant 0 : i32
    %c0_i32_0 = arith.constant 0 : i32
    return %arg0, %c0_i32 : i32, i32
  }
  func.func @transform_2(%arg0: i32) -> (i32, i32) {
    %c0_i32 = arith.constant 0 : i32
    %c0_i32_0 = arith.constant 0 : i32
    return %arg0, %c0_i32 : i32, i32
  }
  func.func @transform_3(%arg0: i32) -> (i32, i32) {
    %c0_i32 = arith.constant 0 : i32
    %c0_i32_0 = arith.constant 0 : i32
    %c0_i32_1 = arith.constant 0 : i32
    return %c0_i32, %c0_i32_0 : i32, i32
  }
  func.func @transform_4(%arg0: i32) -> (i32, i32) {
    %c0_i32 = arith.constant 0 : i32
    %c0_i32_0 = arith.constant 0 : i32
    %c0_i32_1 = arith.constant 0 : i32
    return %c0_i32, %c0_i32_0 : i32, i32
  }
  func.func @transform_5(%arg0: i32) -> (i32, i32) {
    %c0_i32 = arith.constant 0 : i32
    %c0_i32_0 = arith.constant 0 : i32
    %c0_i32_1 = arith.constant 0 : i32
    return %c0_i32, %c0_i32_0 : i32, i32
  }
  func.func @transform_6(%arg0: i32) -> (i32, i32) {
    %c0_i32 = arith.constant 0 : i32
    %c0_i32_0 = arith.constant 0 : i32
    %c0_i32_1 = arith.constant 0 : i32
    return %c0_i32, %c0_i32_0 : i32, i32
  }
  func.func @transform_7(%arg0: i32) -> (i32, i32) {
    %c0_i32 = arith.constant 0 : i32
    %c0_i32_0 = arith.constant 0 : i32
    %c0_i32_1 = arith.constant 0 : i32
    return %c0_i32, %c0_i32_0 : i32, i32
  }
  func.func @transform_8(%arg0: i32) -> (i32, i32) {
    %c0_i32 = arith.constant 0 : i32
    %c0_i32_0 = arith.constant 0 : i32
    return %arg0, %c0_i32 : i32, i32
  }
}

module attributes {stable_mosaic.version = 14 : i64} {
  func.func @body(%arg0: i32, %arg1: memref<512x128xf32, #tpu.memory_space<vmem>>, %arg2: memref<1x1x512xi32, #tpu.memory_space<vmem>>, %arg3: memref<1x512x1xi32, #tpu.memory_space<vmem>>, %arg4: memref<128x128xf32, #tpu.memory_space<vmem>>, %arg5: memref<128x128xf32, #tpu.memory_space<vmem>>, %arg6: memref<1x128xf32, #tpu.memory_space<vmem>>, %arg7: memref<128x1xf32, #tpu.memory_space<vmem>>, %arg8: memref<1x1xf32, #tpu.memory_space<vmem>>, %arg9: memref<64x1xf32, #tpu.memory_space<vmem>>, %arg10: memref<64x128xf32, #tpu.memory_space<vmem>>, %arg11: memref<64x128xf32, #tpu.memory_space<vmem>>, %arg12: memref<64x1xf32, #tpu.memory_space<vmem>>) attributes {dimension_semantics = [#tpu.dimension_semantics<arbitrary>], iteration_bounds = array<i64: 20>, scalar_prefetch = 0 : i64, scratch_operands = 3 : i64, tpu.core_type = #tpu.core_type<tc>, window_params = [{transform_indices = @transform_0, window_bounds = array<i64: 512, 128>}, {transform_indices = @transform_1, window_bounds = array<i64: 1, 1, 512>}, {transform_indices = @transform_2, window_bounds = array<i64: 1, 512, 1>}, {pipeline_mode = #tpu.pipeline_mode<synchronous>, transform_indices = @transform_3, window_bounds = array<i64: 128, 128>}, {pipeline_mode = #tpu.pipeline_mode<synchronous>, transform_indices = @transform_4, window_bounds = array<i64: 128, 128>}, {pipeline_mode = #tpu.pipeline_mode<synchronous>, transform_indices = @transform_5, window_bounds = array<i64: 1, 128>}, {pipeline_mode = #tpu.pipeline_mode<synchronous>, transform_indices = @transform_6, window_bounds = array<i64: 128, 1>}, {pipeline_mode = #tpu.pipeline_mode<synchronous>, transform_indices = @transform_7, window_bounds = array<i64: 1, 1>}, {pipeline_mode = #tpu.pipeline_mode<synchronous>, transform_indices = @transform_8, window_bounds = array<i64: 64, 1>}]} {
    %eq3A = arith.constant 0 : i32
    %eq3A_0 = arith.cmpi eq, %arg0, %eq3A : i32
    %convert_element_type3A = arith.extui %eq3A_0 : i1 to i32
    %cond3A = arith.constant 0 : i32
    %cond3A_1 = arith.cmpi ne, %convert_element_type3A, %cond3A : i32
    scf.if %cond3A_1 {
      %broadcast_in_dim3A_57 = arith.constant 0.000000e+00 : f32
      %broadcast_in_dim3A_58 = vector.broadcast %broadcast_in_dim3A_57 : f32 to vector<64x128xf32>
      %swap3A_59 = arith.constant 0 : index
      %swap3A_60 = arith.constant 0 : index
      %swap3A_61 = vector.load %arg10[%swap3A_59, %swap3A_60] : memref<64x128xf32, #tpu.memory_space<vmem>>, vector<64x128xf32>
      tpu.vector_store %arg10[%swap3A_59, %swap3A_60], %broadcast_in_dim3A_58 {strides = array<i32>} : memref<64x128xf32, #tpu.memory_space<vmem>>, vector<64x128xf32>,
      %broadcast_in_dim3A_62 = arith.constant 0xFF800000 : f32
      %broadcast_in_dim3A_63 = vector.broadcast %broadcast_in_dim3A_62 : f32 to vector<64x128xf32>
      %swap3A_64 = arith.constant 0 : index
      %swap3A_65 = arith.constant 0 : index
      %swap3A_66 = vector.load %arg11[%swap3A_64, %swap3A_65] : memref<64x128xf32, #tpu.memory_space<vmem>>, vector<64x128xf32>
      tpu.vector_store %arg11[%swap3A_64, %swap3A_65], %broadcast_in_dim3A_63 {strides = array<i32>} : memref<64x128xf32, #tpu.memory_space<vmem>>, vector<64x128xf32>,
      %broadcast_in_dim3A_67 = arith.constant 0.000000e+00 : f32
      %broadcast_in_dim3A_68 = vector.broadcast %broadcast_in_dim3A_67 : f32 to vector<64x1xf32>
      %swap3A_69 = arith.constant 0 : index
      %swap3A_70 = arith.constant 0 : index
      %swap3A_71 = vector.load %arg12[%swap3A_69, %swap3A_70] : memref<64x1xf32, #tpu.memory_space<vmem>>, vector<64x1xf32>
      tpu.vector_store %arg12[%swap3A_69, %swap3A_70], %broadcast_in_dim3A_68 {strides = array<i32>} : memref<64x1xf32, #tpu.memory_space<vmem>>, vector<64x1xf32>,
    } else {
    }
    %get3A = arith.constant 0 : index
    %get3A_2 = arith.constant 0 : index
    %get3A_3 = vector.load %arg1[%get3A, %get3A_2] : memref<512x128xf32, #tpu.memory_space<vmem>>, vector<512x128xf32>
    %get3A_4 = arith.constant 0 : index
    %get3A_5 = arith.constant 0 : index
    %get3A_6 = arith.constant 0 : index
    %get3A_7 = vector.load %arg2[%get3A_4, %get3A_5, %get3A_6] : memref<1x1x512xi32, #tpu.memory_space<vmem>>, vector<1x1x512xi32>
    %get3A_8 = vector.shape_cast %get3A_7 : vector<1x1x512xi32> to vector<1x512xi32>
    %get3A_9 = arith.constant 0 : index
    %get3A_10 = arith.constant 0 : index
    %get3A_11 = arith.constant 0 : index
    %get3A_12 = vector.load %arg3[%get3A_9, %get3A_10, %get3A_11] : memref<1x512x1xi32, #tpu.memory_space<vmem>>, vector<1x512x1xi32>
    %get3A_13 = vector.shape_cast %get3A_12 : vector<1x512x1xi32> to vector<512x1xi32>
    %iota3A = tpu.iota {dimensions = array<i32: 0>} : vector<64x1xi32>
    %eq3A_14 = vector.broadcast %iota3A : vector<64x1xi32> to vector<64x512xi32>
    %eq3A_15 = vector.broadcast %get3A_8 : vector<1x512xi32> to vector<64x512xi32>
    %eq3A_16 = arith.cmpi eq, %eq3A_14, %eq3A_15 : vector<64x512xi32>
    %convert_element_type3A_17 = arith.extui %eq3A_16 : vector<64x512xi1> to vector<64x512xi32>
    %convert_element_type3A_18 = arith.sitofp %convert_element_type3A_17 : vector<64x512xi32> to vector<64x512xf32>
    %get3A_19 = arith.constant 0 : index
    %get3A_20 = arith.constant 0 : index
    %get3A_21 = vector.load %arg10[%get3A_19, %get3A_20] : memref<64x128xf32, #tpu.memory_space<vmem>>, vector<64x128xf32>
    %dot_general3A = arith.constant dense<0.000000e+00> : vector<64x128xf32>
    %dot_general3A_22 = tpu.matmul %convert_element_type3A_18, %get3A_3, %dot_general3A {dimension_numbers = #tpu.dot_dimension_numbers<[1], [0], [0], [1], [0, 0, 1, 1], [], []>, precision = #tpu.contract_precision<fp32>, transpose_lhs_hint = false} : vector<64x512xf32>, vector<512x128xf32>, vector<64x128xf32> -> vector<64x128xf32>
    %add3A = arith.addf %get3A_21, %dot_general3A_22 : vector<64x128xf32>
    %swap3A = arith.constant 0 : index
    %swap3A_23 = arith.constant 0 : index
    %swap3A_24 = vector.load %arg10[%swap3A, %swap3A_23] : memref<64x128xf32, #tpu.memory_space<vmem>>, vector<64x128xf32>
    tpu.vector_store %arg10[%swap3A, %swap3A_23], %add3A {strides = array<i32>} : memref<64x128xf32, #tpu.memory_space<vmem>>, vector<64x128xf32>,
    %get3A_25 = arith.constant 0 : index
    %get3A_26 = arith.constant 0 : index
    %get3A_27 = vector.load %arg12[%get3A_25, %get3A_26] : memref<64x1xf32, #tpu.memory_space<vmem>>, vector<64x1xf32>
    %reduce_sum3A = arith.constant dense<0.000000e+00> : vector<64xf32>
    %reduce_sum3A_28 = vector.multi_reduction <add>, %convert_element_type3A_18, %reduce_sum3A [1] : vector<64x512xf32> to vector<64xf32>
    %broadcast_in_dim3A = vector.shape_cast %reduce_sum3A_28 : vector<64xf32> to vector<64x1xf32>
    %add3A_29 = arith.addf %get3A_27, %broadcast_in_dim3A : vector<64x1xf32>
    %swap3A_30 = arith.constant 0 : index
    %swap3A_31 = arith.constant 0 : index
    %swap3A_32 = vector.load %arg12[%swap3A_30, %swap3A_31] : memref<64x1xf32, #tpu.memory_space<vmem>>, vector<64x1xf32>
    tpu.vector_store %arg12[%swap3A_30, %swap3A_31], %add3A_29 {strides = array<i32>} : memref<64x1xf32, #tpu.memory_space<vmem>>, vector<64x1xf32>,
    %reduce_min3A = vector.shape_cast %get3A_13 : vector<512x1xi32> to vector<1x512x1xi32>
    %reduce_min3A_33 = arith.constant dense<2147483647> : vector<1xi32>
    %reduce_min3A_34 = vector.multi_reduction <minsi>, %reduce_min3A, %reduce_min3A_33 [1, 2] : vector<1x512x1xi32> to vector<1xi32>
    %reduce_min3A_35 = vector.shape_cast %reduce_min3A_34 : vector<1xi32> to vector<1x1x1xi32>
    %reduce_min3A_36 = vector.extract %reduce_min3A_35[0, 0, 0] : i32 from vector<1x1x1xi32>
    %reduce_max3A = vector.shape_cast %get3A_13 : vector<512x1xi32> to vector<1x512x1xi32>
    %reduce_max3A_37 = arith.constant dense<-2147483648> : vector<1xi32>
    %reduce_max3A_38 = vector.multi_reduction <maxsi>, %reduce_max3A, %reduce_max3A_37 [1, 2] : vector<1x512x1xi32> to vector<1xi32>
    %reduce_max3A_39 = vector.shape_cast %reduce_max3A_38 : vector<1xi32> to vector<1x1x1xi32>
    %reduce_max3A_40 = vector.extract %reduce_max3A_39[0, 0, 0] : i32 from vector<1x1x1xi32>
    %min3A = arith.constant 63 : i32
    %min3A_41 = arith.minsi %reduce_max3A_40, %min3A : i32
    %add3A_42 = arith.constant 1 : i32
    %add3A_43 = arith.addi %min3A_41, %add3A_42 : i32
    %while3A = arith.constant 0 : i32
    %while3A_44 = arith.subi %add3A_43, %reduce_min3A_36 : i32
    %while3A_45 = arith.addi %reduce_min3A_36, %while3A_44 : i32
    %while3A_46 = arith.constant 1 : i32
    %while3A_47 = arith.divsi %while3A_44, %while3A_46 : i32
    %while3A_48 = arith.muli %while3A_47, %while3A_46 : i32
    %while3A_49 = arith.addi %reduce_min3A_36, %while3A_48 : i32
    %while3A_50 = arith.constant 1 : i32
    scf.for %while3A_57 = %reduce_min3A_36 to %while3A_49 step %while3A_50  : i32 {
      %eq3A_58 = vector.broadcast %while3A_57 : i32 to vector<512x1xi32>
      %eq3A_59 = arith.cmpi eq, %get3A_13, %eq3A_58 : vector<512x1xi32>
      %jit3A = arith.constant 0xFF800000 : f32
      %broadcast_in_dim3A_60 = vector.shape_cast %eq3A_59 : vector<512x1xi1> to vector<512x1xi1>
      %broadcast_in_dim3A_61 = vector.broadcast %broadcast_in_dim3A_60 : vector<512x1xi1> to vector<512x128xi1>
      %broadcast_in_dim3A_62 = vector.broadcast %jit3A : f32 to vector<512x128xf32>
      %select_n3A = arith.select %broadcast_in_dim3A_61, %get3A_3, %broadcast_in_dim3A_62 : vector<512x128xi1>, vector<512x128xf32>
      %reduce_max3A_63 = arith.constant dense<0xFF800000> : vector<128xf32>
      %reduce_max3A_64 = vector.multi_reduction <maximumf>, %select_n3A, %reduce_max3A_63 [0] : vector<512x128xf32> to vector<128xf32>
      %broadcast_in_dim3A_65 = vector.shape_cast %reduce_max3A_64 : vector<128xf32> to vector<1x128xf32>
      %get3A_66 = arith.index_cast %while3A_57 : i32 to index
      %get3A_67 = arith.constant 0 : index
      %get3A_68 = vector.load %arg11[%get3A_66, %get3A_67] : memref<64x128xf32, #tpu.memory_space<vmem>>, vector<1x128xf32>
      %max3A = arith.maximumf %get3A_68, %broadcast_in_dim3A_65 : vector<1x128xf32>
      %swap3A_69 = arith.index_cast %while3A_57 : i32 to index
      %swap3A_70 = arith.constant 0 : index
      %swap3A_71 = vector.load %arg11[%swap3A_69, %swap3A_70] : memref<64x128xf32, #tpu.memory_space<vmem>>, vector<1x128xf32>
      tpu.vector_store %arg11[%swap3A_69, %swap3A_70], %max3A {strides = array<i32>} : memref<64x128xf32, #tpu.memory_space<vmem>>, vector<1x128xf32>,
    }
    %while3A_51 = arith.constant 1 : i32
    scf.for %while3A_57 = %while3A_49 to %while3A_45 step %while3A_51  : i32 {
      %eq3A_58 = vector.broadcast %while3A_57 : i32 to vector<512x1xi32>
      %eq3A_59 = arith.cmpi eq, %get3A_13, %eq3A_58 : vector<512x1xi32>
      %jit3A = arith.constant 0xFF800000 : f32
      %broadcast_in_dim3A_60 = vector.shape_cast %eq3A_59 : vector<512x1xi1> to vector<512x1xi1>
      %broadcast_in_dim3A_61 = vector.broadcast %broadcast_in_dim3A_60 : vector<512x1xi1> to vector<512x128xi1>
      %broadcast_in_dim3A_62 = vector.broadcast %jit3A : f32 to vector<512x128xf32>
      %select_n3A = arith.select %broadcast_in_dim3A_61, %get3A_3, %broadcast_in_dim3A_62 : vector<512x128xi1>, vector<512x128xf32>
      %reduce_max3A_63 = arith.constant dense<0xFF800000> : vector<128xf32>
      %reduce_max3A_64 = vector.multi_reduction <maximumf>, %select_n3A, %reduce_max3A_63 [0] : vector<512x128xf32> to vector<128xf32>
      %broadcast_in_dim3A_65 = vector.shape_cast %reduce_max3A_64 : vector<128xf32> to vector<1x128xf32>
      %get3A_66 = arith.index_cast %while3A_57 : i32 to index
      %get3A_67 = arith.constant 0 : index
      %get3A_68 = vector.load %arg11[%get3A_66, %get3A_67] : memref<64x128xf32, #tpu.memory_space<vmem>>, vector<1x128xf32>
      %max3A = arith.maximumf %get3A_68, %broadcast_in_dim3A_65 : vector<1x128xf32>
      %swap3A_69 = arith.index_cast %while3A_57 : i32 to index
      %swap3A_70 = arith.constant 0 : index
      %swap3A_71 = vector.load %arg11[%swap3A_69, %swap3A_70] : memref<64x128xf32, #tpu.memory_space<vmem>>, vector<1x128xf32>
      tpu.vector_store %arg11[%swap3A_69, %swap3A_70], %max3A {strides = array<i32>} : memref<64x128xf32, #tpu.memory_space<vmem>>, vector<1x128xf32>,
    }
    %eq3A_52 = arith.constant 19 : i32
    %eq3A_53 = arith.cmpi eq, %arg0, %eq3A_52 : i32
    %convert_element_type3A_54 = arith.extui %eq3A_53 : i1 to i32
    %cond3A_55 = arith.constant 0 : i32
    %cond3A_56 = arith.cmpi ne, %convert_element_type3A_54, %cond3A_55 : i32
    scf.if %cond3A_56 {
      %get3A_57 = arith.constant 0 : index
      %get3A_58 = arith.constant 0 : index
      %get3A_59 = vector.load %arg12[%get3A_57, %get3A_58] : memref<64x1xf32, #tpu.memory_space<vmem>>, vector<64x1xf32>
      %max3A = arith.constant 1.000000e+00 : f32
      %max3A_60 = vector.broadcast %max3A : f32 to vector<64x1xf32>
      %max3A_61 = arith.maximumf %get3A_59, %max3A_60 : vector<64x1xf32>
      %get3A_62 = arith.constant 0 : index
      %get3A_63 = arith.constant 0 : index
      %get3A_64 = vector.load %arg10[%get3A_62, %get3A_63] : memref<64x128xf32, #tpu.memory_space<vmem>>, vector<64x128xf32>
      %div3A = vector.broadcast %max3A_61 : vector<64x1xf32> to vector<64x128xf32>
      %div3A_65 = arith.divf %get3A_64, %div3A : vector<64x128xf32>
      %get3A_66 = arith.constant 0 : index
      %get3A_67 = arith.constant 0 : index
      %get3A_68 = vector.load %arg4[%get3A_66, %get3A_67] : memref<128x128xf32, #tpu.memory_space<vmem>>, vector<128x128xf32>
      %dot_general3A_69 = arith.constant dense<0.000000e+00> : vector<64x128xf32>
      %dot_general3A_70 = tpu.matmul %div3A_65, %get3A_68, %dot_general3A_69 {dimension_numbers = #tpu.dot_dimension_numbers<[1], [0], [0], [1], [0, 0, 1, 1], [], []>, transpose_lhs_hint = false} : vector<64x128xf32>, vector<128x128xf32>, vector<64x128xf32> -> vector<64x128xf32>
      %get3A_71 = arith.constant 0 : index
      %get3A_72 = arith.constant 0 : index
      %get3A_73 = vector.load %arg11[%get3A_71, %get3A_72] : memref<64x128xf32, #tpu.memory_space<vmem>>, vector<64x128xf32>
      %get3A_74 = arith.constant 0 : index
      %get3A_75 = arith.constant 0 : index
      %get3A_76 = vector.load %arg5[%get3A_74, %get3A_75] : memref<128x128xf32, #tpu.memory_space<vmem>>, vector<128x128xf32>
      %dot_general3A_77 = arith.constant dense<0.000000e+00> : vector<64x128xf32>
      %dot_general3A_78 = tpu.matmul %get3A_73, %get3A_76, %dot_general3A_77 {dimension_numbers = #tpu.dot_dimension_numbers<[1], [0], [0], [1], [0, 0, 1, 1], [], []>, transpose_lhs_hint = false} : vector<64x128xf32>, vector<128x128xf32>, vector<64x128xf32> -> vector<64x128xf32>
      %add3A_79 = arith.addf %dot_general3A_70, %dot_general3A_78 : vector<64x128xf32>
      %get3A_80 = arith.constant 0 : index
      %get3A_81 = arith.constant 0 : index
      %get3A_82 = vector.load %arg6[%get3A_80, %get3A_81] : memref<1x128xf32, #tpu.memory_space<vmem>>, vector<1x128xf32>
      %add3A_83 = vector.broadcast %get3A_82 : vector<1x128xf32> to vector<64x128xf32>
      %add3A_84 = arith.addf %add3A_79, %add3A_83 : vector<64x128xf32>
      %max3A_85 = arith.constant 0.000000e+00 : f32
      %max3A_86 = vector.broadcast %max3A_85 : f32 to vector<64x128xf32>
      %max3A_87 = arith.maximumf %add3A_84, %max3A_86 : vector<64x128xf32>
      %get3A_88 = arith.constant 0 : index
      %get3A_89 = arith.constant 0 : index
      %get3A_90 = vector.load %arg7[%get3A_88, %get3A_89] : memref<128x1xf32, #tpu.memory_space<vmem>>, vector<128x1xf32>
      %dot_general3A_91 = arith.constant dense<0.000000e+00> : vector<64x1xf32>
      %dot_general3A_92 = tpu.matmul %max3A_87, %get3A_90, %dot_general3A_91 {dimension_numbers = #tpu.dot_dimension_numbers<[1], [0], [0], [1], [0, 0, 1, 1], [], []>, transpose_lhs_hint = false} : vector<64x128xf32>, vector<128x1xf32>, vector<64x1xf32> -> vector<64x1xf32>
      %get3A_93 = arith.constant 0 : index
      %get3A_94 = arith.constant 0 : index
      %get3A_95 = vector.load %arg8[%get3A_93, %get3A_94] : memref<1x1xf32, #tpu.memory_space<vmem>>, vector<1x1xf32>
      %add3A_96 = vector.broadcast %get3A_95 : vector<1x1xf32> to vector<64x1xf32>
      %add3A_97 = arith.addf %dot_general3A_92, %add3A_96 : vector<64x1xf32>
      %swap3A_98 = arith.constant 0 : index
      %swap3A_99 = arith.constant 0 : index
      %swap3A_100 = vector.load %arg9[%swap3A_98, %swap3A_99] : memref<64x1xf32, #tpu.memory_space<vmem>>, vector<64x1xf32>
      tpu.vector_store %arg9[%swap3A_98, %swap3A_99], %add3A_97 {strides = array<i32>} : memref<64x1xf32, #tpu.memory_space<vmem>>, vector<64x1xf32>,
    } else {
    }
    return
  }
  func.func @transform_0(%arg0: i32) -> (i32, i32) {
    %c0_i32 = arith.constant 0 : i32
    %c0_i32_0 = arith.constant 0 : i32
    return %arg0, %c0_i32 : i32, i32
  }
  func.func @transform_1(%arg0: i32) -> (i32, i32, i32) {
    %c0_i32 = arith.constant 0 : i32
    %c0_i32_0 = arith.constant 0 : i32
    %c0_i32_1 = arith.constant 0 : i32
    return %arg0, %c0_i32, %c0_i32_0 : i32, i32, i32
  }
  func.func @transform_2(%arg0: i32) -> (i32, i32, i32) {
    %c0_i32 = arith.constant 0 : i32
    %c0_i32_0 = arith.constant 0 : i32
    %c0_i32_1 = arith.constant 0 : i32
    return %arg0, %c0_i32, %c0_i32_0 : i32, i32, i32
  }
  func.func @transform_3(%arg0: i32) -> (i32, i32) {
    %c0_i32 = arith.constant 0 : i32
    %c0_i32_0 = arith.constant 0 : i32
    %c0_i32_1 = arith.constant 0 : i32
    return %c0_i32, %c0_i32_0 : i32, i32
  }
  func.func @transform_4(%arg0: i32) -> (i32, i32) {
    %c0_i32 = arith.constant 0 : i32
    %c0_i32_0 = arith.constant 0 : i32
    %c0_i32_1 = arith.constant 0 : i32
    return %c0_i32, %c0_i32_0 : i32, i32
  }
  func.func @transform_5(%arg0: i32) -> (i32, i32) {
    %c0_i32 = arith.constant 0 : i32
    %c0_i32_0 = arith.constant 0 : i32
    %c0_i32_1 = arith.constant 0 : i32
    return %c0_i32, %c0_i32_0 : i32, i32
  }
  func.func @transform_6(%arg0: i32) -> (i32, i32) {
    %c0_i32 = arith.constant 0 : i32
    %c0_i32_0 = arith.constant 0 : i32
    %c0_i32_1 = arith.constant 0 : i32
    return %c0_i32, %c0_i32_0 : i32, i32
  }
  func.func @transform_7(%arg0: i32) -> (i32, i32) {
    %c0_i32 = arith.constant 0 : i32
    %c0_i32_0 = arith.constant 0 : i32
    %c0_i32_1 = arith.constant 0 : i32
    return %c0_i32, %c0_i32_0 : i32, i32
  }
  func.func @transform_8(%arg0: i32) -> (i32, i32) {
    %c0_i32 = arith.constant 0 : i32
    %c0_i32_0 = arith.constant 0 : i32
    %c0_i32_1 = arith.constant 0 : i32
    return %c0_i32, %c0_i32_0 : i32, i32
  }
}

</mosaic_0001>

<sc_bundles>
// kernel: kernel.16.cloned.1.call-start
scs
__scs_entry_jumppad:
0x0: {  	(pc) =	sbr.rel $0x88, $3  }
0x1: {  	(tag) =	ssettag $0x0;
	lr =	simm.s32 $0x1  }
0x2: {  	[smem:$0x3F7F] =	sst lr;
	_ =	strace $0xD0000000  }
0x3: {  	_ = 	snop  }
0x4: {  	_ = 	snop  }
0x5: {  	_ = 	snop  }
0x6: {  	_ = 	snop  }
0x7: {  	_ = 	snop  }
__scs_overlays_trampoline_lowered:
0x8: {  	[smem:$0x3F8E] =	sst s0  }
0x9: {  	[smem:$0x3F8F] =	sst s1  }
0xa: {  	[smem:$0x3F90] =	sst s2  }
0xb: {  	[smem:$0x3F91] =	sst s3  }
0xc: {  	[smem:$0x3F92] =	sst s4  }
0xd: {  	[smem:$0x3F93] =	sst s5  }
0xe: {  	[smem:$0x3F94] =	sst s6  }
0xf: {  	[smem:$0x3F95] =	sst s7  }
0x10: {  	[smem:$0x3F96] =	sst s8  }
0x11: {  	[smem:$0x3F97] =	sst s9;
	s0 =	simm.s32 @!p0 $0x0  }
0x12: {  	s1 =	sld [smem:$0x3F7D];
	s0 =	simm.s32 @p0 $0x1  }
0x13: {  	[smem:$0x3F98] =	sst s0;
	s0 =	simm.s32 @!p1 $0x0  }
0x14: {  	s2 =	sld [smem:$0x3F7C];
	s0 =	simm.s32 @p1 $0x1  }
0x15: {  	[smem:$0x3F99] =	sst s0;
	s0 =	simm.s32 @!p2 $0x0  }
0x16: {  	s3 =	sld [smem:$0x3FDB];
	s0 =	simm.s32 @p2 $0x1  }
0x17: {  	s4 =	simm.s32 $0x1BF5;
	[smem:$0x3F9B] =	sst s0  }
0x18: {  	s0 =	sld [smem:$0x3F7E];
	_ =	swait.ge [sflag:s4], $0x0  }
0x19: {  	s7 =	sld [smem:$0x3F7F]  }
0x1a: {  	s8 =	sadd.s32 $0xFFFFE003, lr  }
0x1b: {  	s9 =	sadd.s32 $0xFFFFFEF7, lr;
	s5 =	simm.s32 $0xFFFFFFFF;
	p2 =	slt.u32 s8, $0xFFFFF086  }
0x1c: {  	p1 =	slt.u32 s9, $0xF7A;
	s5 =	simm.s32 @!p2 $0x0  }
0x1d: {  	s5 =	simm.s32 @p1 $0x1;
	p0 =	seq.s32 s7, s2  }
0x1e: {  	s7 =	smul.u32 @!p0 $0xF7A, s2;
	p2 =	seq.s32 @!p0 s5, $0x0  }
0x1f: {  	s9 =	smul.u32 $0xF7A, s1;
	s8 =	simm.s32 @!p0 $0x1BF5;
	p2 =	por !p2, p0  }
0x20: {  	[sflag:s8] =	ssyncset.s32 @!p0 $0xFFFFF086;
	s6 =	sadd.s32 @!p0 s3, s7;
	s7 =	simm.s32 @!p0 $0x108  }
0x21: {  	s3 =	sadd.s32 s3, s9;
	s6 =	sadd.s32 @!p0 $0x88, s6;
	s7 =	simm.s32 @p2 $0x1082  }
0x22: {  	[simem:s7], [sflag:s8] =	dma.local @!p0 [hbm:s6], $0xF7A  }
0x23: {  	s9 =	sor.u32 $0xD0000000, s2;
	s6 =	simm.s32 $0x108;
	_ =	swait.ge @!p0 [sflag:s8], $0x0  }
0x24: {  	s3 =	sadd.s32 $0x88, s3;
	s6 =	simm.s32 @!p1 $0x1082;
	[sflag:s4] =	ssyncset.s32 $0xFFFFF086  }
0x25: {  	[simem:s6], [sflag:s4] =	dma.local [hbm:s3], $0xF7A  }
0x26: {  	[smem:$0x3F7F] =	sst s1;
	(tag) =	ssettag s2;
	_ =	strace s9  }
0x27: {  	s1 =	sld [smem:$0x3F8F]  }
0x28: {  	s2 =	sld [smem:$0x3F90]  }
0x29: {  	s4 =	sld [smem:$0x3F92]  }
0x2a: {  	p0 =	seq.s32 s5, $0x0;
	s5 =	sld [smem:$0x3F93]  }
0x2b: {  	s6 =	sld [smem:$0x3F94]  }
0x2c: {  	s7 =	sld [smem:$0x3F95]  }
0x2d: {  	s3 =	simm.s32 $0x108;
	s8 =	sld [smem:$0x3F96]  }
0x2e: {  	s3 =	simm.s32 @!p0 $0x1082;
	s9 =	sld [smem:$0x3F97]  }
0x2f: {  	lr =	sadd.s32 s0, s3;
	s0 =	sld [smem:$0x3F8E]  }
0x30: {  	s3 =	sld [smem:$0x3F91]  }
0x31: {  	[smem:$0x3F9A] =	sst s10  }
0x32: {  	s10 =	sld [smem:$0x3F98];
	_ =	sdelay $0x3  }
0x33: {  	p0 =	seq.s32 s10, $0x1;
	s10 =	sld [smem:$0x3F9A];
	_ =	sdelay $0x3  }
0x34: {  	[smem:$0x3F9A] =	sst s10  }
0x35: {  	s10 =	sld [smem:$0x3F99];
	_ =	sdelay $0x3  }
0x36: {  	p1 =	seq.s32 s10, $0x1;
	s10 =	sld [smem:$0x3F9A];
	_ =	sdelay $0x3  }
0x37: {  	[smem:$0x3F9A] =	sst s10  }
0x38: {  	s10 =	sld [smem:$0x3F9B]  }
0x39: {  	_ = 	snop;
	(pc) =	sbr.ind lr, $3  }
0x3a: {  	_ = 	snop  }
0x3b: {  	_ = 	snop  }
0x3c: {  	p2 =	seq.s32 s10, $0x1;
	s10 =	sld [smem:$0x3F9A]  }
0x3d: {  	_ =	shalt  }
0x3e: {  	_ =	shalt  }
0x3f: {  	_ =	shalt  }
0x40: {  	_ =	shalt  }
0x41: {  	_ =	shalt  }
0x42: {  	_ =	shalt  }
0x43: {  	_ =	shalt  }
0x44: {  	_ =	shalt  }
0x45: {  	_ =	shalt  }
0x46: {  	_ =	shalt  }
0x47: {  	_ =	shalt  }
0x48: {  	_ =	shalt  }
0x49: {  	_ =	shalt  }
0x4a: {  	_ =	shalt  }
0x4b: {  	_ =	shalt  }
0x4c: {  	_ =	shalt  }
0x4d: {  	_ =	shalt  }
0x4e: {  	_ =	shalt  }
0x4f: {  	_ =	shalt  }
0x50: {  	_ =	shalt  }
0x51: {  	_ =	shalt  }
0x52: {  	_ =	shalt  }
0x53: {  	_ =	shalt  }
0x54: {  	_ =	shalt  }
0x55: {  	_ =	shalt  }
0x56: {  	_ =	shalt  }
0x57: {  	_ =	shalt  }
0x58: {  	_ =	shalt  }
0x59: {  	_ =	shalt  }
0x5a: {  	_ =	shalt  }
0x5b: {  	_ =	shalt  }
0x5c: {  	_ =	shalt  }
0x5d: {  	_ =	shalt  }
0x5e: {  	_ =	shalt  }
0x5f: {  	_ =	shalt  }
0x60: {  	_ =	shalt  }
0x61: {  	_ =	shalt  }
0x62: {  	_ =	shalt  }
0x63: {  	_ =	shalt  }
0x64: {  	_ =	shalt  }
0x65: {  	_ =	shalt  }
0x66: {  	_ =	shalt  }
0x67: {  	_ =	shalt  }
0x68: {  	_ =	shalt  }
0x69: {  	_ =	shalt  }
0x6a: {  	_ =	shalt  }
0x6b: {  	_ =	shalt  }
0x6c: {  	_ =	shalt  }
0x6d: {  	_ =	shalt  }
0x6e: {  	_ =	shalt  }
0x6f: {  	_ =	shalt  }
0x70: {  	_ =	shalt  }
0x71: {  	_ =	shalt  }
0x72: {  	_ =	shalt  }
0x73: {  	_ =	shalt  }
0x74: {  	_ =	shalt  }
0x75: {  	_ =	shalt  }
0x76: {  	_ =	shalt  }
0x77: {  	_ =	shalt  }
0x78: {  	_ =	shalt  }
0x79: {  	_ =	shalt  }
0x7a: {  	_ =	shalt  }
0x7b: {  	_ =	shalt  }
0x7c: {  	_ =	shalt  }
0x7d: {  	_ =	shalt  }
0x7e: {  	_ =	shalt  }
0x7f: {  	_ =	shalt  }
0x80: {  	_ =	shalt  }
0x81: {  	_ =	shalt  }
0x82: {  	_ =	shalt  }
0x83: {  	_ =	shalt  }
0x84: {  	_ =	shalt  }
0x85: {  	_ =	shalt  }
0x86: {  	_ =	shalt  }
0x87: {  	_ =	shalt  }
.Lfunc_end0:
.L_simem_size_0:
called_computation_lowered:
.L_overlay_start_0:
0x88: {  	s2 =	sld [smem:$0x3FD9]  }
0x89: {  	s3 =	sld [smem:$0x3FFE];
	_ =	sdelay $0x1  }
0x8a: {  	s1 =	srdreg.scid  }
0x8b: {  	s0 =	sand.u32 $0x1, s1  }
0x8c: {  	s16 =	sshll.u32 s0, $0xA;
	s2 =	sadd.s32 s3, s2  }
0x8d: {  	s2 =	sadd.s32 s2, s16  }
0x8e: {  	[smem:$0x3FA6] =	sst s2  }
0x8f: {  	_ = 	snop  }
0x90: {  	(tm) =	ssettm $0x1  }
0x91: {  	s17 =	sld [smem:$0x3FFB];
	_ =	sdelay $0x3  }
0x92: {  	_ =	strace s17  }
0x93: {  	s2 =	sld [smem:$0x3FFC];
	_ =	sdelay $0x3  }
0x94: {  	_ =	strace s2  }
0x95: {  	s2 =	sld [smem:$0x3FFD];
	_ =	sdelay $0x3  }
0x96: {  	_ =	strace s2  }
0x97: {  	_ =	strace $0x8FFFFFFF  }
0x98: {  	s18 =	sld [smem:$0x3FDB];
	_ =	sdelay $0x1  }
0x99: {  	s19 =	simm.s32 $_scs_section_size  }
0x9a: {  	s4 =	simm.s32 $_size__tile_overlayer_lowered;
	s5 =	simm.s32 $_tile_overlayer_lowered  }
0x9b: {  	s22 =	simm.s32 $0x1BFF;
	s21 =	sshll.u32 s5, $0x1;
	s2 =	sadd.s32 s19, s18  }
0x9c: {  	s6 =	simm.s32 $0x0;
	s20 =	sshll.u32 s4, $0x1;
	s4 =	sadd.s32 s21, s2  }
0x9d: {  	[timem:s6], [sflag:s22] =	dma.local [hbm:s4], s20  }
0x9e: {  	_ =	swait.ge [sflag:s22], s20  }
0x9f: {  	s3 =	ssub.s32 $0x0, s20;
	[sflag:s22] =	ssyncset.done $0x0  }
0xa0: {  	[sflag:s22] =	ssyncadd.s32 s3;
	_ =	sdelay $0x1  }
0xa1: {  	s23 =	simm.s32 $0x1B8B  }
0xa2: {  	_ =	swait.ge [sflag:s23], $0x1  }
0xa3: {  	[sflag:s23] =	ssyncset.done $0x0  }
0xa4: {  	s25 =	simm.s32 $0x1B8E;
	s24 =	sld [smem:$0x3FFE];
	[sflag:s23] =	ssyncadd.s32 $0xFFFFFFFF  }
0xa5: {  	s26 =	simm.s32 $execute0_lowered;
	[smem:$0x3FD2] =	sst s25  }
0xa6: {  	s4 =	sshll.u32 s26, $0x1;
	_ =	strace $0x80000046;
	[dreg:$0x1] =	wrdreg $0xFFFFFFFF  }
0xa7: {  	s28 =	simm.s32 $_size_execute0_lowered;
	s2 =	sadd.s32 s2, s4;
	[dreg:$0x0] =	wrdreg $0x0  }
0xa8: {  	s4 =	sshll.u32 s28, $0x1;
	[dreg:$0x2] =	wrdreg s2  }
0xa9: {  	[dreg:$0x3] =	wrdreg s4  }
0xaa: {  	[dreg:$0x4] =	wrdreg $0xC0  }
0xab: {  	_ =	task [dreg:s6], $0x5FFFF  }
0xac: {  	[dreg:$0x1] =	wrdreg $0xFFFFFFFF  }
0xad: {  	[dreg:$0x0] =	wrdreg $0x60  }
0xae: {  	[dreg:$0x2] =	wrdreg s24  }
0xaf: {  	[dreg:$0x3] =	wrdreg $0x9  }
0xb0: {  	_ =	task.clear_ibuf [dreg:s6], $0x4FFFF;
	_ =	strace $0x90000046  }
0xb1: {  	s29 =	simm.s32 $0x9;
	_ =	strace $0x80000048  }
0xb2: {  	_ =	swait.ge [sflag:s29], $0x1  }
0xb3: {  	[sflag:s29] =	ssyncadd.s32 $0xFFFFFFFF  }
0xb4: {  	_ =	strace $0x90000048  }
0xb5: {  	_ =	sfence  }
0xb6: {  	s30 =	sld [smem:$0x0];
	_ =	sdelay $0x2  }
0xb7: {  	s31 =	sshll.u32 s1, $0xD;
	s1 =	sshrl.u32 s1, $0x2  }
0xb8: {  	s3 =	sand.u32 $0x4000, s31;
	s1 =	sadd.s32 s1, s30  }
0xb9: {  	s0 =	sor.u32 s3, s0;
	s1 =	sshll.u32 s1, $0x11  }
0xba: {  	s0 =	sor.u32 s1, s0  }
0xbb: {  	s0 =	sadd.s32 $0x8F2B, s0  }
0xbc: {  	[sflag:s0] =	ssyncadd.remote.s32 $0x1  }
0xbd: {  	_ =	sfence.sel $0xFFFF  }
0xbe: {  	[dreg:$0x0] =	wrdreg $0xFFFFFFFF;
	(pc) =	sbr.abs _section_cstart, $3  }
0xbf: {  	[dreg:$0x1] =	wrdreg $0xFFFFFFFF  }
0xc0: {  	_ =	task.clear_ibuf [dreg:s6], $0x2FFFF;
	_ =	strace $0x9FFFFFFF  }
0xc1: {  	(tm) =	ssettm $0x7FFFFFFF  }
tec
execute0_lowered:
.L_overlay_start_1:
0x0: {  	(tag) =	ssettag $0x1  }
0x1: {  	s1 =	srdreg.scid  }
0x2: {  	s0 =	stileid.u32;
	s4 =	rddreg [dreg:$0x0]  }
0x3: {  	s2 =	simm.s32 $0x0;
	s15 =	simm.s32 $0x6800;
	s16 =	simm.s32 $0x100  }
0x4: {  	s17 =	simm.s32 $0xA800;
	s18 =	simm.s32 $0x180;
	s19 =	simm.s32 $0xE800  }
0x5: {  	s20 =	simm.s32 $0x1;
	s21 =	simm.s32 $0x2;
	s11 =	smul.u32 $0x280000, s0  }
0x6: {  	s22 =	simm.s32 $0x3;
	s9 =	sand.u32 $0x1, s1;
	s14 =	smul.u32 $0x50000, s0  }
0x7: {  	s23 =	simm.s32 $0x4;
	s25 =	sshll.u32 s0, $0x1;
	s13 =	smul.u32 $0x140000, s9  }
0x8: {  	s1 =	rddreg [dreg:$0x1];
	s5 =	sor.u32 s9, s25;
	s30 =	smul.u32 $0x28000, s9  }
0x9: {  	s24 =	simm.s32 $0x0;
	[smem:$0x7FF] =	sst s2;
	s3 =	smul.u32 $0x2800, s5  }
0xa: {  	s10 =	sadd.s32 $0x42C00, s4;
	s7 =	ssub.s32 $0x2, s9;
	s8 =	smul.u32 $0x140000, s5  }
0xb: {  	_ =	strace $0x80000047;
	s26 =	sshrl.u32 s7, $0x1;
	s28 =	smul.u32 $0x28000, s5  }
0xc: {  	s31 =	sadd.s32 s14, s10;
	s14 =	simm.s32 $0x2800;
	s7 =	ssub.s32 s7, s26  }
0xd: {  	s11 =	sadd.s32 s13, s11;
	s13 =	simm.s32 $0x80;
	s6 =	sshrl.u32 s3, $0x3  }
0xe: {  	s3 =	sadd.s32 $0x1BA00, s4;
	s5 =	smax.u32 s7, $0x1;
	s29 =	sshrl.u32 s8, $0x3  }
0xf: {  	s12 =	sadd.s32 s10, s28;
	s11 =	sshrl.u32 s11, $0x3;
	s6 =	sadd.s32 s6, s4  }
0x10: {  	s7 =	sadd.s32 s10, s29;
	s8 =	sadd.s32 $0x27000, s12;
	s9 =	sadd.s32 $0x27800, s12  }
0x11: {  	s10 =	sadd.s32 s11, s10;
	s11 =	sadd.s32 s30, s31;
	s4 =	sadd.s32 $0x11A00, s6  }
0x12: {  	s6 =	sadd.s32 $0x26000, s7;
	s7 =	sadd.s32 $0x26800, s12;
	s12 =	simm.s32 $0x5  }
.LBB2_1:
0x13: {  	[tilespmem:s2], [sflag:$0x5] =	stream.linear.gather [hbm4b:s4+s2], $0x2800, $0x38;
	[tilespmem:$0x12800] =	vst v63  }
0x14: {  	_ =	swait.ge [sflag:s12], $0x2800  }
0x15: {  	[sflag:s12] =	ssyncset.done $0x0  }
0x16: {  	[sflag:s12] =	ssyncadd.s32 $0xFFFFD800  }
0x17: {  	[tilespmem:s14], [sflag:$0x1] =	stream.indirect.gather [hbm4b:s3+s13], $0x80, s2, s13, $0xb8;
	[tilespmem:$0x12800] =	vst v63  }
0x18: {  	_ = 	snop  }
0x19: {  	[tilespmem:s15], [sflag:$0x2] =	stream.indirect.gather [hbm4b:s3+s13], $0x80, s13, s13, $0xb8;
	[tilespmem:$0x12800] =	vst v63  }
0x1a: {  	_ = 	snop  }
0x1b: {  	[tilespmem:s17], [sflag:$0x3] =	stream.indirect.gather [hbm4b:s3+s13], $0x80, s16, s13, $0xb8;
	[tilespmem:$0x12800] =	vst v63  }
0x1c: {  	_ = 	snop  }
0x1d: {  	[tilespmem:s19], [sflag:$0x4] =	stream.indirect.gather [hbm4b:s3+s13], $0x80, s18, s13, $0xb8;
	[tilespmem:$0x12800] =	vst v63  }
0x1e: {  	_ =	swait.ge [sflag:s20], $0x4000  }
0x1f: {  	[sflag:s20] =	ssyncset.done $0x0  }
0x20: {  	s25 =	sadd.s32 $0x0, s10;
	[sflag:s20] =	ssyncadd.s32 $0xFFFFC000  }
0x21: {  	[hbm4b:s25+s2] =	stream.linear.scatter [tilespmem:s14], [sflag:$0x5], $0x4000, $0x38;
	[tilespmem:$0x12800] =	vst v63  }
0x22: {  	_ =	swait.ge [sflag:s12], $0x4000  }
0x23: {  	[sflag:s12] =	ssyncset.done $0x0  }
0x24: {  	s26 =	simm.s32 $0x200;
	[sflag:s12] =	ssyncadd.s32 $0xFFFFC000  }
0x25: {  	[tilespmem:s14], [sflag:$0x1] =	stream.indirect.gather [hbm4b:s3+s13], $0x80, s26, s13, $0xb8;
	[tilespmem:$0x12800] =	vst v63  }
0x26: {  	_ =	swait.ge [sflag:s21], $0x4000  }
0x27: {  	s25 =	sadd.s32 $0x0, s11;
	[sflag:s21] =	ssyncset.done $0x0  }
0x28: {  	s26 =	sadd.s32 $0x800, s25;
	[sflag:s21] =	ssyncadd.s32 $0xFFFFC000  }
0x29: {  	[hbm4b:s26+s2] =	stream.linear.scatter [tilespmem:s15], [sflag:$0x5], $0x4000, $0x38;
	[tilespmem:$0x12800] =	vst v63  }
0x2a: {  	_ =	swait.ge [sflag:s12], $0x4000  }
0x2b: {  	[sflag:s12] =	ssyncset.done $0x0  }
0x2c: {  	s29 =	simm.s32 $0x280;
	[sflag:s12] =	ssyncadd.s32 $0xFFFFC000  }
0x2d: {  	[tilespmem:s15], [sflag:$0x2] =	stream.indirect.gather [hbm4b:s3+s13], $0x80, s29, s13, $0xb8;
	[tilespmem:$0x12800] =	vst v63  }
0x2e: {  	_ =	swait.ge [sflag:s22], $0x4000  }
0x2f: {  	[sflag:s22] =	ssyncset.done $0x0  }
0x30: {  	s30 =	sadd.s32 $0x1000, s25;
	[sflag:s22] =	ssyncadd.s32 $0xFFFFC000  }
0x31: {  	[hbm4b:s30+s2] =	stream.linear.scatter [tilespmem:s17], [sflag:$0x5], $0x4000, $0x38;
	[tilespmem:$0x12800] =	vst v63  }
0x32: {  	_ =	swait.ge [sflag:s12], $0x4000  }
0x33: {  	[sflag:s12] =	ssyncset.done $0x0  }
0x34: {  	s31 =	simm.s32 $0x300;
	[sflag:s12] =	ssyncadd.s32 $0xFFFFC000  }
0x35: {  	[tilespmem:s17], [sflag:$0x3] =	stream.indirect.gather [hbm4b:s3+s13], $0x80, s31, s13, $0xb8;
	[tilespmem:$0x12800] =	vst v63  }
0x36: {  	_ =	swait.ge [sflag:s23], $0x4000  }
0x37: {  	[sflag:s23] =	ssyncset.done $0x0  }
0x38: {  	s25 =	sadd.s32 $0x1800, s25;
	[sflag:s23] =	ssyncadd.s32 $0xFFFFC000  }
0x39: {  	[hbm4b:s25+s2] =	stream.linear.scatter [tilespmem:s19], [sflag:$0x5], $0x4000, $0x38;
	[tilespmem:$0x12800] =	vst v63  }
0x3a: {  	_ =	swait.ge [sflag:s12], $0x4000  }
0x3b: {  	s28 =	simm.s32 $0x580;
	[sflag:s12] =	ssyncset.done $0x0  }
0x3c: {  	s26 =	simm.s32 $0x2000;
	s25 =	simm.s32 $0x380;
	[sflag:s12] =	ssyncadd.s32 $0xFFFFC000  }
.LBB2_2:
0x3d: {  	[tilespmem:s19], [sflag:$0x4] =	stream.indirect.gather [hbm4b:s3+s13], $0x80, s25, s13, $0xb8;
	[tilespmem:$0x12800] =	vst v63  }
0x3e: {  	s29 =	smov.u32 s26;
	s25 =	smov.u32 s28  }
0x3f: {  	p0 =	sne.s32 s26, $0x24000;
	s26 =	sadd.s32 $0x2000, s26;
	_ =	swait.ge [sflag:s20], $0x4000  }
0x40: {  	[sflag:s20] =	ssyncset.done $0x0  }
0x41: {  	s30 =	sadd.s32 s29, s10;
	[sflag:s20] =	ssyncadd.s32 $0xFFFFC000  }
0x42: {  	[hbm4b:s30+s2] =	stream.linear.scatter [tilespmem:s14], [sflag:$0x5], $0x4000, $0x38;
	[tilespmem:$0x12800] =	vst v63  }
0x43: {  	_ =	swait.ge [sflag:s12], $0x4000  }
0x44: {  	[sflag:s12] =	ssyncset.done $0x0  }
0x45: {  	s30 =	sadd.s32 $0xFFFFFE80, s28;
	[sflag:s12] =	ssyncadd.s32 $0xFFFFC000  }
0x46: {  	[tilespmem:s14], [sflag:$0x1] =	stream.indirect.gather [hbm4b:s3+s13], $0x80, s30, s13, $0xb8;
	[tilespmem:$0x12800] =	vst v63  }
0x47: {  	_ =	swait.ge [sflag:s21], $0x4000  }
0x48: {  	s29 =	sadd.s32 s29, s11;
	[sflag:s21] =	ssyncset.done $0x0  }
0x49: {  	s30 =	sadd.s32 $0x800, s29;
	[sflag:s21] =	ssyncadd.s32 $0xFFFFC000  }
0x4a: {  	[hbm4b:s30+s2] =	stream.linear.scatter [tilespmem:s15], [sflag:$0x5], $0x4000, $0x38;
	[tilespmem:$0x12800] =	vst v63  }
0x4b: {  	_ =	swait.ge [sflag:s12], $0x4000  }
0x4c: {  	[sflag:s12] =	ssyncset.done $0x0  }
0x4d: {  	s30 =	sadd.s32 $0xFFFFFF00, s28;
	[sflag:s12] =	ssyncadd.s32 $0xFFFFC000  }
0x4e: {  	[tilespmem:s15], [sflag:$0x2] =	stream.indirect.gather [hbm4b:s3+s13], $0x80, s30, s13, $0xb8;
	[tilespmem:$0x12800] =	vst v63  }
0x4f: {  	_ =	swait.ge [sflag:s22], $0x4000  }
0x50: {  	[sflag:s22] =	ssyncset.done $0x0  }
0x51: {  	s30 =	sadd.s32 $0x1000, s29;
	[sflag:s22] =	ssyncadd.s32 $0xFFFFC000  }
0x52: {  	[hbm4b:s30+s2] =	stream.linear.scatter [tilespmem:s17], [sflag:$0x5], $0x4000, $0x38;
	[tilespmem:$0x12800] =	vst v63  }
0x53: {  	_ =	swait.ge [sflag:s12], $0x4000  }
0x54: {  	[sflag:s12] =	ssyncset.done $0x0  }
0x55: {  	s30 =	sadd.s32 $0xFFFFFF80, s28;
	[sflag:s12] =	ssyncadd.s32 $0xFFFFC000  }
0x56: {  	[tilespmem:s17], [sflag:$0x3] =	stream.indirect.gather [hbm4b:s3+s13], $0x80, s30, s13, $0xb8;
	[tilespmem:$0x12800] =	vst v63  }
0x57: {  	_ =	swait.ge [sflag:s23], $0x4000  }
0x58: {  	[sflag:s23] =	ssyncset.done $0x0  }
.Ltmp0:
0x59: {  	s29 =	sadd.s32 $0x1800, s29;
	[sflag:s23] =	ssyncadd.s32 $0xFFFFC000;
	(pc) =	sbr.rel @p0 .LBB2_2-.Ltmp0, $4  }
0x5a: {  	[hbm4b:s29+s2] =	stream.linear.scatter [tilespmem:s19], [sflag:$0x5], $0x4000, $0x38;
	[tilespmem:$0x12800] =	vst v63  }
0x5b: {  	_ =	swait.ge [sflag:s12], $0x4000  }
0x5c: {  	[sflag:s12] =	ssyncset.done $0x0  }
0x5d: {  	s28 =	sadd.s32 $0x200, s28;
	[sflag:s12] =	ssyncadd.s32 $0xFFFFC000  }
0x5e: {  	[tilespmem:s19], [sflag:$0x4] =	stream.indirect.gather [hbm4b:s3+s13], $0x80, s25, s13, $0xb8;
	[tilespmem:$0x12800] =	vst v63  }
0x5f: {  	_ =	swait.ge [sflag:s20], $0x4000  }
0x60: {  	[sflag:s20] =	ssyncset.done $0x0  }
0x61: {  	[sflag:s20] =	ssyncadd.s32 $0xFFFFC000  }
0x62: {  	[hbm4b:s6+s2] =	stream.linear.scatter [tilespmem:s14], [sflag:$0x5], $0x4000, $0x38;
	[tilespmem:$0x12800] =	vst v63  }
0x63: {  	_ =	swait.ge [sflag:s12], $0x4000  }
0x64: {  	[sflag:s12] =	ssyncset.done $0x0  }
0x65: {  	[sflag:s12] =	ssyncadd.s32 $0xFFFFC000  }
0x66: {  	_ =	swait.ge [sflag:s21], $0x4000  }
0x67: {  	[sflag:s21] =	ssyncset.done $0x0  }
0x68: {  	[sflag:s21] =	ssyncadd.s32 $0xFFFFC000  }
0x69: {  	[hbm4b:s7+s2] =	stream.linear.scatter [tilespmem:s15], [sflag:$0x5], $0x4000, $0x38;
	[tilespmem:$0x12800] =	vst v63  }
0x6a: {  	_ =	swait.ge [sflag:s12], $0x4000  }
0x6b: {  	[sflag:s12] =	ssyncset.done $0x0  }
0x6c: {  	[sflag:s12] =	ssyncadd.s32 $0xFFFFC000  }
0x6d: {  	_ =	swait.ge [sflag:s22], $0x4000  }
0x6e: {  	[sflag:s22] =	ssyncset.done $0x0  }
0x6f: {  	[sflag:s22] =	ssyncadd.s32 $0xFFFFC000  }
0x70: {  	[hbm4b:s8+s2] =	stream.linear.scatter [tilespmem:s17], [sflag:$0x5], $0x4000, $0x38;
	[tilespmem:$0x12800] =	vst v63  }
0x71: {  	_ =	swait.ge [sflag:s12], $0x4000  }
0x72: {  	[sflag:s12] =	ssyncset.done $0x0  }
0x73: {  	[sflag:s12] =	ssyncadd.s32 $0xFFFFC000  }
0x74: {  	s24 =	sadd.s32 $0x1, s24;
	_ =	swait.ge [sflag:s23], $0x4000  }
0x75: {  	p0 =	sne.s32 s24, s5;
	[sflag:s23] =	ssyncset.done $0x0  }
.Ltmp1:
0x76: {  	[sflag:s23] =	ssyncadd.s32 $0xFFFFC000;
	(pc) =	sbr.rel @p0 .LBB2_1-.Ltmp1, $4  }
0x77: {  	[hbm4b:s9+s2] =	stream.linear.scatter [tilespmem:s19], [sflag:$0x5], $0x4000, $0x38;
	[tilespmem:$0x12800] =	vst v63  }
0x78: {  	_ =	swait.ge [sflag:s12], $0x4000  }
0x79: {  	[sflag:s12] =	ssyncset.done $0x0  }
0x7a: {  	[sflag:s12] =	ssyncadd.s32 $0xFFFFC000  }
0x7b: {  	_ =	sfence.sel $0x180000  }
0x7c: {  	[bflag:$0x0] =	sbarrier.arrive $0xFFFF  }
0x7d: {  	p0 =	sne.s32 s0, $0x0;
	_ =	strace $0x90000047  }
0x7e: {  	s0 =	sadd.s32 @!p0 $0x100000, s1;
	[bflag:$0x2] =	sbarrier.arrive $0xFFFF  }
0x7f: {  	[sflag:s0] =	ssyncadd.tile.s32 @!p0 $0x1;
	_ =	shalt  }
.Lfunc_end2:
_tile_overlayer_lowered:
.L_overlay_start_2:
0x80: {  	(tag) =	ssettag $0x2  }
0x81: {  	s0 =	rddreg [dreg:$0x0];
	s2 =	stileid.u32  }
0x82: {  	s1 =	rddreg [dreg:$0x1];
	p0 =	sne.s32 s2, $0x0  }
0x83: {  	s3 =	rddreg [dreg:$0x2];
	[bflag:$0x3] =	sbarrier.arrive $0xFFFF;
	s2 =	simm.s32 @!p0 $0x1C05  }
0x84: {  	[timem:s3], [sflag:s2] =	dma.local @!p0 [hbm:s0], s1  }
0x85: {  	s0 =	simm.s32 @!p0 $0x5  }
0x86: {  	_ =	swait.ge @!p0 [sflag:s0], s1  }
0x87: {  	s1 =	ssub.s32 @!p0 $0x0, s1;
	[sflag:s0] =	ssyncset.done @!p0 $0x0  }
0x88: {  	[sflag:s0] =	ssyncadd.s32 @!p0 s1  }
0x89: {  	[bflag:$0x3] =	sbarrier.arrive $0xFFFF  }
0x8a: {  	_ =	shalt  }

// kernel: kernel.19.cloned.1.call-start
scs
__scs_entry_jumppad:
0x0: {  	(pc) =	sbr.rel $0x88, $3  }
0x1: {  	(tag) =	ssettag $0x0;
	lr =	simm.s32 $0x1  }
0x2: {  	[smem:$0x3F7F] =	sst lr;
	_ =	strace $0xD0000000  }
0x3: {  	_ = 	snop  }
0x4: {  	_ = 	snop  }
0x5: {  	_ = 	snop  }
0x6: {  	_ = 	snop  }
0x7: {  	_ = 	snop  }
__scs_overlays_trampoline_lowered:
0x8: {  	[smem:$0x3F8E] =	sst s0  }
0x9: {  	[smem:$0x3F8F] =	sst s1  }
0xa: {  	[smem:$0x3F90] =	sst s2  }
0xb: {  	[smem:$0x3F91] =	sst s3  }
0xc: {  	[smem:$0x3F92] =	sst s4  }
0xd: {  	[smem:$0x3F93] =	sst s5  }
0xe: {  	[smem:$0x3F94] =	sst s6  }
0xf: {  	[smem:$0x3F95] =	sst s7  }
0x10: {  	[smem:$0x3F96] =	sst s8  }
0x11: {  	[smem:$0x3F97] =	sst s9;
	s0 =	simm.s32 @!p0 $0x0  }
0x12: {  	s1 =	sld [smem:$0x3F7D];
	s0 =	simm.s32 @p0 $0x1  }
0x13: {  	[smem:$0x3F98] =	sst s0;
	s0 =	simm.s32 @!p1 $0x0  }
0x14: {  	s2 =	sld [smem:$0x3F7C];
	s0 =	simm.s32 @p1 $0x1  }
0x15: {  	[smem:$0x3F99] =	sst s0;
	s0 =	simm.s32 @!p2 $0x0  }
0x16: {  	s3 =	sld [smem:$0x3FDB];
	s0 =	simm.s32 @p2 $0x1  }
0x17: {  	s4 =	simm.s32 $0x1BF5;
	[smem:$0x3F9B] =	sst s0  }
0x18: {  	s0 =	sld [smem:$0x3F7E];
	_ =	swait.ge [sflag:s4], $0x0  }
0x19: {  	s7 =	sld [smem:$0x3F7F]  }
0x1a: {  	s8 =	sadd.s32 $0xFFFFE003, lr  }
0x1b: {  	s9 =	sadd.s32 $0xFFFFFEF7, lr;
	s5 =	simm.s32 $0xFFFFFFFF;
	p2 =	slt.u32 s8, $0xFFFFF086  }
0x1c: {  	p1 =	slt.u32 s9, $0xF7A;
	s5 =	simm.s32 @!p2 $0x0  }
0x1d: {  	s5 =	simm.s32 @p1 $0x1;
	p0 =	seq.s32 s7, s2  }
0x1e: {  	s7 =	smul.u32 @!p0 $0xF7A, s2;
	p2 =	seq.s32 @!p0 s5, $0x0  }
0x1f: {  	s9 =	smul.u32 $0xF7A, s1;
	s8 =	simm.s32 @!p0 $0x1BF5;
	p2 =	por !p2, p0  }
0x20: {  	[sflag:s8] =	ssyncset.s32 @!p0 $0xFFFFF086;
	s6 =	sadd.s32 @!p0 s3, s7;
	s7 =	simm.s32 @!p0 $0x108  }
0x21: {  	s3 =	sadd.s32 s3, s9;
	s6 =	sadd.s32 @!p0 $0x88, s6;
	s7 =	simm.s32 @p2 $0x1082  }
0x22: {  	[simem:s7], [sflag:s8] =	dma.local @!p0 [hbm:s6], $0xF7A  }
0x23: {  	s9 =	sor.u32 $0xD0000000, s2;
	s6 =	simm.s32 $0x108;
	_ =	swait.ge @!p0 [sflag:s8], $0x0  }
0x24: {  	s3 =	sadd.s32 $0x88, s3;
	s6 =	simm.s32 @!p1 $0x1082;
	[sflag:s4] =	ssyncset.s32 $0xFFFFF086  }
0x25: {  	[simem:s6], [sflag:s4] =	dma.local [hbm:s3], $0xF7A  }
0x26: {  	[smem:$0x3F7F] =	sst s1;
	(tag) =	ssettag s2;
	_ =	strace s9  }
0x27: {  	s1 =	sld [smem:$0x3F8F]  }
0x28: {  	s2 =	sld [smem:$0x3F90]  }
0x29: {  	s4 =	sld [smem:$0x3F92]  }
0x2a: {  	p0 =	seq.s32 s5, $0x0;
	s5 =	sld [smem:$0x3F93]  }
0x2b: {  	s6 =	sld [smem:$0x3F94]  }
0x2c: {  	s7 =	sld [smem:$0x3F95]  }
0x2d: {  	s3 =	simm.s32 $0x108;
	s8 =	sld [smem:$0x3F96]  }
0x2e: {  	s3 =	simm.s32 @!p0 $0x1082;
	s9 =	sld [smem:$0x3F97]  }
0x2f: {  	lr =	sadd.s32 s0, s3;
	s0 =	sld [smem:$0x3F8E]  }
0x30: {  	s3 =	sld [smem:$0x3F91]  }
0x31: {  	[smem:$0x3F9A] =	sst s10  }
0x32: {  	s10 =	sld [smem:$0x3F98];
	_ =	sdelay $0x3  }
0x33: {  	p0 =	seq.s32 s10, $0x1;
	s10 =	sld [smem:$0x3F9A];
	_ =	sdelay $0x3  }
0x34: {  	[smem:$0x3F9A] =	sst s10  }
0x35: {  	s10 =	sld [smem:$0x3F99];
	_ =	sdelay $0x3  }
0x36: {  	p1 =	seq.s32 s10, $0x1;
	s10 =	sld [smem:$0x3F9A];
	_ =	sdelay $0x3  }
0x37: {  	[smem:$0x3F9A] =	sst s10  }
0x38: {  	s10 =	sld [smem:$0x3F9B]  }
0x39: {  	_ = 	snop;
	(pc) =	sbr.ind lr, $3  }
0x3a: {  	_ = 	snop  }
0x3b: {  	_ = 	snop  }
0x3c: {  	p2 =	seq.s32 s10, $0x1;
	s10 =	sld [smem:$0x3F9A]  }
0x3d: {  	_ =	shalt  }
0x3e: {  	_ =	shalt  }
0x3f: {  	_ =	shalt  }
0x40: {  	_ =	shalt  }
0x41: {  	_ =	shalt  }
0x42: {  	_ =	shalt  }
0x43: {  	_ =	shalt  }
0x44: {  	_ =	shalt  }
0x45: {  	_ =	shalt  }
0x46: {  	_ =	shalt  }
0x47: {  	_ =	shalt  }
0x48: {  	_ =	shalt  }
0x49: {  	_ =	shalt  }
0x4a: {  	_ =	shalt  }
0x4b: {  	_ =	shalt  }
0x4c: {  	_ =	shalt  }
0x4d: {  	_ =	shalt  }
0x4e: {  	_ =	shalt  }
0x4f: {  	_ =	shalt  }
0x50: {  	_ =	shalt  }
0x51: {  	_ =	shalt  }
0x52: {  	_ =	shalt  }
0x53: {  	_ =	shalt  }
0x54: {  	_ =	shalt  }
0x55: {  	_ =	shalt  }
0x56: {  	_ =	shalt  }
0x57: {  	_ =	shalt  }
0x58: {  	_ =	shalt  }
0x59: {  	_ =	shalt  }
0x5a: {  	_ =	shalt  }
0x5b: {  	_ =	shalt  }
0x5c: {  	_ =	shalt  }
0x5d: {  	_ =	shalt  }
0x5e: {  	_ =	shalt  }
0x5f: {  	_ =	shalt  }
0x60: {  	_ =	shalt  }
0x61: {  	_ =	shalt  }
0x62: {  	_ =	shalt  }
0x63: {  	_ =	shalt  }
0x64: {  	_ =	shalt  }
0x65: {  	_ =	shalt  }
0x66: {  	_ =	shalt  }
0x67: {  	_ =	shalt  }
0x68: {  	_ =	shalt  }
0x69: {  	_ =	shalt  }
0x6a: {  	_ =	shalt  }
0x6b: {  	_ =	shalt  }
0x6c: {  	_ =	shalt  }
0x6d: {  	_ =	shalt  }
0x6e: {  	_ =	shalt  }
0x6f: {  	_ =	shalt  }
0x70: {  	_ =	shalt  }
0x71: {  	_ =	shalt  }
0x72: {  	_ =	shalt  }
0x73: {  	_ =	shalt  }
0x74: {  	_ =	shalt  }
0x75: {  	_ =	shalt  }
0x76: {  	_ =	shalt  }
0x77: {  	_ =	shalt  }
0x78: {  	_ =	shalt  }
0x79: {  	_ =	shalt  }
0x7a: {  	_ =	shalt  }
0x7b: {  	_ =	shalt  }
0x7c: {  	_ =	shalt  }
0x7d: {  	_ =	shalt  }
0x7e: {  	_ =	shalt  }
0x7f: {  	_ =	shalt  }
0x80: {  	_ =	shalt  }
0x81: {  	_ =	shalt  }
0x82: {  	_ =	shalt  }
0x83: {  	_ =	shalt  }
0x84: {  	_ =	shalt  }
0x85: {  	_ =	shalt  }
0x86: {  	_ =	shalt  }
0x87: {  	_ =	shalt  }
.Lfunc_end0:
.L_simem_size_0:
called_computation.1_lowered:
.L_overlay_start_0:
0x88: {  	s2 =	sld [smem:$0x3FD9]  }
0x89: {  	s3 =	sld [smem:$0x3FFE];
	_ =	sdelay $0x1  }
0x8a: {  	s1 =	srdreg.scid  }
0x8b: {  	s0 =	sand.u32 $0x1, s1  }
0x8c: {  	s16 =	sshll.u32 s0, $0xA;
	s2 =	sadd.s32 s3, s2  }
0x8d: {  	s2 =	sadd.s32 s2, s16  }
0x8e: {  	[smem:$0x3FA6] =	sst s2  }
0x8f: {  	_ = 	snop  }
0x90: {  	(tm) =	ssettm $0x1  }
0x91: {  	s17 =	sld [smem:$0x3FFB];
	_ =	sdelay $0x3  }
0x92: {  	_ =	strace s17  }
0x93: {  	s2 =	sld [smem:$0x3FFC];
	_ =	sdelay $0x3  }
0x94: {  	_ =	strace s2  }
0x95: {  	s2 =	sld [smem:$0x3FFD];
	_ =	sdelay $0x3  }
0x96: {  	_ =	strace s2  }
0x97: {  	_ =	strace $0x8FFFFFFF  }
0x98: {  	s18 =	sld [smem:$0x3FDB];
	_ =	sdelay $0x1  }
0x99: {  	s19 =	simm.s32 $_scs_section_size  }
0x9a: {  	s4 =	simm.s32 $_size__tile_overlayer_lowered;
	s5 =	simm.s32 $_tile_overlayer_lowered  }
0x9b: {  	s22 =	simm.s32 $0x1BFF;
	s21 =	sshll.u32 s5, $0x1;
	s2 =	sadd.s32 s19, s18  }
0x9c: {  	s6 =	simm.s32 $0x0;
	s20 =	sshll.u32 s4, $0x1;
	s4 =	sadd.s32 s21, s2  }
0x9d: {  	[timem:s6], [sflag:s22] =	dma.local [hbm:s4], s20  }
0x9e: {  	_ =	swait.ge [sflag:s22], s20  }
0x9f: {  	s3 =	ssub.s32 $0x0, s20;
	[sflag:s22] =	ssyncset.done $0x0  }
0xa0: {  	[sflag:s22] =	ssyncadd.s32 s3;
	_ =	sdelay $0x1  }
0xa1: {  	s23 =	simm.s32 $0x1B8B  }
0xa2: {  	_ =	swait.ge [sflag:s23], $0x1  }
0xa3: {  	[sflag:s23] =	ssyncset.done $0x0  }
0xa4: {  	s25 =	simm.s32 $0x1B8E;
	s24 =	sld [smem:$0x3FFE];
	[sflag:s23] =	ssyncadd.s32 $0xFFFFFFFF  }
0xa5: {  	s26 =	simm.s32 $execute0_lowered;
	[smem:$0x3FD2] =	sst s25  }
0xa6: {  	s4 =	sshll.u32 s26, $0x1;
	_ =	strace $0x80000049;
	[dreg:$0x1] =	wrdreg $0xFFFFFFFF  }
0xa7: {  	s28 =	simm.s32 $_size_execute0_lowered;
	s2 =	sadd.s32 s2, s4;
	[dreg:$0x0] =	wrdreg $0x0  }
0xa8: {  	s4 =	sshll.u32 s28, $0x1;
	[dreg:$0x2] =	wrdreg s2  }
0xa9: {  	[dreg:$0x3] =	wrdreg s4  }
0xaa: {  	[dreg:$0x4] =	wrdreg $0xC0  }
0xab: {  	_ =	task [dreg:s6], $0x5FFFF  }
0xac: {  	[dreg:$0x1] =	wrdreg $0xFFFFFFFF  }
0xad: {  	[dreg:$0x0] =	wrdreg $0x60  }
0xae: {  	[dreg:$0x2] =	wrdreg s24  }
0xaf: {  	[dreg:$0x3] =	wrdreg $0xA8000  }
0xb0: {  	[dreg:$0x4] =	wrdreg $0x9  }
0xb1: {  	_ =	task.clear_ibuf [dreg:s6], $0x5FFFF;
	_ =	strace $0x90000049  }
0xb2: {  	s29 =	simm.s32 $0x9;
	_ =	strace $0x8000004B  }
0xb3: {  	_ =	swait.ge [sflag:s29], $0x1  }
0xb4: {  	[sflag:s29] =	ssyncadd.s32 $0xFFFFFFFF  }
0xb5: {  	_ =	strace $0x9000004B  }
0xb6: {  	_ =	sfence  }
0xb7: {  	s30 =	sld [smem:$0x0];
	_ =	sdelay $0x2  }
0xb8: {  	s31 =	sshll.u32 s1, $0xD;
	s1 =	sshrl.u32 s1, $0x2  }
0xb9: {  	s3 =	sand.u32 $0x4000, s31;
	s1 =	sadd.s32 s1, s30  }
0xba: {  	s0 =	sor.u32 s3, s0;
	s1 =	sshll.u32 s1, $0x11  }
0xbb: {  	s0 =	sor.u32 s1, s0  }
0xbc: {  	s0 =	sadd.s32 $0x8F2B, s0  }
0xbd: {  	[sflag:s0] =	ssyncadd.remote.s32 $0x1  }
0xbe: {  	_ =	sfence.sel $0xFFFF  }
0xbf: {  	[dreg:$0x0] =	wrdreg $0xFFFFFFFF;
	(pc) =	sbr.abs _section_cstart, $3  }
0xc0: {  	[dreg:$0x1] =	wrdreg $0xFFFFFFFF  }
0xc1: {  	_ =	task.clear_ibuf [dreg:s6], $0x2FFFF;
	_ =	strace $0x9FFFFFFF  }
0xc2: {  	(tm) =	ssettm $0x7FFFFFFF  }
0xc3: {  	_ =	shalt  }
tec
execute0_lowered:
.L_overlay_start_1:
0x0: {  	(tag) =	ssettag $0x1  }
0x1: {  	s1 =	srdreg.scid  }
0x2: {  	s0 =	stileid.u32;
	s5 =	rddreg [dreg:$0x0]  }
0x3: {  	s2 =	rddreg [dreg:$0x1];
	s3 =	simm.s32 $0x0;
	s20 =	simm.s32 $0x6800  }
0x4: {  	s21 =	simm.s32 $0x1;
	s22 =	simm.s32 $0x80;
	s23 =	simm.s32 $0x2  }
0x5: {  	s24 =	simm.s32 $0x2700;
	s25 =	simm.s32 $0x2780;
	s4 =	sand.u32 $0x1, s1  }
0x6: {  	s26 =	sshll.u32 s0, $0x1;
	s1 =	rddreg [dreg:$0x2];
	s9 =	smul.u32 $0x14000, s0  }
0x7: {  	[smem:$0x7FF] =	sst s3;
	s12 =	sadd.s32 $0xF24C00, s5;
	s13 =	smul.u32 $0x50000, s0  }
0x8: {  	s29 =	sshll.u32 s0, $0x6;
	s30 =	smul.u32 $0x280000, s0;
	s6 =	sor.u32 s4, s26  }
0x9: {  	s8 =	smul.u32 $0x140000, s4;
	_ =	strace $0x8000004A;
	s10 =	ssub.s32 $0x2, s4  }
0xa: {  	s4 =	sadd.s32 $0x7C00, s5;
	s26 =	simm.s32 $0x0;
	s7 =	smul.u32 $0x500, s6  }
0xb: {  	s11 =	sshrl.u32 s10, $0x1;
	s28 =	sshrl.u32 s13, $0x2;
	s6 =	smul.u32 $0x28000, s6  }
0xc: {  	s9 =	sadd.s32 s9, s8;
	s10 =	ssub.s32 s10, s11;
	s13 =	sadd.s32 s28, s2  }
0xd: {  	s11 =	sadd.s32 s8, s30;
	s7 =	sadd.s32 s7, s5;
	s9 =	sshrl.u32 s9, $0x3  }
0xe: {  	s15 =	sadd.s32 $0x4000, s13;
	s16 =	sadd.s32 $0x8000, s13;
	s17 =	sadd.s32 $0xC000, s13  }
0xf: {  	s18 =	sadd.s32 $0x10000, s13;
	s6 =	sadd.s32 s12, s6;
	s14 =	sor.u32 $0xC000, s11  }
0x10: {  	s19 =	sor.u32 $0x8000, s11;
	s10 =	smax.u32 s10, $0x1;
	s13 =	sshrl.u32 s13, $0x3  }
0x11: {  	s9 =	sadd.s32 s9, s5;
	s5 =	sor.u32 $0x1C03, s29;
	s7 =	sadd.s32 $0x542C00, s7  }
0x12: {  	s8 =	sadd.s32 $0x800, s6;
	s14 =	sshrl.u32 s14, $0x3;
	s31 =	sshrl.u32 s19, $0x3  }
0x13: {  	s15 =	sshrl.u32 s15, $0x3;
	s16 =	sshrl.u32 s16, $0x3;
	s17 =	sshrl.u32 s17, $0x3  }
0x14: {  	s18 =	sshrl.u32 s18, $0x3;
	s19 =	simm.s32 $0x2800;
	s9 =	sadd.s32 $0x54CC00, s9  }
0x15: {  	s11 =	sadd.s32 s14, s12;
	s12 =	sadd.s32 s31, s12;
	s14 =	simm.s32 $0x3  }
.LBB2_1:
0x16: {  	[spmem:s13], [sflag:s5] =	dma.local [hbm:s4], $0x800  }
0x17: {  	_ =	swait.ge [sflag:s14], $0x800  }
0x18: {  	[sflag:s14] =	ssyncset.done $0x0  }
0x19: {  	[sflag:s14] =	ssyncadd.s32 $0xFFFFF800  }
0x1a: {  	[spmem:s15], [sflag:s5] =	dma.local [hbm:s4], $0x800  }
0x1b: {  	_ =	swait.ge [sflag:s14], $0x800  }
0x1c: {  	[sflag:s14] =	ssyncset.done $0x0  }
0x1d: {  	[sflag:s14] =	ssyncadd.s32 $0xFFFFF800  }
0x1e: {  	[spmem:s16], [sflag:s5] =	dma.local [hbm:s4], $0x800  }
0x1f: {  	_ =	swait.ge [sflag:s14], $0x800  }
0x20: {  	[sflag:s14] =	ssyncset.done $0x0  }
0x21: {  	[sflag:s14] =	ssyncadd.s32 $0xFFFFF800  }
0x22: {  	[spmem:s17], [sflag:s5] =	dma.local [hbm:s4], $0x800  }
0x23: {  	_ =	swait.ge [sflag:s14], $0x800  }
0x24: {  	[sflag:s14] =	ssyncset.done $0x0  }
0x25: {  	[sflag:s14] =	ssyncadd.s32 $0xFFFFF800  }
0x26: {  	[spmem:s18], [sflag:s5] =	dma.local [hbm:s4], $0x800  }
0x27: {  	_ =	swait.ge [sflag:s14], $0x800  }
0x28: {  	[sflag:s14] =	ssyncset.done $0x0  }
0x29: {  	[sflag:s14] =	ssyncadd.s32 $0xFFFFF800  }
0x2a: {  	[tilespmem:s3], [sflag:$0x3] =	stream.linear.gather [hbm4b:s7+s3], $0x2800, $0x38;
	[tilespmem:$0x1E800] =	vst v63  }
0x2b: {  	_ =	swait.ge [sflag:s14], $0x2800  }
0x2c: {  	[sflag:s14] =	ssyncset.done $0x0  }
0x2d: {  	[sflag:s14] =	ssyncadd.s32 $0xFFFFD800  }
0x2e: {  	[bflag:$0x0] =	sbarrier.arrive $0xFFFF  }
0x2f: {  	[tilespmem:s19], [sflag:$0x1] =	stream.linear.gather [hbm4b:s6+s3], $0x4000, $0x38;
	[tilespmem:$0x1E800] =	vst v63  }
0x30: {  	_ = 	snop  }
0x31: {  	[tilespmem:s20], [sflag:$0x2] =	stream.linear.gather [hbm4b:s8+s3], $0x4000, $0x38;
	[tilespmem:$0x1E800] =	vst v63  }
0x32: {  	_ =	swait.ge [sflag:s21], $0x4000  }
0x33: {  	[sflag:s21] =	ssyncset.done $0x0  }
0x34: {  	s28 =	simm.s32 $0x0;
	[sflag:s21] =	ssyncadd.s32 $0xFFFFC000  }
0x35: {  	[spmem:s2] =	stream.indirect.scatter.add.f32 [tilespmem:s19], [sflag:$0x3], $0x80, s28, s22, $0xb8;
	[tilespmem:$0x1E800] =	vst v63  }
0x36: {  	_ =	swait.ge [sflag:s14], $0x4000  }
0x37: {  	[sflag:s14] =	ssyncset.done $0x0  }
0x38: {  	s28 =	sadd.s32 $0x0, s12;
	[sflag:s14] =	ssyncadd.s32 $0xFFFFC000  }
0x39: {  	[tilespmem:s19], [sflag:$0x1] =	stream.linear.gather [hbm4b:s28+s3], $0x4000, $0x38;
	[tilespmem:$0x1E800] =	vst v63  }
0x3a: {  	_ =	swait.ge [sflag:s23], $0x4000  }
0x3b: {  	[sflag:s23] =	ssyncset.done $0x0  }
0x3c: {  	[sflag:s23] =	ssyncadd.s32 $0xFFFFC000  }
0x3d: {  	[spmem:s2] =	stream.indirect.scatter.add.f32 [tilespmem:s20], [sflag:$0x3], $0x80, s22, s22, $0xb8;
	[tilespmem:$0x1E800] =	vst v63  }
0x3e: {  	_ =	swait.ge [sflag:s14], $0x4000  }
0x3f: {  	s30 =	sadd.s32 $0x0, s11;
	[sflag:s14] =	ssyncset.done $0x0  }
0x40: {  	s29 =	simm.s32 $0x180;
	s28 =	simm.s32 $0x1000;
	[sflag:s14] =	ssyncadd.s32 $0xFFFFC000  }
.LBB2_2:
0x41: {  	[tilespmem:s20], [sflag:$0x2] =	stream.linear.gather [hbm4b:s30+s3], $0x4000, $0x38;
	[tilespmem:$0x1E800] =	vst v63  }
0x42: {  	s30 =	smov.u32 s28  }
0x43: {  	p0 =	sne.s32 s28, $0x26000;
	s28 =	sadd.s32 $0x1000, s28;
	_ =	swait.ge [sflag:s21], $0x4000  }
0x44: {  	[sflag:s21] =	ssyncset.done $0x0  }
0x45: {  	s31 =	sadd.s32 $0xFFFFFF80, s29;
	[sflag:s21] =	ssyncadd.s32 $0xFFFFC000  }
0x46: {  	[spmem:s2] =	stream.indirect.scatter.add.f32 [tilespmem:s19], [sflag:$0x3], $0x80, s31, s22, $0xb8;
	[tilespmem:$0x1E800] =	vst v63  }
0x47: {  	_ =	swait.ge [sflag:s14], $0x4000  }
0x48: {  	[sflag:s14] =	ssyncset.done $0x0  }
0x49: {  	s31 =	sadd.s32 s30, s12;
	[sflag:s14] =	ssyncadd.s32 $0xFFFFC000  }
0x4a: {  	[tilespmem:s19], [sflag:$0x1] =	stream.linear.gather [hbm4b:s31+s3], $0x4000, $0x38;
	[tilespmem:$0x1E800] =	vst v63  }
0x4b: {  	_ =	swait.ge [sflag:s23], $0x4000  }
0x4c: {  	[sflag:s23] =	ssyncset.done $0x0  }
.Ltmp0:
0x4d: {  	[sflag:s23] =	ssyncadd.s32 $0xFFFFC000;
	(pc) =	sbr.rel @p0 .LBB2_2-.Ltmp0, $4  }
0x4e: {  	[spmem:s2] =	stream.indirect.scatter.add.f32 [tilespmem:s20], [sflag:$0x3], $0x80, s29, s22, $0xb8;
	[tilespmem:$0x1E800] =	vst v63  }
0x4f: {  	_ =	swait.ge [sflag:s14], $0x4000  }
0x50: {  	[sflag:s14] =	ssyncset.done $0x0  }
0x51: {  	s30 =	sadd.s32 s30, s11;
	s29 =	sadd.s32 $0x100, s29;
	[sflag:s14] =	ssyncadd.s32 $0xFFFFC000  }
0x52: {  	[tilespmem:s20], [sflag:$0x2] =	stream.linear.gather [hbm4b:s30+s3], $0x4000, $0x38;
	[tilespmem:$0x1E800] =	vst v63  }
0x53: {  	_ =	swait.ge [sflag:s21], $0x4000  }
0x54: {  	[sflag:s21] =	ssyncset.done $0x0  }
0x55: {  	[sflag:s21] =	ssyncadd.s32 $0xFFFFC000  }
0x56: {  	[spmem:s2] =	stream.indirect.scatter.add.f32 [tilespmem:s19], [sflag:$0x3], $0x80, s24, s22, $0xb8;
	[tilespmem:$0x1E800] =	vst v63  }
0x57: {  	_ =	swait.ge [sflag:s14], $0x4000  }
0x58: {  	[sflag:s14] =	ssyncset.done $0x0  }
0x59: {  	[sflag:s14] =	ssyncadd.s32 $0xFFFFC000  }
0x5a: {  	_ =	swait.ge [sflag:s23], $0x4000  }
0x5b: {  	[sflag:s23] =	ssyncset.done $0x0  }
0x5c: {  	[sflag:s23] =	ssyncadd.s32 $0xFFFFC000  }
0x5d: {  	[spmem:s2] =	stream.indirect.scatter.add.f32 [tilespmem:s20], [sflag:$0x3], $0x80, s25, s22, $0xb8;
	[tilespmem:$0x1E800] =	vst v63  }
0x5e: {  	_ =	swait.ge [sflag:s14], $0x4000  }
0x5f: {  	s26 =	sadd.s32 $0x1, s26;
	[sflag:s14] =	ssyncset.done $0x0  }
0x60: {  	p0 =	sne.s32 s26, s10;
	[sflag:s14] =	ssyncadd.s32 $0xFFFFC000  }
.Ltmp1:
0x61: {  	[bflag:$0x0] =	sbarrier.arrive $0xFFFF;
	(pc) =	sbr.rel @p0 .LBB2_1-.Ltmp1, $4  }
0x62: {  	[hbm:s9], [sflag:s5] =	dma.local [spmem:s13], $0x2800  }
0x63: {  	_ =	swait.ge [sflag:s14], $0x2800  }
0x64: {  	[sflag:s14] =	ssyncset.done $0x0  }
0x65: {  	[sflag:s14] =	ssyncadd.s32 $0xFFFFD800  }
0x66: {  	_ =	sfence.sel $0x180000  }
0x67: {  	[bflag:$0x0] =	sbarrier.arrive $0xFFFF  }
0x68: {  	p0 =	sne.s32 s0, $0x0;
	_ =	strace $0x9000004A  }
0x69: {  	s0 =	sadd.s32 @!p0 $0x100000, s1;
	[bflag:$0x2] =	sbarrier.arrive $0xFFFF  }
0x6a: {  	[sflag:s0] =	ssyncadd.tile.s32 @!p0 $0x1;
	_ =	shalt  }
.Lfunc_end2:
_tile_overlayer_lowered:
.L_overlay_start_2:
0x6b: {  	(tag) =	ssettag $0x2  }
0x6c: {  	s0 =	rddreg [dreg:$0x0];
	s2 =	stileid.u32  }
0x6d: {  	s1 =	rddreg [dreg:$0x1];
	p0 =	sne.s32 s2, $0x0  }
0x6e: {  	s3 =	rddreg [dreg:$0x2];
	[bflag:$0x3] =	sbarrier.arrive $0xFFFF;
	s2 =	simm.s32 @!p0 $0x1C03  }
0x6f: {  	[timem:s3], [sflag:s2] =	dma.local @!p0 [hbm:s0], s1  }
0x70: {  	s0 =	simm.s32 @!p0 $0x3  }
0x71: {  	_ =	swait.ge @!p0 [sflag:s0], s1  }
0x72: {  	s1 =	ssub.s32 @!p0 $0x0, s1;
	[sflag:s0] =	ssyncset.done @!p0 $0x0  }
0x73: {  	[sflag:s0] =	ssyncadd.s32 @!p0 s1  }
0x74: {  	[bflag:$0x3] =	sbarrier.arrive $0xFFFF  }
0x75: {  	_ =	shalt  }

// kernel: kernel.22.cloned.1.call-start
scs
__scs_entry_jumppad:
0x0: {  	(pc) =	sbr.rel $0x88, $3  }
0x1: {  	(tag) =	ssettag $0x0;
	lr =	simm.s32 $0x1  }
0x2: {  	[smem:$0x3F7F] =	sst lr;
	_ =	strace $0xD0000000  }
0x3: {  	_ = 	snop  }
0x4: {  	_ = 	snop  }
0x5: {  	_ = 	snop  }
0x6: {  	_ = 	snop  }
0x7: {  	_ = 	snop  }
__scs_overlays_trampoline_lowered:
0x8: {  	[smem:$0x3F8E] =	sst s0  }
0x9: {  	[smem:$0x3F8F] =	sst s1  }
0xa: {  	[smem:$0x3F90] =	sst s2  }
0xb: {  	[smem:$0x3F91] =	sst s3  }
0xc: {  	[smem:$0x3F92] =	sst s4  }
0xd: {  	[smem:$0x3F93] =	sst s5  }
0xe: {  	[smem:$0x3F94] =	sst s6  }
0xf: {  	[smem:$0x3F95] =	sst s7  }
0x10: {  	[smem:$0x3F96] =	sst s8  }
0x11: {  	[smem:$0x3F97] =	sst s9;
	s0 =	simm.s32 @!p0 $0x0  }
0x12: {  	s1 =	sld [smem:$0x3F7D];
	s0 =	simm.s32 @p0 $0x1  }
0x13: {  	[smem:$0x3F98] =	sst s0;
	s0 =	simm.s32 @!p1 $0x0  }
0x14: {  	s2 =	sld [smem:$0x3F7C];
	s0 =	simm.s32 @p1 $0x1  }
0x15: {  	[smem:$0x3F99] =	sst s0;
	s0 =	simm.s32 @!p2 $0x0  }
0x16: {  	s3 =	sld [smem:$0x3FDB];
	s0 =	simm.s32 @p2 $0x1  }
0x17: {  	s4 =	simm.s32 $0x1BF5;
	[smem:$0x3F9B] =	sst s0  }
0x18: {  	s0 =	sld [smem:$0x3F7E];
	_ =	swait.ge [sflag:s4], $0x0  }
0x19: {  	s7 =	sld [smem:$0x3F7F]  }
0x1a: {  	s8 =	sadd.s32 $0xFFFFE003, lr  }
0x1b: {  	s9 =	sadd.s32 $0xFFFFFEF7, lr;
	s5 =	simm.s32 $0xFFFFFFFF;
	p2 =	slt.u32 s8, $0xFFFFF086  }
0x1c: {  	p1 =	slt.u32 s9, $0xF7A;
	s5 =	simm.s32 @!p2 $0x0  }
0x1d: {  	s5 =	simm.s32 @p1 $0x1;
	p0 =	seq.s32 s7, s2  }
0x1e: {  	s7 =	smul.u32 @!p0 $0xF7A, s2;
	p2 =	seq.s32 @!p0 s5, $0x0  }
0x1f: {  	s9 =	smul.u32 $0xF7A, s1;
	s8 =	simm.s32 @!p0 $0x1BF5;
	p2 =	por !p2, p0  }
0x20: {  	[sflag:s8] =	ssyncset.s32 @!p0 $0xFFFFF086;
	s6 =	sadd.s32 @!p0 s3, s7;
	s7 =	simm.s32 @!p0 $0x108  }
0x21: {  	s3 =	sadd.s32 s3, s9;
	s6 =	sadd.s32 @!p0 $0x88, s6;
	s7 =	simm.s32 @p2 $0x1082  }
0x22: {  	[simem:s7], [sflag:s8] =	dma.local @!p0 [hbm:s6], $0xF7A  }
0x23: {  	s9 =	sor.u32 $0xD0000000, s2;
	s6 =	simm.s32 $0x108;
	_ =	swait.ge @!p0 [sflag:s8], $0x0  }
0x24: {  	s3 =	sadd.s32 $0x88, s3;
	s6 =	simm.s32 @!p1 $0x1082;
	[sflag:s4] =	ssyncset.s32 $0xFFFFF086  }
0x25: {  	[simem:s6], [sflag:s4] =	dma.local [hbm:s3], $0xF7A  }
0x26: {  	[smem:$0x3F7F] =	sst s1;
	(tag) =	ssettag s2;
	_ =	strace s9  }
0x27: {  	s1 =	sld [smem:$0x3F8F]  }
0x28: {  	s2 =	sld [smem:$0x3F90]  }
0x29: {  	s4 =	sld [smem:$0x3F92]  }
0x2a: {  	p0 =	seq.s32 s5, $0x0;
	s5 =	sld [smem:$0x3F93]  }
0x2b: {  	s6 =	sld [smem:$0x3F94]  }
0x2c: {  	s7 =	sld [smem:$0x3F95]  }
0x2d: {  	s3 =	simm.s32 $0x108;
	s8 =	sld [smem:$0x3F96]  }
0x2e: {  	s3 =	simm.s32 @!p0 $0x1082;
	s9 =	sld [smem:$0x3F97]  }
0x2f: {  	lr =	sadd.s32 s0, s3;
	s0 =	sld [smem:$0x3F8E]  }
0x30: {  	s3 =	sld [smem:$0x3F91]  }
0x31: {  	[smem:$0x3F9A] =	sst s10  }
0x32: {  	s10 =	sld [smem:$0x3F98];
	_ =	sdelay $0x3  }
0x33: {  	p0 =	seq.s32 s10, $0x1;
	s10 =	sld [smem:$0x3F9A];
	_ =	sdelay $0x3  }
0x34: {  	[smem:$0x3F9A] =	sst s10  }
0x35: {  	s10 =	sld [smem:$0x3F99];
	_ =	sdelay $0x3  }
0x36: {  	p1 =	seq.s32 s10, $0x1;
	s10 =	sld [smem:$0x3F9A];
	_ =	sdelay $0x3  }
0x37: {  	[smem:$0x3F9A] =	sst s10  }
0x38: {  	s10 =	sld [smem:$0x3F9B]  }
0x39: {  	_ = 	snop;
	(pc) =	sbr.ind lr, $3  }
0x3a: {  	_ = 	snop  }
0x3b: {  	_ = 	snop  }
0x3c: {  	p2 =	seq.s32 s10, $0x1;
	s10 =	sld [smem:$0x3F9A]  }
0x3d: {  	_ =	shalt  }
0x3e: {  	_ =	shalt  }
0x3f: {  	_ =	shalt  }
0x40: {  	_ =	shalt  }
0x41: {  	_ =	shalt  }
0x42: {  	_ =	shalt  }
0x43: {  	_ =	shalt  }
0x44: {  	_ =	shalt  }
0x45: {  	_ =	shalt  }
0x46: {  	_ =	shalt  }
0x47: {  	_ =	shalt  }
0x48: {  	_ =	shalt  }
0x49: {  	_ =	shalt  }
0x4a: {  	_ =	shalt  }
0x4b: {  	_ =	shalt  }
0x4c: {  	_ =	shalt  }
0x4d: {  	_ =	shalt  }
0x4e: {  	_ =	shalt  }
0x4f: {  	_ =	shalt  }
0x50: {  	_ =	shalt  }
0x51: {  	_ =	shalt  }
0x52: {  	_ =	shalt  }
0x53: {  	_ =	shalt  }
0x54: {  	_ =	shalt  }
0x55: {  	_ =	shalt  }
0x56: {  	_ =	shalt  }
0x57: {  	_ =	shalt  }
0x58: {  	_ =	shalt  }
0x59: {  	_ =	shalt  }
0x5a: {  	_ =	shalt  }
0x5b: {  	_ =	shalt  }
0x5c: {  	_ =	shalt  }
0x5d: {  	_ =	shalt  }
0x5e: {  	_ =	shalt  }
0x5f: {  	_ =	shalt  }
0x60: {  	_ =	shalt  }
0x61: {  	_ =	shalt  }
0x62: {  	_ =	shalt  }
0x63: {  	_ =	shalt  }
0x64: {  	_ =	shalt  }
0x65: {  	_ =	shalt  }
0x66: {  	_ =	shalt  }
0x67: {  	_ =	shalt  }
0x68: {  	_ =	shalt  }
0x69: {  	_ =	shalt  }
0x6a: {  	_ =	shalt  }
0x6b: {  	_ =	shalt  }
0x6c: {  	_ =	shalt  }
0x6d: {  	_ =	shalt  }
0x6e: {  	_ =	shalt  }
0x6f: {  	_ =	shalt  }
0x70: {  	_ =	shalt  }
0x71: {  	_ =	shalt  }
0x72: {  	_ =	shalt  }
0x73: {  	_ =	shalt  }
0x74: {  	_ =	shalt  }
0x75: {  	_ =	shalt  }
0x76: {  	_ =	shalt  }
0x77: {  	_ =	shalt  }
0x78: {  	_ =	shalt  }
0x79: {  	_ =	shalt  }
0x7a: {  	_ =	shalt  }
0x7b: {  	_ =	shalt  }
0x7c: {  	_ =	shalt  }
0x7d: {  	_ =	shalt  }
0x7e: {  	_ =	shalt  }
0x7f: {  	_ =	shalt  }
0x80: {  	_ =	shalt  }
0x81: {  	_ =	shalt  }
0x82: {  	_ =	shalt  }
0x83: {  	_ =	shalt  }
0x84: {  	_ =	shalt  }
0x85: {  	_ =	shalt  }
0x86: {  	_ =	shalt  }
0x87: {  	_ =	shalt  }
.Lfunc_end0:
.L_simem_size_0:
called_computation.2_lowered:
.L_overlay_start_0:
0x88: {  	s2 =	sld [smem:$0x3FD9]  }
0x89: {  	s3 =	sld [smem:$0x3FFE];
	_ =	sdelay $0x1  }
0x8a: {  	s1 =	srdreg.scid  }
0x8b: {  	s0 =	sand.u32 $0x1, s1  }
0x8c: {  	s16 =	sshll.u32 s0, $0xA;
	s2 =	sadd.s32 s3, s2  }
0x8d: {  	s2 =	sadd.s32 s2, s16  }
0x8e: {  	[smem:$0x3FA6] =	sst s2  }
0x8f: {  	_ = 	snop  }
0x90: {  	(tm) =	ssettm $0x1  }
0x91: {  	s17 =	sld [smem:$0x3FFB];
	_ =	sdelay $0x3  }
0x92: {  	_ =	strace s17  }
0x93: {  	s2 =	sld [smem:$0x3FFC];
	_ =	sdelay $0x3  }
0x94: {  	_ =	strace s2  }
0x95: {  	s2 =	sld [smem:$0x3FFD];
	_ =	sdelay $0x3  }
0x96: {  	_ =	strace s2  }
0x97: {  	_ =	strace $0x8FFFFFFF  }
0x98: {  	s18 =	sld [smem:$0x3FDB];
	_ =	sdelay $0x1  }
0x99: {  	s19 =	simm.s32 $_scs_section_size  }
0x9a: {  	s4 =	simm.s32 $_size__tile_overlayer_lowered;
	s5 =	simm.s32 $_tile_overlayer_lowered  }
0x9b: {  	s22 =	simm.s32 $0x1BFF;
	s21 =	sshll.u32 s5, $0x1;
	s2 =	sadd.s32 s19, s18  }
0x9c: {  	s6 =	simm.s32 $0x0;
	s20 =	sshll.u32 s4, $0x1;
	s4 =	sadd.s32 s21, s2  }
0x9d: {  	[timem:s6], [sflag:s22] =	dma.local [hbm:s4], s20  }
0x9e: {  	_ =	swait.ge [sflag:s22], s20  }
0x9f: {  	s3 =	ssub.s32 $0x0, s20;
	[sflag:s22] =	ssyncset.done $0x0  }
0xa0: {  	[sflag:s22] =	ssyncadd.s32 s3;
	_ =	sdelay $0x1  }
0xa1: {  	s23 =	simm.s32 $0x1B8B  }
0xa2: {  	_ =	swait.ge [sflag:s23], $0x1  }
0xa3: {  	[sflag:s23] =	ssyncset.done $0x0  }
0xa4: {  	s25 =	simm.s32 $0x1B8E;
	s24 =	sld [smem:$0x3FFE];
	[sflag:s23] =	ssyncadd.s32 $0xFFFFFFFF  }
0xa5: {  	s26 =	simm.s32 $execute0_lowered;
	[smem:$0x3FD2] =	sst s25  }
0xa6: {  	s4 =	sshll.u32 s26, $0x1;
	_ =	strace $0x8000004C;
	[dreg:$0x1] =	wrdreg $0xFFFFFFFF  }
0xa7: {  	s28 =	simm.s32 $_size_execute0_lowered;
	s2 =	sadd.s32 s2, s4;
	[dreg:$0x0] =	wrdreg $0x0  }
0xa8: {  	s4 =	sshll.u32 s28, $0x1;
	[dreg:$0x2] =	wrdreg s2  }
0xa9: {  	[dreg:$0x3] =	wrdreg s4  }
0xaa: {  	[dreg:$0x4] =	wrdreg $0xC0  }
0xab: {  	_ =	task [dreg:s6], $0x5FFFF  }
0xac: {  	[dreg:$0x1] =	wrdreg $0xFFFFFFFF  }
0xad: {  	[dreg:$0x0] =	wrdreg $0x60  }
0xae: {  	[dreg:$0x2] =	wrdreg s24  }
0xaf: {  	[dreg:$0x3] =	wrdreg $0x9  }
0xb0: {  	_ =	task.clear_ibuf [dreg:s6], $0x4FFFF;
	_ =	strace $0x9000004C  }
0xb1: {  	s29 =	simm.s32 $0x9;
	_ =	strace $0x8000004E  }
0xb2: {  	_ =	swait.ge [sflag:s29], $0x1  }
0xb3: {  	[sflag:s29] =	ssyncadd.s32 $0xFFFFFFFF  }
0xb4: {  	_ =	strace $0x9000004E  }
0xb5: {  	_ =	sfence  }
0xb6: {  	s30 =	sld [smem:$0x0];
	_ =	sdelay $0x2  }
0xb7: {  	s31 =	sshll.u32 s1, $0xD;
	s1 =	sshrl.u32 s1, $0x2  }
0xb8: {  	s3 =	sand.u32 $0x4000, s31;
	s1 =	sadd.s32 s1, s30  }
0xb9: {  	s0 =	sor.u32 s3, s0;
	s1 =	sshll.u32 s1, $0x11  }
0xba: {  	s0 =	sor.u32 s1, s0  }
0xbb: {  	s0 =	sadd.s32 $0x8F2B, s0  }
0xbc: {  	[sflag:s0] =	ssyncadd.remote.s32 $0x1  }
0xbd: {  	_ =	sfence.sel $0xFFFF  }
0xbe: {  	[dreg:$0x0] =	wrdreg $0xFFFFFFFF;
	(pc) =	sbr.abs _section_cstart, $3  }
0xbf: {  	[dreg:$0x1] =	wrdreg $0xFFFFFFFF  }
0xc0: {  	_ =	task.clear_ibuf [dreg:s6], $0x2FFFF;
	_ =	strace $0x9FFFFFFF  }
0xc1: {  	(tm) =	ssettm $0x7FFFFFFF  }
tec
execute0_lowered:
.L_overlay_start_1:
0x0: {  	(tag) =	ssettag $0x1  }
0x1: {  	s1 =	srdreg.scid  }
0x2: {  	s0 =	stileid.u32;
	s4 =	rddreg [dreg:$0x0]  }
0x3: {  	s2 =	simm.s32 $0x0;
	s15 =	simm.s32 $0x6800;
	s16 =	simm.s32 $0x100  }
0x4: {  	s17 =	simm.s32 $0xA800;
	s18 =	simm.s32 $0x180;
	s19 =	simm.s32 $0xE800  }
0x5: {  	s20 =	simm.s32 $0x1;
	s21 =	simm.s32 $0x2;
	s11 =	smul.u32 $0x280000, s0  }
0x6: {  	s22 =	simm.s32 $0x3;
	s9 =	sand.u32 $0x1, s1;
	s14 =	smul.u32 $0x50000, s0  }
0x7: {  	s23 =	simm.s32 $0x4;
	s25 =	sshll.u32 s0, $0x1;
	s13 =	smul.u32 $0x140000, s9  }
0x8: {  	s1 =	rddreg [dreg:$0x1];
	s5 =	sor.u32 s9, s25;
	s30 =	smul.u32 $0x28000, s9  }
0x9: {  	s24 =	simm.s32 $0x0;
	[smem:$0x7FF] =	sst s2;
	s3 =	smul.u32 $0x2800, s5  }
0xa: {  	s10 =	sadd.s32 $0x1BA00, s4;
	s7 =	ssub.s32 $0x2, s9;
	s8 =	smul.u32 $0x140000, s5  }
0xb: {  	_ =	strace $0x8000004D;
	s26 =	sshrl.u32 s7, $0x1;
	s28 =	smul.u32 $0x28000, s5  }
0xc: {  	s31 =	sadd.s32 s14, s10;
	s14 =	simm.s32 $0x2800;
	s7 =	ssub.s32 s7, s26  }
0xd: {  	s11 =	sadd.s32 s13, s11;
	s13 =	simm.s32 $0x80;
	s6 =	sshrl.u32 s3, $0x3  }
0xe: {  	s3 =	sadd.s32 $0x54CC00, s4;
	s5 =	smax.u32 s7, $0x1;
	s29 =	sshrl.u32 s8, $0x3  }
0xf: {  	s12 =	sadd.s32 s10, s28;
	s11 =	sshrl.u32 s11, $0x3;
	s6 =	sadd.s32 s6, s4  }
0x10: {  	s7 =	sadd.s32 s10, s29;
	s8 =	sadd.s32 $0x27000, s12;
	s9 =	sadd.s32 $0x27800, s12  }
0x11: {  	s10 =	sadd.s32 s11, s10;
	s11 =	sadd.s32 s30, s31;
	s4 =	sadd.s32 $0x11A00, s6  }
0x12: {  	s6 =	sadd.s32 $0x26000, s7;
	s7 =	sadd.s32 $0x26800, s12;
	s12 =	simm.s32 $0x5  }
.LBB2_1:
0x13: {  	[tilespmem:s2], [sflag:$0x5] =	stream.linear.gather [hbm4b:s4+s2], $0x2800, $0x38;
	[tilespmem:$0x12800] =	vst v63  }
0x14: {  	_ =	swait.ge [sflag:s12], $0x2800  }
0x15: {  	[sflag:s12] =	ssyncset.done $0x0  }
0x16: {  	[sflag:s12] =	ssyncadd.s32 $0xFFFFD800  }
0x17: {  	[tilespmem:s14], [sflag:$0x1] =	stream.indirect.gather [hbm4b:s3+s13], $0x80, s2, s13, $0xb8;
	[tilespmem:$0x12800] =	vst v63  }
0x18: {  	_ = 	snop  }
0x19: {  	[tilespmem:s15], [sflag:$0x2] =	stream.indirect.gather [hbm4b:s3+s13], $0x80, s13, s13, $0xb8;
	[tilespmem:$0x12800] =	vst v63  }
0x1a: {  	_ = 	snop  }
0x1b: {  	[tilespmem:s17], [sflag:$0x3] =	stream.indirect.gather [hbm4b:s3+s13], $0x80, s16, s13, $0xb8;
	[tilespmem:$0x12800] =	vst v63  }
0x1c: {  	_ = 	snop  }
0x1d: {  	[tilespmem:s19], [sflag:$0x4] =	stream.indirect.gather [hbm4b:s3+s13], $0x80, s18, s13, $0xb8;
	[tilespmem:$0x12800] =	vst v63  }
0x1e: {  	_ =	swait.ge [sflag:s20], $0x4000  }
0x1f: {  	[sflag:s20] =	ssyncset.done $0x0  }
0x20: {  	s25 =	sadd.s32 $0x0, s10;
	[sflag:s20] =	ssyncadd.s32 $0xFFFFC000  }
0x21: {  	[hbm4b:s25+s2] =	stream.linear.scatter [tilespmem:s14], [sflag:$0x5], $0x4000, $0x38;
	[tilespmem:$0x12800] =	vst v63  }
0x22: {  	_ =	swait.ge [sflag:s12], $0x4000  }
0x23: {  	[sflag:s12] =	ssyncset.done $0x0  }
0x24: {  	s26 =	simm.s32 $0x200;
	[sflag:s12] =	ssyncadd.s32 $0xFFFFC000  }
0x25: {  	[tilespmem:s14], [sflag:$0x1] =	stream.indirect.gather [hbm4b:s3+s13], $0x80, s26, s13, $0xb8;
	[tilespmem:$0x12800] =	vst v63  }
0x26: {  	_ =	swait.ge [sflag:s21], $0x4000  }
0x27: {  	s25 =	sadd.s32 $0x0, s11;
	[sflag:s21] =	ssyncset.done $0x0  }
0x28: {  	s26 =	sadd.s32 $0x800, s25;
	[sflag:s21] =	ssyncadd.s32 $0xFFFFC000  }
0x29: {  	[hbm4b:s26+s2] =	stream.linear.scatter [tilespmem:s15], [sflag:$0x5], $0x4000, $0x38;
	[tilespmem:$0x12800] =	vst v63  }
0x2a: {  	_ =	swait.ge [sflag:s12], $0x4000  }
0x2b: {  	[sflag:s12] =	ssyncset.done $0x0  }
0x2c: {  	s29 =	simm.s32 $0x280;
	[sflag:s12] =	ssyncadd.s32 $0xFFFFC000  }
0x2d: {  	[tilespmem:s15], [sflag:$0x2] =	stream.indirect.gather [hbm4b:s3+s13], $0x80, s29, s13, $0xb8;
	[tilespmem:$0x12800] =	vst v63  }
0x2e: {  	_ =	swait.ge [sflag:s22], $0x4000  }
0x2f: {  	[sflag:s22] =	ssyncset.done $0x0  }
0x30: {  	s30 =	sadd.s32 $0x1000, s25;
	[sflag:s22] =	ssyncadd.s32 $0xFFFFC000  }
0x31: {  	[hbm4b:s30+s2] =	stream.linear.scatter [tilespmem:s17], [sflag:$0x5], $0x4000, $0x38;
	[tilespmem:$0x12800] =	vst v63  }
0x32: {  	_ =	swait.ge [sflag:s12], $0x4000  }
0x33: {  	[sflag:s12] =	ssyncset.done $0x0  }
0x34: {  	s31 =	simm.s32 $0x300;
	[sflag:s12] =	ssyncadd.s32 $0xFFFFC000  }
0x35: {  	[tilespmem:s17], [sflag:$0x3] =	stream.indirect.gather [hbm4b:s3+s13], $0x80, s31, s13, $0xb8;
	[tilespmem:$0x12800] =	vst v63  }
0x36: {  	_ =	swait.ge [sflag:s23], $0x4000  }
0x37: {  	[sflag:s23] =	ssyncset.done $0x0  }
0x38: {  	s25 =	sadd.s32 $0x1800, s25;
	[sflag:s23] =	ssyncadd.s32 $0xFFFFC000  }
0x39: {  	[hbm4b:s25+s2] =	stream.linear.scatter [tilespmem:s19], [sflag:$0x5], $0x4000, $0x38;
	[tilespmem:$0x12800] =	vst v63  }
0x3a: {  	_ =	swait.ge [sflag:s12], $0x4000  }
0x3b: {  	s28 =	simm.s32 $0x580;
	[sflag:s12] =	ssyncset.done $0x0  }
0x3c: {  	s26 =	simm.s32 $0x2000;
	s25 =	simm.s32 $0x380;
	[sflag:s12] =	ssyncadd.s32 $0xFFFFC000  }
.LBB2_2:
0x3d: {  	[tilespmem:s19], [sflag:$0x4] =	stream.indirect.gather [hbm4b:s3+s13], $0x80, s25, s13, $0xb8;
	[tilespmem:$0x12800] =	vst v63  }
0x3e: {  	s29 =	smov.u32 s26;
	s25 =	smov.u32 s28  }
0x3f: {  	p0 =	sne.s32 s26, $0x24000;
	s26 =	sadd.s32 $0x2000, s26;
	_ =	swait.ge [sflag:s20], $0x4000  }
0x40: {  	[sflag:s20] =	ssyncset.done $0x0  }
0x41: {  	s30 =	sadd.s32 s29, s10;
	[sflag:s20] =	ssyncadd.s32 $0xFFFFC000  }
0x42: {  	[hbm4b:s30+s2] =	stream.linear.scatter [tilespmem:s14], [sflag:$0x5], $0x4000, $0x38;
	[tilespmem:$0x12800] =	vst v63  }
0x43: {  	_ =	swait.ge [sflag:s12], $0x4000  }
0x44: {  	[sflag:s12] =	ssyncset.done $0x0  }
0x45: {  	s30 =	sadd.s32 $0xFFFFFE80, s28;
	[sflag:s12] =	ssyncadd.s32 $0xFFFFC000  }
0x46: {  	[tilespmem:s14], [sflag:$0x1] =	stream.indirect.gather [hbm4b:s3+s13], $0x80, s30, s13, $0xb8;
	[tilespmem:$0x12800] =	vst v63  }
0x47: {  	_ =	swait.ge [sflag:s21], $0x4000  }
0x48: {  	s29 =	sadd.s32 s29, s11;
	[sflag:s21] =	ssyncset.done $0x0  }
0x49: {  	s30 =	sadd.s32 $0x800, s29;
	[sflag:s21] =	ssyncadd.s32 $0xFFFFC000  }
0x4a: {  	[hbm4b:s30+s2] =	stream.linear.scatter [tilespmem:s15], [sflag:$0x5], $0x4000, $0x38;
	[tilespmem:$0x12800] =	vst v63  }
0x4b: {  	_ =	swait.ge [sflag:s12], $0x4000  }
0x4c: {  	[sflag:s12] =	ssyncset.done $0x0  }
0x4d: {  	s30 =	sadd.s32 $0xFFFFFF00, s28;
	[sflag:s12] =	ssyncadd.s32 $0xFFFFC000  }
0x4e: {  	[tilespmem:s15], [sflag:$0x2] =	stream.indirect.gather [hbm4b:s3+s13], $0x80, s30, s13, $0xb8;
	[tilespmem:$0x12800] =	vst v63  }
0x4f: {  	_ =	swait.ge [sflag:s22], $0x4000  }
0x50: {  	[sflag:s22] =	ssyncset.done $0x0  }
0x51: {  	s30 =	sadd.s32 $0x1000, s29;
	[sflag:s22] =	ssyncadd.s32 $0xFFFFC000  }
0x52: {  	[hbm4b:s30+s2] =	stream.linear.scatter [tilespmem:s17], [sflag:$0x5], $0x4000, $0x38;
	[tilespmem:$0x12800] =	vst v63  }
0x53: {  	_ =	swait.ge [sflag:s12], $0x4000  }
0x54: {  	[sflag:s12] =	ssyncset.done $0x0  }
0x55: {  	s30 =	sadd.s32 $0xFFFFFF80, s28;
	[sflag:s12] =	ssyncadd.s32 $0xFFFFC000  }
0x56: {  	[tilespmem:s17], [sflag:$0x3] =	stream.indirect.gather [hbm4b:s3+s13], $0x80, s30, s13, $0xb8;
	[tilespmem:$0x12800] =	vst v63  }
0x57: {  	_ =	swait.ge [sflag:s23], $0x4000  }
0x58: {  	[sflag:s23] =	ssyncset.done $0x0  }
.Ltmp0:
0x59: {  	s29 =	sadd.s32 $0x1800, s29;
	[sflag:s23] =	ssyncadd.s32 $0xFFFFC000;
	(pc) =	sbr.rel @p0 .LBB2_2-.Ltmp0, $4  }
0x5a: {  	[hbm4b:s29+s2] =	stream.linear.scatter [tilespmem:s19], [sflag:$0x5], $0x4000, $0x38;
	[tilespmem:$0x12800] =	vst v63  }
0x5b: {  	_ =	swait.ge [sflag:s12], $0x4000  }
0x5c: {  	[sflag:s12] =	ssyncset.done $0x0  }
0x5d: {  	s28 =	sadd.s32 $0x200, s28;
	[sflag:s12] =	ssyncadd.s32 $0xFFFFC000  }
0x5e: {  	[tilespmem:s19], [sflag:$0x4] =	stream.indirect.gather [hbm4b:s3+s13], $0x80, s25, s13, $0xb8;
	[tilespmem:$0x12800] =	vst v63  }
0x5f: {  	_ =	swait.ge [sflag:s20], $0x4000  }
0x60: {  	[sflag:s20] =	ssyncset.done $0x0  }
0x61: {  	[sflag:s20] =	ssyncadd.s32 $0xFFFFC000  }
0x62: {  	[hbm4b:s6+s2] =	stream.linear.scatter [tilespmem:s14], [sflag:$0x5], $0x4000, $0x38;
	[tilespmem:$0x12800] =	vst v63  }
0x63: {  	_ =	swait.ge [sflag:s12], $0x4000  }
0x64: {  	[sflag:s12] =	ssyncset.done $0x0  }
0x65: {  	[sflag:s12] =	ssyncadd.s32 $0xFFFFC000  }
0x66: {  	_ =	swait.ge [sflag:s21], $0x4000  }
0x67: {  	[sflag:s21] =	ssyncset.done $0x0  }
0x68: {  	[sflag:s21] =	ssyncadd.s32 $0xFFFFC000  }
0x69: {  	[hbm4b:s7+s2] =	stream.linear.scatter [tilespmem:s15], [sflag:$0x5], $0x4000, $0x38;
	[tilespmem:$0x12800] =	vst v63  }
0x6a: {  	_ =	swait.ge [sflag:s12], $0x4000  }
0x6b: {  	[sflag:s12] =	ssyncset.done $0x0  }
0x6c: {  	[sflag:s12] =	ssyncadd.s32 $0xFFFFC000  }
0x6d: {  	_ =	swait.ge [sflag:s22], $0x4000  }
0x6e: {  	[sflag:s22] =	ssyncset.done $0x0  }
0x6f: {  	[sflag:s22] =	ssyncadd.s32 $0xFFFFC000  }
0x70: {  	[hbm4b:s8+s2] =	stream.linear.scatter [tilespmem:s17], [sflag:$0x5], $0x4000, $0x38;
	[tilespmem:$0x12800] =	vst v63  }
0x71: {  	_ =	swait.ge [sflag:s12], $0x4000  }
0x72: {  	[sflag:s12] =	ssyncset.done $0x0  }
0x73: {  	[sflag:s12] =	ssyncadd.s32 $0xFFFFC000  }
0x74: {  	s24 =	sadd.s32 $0x1, s24;
	_ =	swait.ge [sflag:s23], $0x4000  }
0x75: {  	p0 =	sne.s32 s24, s5;
	[sflag:s23] =	ssyncset.done $0x0  }
.Ltmp1:
0x76: {  	[sflag:s23] =	ssyncadd.s32 $0xFFFFC000;
	(pc) =	sbr.rel @p0 .LBB2_1-.Ltmp1, $4  }
0x77: {  	[hbm4b:s9+s2] =	stream.linear.scatter [tilespmem:s19], [sflag:$0x5], $0x4000, $0x38;
	[tilespmem:$0x12800] =	vst v63  }
0x78: {  	_ =	swait.ge [sflag:s12], $0x4000  }
0x79: {  	[sflag:s12] =	ssyncset.done $0x0  }
0x7a: {  	[sflag:s12] =	ssyncadd.s32 $0xFFFFC000  }
0x7b: {  	_ =	sfence.sel $0x180000  }
0x7c: {  	[bflag:$0x0] =	sbarrier.arrive $0xFFFF  }
0x7d: {  	p0 =	sne.s32 s0, $0x0;
	_ =	strace $0x9000004D  }
0x7e: {  	s0 =	sadd.s32 @!p0 $0x100000, s1;
	[bflag:$0x2] =	sbarrier.arrive $0xFFFF  }
0x7f: {  	[sflag:s0] =	ssyncadd.tile.s32 @!p0 $0x1;
	_ =	shalt  }
.Lfunc_end2:
_tile_overlayer_lowered:
.L_overlay_start_2:
0x80: {  	(tag) =	ssettag $0x2  }
0x81: {  	s0 =	rddreg [dreg:$0x0];
	s2 =	stileid.u32  }
0x82: {  	s1 =	rddreg [dreg:$0x1];
	p0 =	sne.s32 s2, $0x0  }
0x83: {  	s3 =	rddreg [dreg:$0x2];
	[bflag:$0x3] =	sbarrier.arrive $0xFFFF;
	s2 =	simm.s32 @!p0 $0x1C05  }
0x84: {  	[timem:s3], [sflag:s2] =	dma.local @!p0 [hbm:s0], s1  }
0x85: {  	s0 =	simm.s32 @!p0 $0x5  }
0x86: {  	_ =	swait.ge @!p0 [sflag:s0], s1  }
0x87: {  	s1 =	ssub.s32 @!p0 $0x0, s1;
	[sflag:s0] =	ssyncset.done @!p0 $0x0  }
0x88: {  	[sflag:s0] =	ssyncadd.s32 @!p0 s1  }
0x89: {  	[bflag:$0x3] =	sbarrier.arrive $0xFFFF  }
0x8a: {  	_ =	shalt  }

// kernel: kernel.25.cloned.1.call-start
scs
__scs_entry_jumppad:
0x0: {  	(pc) =	sbr.rel $0x88, $3  }
0x1: {  	(tag) =	ssettag $0x0;
	lr =	simm.s32 $0x1  }
0x2: {  	[smem:$0x3F7F] =	sst lr;
	_ =	strace $0xD0000000  }
0x3: {  	_ = 	snop  }
0x4: {  	_ = 	snop  }
0x5: {  	_ = 	snop  }
0x6: {  	_ = 	snop  }
0x7: {  	_ = 	snop  }
__scs_overlays_trampoline_lowered:
0x8: {  	[smem:$0x3F8E] =	sst s0  }
0x9: {  	[smem:$0x3F8F] =	sst s1  }
0xa: {  	[smem:$0x3F90] =	sst s2  }
0xb: {  	[smem:$0x3F91] =	sst s3  }
0xc: {  	[smem:$0x3F92] =	sst s4  }
0xd: {  	[smem:$0x3F93] =	sst s5  }
0xe: {  	[smem:$0x3F94] =	sst s6  }
0xf: {  	[smem:$0x3F95] =	sst s7  }
0x10: {  	[smem:$0x3F96] =	sst s8  }
0x11: {  	[smem:$0x3F97] =	sst s9;
	s0 =	simm.s32 @!p0 $0x0  }
0x12: {  	s1 =	sld [smem:$0x3F7D];
	s0 =	simm.s32 @p0 $0x1  }
0x13: {  	[smem:$0x3F98] =	sst s0;
	s0 =	simm.s32 @!p1 $0x0  }
0x14: {  	s2 =	sld [smem:$0x3F7C];
	s0 =	simm.s32 @p1 $0x1  }
0x15: {  	[smem:$0x3F99] =	sst s0;
	s0 =	simm.s32 @!p2 $0x0  }
0x16: {  	s3 =	sld [smem:$0x3FDB];
	s0 =	simm.s32 @p2 $0x1  }
0x17: {  	s4 =	simm.s32 $0x1BF5;
	[smem:$0x3F9B] =	sst s0  }
0x18: {  	s0 =	sld [smem:$0x3F7E];
	_ =	swait.ge [sflag:s4], $0x0  }
0x19: {  	s7 =	sld [smem:$0x3F7F]  }
0x1a: {  	s8 =	sadd.s32 $0xFFFFE003, lr  }
0x1b: {  	s9 =	sadd.s32 $0xFFFFFEF7, lr;
	s5 =	simm.s32 $0xFFFFFFFF;
	p2 =	slt.u32 s8, $0xFFFFF086  }
0x1c: {  	p1 =	slt.u32 s9, $0xF7A;
	s5 =	simm.s32 @!p2 $0x0  }
0x1d: {  	s5 =	simm.s32 @p1 $0x1;
	p0 =	seq.s32 s7, s2  }
0x1e: {  	s7 =	smul.u32 @!p0 $0xF7A, s2;
	p2 =	seq.s32 @!p0 s5, $0x0  }
0x1f: {  	s9 =	smul.u32 $0xF7A, s1;
	s8 =	simm.s32 @!p0 $0x1BF5;
	p2 =	por !p2, p0  }
0x20: {  	[sflag:s8] =	ssyncset.s32 @!p0 $0xFFFFF086;
	s6 =	sadd.s32 @!p0 s3, s7;
	s7 =	simm.s32 @!p0 $0x108  }
0x21: {  	s3 =	sadd.s32 s3, s9;
	s6 =	sadd.s32 @!p0 $0x88, s6;
	s7 =	simm.s32 @p2 $0x1082  }
0x22: {  	[simem:s7], [sflag:s8] =	dma.local @!p0 [hbm:s6], $0xF7A  }
0x23: {  	s9 =	sor.u32 $0xD0000000, s2;
	s6 =	simm.s32 $0x108;
	_ =	swait.ge @!p0 [sflag:s8], $0x0  }
0x24: {  	s3 =	sadd.s32 $0x88, s3;
	s6 =	simm.s32 @!p1 $0x1082;
	[sflag:s4] =	ssyncset.s32 $0xFFFFF086  }
0x25: {  	[simem:s6], [sflag:s4] =	dma.local [hbm:s3], $0xF7A  }
0x26: {  	[smem:$0x3F7F] =	sst s1;
	(tag) =	ssettag s2;
	_ =	strace s9  }
0x27: {  	s1 =	sld [smem:$0x3F8F]  }
0x28: {  	s2 =	sld [smem:$0x3F90]  }
0x29: {  	s4 =	sld [smem:$0x3F92]  }
0x2a: {  	p0 =	seq.s32 s5, $0x0;
	s5 =	sld [smem:$0x3F93]  }
0x2b: {  	s6 =	sld [smem:$0x3F94]  }
0x2c: {  	s7 =	sld [smem:$0x3F95]  }
0x2d: {  	s3 =	simm.s32 $0x108;
	s8 =	sld [smem:$0x3F96]  }
0x2e: {  	s3 =	simm.s32 @!p0 $0x1082;
	s9 =	sld [smem:$0x3F97]  }
0x2f: {  	lr =	sadd.s32 s0, s3;
	s0 =	sld [smem:$0x3F8E]  }
0x30: {  	s3 =	sld [smem:$0x3F91]  }
0x31: {  	[smem:$0x3F9A] =	sst s10  }
0x32: {  	s10 =	sld [smem:$0x3F98];
	_ =	sdelay $0x3  }
0x33: {  	p0 =	seq.s32 s10, $0x1;
	s10 =	sld [smem:$0x3F9A];
	_ =	sdelay $0x3  }
0x34: {  	[smem:$0x3F9A] =	sst s10  }
0x35: {  	s10 =	sld [smem:$0x3F99];
	_ =	sdelay $0x3  }
0x36: {  	p1 =	seq.s32 s10, $0x1;
	s10 =	sld [smem:$0x3F9A];
	_ =	sdelay $0x3  }
0x37: {  	[smem:$0x3F9A] =	sst s10  }
0x38: {  	s10 =	sld [smem:$0x3F9B]  }
0x39: {  	_ = 	snop;
	(pc) =	sbr.ind lr, $3  }
0x3a: {  	_ = 	snop  }
0x3b: {  	_ = 	snop  }
0x3c: {  	p2 =	seq.s32 s10, $0x1;
	s10 =	sld [smem:$0x3F9A]  }
0x3d: {  	_ =	shalt  }
0x3e: {  	_ =	shalt  }
0x3f: {  	_ =	shalt  }
0x40: {  	_ =	shalt  }
0x41: {  	_ =	shalt  }
0x42: {  	_ =	shalt  }
0x43: {  	_ =	shalt  }
0x44: {  	_ =	shalt  }
0x45: {  	_ =	shalt  }
0x46: {  	_ =	shalt  }
0x47: {  	_ =	shalt  }
0x48: {  	_ =	shalt  }
0x49: {  	_ =	shalt  }
0x4a: {  	_ =	shalt  }
0x4b: {  	_ =	shalt  }
0x4c: {  	_ =	shalt  }
0x4d: {  	_ =	shalt  }
0x4e: {  	_ =	shalt  }
0x4f: {  	_ =	shalt  }
0x50: {  	_ =	shalt  }
0x51: {  	_ =	shalt  }
0x52: {  	_ =	shalt  }
0x53: {  	_ =	shalt  }
0x54: {  	_ =	shalt  }
0x55: {  	_ =	shalt  }
0x56: {  	_ =	shalt  }
0x57: {  	_ =	shalt  }
0x58: {  	_ =	shalt  }
0x59: {  	_ =	shalt  }
0x5a: {  	_ =	shalt  }
0x5b: {  	_ =	shalt  }
0x5c: {  	_ =	shalt  }
0x5d: {  	_ =	shalt  }
0x5e: {  	_ =	shalt  }
0x5f: {  	_ =	shalt  }
0x60: {  	_ =	shalt  }
0x61: {  	_ =	shalt  }
0x62: {  	_ =	shalt  }
0x63: {  	_ =	shalt  }
0x64: {  	_ =	shalt  }
0x65: {  	_ =	shalt  }
0x66: {  	_ =	shalt  }
0x67: {  	_ =	shalt  }
0x68: {  	_ =	shalt  }
0x69: {  	_ =	shalt  }
0x6a: {  	_ =	shalt  }
0x6b: {  	_ =	shalt  }
0x6c: {  	_ =	shalt  }
0x6d: {  	_ =	shalt  }
0x6e: {  	_ =	shalt  }
0x6f: {  	_ =	shalt  }
0x70: {  	_ =	shalt  }
0x71: {  	_ =	shalt  }
0x72: {  	_ =	shalt  }
0x73: {  	_ =	shalt  }
0x74: {  	_ =	shalt  }
0x75: {  	_ =	shalt  }
0x76: {  	_ =	shalt  }
0x77: {  	_ =	shalt  }
0x78: {  	_ =	shalt  }
0x79: {  	_ =	shalt  }
0x7a: {  	_ =	shalt  }
0x7b: {  	_ =	shalt  }
0x7c: {  	_ =	shalt  }
0x7d: {  	_ =	shalt  }
0x7e: {  	_ =	shalt  }
0x7f: {  	_ =	shalt  }
0x80: {  	_ =	shalt  }
0x81: {  	_ =	shalt  }
0x82: {  	_ =	shalt  }
0x83: {  	_ =	shalt  }
0x84: {  	_ =	shalt  }
0x85: {  	_ =	shalt  }
0x86: {  	_ =	shalt  }
0x87: {  	_ =	shalt  }
.Lfunc_end0:
.L_simem_size_0:
called_computation.3_lowered:
.L_overlay_start_0:
0x88: {  	s2 =	sld [smem:$0x3FD9]  }
0x89: {  	s3 =	sld [smem:$0x3FFE];
	_ =	sdelay $0x1  }
0x8a: {  	s1 =	srdreg.scid  }
0x8b: {  	s0 =	sand.u32 $0x1, s1  }
0x8c: {  	s16 =	sshll.u32 s0, $0xA;
	s2 =	sadd.s32 s3, s2  }
0x8d: {  	s2 =	sadd.s32 s2, s16  }
0x8e: {  	[smem:$0x3FA6] =	sst s2  }
0x8f: {  	_ = 	snop  }
0x90: {  	(tm) =	ssettm $0x1  }
0x91: {  	s17 =	sld [smem:$0x3FFB];
	_ =	sdelay $0x3  }
0x92: {  	_ =	strace s17  }
0x93: {  	s2 =	sld [smem:$0x3FFC];
	_ =	sdelay $0x3  }
0x94: {  	_ =	strace s2  }
0x95: {  	s2 =	sld [smem:$0x3FFD];
	_ =	sdelay $0x3  }
0x96: {  	_ =	strace s2  }
0x97: {  	_ =	strace $0x8FFFFFFF  }
0x98: {  	s18 =	sld [smem:$0x3FDB];
	_ =	sdelay $0x1  }
0x99: {  	s19 =	simm.s32 $_scs_section_size  }
0x9a: {  	s4 =	simm.s32 $_size__tile_overlayer_lowered;
	s5 =	simm.s32 $_tile_overlayer_lowered  }
0x9b: {  	s22 =	simm.s32 $0x1BFF;
	s21 =	sshll.u32 s5, $0x1;
	s2 =	sadd.s32 s19, s18  }
0x9c: {  	s6 =	simm.s32 $0x0;
	s20 =	sshll.u32 s4, $0x1;
	s4 =	sadd.s32 s21, s2  }
0x9d: {  	[timem:s6], [sflag:s22] =	dma.local [hbm:s4], s20  }
0x9e: {  	_ =	swait.ge [sflag:s22], s20  }
0x9f: {  	s3 =	ssub.s32 $0x0, s20;
	[sflag:s22] =	ssyncset.done $0x0  }
0xa0: {  	[sflag:s22] =	ssyncadd.s32 s3;
	_ =	sdelay $0x1  }
0xa1: {  	s23 =	simm.s32 $0x1B8B  }
0xa2: {  	_ =	swait.ge [sflag:s23], $0x1  }
0xa3: {  	[sflag:s23] =	ssyncset.done $0x0  }
0xa4: {  	s25 =	simm.s32 $0x1B8E;
	s24 =	sld [smem:$0x3FFE];
	[sflag:s23] =	ssyncadd.s32 $0xFFFFFFFF  }
0xa5: {  	s26 =	simm.s32 $execute0_lowered;
	[smem:$0x3FD2] =	sst s25  }
0xa6: {  	s4 =	sshll.u32 s26, $0x1;
	_ =	strace $0x8000004F;
	[dreg:$0x1] =	wrdreg $0xFFFFFFFF  }
0xa7: {  	s28 =	simm.s32 $_size_execute0_lowered;
	s2 =	sadd.s32 s2, s4;
	[dreg:$0x0] =	wrdreg $0x0  }
0xa8: {  	s4 =	sshll.u32 s28, $0x1;
	[dreg:$0x2] =	wrdreg s2  }
0xa9: {  	[dreg:$0x3] =	wrdreg s4  }
0xaa: {  	[dreg:$0x4] =	wrdreg $0xC0  }
0xab: {  	_ =	task [dreg:s6], $0x5FFFF  }
0xac: {  	[dreg:$0x1] =	wrdreg $0xFFFFFFFF  }
0xad: {  	[dreg:$0x0] =	wrdreg $0x60  }
0xae: {  	[dreg:$0x2] =	wrdreg s24  }
0xaf: {  	[dreg:$0x3] =	wrdreg $0xA8000  }
0xb0: {  	[dreg:$0x4] =	wrdreg $0x9  }
0xb1: {  	_ =	task.clear_ibuf [dreg:s6], $0x5FFFF;
	_ =	strace $0x9000004F  }
0xb2: {  	s29 =	simm.s32 $0x9;
	_ =	strace $0x80000051  }
0xb3: {  	_ =	swait.ge [sflag:s29], $0x1  }
0xb4: {  	[sflag:s29] =	ssyncadd.s32 $0xFFFFFFFF  }
0xb5: {  	_ =	strace $0x90000051  }
0xb6: {  	_ =	sfence  }
0xb7: {  	s30 =	sld [smem:$0x0];
	_ =	sdelay $0x2  }
0xb8: {  	s31 =	sshll.u32 s1, $0xD;
	s1 =	sshrl.u32 s1, $0x2  }
0xb9: {  	s3 =	sand.u32 $0x4000, s31;
	s1 =	sadd.s32 s1, s30  }
0xba: {  	s0 =	sor.u32 s3, s0;
	s1 =	sshll.u32 s1, $0x11  }
0xbb: {  	s0 =	sor.u32 s1, s0  }
0xbc: {  	s0 =	sadd.s32 $0x8F2B, s0  }
0xbd: {  	[sflag:s0] =	ssyncadd.remote.s32 $0x1  }
0xbe: {  	_ =	sfence.sel $0xFFFF  }
0xbf: {  	[dreg:$0x0] =	wrdreg $0xFFFFFFFF;
	(pc) =	sbr.abs _section_cstart, $3  }
0xc0: {  	[dreg:$0x1] =	wrdreg $0xFFFFFFFF  }
0xc1: {  	_ =	task.clear_ibuf [dreg:s6], $0x2FFFF;
	_ =	strace $0x9FFFFFFF  }
0xc2: {  	(tm) =	ssettm $0x7FFFFFFF  }
0xc3: {  	_ =	shalt  }
tec
execute0_lowered:
.L_overlay_start_1:
0x0: {  	(tag) =	ssettag $0x1  }
0x1: {  	s1 =	srdreg.scid  }
0x2: {  	s0 =	stileid.u32;
	s5 =	rddreg [dreg:$0x0]  }
0x3: {  	s2 =	rddreg [dreg:$0x1];
	s3 =	simm.s32 $0x0;
	s20 =	simm.s32 $0x6800  }
0x4: {  	s21 =	simm.s32 $0x1;
	s22 =	simm.s32 $0x80;
	s23 =	simm.s32 $0x2  }
0x5: {  	s24 =	simm.s32 $0x2700;
	s25 =	simm.s32 $0x2780;
	s4 =	sand.u32 $0x1, s1  }
0x6: {  	s26 =	sshll.u32 s0, $0x1;
	s1 =	rddreg [dreg:$0x2];
	s9 =	smul.u32 $0x14000, s0  }
0x7: {  	[smem:$0x7FF] =	sst s3;
	s12 =	sadd.s32 $0xF24C00, s5;
	s13 =	smul.u32 $0x50000, s0  }
0x8: {  	s29 =	sshll.u32 s0, $0x6;
	s30 =	smul.u32 $0x280000, s0;
	s6 =	sor.u32 s4, s26  }
0x9: {  	s8 =	smul.u32 $0x140000, s4;
	_ =	strace $0x80000050;
	s10 =	ssub.s32 $0x2, s4  }
0xa: {  	s4 =	sadd.s32 $0x7C00, s5;
	s26 =	simm.s32 $0x0;
	s7 =	smul.u32 $0x500, s6  }
0xb: {  	s11 =	sshrl.u32 s10, $0x1;
	s28 =	sshrl.u32 s13, $0x2;
	s6 =	smul.u32 $0x28000, s6  }
0xc: {  	s9 =	sadd.s32 s9, s8;
	s10 =	ssub.s32 s10, s11;
	s13 =	sadd.s32 s28, s2  }
0xd: {  	s11 =	sadd.s32 s8, s30;
	s7 =	sadd.s32 s7, s5;
	s9 =	sshrl.u32 s9, $0x3  }
0xe: {  	s15 =	sadd.s32 $0x4000, s13;
	s16 =	sadd.s32 $0x8000, s13;
	s17 =	sadd.s32 $0xC000, s13  }
0xf: {  	s18 =	sadd.s32 $0x10000, s13;
	s6 =	sadd.s32 s12, s6;
	s14 =	sor.u32 $0xC000, s11  }
0x10: {  	s19 =	sor.u32 $0x8000, s11;
	s10 =	smax.u32 s10, $0x1;
	s13 =	sshrl.u32 s13, $0x3  }
0x11: {  	s9 =	sadd.s32 s9, s5;
	s5 =	sor.u32 $0x1C03, s29;
	s7 =	sadd.s32 $0x542C00, s7  }
0x12: {  	s8 =	sadd.s32 $0x800, s6;
	s14 =	sshrl.u32 s14, $0x3;
	s31 =	sshrl.u32 s19, $0x3  }
0x13: {  	s15 =	sshrl.u32 s15, $0x3;
	s16 =	sshrl.u32 s16, $0x3;
	s17 =	sshrl.u32 s17, $0x3  }
0x14: {  	s18 =	sshrl.u32 s18, $0x3;
	s19 =	simm.s32 $0x2800;
	s9 =	sadd.s32 $0x573E00, s9  }
0x15: {  	s11 =	sadd.s32 s14, s12;
	s12 =	sadd.s32 s31, s12;
	s14 =	simm.s32 $0x3  }
.LBB2_1:
0x16: {  	[spmem:s13], [sflag:s5] =	dma.local [hbm:s4], $0x800  }
0x17: {  	_ =	swait.ge [sflag:s14], $0x800  }
0x18: {  	[sflag:s14] =	ssyncset.done $0x0  }
0x19: {  	[sflag:s14] =	ssyncadd.s32 $0xFFFFF800  }
0x1a: {  	[spmem:s15], [sflag:s5] =	dma.local [hbm:s4], $0x800  }
0x1b: {  	_ =	swait.ge [sflag:s14], $0x800  }
0x1c: {  	[sflag:s14] =	ssyncset.done $0x0  }
0x1d: {  	[sflag:s14] =	ssyncadd.s32 $0xFFFFF800  }
0x1e: {  	[spmem:s16], [sflag:s5] =	dma.local [hbm:s4], $0x800  }
0x1f: {  	_ =	swait.ge [sflag:s14], $0x800  }
0x20: {  	[sflag:s14] =	ssyncset.done $0x0  }
0x21: {  	[sflag:s14] =	ssyncadd.s32 $0xFFFFF800  }
0x22: {  	[spmem:s17], [sflag:s5] =	dma.local [hbm:s4], $0x800  }
0x23: {  	_ =	swait.ge [sflag:s14], $0x800  }
0x24: {  	[sflag:s14] =	ssyncset.done $0x0  }
0x25: {  	[sflag:s14] =	ssyncadd.s32 $0xFFFFF800  }
0x26: {  	[spmem:s18], [sflag:s5] =	dma.local [hbm:s4], $0x800  }
0x27: {  	_ =	swait.ge [sflag:s14], $0x800  }
0x28: {  	[sflag:s14] =	ssyncset.done $0x0  }
0x29: {  	[sflag:s14] =	ssyncadd.s32 $0xFFFFF800  }
0x2a: {  	[tilespmem:s3], [sflag:$0x3] =	stream.linear.gather [hbm4b:s7+s3], $0x2800, $0x38;
	[tilespmem:$0x1E800] =	vst v63  }
0x2b: {  	_ =	swait.ge [sflag:s14], $0x2800  }
0x2c: {  	[sflag:s14] =	ssyncset.done $0x0  }
0x2d: {  	[sflag:s14] =	ssyncadd.s32 $0xFFFFD800  }
0x2e: {  	[bflag:$0x0] =	sbarrier.arrive $0xFFFF  }
0x2f: {  	[tilespmem:s19], [sflag:$0x1] =	stream.linear.gather [hbm4b:s6+s3], $0x4000, $0x38;
	[tilespmem:$0x1E800] =	vst v63  }
0x30: {  	_ = 	snop  }
0x31: {  	[tilespmem:s20], [sflag:$0x2] =	stream.linear.gather [hbm4b:s8+s3], $0x4000, $0x38;
	[tilespmem:$0x1E800] =	vst v63  }
0x32: {  	_ =	swait.ge [sflag:s21], $0x4000  }
0x33: {  	[sflag:s21] =	ssyncset.done $0x0  }
0x34: {  	s28 =	simm.s32 $0x0;
	[sflag:s21] =	ssyncadd.s32 $0xFFFFC000  }
0x35: {  	[spmem:s2] =	stream.indirect.scatter.add.f32 [tilespmem:s19], [sflag:$0x3], $0x80, s28, s22, $0xb8;
	[tilespmem:$0x1E800] =	vst v63  }
0x36: {  	_ =	swait.ge [sflag:s14], $0x4000  }
0x37: {  	[sflag:s14] =	ssyncset.done $0x0  }
0x38: {  	s28 =	sadd.s32 $0x0, s12;
	[sflag:s14] =	ssyncadd.s32 $0xFFFFC000  }
0x39: {  	[tilespmem:s19], [sflag:$0x1] =	stream.linear.gather [hbm4b:s28+s3], $0x4000, $0x38;
	[tilespmem:$0x1E800] =	vst v63  }
0x3a: {  	_ =	swait.ge [sflag:s23], $0x4000  }
0x3b: {  	[sflag:s23] =	ssyncset.done $0x0  }
0x3c: {  	[sflag:s23] =	ssyncadd.s32 $0xFFFFC000  }
0x3d: {  	[spmem:s2] =	stream.indirect.scatter.add.f32 [tilespmem:s20], [sflag:$0x3], $0x80, s22, s22, $0xb8;
	[tilespmem:$0x1E800] =	vst v63  }
0x3e: {  	_ =	swait.ge [sflag:s14], $0x4000  }
0x3f: {  	s30 =	sadd.s32 $0x0, s11;
	[sflag:s14] =	ssyncset.done $0x0  }
0x40: {  	s29 =	simm.s32 $0x180;
	s28 =	simm.s32 $0x1000;
	[sflag:s14] =	ssyncadd.s32 $0xFFFFC000  }
.LBB2_2:
0x41: {  	[tilespmem:s20], [sflag:$0x2] =	stream.linear.gather [hbm4b:s30+s3], $0x4000, $0x38;
	[tilespmem:$0x1E800] =	vst v63  }
0x42: {  	s30 =	smov.u32 s28  }
0x43: {  	p0 =	sne.s32 s28, $0x26000;
	s28 =	sadd.s32 $0x1000, s28;
	_ =	swait.ge [sflag:s21], $0x4000  }
0x44: {  	[sflag:s21] =	ssyncset.done $0x0  }
0x45: {  	s31 =	sadd.s32 $0xFFFFFF80, s29;
	[sflag:s21] =	ssyncadd.s32 $0xFFFFC000  }
0x46: {  	[spmem:s2] =	stream.indirect.scatter.add.f32 [tilespmem:s19], [sflag:$0x3], $0x80, s31, s22, $0xb8;
	[tilespmem:$0x1E800] =	vst v63  }
0x47: {  	_ =	swait.ge [sflag:s14], $0x4000  }
0x48: {  	[sflag:s14] =	ssyncset.done $0x0  }
0x49: {  	s31 =	sadd.s32 s30, s12;
	[sflag:s14] =	ssyncadd.s32 $0xFFFFC000  }
0x4a: {  	[tilespmem:s19], [sflag:$0x1] =	stream.linear.gather [hbm4b:s31+s3], $0x4000, $0x38;
	[tilespmem:$0x1E800] =	vst v63  }
0x4b: {  	_ =	swait.ge [sflag:s23], $0x4000  }
0x4c: {  	[sflag:s23] =	ssyncset.done $0x0  }
.Ltmp0:
0x4d: {  	[sflag:s23] =	ssyncadd.s32 $0xFFFFC000;
	(pc) =	sbr.rel @p0 .LBB2_2-.Ltmp0, $4  }
0x4e: {  	[spmem:s2] =	stream.indirect.scatter.add.f32 [tilespmem:s20], [sflag:$0x3], $0x80, s29, s22, $0xb8;
	[tilespmem:$0x1E800] =	vst v63  }
0x4f: {  	_ =	swait.ge [sflag:s14], $0x4000  }
0x50: {  	[sflag:s14] =	ssyncset.done $0x0  }
0x51: {  	s30 =	sadd.s32 s30, s11;
	s29 =	sadd.s32 $0x100, s29;
	[sflag:s14] =	ssyncadd.s32 $0xFFFFC000  }
0x52: {  	[tilespmem:s20], [sflag:$0x2] =	stream.linear.gather [hbm4b:s30+s3], $0x4000, $0x38;
	[tilespmem:$0x1E800] =	vst v63  }
0x53: {  	_ =	swait.ge [sflag:s21], $0x4000  }
0x54: {  	[sflag:s21] =	ssyncset.done $0x0  }
0x55: {  	[sflag:s21] =	ssyncadd.s32 $0xFFFFC000  }
0x56: {  	[spmem:s2] =	stream.indirect.scatter.add.f32 [tilespmem:s19], [sflag:$0x3], $0x80, s24, s22, $0xb8;
	[tilespmem:$0x1E800] =	vst v63  }
0x57: {  	_ =	swait.ge [sflag:s14], $0x4000  }
0x58: {  	[sflag:s14] =	ssyncset.done $0x0  }
0x59: {  	[sflag:s14] =	ssyncadd.s32 $0xFFFFC000  }
0x5a: {  	_ =	swait.ge [sflag:s23], $0x4000  }
0x5b: {  	[sflag:s23] =	ssyncset.done $0x0  }
0x5c: {  	[sflag:s23] =	ssyncadd.s32 $0xFFFFC000  }
0x5d: {  	[spmem:s2] =	stream.indirect.scatter.add.f32 [tilespmem:s20], [sflag:$0x3], $0x80, s25, s22, $0xb8;
	[tilespmem:$0x1E800] =	vst v63  }
0x5e: {  	_ =	swait.ge [sflag:s14], $0x4000  }
0x5f: {  	s26 =	sadd.s32 $0x1, s26;
	[sflag:s14] =	ssyncset.done $0x0  }
0x60: {  	p0 =	sne.s32 s26, s10;
	[sflag:s14] =	ssyncadd.s32 $0xFFFFC000  }
.Ltmp1:
0x61: {  	[bflag:$0x0] =	sbarrier.arrive $0xFFFF;
	(pc) =	sbr.rel @p0 .LBB2_1-.Ltmp1, $4  }
0x62: {  	[hbm:s9], [sflag:s5] =	dma.local [spmem:s13], $0x2800  }
0x63: {  	_ =	swait.ge [sflag:s14], $0x2800  }
0x64: {  	[sflag:s14] =	ssyncset.done $0x0  }
0x65: {  	[sflag:s14] =	ssyncadd.s32 $0xFFFFD800  }
0x66: {  	_ =	sfence.sel $0x180000  }
0x67: {  	[bflag:$0x0] =	sbarrier.arrive $0xFFFF  }
0x68: {  	p0 =	sne.s32 s0, $0x0;
	_ =	strace $0x90000050  }
0x69: {  	s0 =	sadd.s32 @!p0 $0x100000, s1;
	[bflag:$0x2] =	sbarrier.arrive $0xFFFF  }
0x6a: {  	[sflag:s0] =	ssyncadd.tile.s32 @!p0 $0x1;
	_ =	shalt  }
.Lfunc_end2:
_tile_overlayer_lowered:
.L_overlay_start_2:
0x6b: {  	(tag) =	ssettag $0x2  }
0x6c: {  	s0 =	rddreg [dreg:$0x0];
	s2 =	stileid.u32  }
0x6d: {  	s1 =	rddreg [dreg:$0x1];
	p0 =	sne.s32 s2, $0x0  }
0x6e: {  	s3 =	rddreg [dreg:$0x2];
	[bflag:$0x3] =	sbarrier.arrive $0xFFFF;
	s2 =	simm.s32 @!p0 $0x1C03  }
0x6f: {  	[timem:s3], [sflag:s2] =	dma.local @!p0 [hbm:s0], s1  }
0x70: {  	s0 =	simm.s32 @!p0 $0x3  }
0x71: {  	_ =	swait.ge @!p0 [sflag:s0], s1  }
0x72: {  	s1 =	ssub.s32 @!p0 $0x0, s1;
	[sflag:s0] =	ssyncset.done @!p0 $0x0  }
0x73: {  	[sflag:s0] =	ssyncadd.s32 @!p0 s1  }
0x74: {  	[bflag:$0x3] =	sbarrier.arrive $0xFFFF  }
0x75: {  	_ =	shalt  }

// kernel: kernel.28.cloned.1.call-start
scs
__scs_entry_jumppad:
0x0: {  	(pc) =	sbr.rel $0x88, $3  }
0x1: {  	(tag) =	ssettag $0x0;
	lr =	simm.s32 $0x1  }
0x2: {  	[smem:$0x3F7F] =	sst lr;
	_ =	strace $0xD0000000  }
0x3: {  	_ = 	snop  }
0x4: {  	_ = 	snop  }
0x5: {  	_ = 	snop  }
0x6: {  	_ = 	snop  }
0x7: {  	_ = 	snop  }
__scs_overlays_trampoline_lowered:
0x8: {  	[smem:$0x3F8E] =	sst s0  }
0x9: {  	[smem:$0x3F8F] =	sst s1  }
0xa: {  	[smem:$0x3F90] =	sst s2  }
0xb: {  	[smem:$0x3F91] =	sst s3  }
0xc: {  	[smem:$0x3F92] =	sst s4  }
0xd: {  	[smem:$0x3F93] =	sst s5  }
0xe: {  	[smem:$0x3F94] =	sst s6  }
0xf: {  	[smem:$0x3F95] =	sst s7  }
0x10: {  	[smem:$0x3F96] =	sst s8  }
0x11: {  	[smem:$0x3F97] =	sst s9;
	s0 =	simm.s32 @!p0 $0x0  }
0x12: {  	s1 =	sld [smem:$0x3F7D];
	s0 =	simm.s32 @p0 $0x1  }
0x13: {  	[smem:$0x3F98] =	sst s0;
	s0 =	simm.s32 @!p1 $0x0  }
0x14: {  	s2 =	sld [smem:$0x3F7C];
	s0 =	simm.s32 @p1 $0x1  }
0x15: {  	[smem:$0x3F99] =	sst s0;
	s0 =	simm.s32 @!p2 $0x0  }
0x16: {  	s3 =	sld [smem:$0x3FDB];
	s0 =	simm.s32 @p2 $0x1  }
0x17: {  	s4 =	simm.s32 $0x1BF5;
	[smem:$0x3F9B] =	sst s0  }
0x18: {  	s0 =	sld [smem:$0x3F7E];
	_ =	swait.ge [sflag:s4], $0x0  }
0x19: {  	s7 =	sld [smem:$0x3F7F]  }
0x1a: {  	s8 =	sadd.s32 $0xFFFFE003, lr  }
0x1b: {  	s9 =	sadd.s32 $0xFFFFFEF7, lr;
	s5 =	simm.s32 $0xFFFFFFFF;
	p2 =	slt.u32 s8, $0xFFFFF086  }
0x1c: {  	p1 =	slt.u32 s9, $0xF7A;
	s5 =	simm.s32 @!p2 $0x0  }
0x1d: {  	s5 =	simm.s32 @p1 $0x1;
	p0 =	seq.s32 s7, s2  }
0x1e: {  	s7 =	smul.u32 @!p0 $0xF7A, s2;
	p2 =	seq.s32 @!p0 s5, $0x0  }
0x1f: {  	s9 =	smul.u32 $0xF7A, s1;
	s8 =	simm.s32 @!p0 $0x1BF5;
	p2 =	por !p2, p0  }
0x20: {  	[sflag:s8] =	ssyncset.s32 @!p0 $0xFFFFF086;
	s6 =	sadd.s32 @!p0 s3, s7;
	s7 =	simm.s32 @!p0 $0x108  }
0x21: {  	s3 =	sadd.s32 s3, s9;
	s6 =	sadd.s32 @!p0 $0x88, s6;
	s7 =	simm.s32 @p2 $0x1082  }
0x22: {  	[simem:s7], [sflag:s8] =	dma.local @!p0 [hbm:s6], $0xF7A  }
0x23: {  	s9 =	sor.u32 $0xD0000000, s2;
	s6 =	simm.s32 $0x108;
	_ =	swait.ge @!p0 [sflag:s8], $0x0  }
0x24: {  	s3 =	sadd.s32 $0x88, s3;
	s6 =	simm.s32 @!p1 $0x1082;
	[sflag:s4] =	ssyncset.s32 $0xFFFFF086  }
0x25: {  	[simem:s6], [sflag:s4] =	dma.local [hbm:s3], $0xF7A  }
0x26: {  	[smem:$0x3F7F] =	sst s1;
	(tag) =	ssettag s2;
	_ =	strace s9  }
0x27: {  	s1 =	sld [smem:$0x3F8F]  }
0x28: {  	s2 =	sld [smem:$0x3F90]  }
0x29: {  	s4 =	sld [smem:$0x3F92]  }
0x2a: {  	p0 =	seq.s32 s5, $0x0;
	s5 =	sld [smem:$0x3F93]  }
0x2b: {  	s6 =	sld [smem:$0x3F94]  }
0x2c: {  	s7 =	sld [smem:$0x3F95]  }
0x2d: {  	s3 =	simm.s32 $0x108;
	s8 =	sld [smem:$0x3F96]  }
0x2e: {  	s3 =	simm.s32 @!p0 $0x1082;
	s9 =	sld [smem:$0x3F97]  }
0x2f: {  	lr =	sadd.s32 s0, s3;
	s0 =	sld [smem:$0x3F8E]  }
0x30: {  	s3 =	sld [smem:$0x3F91]  }
0x31: {  	[smem:$0x3F9A] =	sst s10  }
0x32: {  	s10 =	sld [smem:$0x3F98];
	_ =	sdelay $0x3  }
0x33: {  	p0 =	seq.s32 s10, $0x1;
	s10 =	sld [smem:$0x3F9A];
	_ =	sdelay $0x3  }
0x34: {  	[smem:$0x3F9A] =	sst s10  }
0x35: {  	s10 =	sld [smem:$0x3F99];
	_ =	sdelay $0x3  }
0x36: {  	p1 =	seq.s32 s10, $0x1;
	s10 =	sld [smem:$0x3F9A];
	_ =	sdelay $0x3  }
0x37: {  	[smem:$0x3F9A] =	sst s10  }
0x38: {  	s10 =	sld [smem:$0x3F9B]  }
0x39: {  	_ = 	snop;
	(pc) =	sbr.ind lr, $3  }
0x3a: {  	_ = 	snop  }
0x3b: {  	_ = 	snop  }
0x3c: {  	p2 =	seq.s32 s10, $0x1;
	s10 =	sld [smem:$0x3F9A]  }
0x3d: {  	_ =	shalt  }
0x3e: {  	_ =	shalt  }
0x3f: {  	_ =	shalt  }
0x40: {  	_ =	shalt  }
0x41: {  	_ =	shalt  }
0x42: {  	_ =	shalt  }
0x43: {  	_ =	shalt  }
0x44: {  	_ =	shalt  }
0x45: {  	_ =	shalt  }
0x46: {  	_ =	shalt  }
0x47: {  	_ =	shalt  }
0x48: {  	_ =	shalt  }
0x49: {  	_ =	shalt  }
0x4a: {  	_ =	shalt  }
0x4b: {  	_ =	shalt  }
0x4c: {  	_ =	shalt  }
0x4d: {  	_ =	shalt  }
0x4e: {  	_ =	shalt  }
0x4f: {  	_ =	shalt  }
0x50: {  	_ =	shalt  }
0x51: {  	_ =	shalt  }
0x52: {  	_ =	shalt  }
0x53: {  	_ =	shalt  }
0x54: {  	_ =	shalt  }
0x55: {  	_ =	shalt  }
0x56: {  	_ =	shalt  }
0x57: {  	_ =	shalt  }
0x58: {  	_ =	shalt  }
0x59: {  	_ =	shalt  }
0x5a: {  	_ =	shalt  }
0x5b: {  	_ =	shalt  }
0x5c: {  	_ =	shalt  }
0x5d: {  	_ =	shalt  }
0x5e: {  	_ =	shalt  }
0x5f: {  	_ =	shalt  }
0x60: {  	_ =	shalt  }
0x61: {  	_ =	shalt  }
0x62: {  	_ =	shalt  }
0x63: {  	_ =	shalt  }
0x64: {  	_ =	shalt  }
0x65: {  	_ =	shalt  }
0x66: {  	_ =	shalt  }
0x67: {  	_ =	shalt  }
0x68: {  	_ =	shalt  }
0x69: {  	_ =	shalt  }
0x6a: {  	_ =	shalt  }
0x6b: {  	_ =	shalt  }
0x6c: {  	_ =	shalt  }
0x6d: {  	_ =	shalt  }
0x6e: {  	_ =	shalt  }
0x6f: {  	_ =	shalt  }
0x70: {  	_ =	shalt  }
0x71: {  	_ =	shalt  }
0x72: {  	_ =	shalt  }
0x73: {  	_ =	shalt  }
0x74: {  	_ =	shalt  }
0x75: {  	_ =	shalt  }
0x76: {  	_ =	shalt  }
0x77: {  	_ =	shalt  }
0x78: {  	_ =	shalt  }
0x79: {  	_ =	shalt  }
0x7a: {  	_ =	shalt  }
0x7b: {  	_ =	shalt  }
0x7c: {  	_ =	shalt  }
0x7d: {  	_ =	shalt  }
0x7e: {  	_ =	shalt  }
0x7f: {  	_ =	shalt  }
0x80: {  	_ =	shalt  }
0x81: {  	_ =	shalt  }
0x82: {  	_ =	shalt  }
0x83: {  	_ =	shalt  }
0x84: {  	_ =	shalt  }
0x85: {  	_ =	shalt  }
0x86: {  	_ =	shalt  }
0x87: {  	_ =	shalt  }
.Lfunc_end0:
.L_simem_size_0:
called_computation.4_lowered:
.L_overlay_start_0:
0x88: {  	s2 =	sld [smem:$0x3FD9]  }
0x89: {  	s3 =	sld [smem:$0x3FFE];
	_ =	sdelay $0x1  }
0x8a: {  	s1 =	srdreg.scid  }
0x8b: {  	s0 =	sand.u32 $0x1, s1  }
0x8c: {  	s16 =	sshll.u32 s0, $0xA;
	s2 =	sadd.s32 s3, s2  }
0x8d: {  	s2 =	sadd.s32 s2, s16  }
0x8e: {  	[smem:$0x3FA6] =	sst s2  }
0x8f: {  	_ = 	snop  }
0x90: {  	(tm) =	ssettm $0x1  }
0x91: {  	s17 =	sld [smem:$0x3FFB];
	_ =	sdelay $0x3  }
0x92: {  	_ =	strace s17  }
0x93: {  	s2 =	sld [smem:$0x3FFC];
	_ =	sdelay $0x3  }
0x94: {  	_ =	strace s2  }
0x95: {  	s2 =	sld [smem:$0x3FFD];
	_ =	sdelay $0x3  }
0x96: {  	_ =	strace s2  }
0x97: {  	_ =	strace $0x8FFFFFFF  }
0x98: {  	s18 =	sld [smem:$0x3FDB];
	_ =	sdelay $0x1  }
0x99: {  	s19 =	simm.s32 $_scs_section_size  }
0x9a: {  	s4 =	simm.s32 $_size__tile_overlayer_lowered;
	s5 =	simm.s32 $_tile_overlayer_lowered  }
0x9b: {  	s22 =	simm.s32 $0x1BFF;
	s21 =	sshll.u32 s5, $0x1;
	s2 =	sadd.s32 s19, s18  }
0x9c: {  	s6 =	simm.s32 $0x0;
	s20 =	sshll.u32 s4, $0x1;
	s4 =	sadd.s32 s21, s2  }
0x9d: {  	[timem:s6], [sflag:s22] =	dma.local [hbm:s4], s20  }
0x9e: {  	_ =	swait.ge [sflag:s22], s20  }
0x9f: {  	s3 =	ssub.s32 $0x0, s20;
	[sflag:s22] =	ssyncset.done $0x0  }
0xa0: {  	[sflag:s22] =	ssyncadd.s32 s3;
	_ =	sdelay $0x1  }
0xa1: {  	s23 =	simm.s32 $0x1B8B  }
0xa2: {  	_ =	swait.ge [sflag:s23], $0x1  }
0xa3: {  	[sflag:s23] =	ssyncset.done $0x0  }
0xa4: {  	s25 =	simm.s32 $0x1B8E;
	s24 =	sld [smem:$0x3FFE];
	[sflag:s23] =	ssyncadd.s32 $0xFFFFFFFF  }
0xa5: {  	s26 =	simm.s32 $execute0_lowered;
	[smem:$0x3FD2] =	sst s25  }
0xa6: {  	s4 =	sshll.u32 s26, $0x1;
	_ =	strace $0x80000052;
	[dreg:$0x1] =	wrdreg $0xFFFFFFFF  }
0xa7: {  	s28 =	simm.s32 $_size_execute0_lowered;
	s2 =	sadd.s32 s2, s4;
	[dreg:$0x0] =	wrdreg $0x0  }
0xa8: {  	s4 =	sshll.u32 s28, $0x1;
	[dreg:$0x2] =	wrdreg s2  }
0xa9: {  	[dreg:$0x3] =	wrdreg s4  }
0xaa: {  	[dreg:$0x4] =	wrdreg $0xC0  }
0xab: {  	_ =	task [dreg:s6], $0x5FFFF  }
0xac: {  	[dreg:$0x1] =	wrdreg $0xFFFFFFFF  }
0xad: {  	[dreg:$0x0] =	wrdreg $0x60  }
0xae: {  	[dreg:$0x2] =	wrdreg s24  }
0xaf: {  	[dreg:$0x3] =	wrdreg $0x9  }
0xb0: {  	_ =	task.clear_ibuf [dreg:s6], $0x4FFFF;
	_ =	strace $0x90000052  }
0xb1: {  	s29 =	simm.s32 $0x9;
	_ =	strace $0x80000054  }
0xb2: {  	_ =	swait.ge [sflag:s29], $0x1  }
0xb3: {  	[sflag:s29] =	ssyncadd.s32 $0xFFFFFFFF  }
0xb4: {  	_ =	strace $0x90000054  }
0xb5: {  	_ =	sfence  }
0xb6: {  	s30 =	sld [smem:$0x0];
	_ =	sdelay $0x2  }
0xb7: {  	s31 =	sshll.u32 s1, $0xD;
	s1 =	sshrl.u32 s1, $0x2  }
0xb8: {  	s3 =	sand.u32 $0x4000, s31;
	s1 =	sadd.s32 s1, s30  }
0xb9: {  	s0 =	sor.u32 s3, s0;
	s1 =	sshll.u32 s1, $0x11  }
0xba: {  	s0 =	sor.u32 s1, s0  }
0xbb: {  	s0 =	sadd.s32 $0x8F2B, s0  }
0xbc: {  	[sflag:s0] =	ssyncadd.remote.s32 $0x1  }
0xbd: {  	_ =	sfence.sel $0xFFFF  }
0xbe: {  	[dreg:$0x0] =	wrdreg $0xFFFFFFFF;
	(pc) =	sbr.abs _section_cstart, $3  }
0xbf: {  	[dreg:$0x1] =	wrdreg $0xFFFFFFFF  }
0xc0: {  	_ =	task.clear_ibuf [dreg:s6], $0x2FFFF;
	_ =	strace $0x9FFFFFFF  }
0xc1: {  	(tm) =	ssettm $0x7FFFFFFF  }
tec
execute0_lowered:
.L_overlay_start_1:
0x0: {  	(tag) =	ssettag $0x1  }
0x1: {  	s1 =	srdreg.scid  }
0x2: {  	s0 =	stileid.u32;
	s4 =	rddreg [dreg:$0x0]  }
0x3: {  	s2 =	simm.s32 $0x0;
	s15 =	simm.s32 $0x6800;
	s16 =	simm.s32 $0x100  }
0x4: {  	s17 =	simm.s32 $0xA800;
	s18 =	simm.s32 $0x180;
	s19 =	simm.s32 $0xE800  }
0x5: {  	s20 =	simm.s32 $0x1;
	s21 =	simm.s32 $0x2;
	s11 =	smul.u32 $0x280000, s0  }
0x6: {  	s22 =	simm.s32 $0x3;
	s9 =	sand.u32 $0x1, s1;
	s14 =	smul.u32 $0x50000, s0  }
0x7: {  	s23 =	simm.s32 $0x4;
	s25 =	sshll.u32 s0, $0x1;
	s13 =	smul.u32 $0x140000, s9  }
0x8: {  	s1 =	rddreg [dreg:$0x1];
	s5 =	sor.u32 s9, s25;
	s30 =	smul.u32 $0x28000, s9  }
0x9: {  	s24 =	simm.s32 $0x0;
	[smem:$0x7FF] =	sst s2;
	s3 =	smul.u32 $0x2800, s5  }
0xa: {  	s10 =	sadd.s32 $0x1BA00, s4;
	s7 =	ssub.s32 $0x2, s9;
	s8 =	smul.u32 $0x140000, s5  }
0xb: {  	_ =	strace $0x80000053;
	s26 =	sshrl.u32 s7, $0x1;
	s28 =	smul.u32 $0x28000, s5  }
0xc: {  	s31 =	sadd.s32 s14, s10;
	s14 =	simm.s32 $0x2800;
	s7 =	ssub.s32 s7, s26  }
0xd: {  	s11 =	sadd.s32 s13, s11;
	s13 =	simm.s32 $0x80;
	s6 =	sshrl.u32 s3, $0x3  }
0xe: {  	s3 =	sadd.s32 $0x54CC00, s4;
	s5 =	smax.u32 s7, $0x1;
	s29 =	sshrl.u32 s8, $0x3  }
0xf: {  	s12 =	sadd.s32 s10, s28;
	s11 =	sshrl.u32 s11, $0x3;
	s6 =	sadd.s32 s6, s4  }
0x10: {  	s7 =	sadd.s32 s10, s29;
	s8 =	sadd.s32 $0x27000, s12;
	s9 =	sadd.s32 $0x27800, s12  }
0x11: {  	s10 =	sadd.s32 s11, s10;
	s11 =	sadd.s32 s30, s31;
	s4 =	sadd.s32 $0x11A00, s6  }
0x12: {  	s6 =	sadd.s32 $0x26000, s7;
	s7 =	sadd.s32 $0x26800, s12;
	s12 =	simm.s32 $0x5  }
.LBB2_1:
0x13: {  	[tilespmem:s2], [sflag:$0x5] =	stream.linear.gather [hbm4b:s4+s2], $0x2800, $0x38;
	[tilespmem:$0x12800] =	vst v63  }
0x14: {  	_ =	swait.ge [sflag:s12], $0x2800  }
0x15: {  	[sflag:s12] =	ssyncset.done $0x0  }
0x16: {  	[sflag:s12] =	ssyncadd.s32 $0xFFFFD800  }
0x17: {  	[tilespmem:s14], [sflag:$0x1] =	stream.indirect.gather [hbm4b:s3+s13], $0x80, s2, s13, $0xb8;
	[tilespmem:$0x12800] =	vst v63  }
0x18: {  	_ = 	snop  }
0x19: {  	[tilespmem:s15], [sflag:$0x2] =	stream.indirect.gather [hbm4b:s3+s13], $0x80, s13, s13, $0xb8;
	[tilespmem:$0x12800] =	vst v63  }
0x1a: {  	_ = 	snop  }
0x1b: {  	[tilespmem:s17], [sflag:$0x3] =	stream.indirect.gather [hbm4b:s3+s13], $0x80, s16, s13, $0xb8;
	[tilespmem:$0x12800] =	vst v63  }
0x1c: {  	_ = 	snop  }
0x1d: {  	[tilespmem:s19], [sflag:$0x4] =	stream.indirect.gather [hbm4b:s3+s13], $0x80, s18, s13, $0xb8;
	[tilespmem:$0x12800] =	vst v63  }
0x1e: {  	_ =	swait.ge [sflag:s20], $0x4000  }
0x1f: {  	[sflag:s20] =	ssyncset.done $0x0  }
0x20: {  	s25 =	sadd.s32 $0x0, s10;
	[sflag:s20] =	ssyncadd.s32 $0xFFFFC000  }
0x21: {  	[hbm4b:s25+s2] =	stream.linear.scatter [tilespmem:s14], [sflag:$0x5], $0x4000, $0x38;
	[tilespmem:$0x12800] =	vst v63  }
0x22: {  	_ =	swait.ge [sflag:s12], $0x4000  }
0x23: {  	[sflag:s12] =	ssyncset.done $0x0  }
0x24: {  	s26 =	simm.s32 $0x200;
	[sflag:s12] =	ssyncadd.s32 $0xFFFFC000  }
0x25: {  	[tilespmem:s14], [sflag:$0x1] =	stream.indirect.gather [hbm4b:s3+s13], $0x80, s26, s13, $0xb8;
	[tilespmem:$0x12800] =	vst v63  }
0x26: {  	_ =	swait.ge [sflag:s21], $0x4000  }
0x27: {  	s25 =	sadd.s32 $0x0, s11;
	[sflag:s21] =	ssyncset.done $0x0  }
0x28: {  	s26 =	sadd.s32 $0x800, s25;
	[sflag:s21] =	ssyncadd.s32 $0xFFFFC000  }
0x29: {  	[hbm4b:s26+s2] =	stream.linear.scatter [tilespmem:s15], [sflag:$0x5], $0x4000, $0x38;
	[tilespmem:$0x12800] =	vst v63  }
0x2a: {  	_ =	swait.ge [sflag:s12], $0x4000  }
0x2b: {  	[sflag:s12] =	ssyncset.done $0x0  }
0x2c: {  	s29 =	simm.s32 $0x280;
	[sflag:s12] =	ssyncadd.s32 $0xFFFFC000  }
0x2d: {  	[tilespmem:s15], [sflag:$0x2] =	stream.indirect.gather [hbm4b:s3+s13], $0x80, s29, s13, $0xb8;
	[tilespmem:$0x12800] =	vst v63  }
0x2e: {  	_ =	swait.ge [sflag:s22], $0x4000  }
0x2f: {  	[sflag:s22] =	ssyncset.done $0x0  }
0x30: {  	s30 =	sadd.s32 $0x1000, s25;
	[sflag:s22] =	ssyncadd.s32 $0xFFFFC000  }
0x31: {  	[hbm4b:s30+s2] =	stream.linear.scatter [tilespmem:s17], [sflag:$0x5], $0x4000, $0x38;
	[tilespmem:$0x12800] =	vst v63  }
0x32: {  	_ =	swait.ge [sflag:s12], $0x4000  }
0x33: {  	[sflag:s12] =	ssyncset.done $0x0  }
0x34: {  	s31 =	simm.s32 $0x300;
	[sflag:s12] =	ssyncadd.s32 $0xFFFFC000  }
0x35: {  	[tilespmem:s17], [sflag:$0x3] =	stream.indirect.gather [hbm4b:s3+s13], $0x80, s31, s13, $0xb8;
	[tilespmem:$0x12800] =	vst v63  }
0x36: {  	_ =	swait.ge [sflag:s23], $0x4000  }
0x37: {  	[sflag:s23] =	ssyncset.done $0x0  }
0x38: {  	s25 =	sadd.s32 $0x1800, s25;
	[sflag:s23] =	ssyncadd.s32 $0xFFFFC000  }
0x39: {  	[hbm4b:s25+s2] =	stream.linear.scatter [tilespmem:s19], [sflag:$0x5], $0x4000, $0x38;
	[tilespmem:$0x12800] =	vst v63  }
0x3a: {  	_ =	swait.ge [sflag:s12], $0x4000  }
0x3b: {  	s28 =	simm.s32 $0x580;
	[sflag:s12] =	ssyncset.done $0x0  }
0x3c: {  	s26 =	simm.s32 $0x2000;
	s25 =	simm.s32 $0x380;
	[sflag:s12] =	ssyncadd.s32 $0xFFFFC000  }
.LBB2_2:
0x3d: {  	[tilespmem:s19], [sflag:$0x4] =	stream.indirect.gather [hbm4b:s3+s13], $0x80, s25, s13, $0xb8;
	[tilespmem:$0x12800] =	vst v63  }
0x3e: {  	s29 =	smov.u32 s26;
	s25 =	smov.u32 s28  }
0x3f: {  	p0 =	sne.s32 s26, $0x24000;
	s26 =	sadd.s32 $0x2000, s26;
	_ =	swait.ge [sflag:s20], $0x4000  }
0x40: {  	[sflag:s20] =	ssyncset.done $0x0  }
0x41: {  	s30 =	sadd.s32 s29, s10;
	[sflag:s20] =	ssyncadd.s32 $0xFFFFC000  }
0x42: {  	[hbm4b:s30+s2] =	stream.linear.scatter [tilespmem:s14], [sflag:$0x5], $0x4000, $0x38;
	[tilespmem:$0x12800] =	vst v63  }
0x43: {  	_ =	swait.ge [sflag:s12], $0x4000  }
0x44: {  	[sflag:s12] =	ssyncset.done $0x0  }
0x45: {  	s30 =	sadd.s32 $0xFFFFFE80, s28;
	[sflag:s12] =	ssyncadd.s32 $0xFFFFC000  }
0x46: {  	[tilespmem:s14], [sflag:$0x1] =	stream.indirect.gather [hbm4b:s3+s13], $0x80, s30, s13, $0xb8;
	[tilespmem:$0x12800] =	vst v63  }
0x47: {  	_ =	swait.ge [sflag:s21], $0x4000  }
0x48: {  	s29 =	sadd.s32 s29, s11;
	[sflag:s21] =	ssyncset.done $0x0  }
0x49: {  	s30 =	sadd.s32 $0x800, s29;
	[sflag:s21] =	ssyncadd.s32 $0xFFFFC000  }
0x4a: {  	[hbm4b:s30+s2] =	stream.linear.scatter [tilespmem:s15], [sflag:$0x5], $0x4000, $0x38;
	[tilespmem:$0x12800] =	vst v63  }
0x4b: {  	_ =	swait.ge [sflag:s12], $0x4000  }
0x4c: {  	[sflag:s12] =	ssyncset.done $0x0  }
0x4d: {  	s30 =	sadd.s32 $0xFFFFFF00, s28;
	[sflag:s12] =	ssyncadd.s32 $0xFFFFC000  }
0x4e: {  	[tilespmem:s15], [sflag:$0x2] =	stream.indirect.gather [hbm4b:s3+s13], $0x80, s30, s13, $0xb8;
	[tilespmem:$0x12800] =	vst v63  }
0x4f: {  	_ =	swait.ge [sflag:s22], $0x4000  }
0x50: {  	[sflag:s22] =	ssyncset.done $0x0  }
0x51: {  	s30 =	sadd.s32 $0x1000, s29;
	[sflag:s22] =	ssyncadd.s32 $0xFFFFC000  }
0x52: {  	[hbm4b:s30+s2] =	stream.linear.scatter [tilespmem:s17], [sflag:$0x5], $0x4000, $0x38;
	[tilespmem:$0x12800] =	vst v63  }
0x53: {  	_ =	swait.ge [sflag:s12], $0x4000  }
0x54: {  	[sflag:s12] =	ssyncset.done $0x0  }
0x55: {  	s30 =	sadd.s32 $0xFFFFFF80, s28;
	[sflag:s12] =	ssyncadd.s32 $0xFFFFC000  }
0x56: {  	[tilespmem:s17], [sflag:$0x3] =	stream.indirect.gather [hbm4b:s3+s13], $0x80, s30, s13, $0xb8;
	[tilespmem:$0x12800] =	vst v63  }
0x57: {  	_ =	swait.ge [sflag:s23], $0x4000  }
0x58: {  	[sflag:s23] =	ssyncset.done $0x0  }
.Ltmp0:
0x59: {  	s29 =	sadd.s32 $0x1800, s29;
	[sflag:s23] =	ssyncadd.s32 $0xFFFFC000;
	(pc) =	sbr.rel @p0 .LBB2_2-.Ltmp0, $4  }
0x5a: {  	[hbm4b:s29+s2] =	stream.linear.scatter [tilespmem:s19], [sflag:$0x5], $0x4000, $0x38;
	[tilespmem:$0x12800] =	vst v63  }
0x5b: {  	_ =	swait.ge [sflag:s12], $0x4000  }
0x5c: {  	[sflag:s12] =	ssyncset.done $0x0  }
0x5d: {  	s28 =	sadd.s32 $0x200, s28;
	[sflag:s12] =	ssyncadd.s32 $0xFFFFC000  }
0x5e: {  	[tilespmem:s19], [sflag:$0x4] =	stream.indirect.gather [hbm4b:s3+s13], $0x80, s25, s13, $0xb8;
	[tilespmem:$0x12800] =	vst v63  }
0x5f: {  	_ =	swait.ge [sflag:s20], $0x4000  }
0x60: {  	[sflag:s20] =	ssyncset.done $0x0  }
0x61: {  	[sflag:s20] =	ssyncadd.s32 $0xFFFFC000  }
0x62: {  	[hbm4b:s6+s2] =	stream.linear.scatter [tilespmem:s14], [sflag:$0x5], $0x4000, $0x38;
	[tilespmem:$0x12800] =	vst v63  }
0x63: {  	_ =	swait.ge [sflag:s12], $0x4000  }
0x64: {  	[sflag:s12] =	ssyncset.done $0x0  }
0x65: {  	[sflag:s12] =	ssyncadd.s32 $0xFFFFC000  }
0x66: {  	_ =	swait.ge [sflag:s21], $0x4000  }
0x67: {  	[sflag:s21] =	ssyncset.done $0x0  }
0x68: {  	[sflag:s21] =	ssyncadd.s32 $0xFFFFC000  }
0x69: {  	[hbm4b:s7+s2] =	stream.linear.scatter [tilespmem:s15], [sflag:$0x5], $0x4000, $0x38;
	[tilespmem:$0x12800] =	vst v63  }
0x6a: {  	_ =	swait.ge [sflag:s12], $0x4000  }
0x6b: {  	[sflag:s12] =	ssyncset.done $0x0  }
0x6c: {  	[sflag:s12] =	ssyncadd.s32 $0xFFFFC000  }
0x6d: {  	_ =	swait.ge [sflag:s22], $0x4000  }
0x6e: {  	[sflag:s22] =	ssyncset.done $0x0  }
0x6f: {  	[sflag:s22] =	ssyncadd.s32 $0xFFFFC000  }
0x70: {  	[hbm4b:s8+s2] =	stream.linear.scatter [tilespmem:s17], [sflag:$0x5], $0x4000, $0x38;
	[tilespmem:$0x12800] =	vst v63  }
0x71: {  	_ =	swait.ge [sflag:s12], $0x4000  }
0x72: {  	[sflag:s12] =	ssyncset.done $0x0  }
0x73: {  	[sflag:s12] =	ssyncadd.s32 $0xFFFFC000  }
0x74: {  	s24 =	sadd.s32 $0x1, s24;
	_ =	swait.ge [sflag:s23], $0x4000  }
0x75: {  	p0 =	sne.s32 s24, s5;
	[sflag:s23] =	ssyncset.done $0x0  }
.Ltmp1:
0x76: {  	[sflag:s23] =	ssyncadd.s32 $0xFFFFC000;
	(pc) =	sbr.rel @p0 .LBB2_1-.Ltmp1, $4  }
0x77: {  	[hbm4b:s9+s2] =	stream.linear.scatter [tilespmem:s19], [sflag:$0x5], $0x4000, $0x38;
	[tilespmem:$0x12800] =	vst v63  }
0x78: {  	_ =	swait.ge [sflag:s12], $0x4000  }
0x79: {  	[sflag:s12] =	ssyncset.done $0x0  }
0x7a: {  	[sflag:s12] =	ssyncadd.s32 $0xFFFFC000  }
0x7b: {  	_ =	sfence.sel $0x180000  }
0x7c: {  	[bflag:$0x0] =	sbarrier.arrive $0xFFFF  }
0x7d: {  	p0 =	sne.s32 s0, $0x0;
	_ =	strace $0x90000053  }
0x7e: {  	s0 =	sadd.s32 @!p0 $0x100000, s1;
	[bflag:$0x2] =	sbarrier.arrive $0xFFFF  }
0x7f: {  	[sflag:s0] =	ssyncadd.tile.s32 @!p0 $0x1;
	_ =	shalt  }
.Lfunc_end2:
_tile_overlayer_lowered:
.L_overlay_start_2:
0x80: {  	(tag) =	ssettag $0x2  }
0x81: {  	s0 =	rddreg [dreg:$0x0];
	s2 =	stileid.u32  }
0x82: {  	s1 =	rddreg [dreg:$0x1];
	p0 =	sne.s32 s2, $0x0  }
0x83: {  	s3 =	rddreg [dreg:$0x2];
	[bflag:$0x3] =	sbarrier.arrive $0xFFFF;
	s2 =	simm.s32 @!p0 $0x1C05  }
0x84: {  	[timem:s3], [sflag:s2] =	dma.local @!p0 [hbm:s0], s1  }
0x85: {  	s0 =	simm.s32 @!p0 $0x5  }
0x86: {  	_ =	swait.ge @!p0 [sflag:s0], s1  }
0x87: {  	s1 =	ssub.s32 @!p0 $0x0, s1;
	[sflag:s0] =	ssyncset.done @!p0 $0x0  }
0x88: {  	[sflag:s0] =	ssyncadd.s32 @!p0 s1  }
0x89: {  	[bflag:$0x3] =	sbarrier.arrive $0xFFFF  }
0x8a: {  	_ =	shalt  }

// kernel: kernel.31.cloned.1.call-start
scs
__scs_entry_jumppad:
0x0: {  	(pc) =	sbr.rel $0x88, $3  }
0x1: {  	(tag) =	ssettag $0x0;
	lr =	simm.s32 $0x1  }
0x2: {  	[smem:$0x3F7F] =	sst lr;
	_ =	strace $0xD0000000  }
0x3: {  	_ = 	snop  }
0x4: {  	_ = 	snop  }
0x5: {  	_ = 	snop  }
0x6: {  	_ = 	snop  }
0x7: {  	_ = 	snop  }
__scs_overlays_trampoline_lowered:
0x8: {  	[smem:$0x3F8E] =	sst s0  }
0x9: {  	[smem:$0x3F8F] =	sst s1  }
0xa: {  	[smem:$0x3F90] =	sst s2  }
0xb: {  	[smem:$0x3F91] =	sst s3  }
0xc: {  	[smem:$0x3F92] =	sst s4  }
0xd: {  	[smem:$0x3F93] =	sst s5  }
0xe: {  	[smem:$0x3F94] =	sst s6  }
0xf: {  	[smem:$0x3F95] =	sst s7  }
0x10: {  	[smem:$0x3F96] =	sst s8  }
0x11: {  	[smem:$0x3F97] =	sst s9;
	s0 =	simm.s32 @!p0 $0x0  }
0x12: {  	s1 =	sld [smem:$0x3F7D];
	s0 =	simm.s32 @p0 $0x1  }
0x13: {  	[smem:$0x3F98] =	sst s0;
	s0 =	simm.s32 @!p1 $0x0  }
0x14: {  	s2 =	sld [smem:$0x3F7C];
	s0 =	simm.s32 @p1 $0x1  }
0x15: {  	[smem:$0x3F99] =	sst s0;
	s0 =	simm.s32 @!p2 $0x0  }
0x16: {  	s3 =	sld [smem:$0x3FDB];
	s0 =	simm.s32 @p2 $0x1  }
0x17: {  	s4 =	simm.s32 $0x1BF5;
	[smem:$0x3F9B] =	sst s0  }
0x18: {  	s0 =	sld [smem:$0x3F7E];
	_ =	swait.ge [sflag:s4], $0x0  }
0x19: {  	s7 =	sld [smem:$0x3F7F]  }
0x1a: {  	s8 =	sadd.s32 $0xFFFFE003, lr  }
0x1b: {  	s9 =	sadd.s32 $0xFFFFFEF7, lr;
	s5 =	simm.s32 $0xFFFFFFFF;
	p2 =	slt.u32 s8, $0xFFFFF086  }
0x1c: {  	p1 =	slt.u32 s9, $0xF7A;
	s5 =	simm.s32 @!p2 $0x0  }
0x1d: {  	s5 =	simm.s32 @p1 $0x1;
	p0 =	seq.s32 s7, s2  }
0x1e: {  	s7 =	smul.u32 @!p0 $0xF7A, s2;
	p2 =	seq.s32 @!p0 s5, $0x0  }
0x1f: {  	s9 =	smul.u32 $0xF7A, s1;
	s8 =	simm.s32 @!p0 $0x1BF5;
	p2 =	por !p2, p0  }
0x20: {  	[sflag:s8] =	ssyncset.s32 @!p0 $0xFFFFF086;
	s6 =	sadd.s32 @!p0 s3, s7;
	s7 =	simm.s32 @!p0 $0x108  }
0x21: {  	s3 =	sadd.s32 s3, s9;
	s6 =	sadd.s32 @!p0 $0x88, s6;
	s7 =	simm.s32 @p2 $0x1082  }
0x22: {  	[simem:s7], [sflag:s8] =	dma.local @!p0 [hbm:s6], $0xF7A  }
0x23: {  	s9 =	sor.u32 $0xD0000000, s2;
	s6 =	simm.s32 $0x108;
	_ =	swait.ge @!p0 [sflag:s8], $0x0  }
0x24: {  	s3 =	sadd.s32 $0x88, s3;
	s6 =	simm.s32 @!p1 $0x1082;
	[sflag:s4] =	ssyncset.s32 $0xFFFFF086  }
0x25: {  	[simem:s6], [sflag:s4] =	dma.local [hbm:s3], $0xF7A  }
0x26: {  	[smem:$0x3F7F] =	sst s1;
	(tag) =	ssettag s2;
	_ =	strace s9  }
0x27: {  	s1 =	sld [smem:$0x3F8F]  }
0x28: {  	s2 =	sld [smem:$0x3F90]  }
0x29: {  	s4 =	sld [smem:$0x3F92]  }
0x2a: {  	p0 =	seq.s32 s5, $0x0;
	s5 =	sld [smem:$0x3F93]  }
0x2b: {  	s6 =	sld [smem:$0x3F94]  }
0x2c: {  	s7 =	sld [smem:$0x3F95]  }
0x2d: {  	s3 =	simm.s32 $0x108;
	s8 =	sld [smem:$0x3F96]  }
0x2e: {  	s3 =	simm.s32 @!p0 $0x1082;
	s9 =	sld [smem:$0x3F97]  }
0x2f: {  	lr =	sadd.s32 s0, s3;
	s0 =	sld [smem:$0x3F8E]  }
0x30: {  	s3 =	sld [smem:$0x3F91]  }
0x31: {  	[smem:$0x3F9A] =	sst s10  }
0x32: {  	s10 =	sld [smem:$0x3F98];
	_ =	sdelay $0x3  }
0x33: {  	p0 =	seq.s32 s10, $0x1;
	s10 =	sld [smem:$0x3F9A];
	_ =	sdelay $0x3  }
0x34: {  	[smem:$0x3F9A] =	sst s10  }
0x35: {  	s10 =	sld [smem:$0x3F99];
	_ =	sdelay $0x3  }
0x36: {  	p1 =	seq.s32 s10, $0x1;
	s10 =	sld [smem:$0x3F9A];
	_ =	sdelay $0x3  }
0x37: {  	[smem:$0x3F9A] =	sst s10  }
0x38: {  	s10 =	sld [smem:$0x3F9B]  }
0x39: {  	_ = 	snop;
	(pc) =	sbr.ind lr, $3  }
0x3a: {  	_ = 	snop  }
0x3b: {  	_ = 	snop  }
0x3c: {  	p2 =	seq.s32 s10, $0x1;
	s10 =	sld [smem:$0x3F9A]  }
0x3d: {  	_ =	shalt  }
0x3e: {  	_ =	shalt  }
0x3f: {  	_ =	shalt  }
0x40: {  	_ =	shalt  }
0x41: {  	_ =	shalt  }
0x42: {  	_ =	shalt  }
0x43: {  	_ =	shalt  }
0x44: {  	_ =	shalt  }
0x45: {  	_ =	shalt  }
0x46: {  	_ =	shalt  }
0x47: {  	_ =	shalt  }
0x48: {  	_ =	shalt  }
0x49: {  	_ =	shalt  }
0x4a: {  	_ =	shalt  }
0x4b: {  	_ =	shalt  }
0x4c: {  	_ =	shalt  }
0x4d: {  	_ =	shalt  }
0x4e: {  	_ =	shalt  }
0x4f: {  	_ =	shalt  }
0x50: {  	_ =	shalt  }
0x51: {  	_ =	shalt  }
0x52: {  	_ =	shalt  }
0x53: {  	_ =	shalt  }
0x54: {  	_ =	shalt  }
0x55: {  	_ =	shalt  }
0x56: {  	_ =	shalt  }
0x57: {  	_ =	shalt  }
0x58: {  	_ =	shalt  }
0x59: {  	_ =	shalt  }
0x5a: {  	_ =	shalt  }
0x5b: {  	_ =	shalt  }
0x5c: {  	_ =	shalt  }
0x5d: {  	_ =	shalt  }
0x5e: {  	_ =	shalt  }
0x5f: {  	_ =	shalt  }
0x60: {  	_ =	shalt  }
0x61: {  	_ =	shalt  }
0x62: {  	_ =	shalt  }
0x63: {  	_ =	shalt  }
0x64: {  	_ =	shalt  }
0x65: {  	_ =	shalt  }
0x66: {  	_ =	shalt  }
0x67: {  	_ =	shalt  }
0x68: {  	_ =	shalt  }
0x69: {  	_ =	shalt  }
0x6a: {  	_ =	shalt  }
0x6b: {  	_ =	shalt  }
0x6c: {  	_ =	shalt  }
0x6d: {  	_ =	shalt  }
0x6e: {  	_ =	shalt  }
0x6f: {  	_ =	shalt  }
0x70: {  	_ =	shalt  }
0x71: {  	_ =	shalt  }
0x72: {  	_ =	shalt  }
0x73: {  	_ =	shalt  }
0x74: {  	_ =	shalt  }
0x75: {  	_ =	shalt  }
0x76: {  	_ =	shalt  }
0x77: {  	_ =	shalt  }
0x78: {  	_ =	shalt  }
0x79: {  	_ =	shalt  }
0x7a: {  	_ =	shalt  }
0x7b: {  	_ =	shalt  }
0x7c: {  	_ =	shalt  }
0x7d: {  	_ =	shalt  }
0x7e: {  	_ =	shalt  }
0x7f: {  	_ =	shalt  }
0x80: {  	_ =	shalt  }
0x81: {  	_ =	shalt  }
0x82: {  	_ =	shalt  }
0x83: {  	_ =	shalt  }
0x84: {  	_ =	shalt  }
0x85: {  	_ =	shalt  }
0x86: {  	_ =	shalt  }
0x87: {  	_ =	shalt  }
.Lfunc_end0:
.L_simem_size_0:
called_computation.5_lowered:
.L_overlay_start_0:
0x88: {  	s2 =	sld [smem:$0x3FD9]  }
0x89: {  	s3 =	sld [smem:$0x3FFE];
	_ =	sdelay $0x1  }
0x8a: {  	s1 =	srdreg.scid  }
0x8b: {  	s0 =	sand.u32 $0x1, s1  }
0x8c: {  	s16 =	sshll.u32 s0, $0xA;
	s2 =	sadd.s32 s3, s2  }
0x8d: {  	s2 =	sadd.s32 s2, s16  }
0x8e: {  	[smem:$0x3FA6] =	sst s2  }
0x8f: {  	_ = 	snop  }
0x90: {  	(tm) =	ssettm $0x1  }
0x91: {  	s17 =	sld [smem:$0x3FFB];
	_ =	sdelay $0x3  }
0x92: {  	_ =	strace s17  }
0x93: {  	s2 =	sld [smem:$0x3FFC];
	_ =	sdelay $0x3  }
0x94: {  	_ =	strace s2  }
0x95: {  	s2 =	sld [smem:$0x3FFD];
	_ =	sdelay $0x3  }
0x96: {  	_ =	strace s2  }
0x97: {  	_ =	strace $0x8FFFFFFF  }
0x98: {  	s18 =	sld [smem:$0x3FDB];
	_ =	sdelay $0x1  }
0x99: {  	s19 =	simm.s32 $_scs_section_size  }
0x9a: {  	s4 =	simm.s32 $_size__tile_overlayer_lowered;
	s5 =	simm.s32 $_tile_overlayer_lowered  }
0x9b: {  	s22 =	simm.s32 $0x1BFF;
	s21 =	sshll.u32 s5, $0x1;
	s2 =	sadd.s32 s19, s18  }
0x9c: {  	s6 =	simm.s32 $0x0;
	s20 =	sshll.u32 s4, $0x1;
	s4 =	sadd.s32 s21, s2  }
0x9d: {  	[timem:s6], [sflag:s22] =	dma.local [hbm:s4], s20  }
0x9e: {  	_ =	swait.ge [sflag:s22], s20  }
0x9f: {  	s3 =	ssub.s32 $0x0, s20;
	[sflag:s22] =	ssyncset.done $0x0  }
0xa0: {  	[sflag:s22] =	ssyncadd.s32 s3;
	_ =	sdelay $0x1  }
0xa1: {  	s23 =	simm.s32 $0x1B8B  }
0xa2: {  	_ =	swait.ge [sflag:s23], $0x1  }
0xa3: {  	[sflag:s23] =	ssyncset.done $0x0  }
0xa4: {  	s25 =	simm.s32 $0x1B8E;
	s24 =	sld [smem:$0x3FFE];
	[sflag:s23] =	ssyncadd.s32 $0xFFFFFFFF  }
0xa5: {  	s26 =	simm.s32 $execute0_lowered;
	[smem:$0x3FD2] =	sst s25  }
0xa6: {  	s4 =	sshll.u32 s26, $0x1;
	_ =	strace $0x80000055;
	[dreg:$0x1] =	wrdreg $0xFFFFFFFF  }
0xa7: {  	s28 =	simm.s32 $_size_execute0_lowered;
	s2 =	sadd.s32 s2, s4;
	[dreg:$0x0] =	wrdreg $0x0  }
0xa8: {  	s4 =	sshll.u32 s28, $0x1;
	[dreg:$0x2] =	wrdreg s2  }
0xa9: {  	[dreg:$0x3] =	wrdreg s4  }
0xaa: {  	[dreg:$0x4] =	wrdreg $0xC0  }
0xab: {  	_ =	task [dreg:s6], $0x5FFFF  }
0xac: {  	[dreg:$0x1] =	wrdreg $0xFFFFFFFF  }
0xad: {  	[dreg:$0x0] =	wrdreg $0x60  }
0xae: {  	[dreg:$0x2] =	wrdreg s24  }
0xaf: {  	[dreg:$0x3] =	wrdreg $0xA8000  }
0xb0: {  	[dreg:$0x4] =	wrdreg $0x9  }
0xb1: {  	_ =	task.clear_ibuf [dreg:s6], $0x5FFFF;
	_ =	strace $0x90000055  }
0xb2: {  	s29 =	simm.s32 $0x9;
	_ =	strace $0x80000057  }
0xb3: {  	_ =	swait.ge [sflag:s29], $0x1  }
0xb4: {  	[sflag:s29] =	ssyncadd.s32 $0xFFFFFFFF  }
0xb5: {  	_ =	strace $0x90000057  }
0xb6: {  	_ =	sfence  }
0xb7: {  	s30 =	sld [smem:$0x0];
	_ =	sdelay $0x2  }
0xb8: {  	s31 =	sshll.u32 s1, $0xD;
	s1 =	sshrl.u32 s1, $0x2  }
0xb9: {  	s3 =	sand.u32 $0x4000, s31;
	s1 =	sadd.s32 s1, s30  }
0xba: {  	s0 =	sor.u32 s3, s0;
	s1 =	sshll.u32 s1, $0x11  }
0xbb: {  	s0 =	sor.u32 s1, s0  }
0xbc: {  	s0 =	sadd.s32 $0x8F2B, s0  }
0xbd: {  	[sflag:s0] =	ssyncadd.remote.s32 $0x1  }
0xbe: {  	_ =	sfence.sel $0xFFFF  }
0xbf: {  	[dreg:$0x0] =	wrdreg $0xFFFFFFFF;
	(pc) =	sbr.abs _section_cstart, $3  }
0xc0: {  	[dreg:$0x1] =	wrdreg $0xFFFFFFFF  }
0xc1: {  	_ =	task.clear_ibuf [dreg:s6], $0x2FFFF;
	_ =	strace $0x9FFFFFFF  }
0xc2: {  	(tm) =	ssettm $0x7FFFFFFF  }
0xc3: {  	_ =	shalt  }
tec
execute0_lowered:
.L_overlay_start_1:
0x0: {  	(tag) =	ssettag $0x1  }
0x1: {  	s1 =	srdreg.scid  }
0x2: {  	s0 =	stileid.u32;
	s5 =	rddreg [dreg:$0x0]  }
0x3: {  	s2 =	rddreg [dreg:$0x1];
	s3 =	simm.s32 $0x0;
	s20 =	simm.s32 $0x6800  }
0x4: {  	s21 =	simm.s32 $0x1;
	s22 =	simm.s32 $0x80;
	s23 =	simm.s32 $0x2  }
0x5: {  	s24 =	simm.s32 $0x2700;
	s25 =	simm.s32 $0x2780;
	s4 =	sand.u32 $0x1, s1  }
0x6: {  	s26 =	sshll.u32 s0, $0x1;
	s1 =	rddreg [dreg:$0x2];
	s9 =	smul.u32 $0x14000, s0  }
0x7: {  	[smem:$0x7FF] =	sst s3;
	s12 =	sadd.s32 $0xF24C00, s5;
	s13 =	smul.u32 $0x50000, s0  }
0x8: {  	s29 =	sshll.u32 s0, $0x6;
	s30 =	smul.u32 $0x280000, s0;
	s6 =	sor.u32 s4, s26  }
0x9: {  	s8 =	smul.u32 $0x140000, s4;
	_ =	strace $0x80000056;
	s10 =	ssub.s32 $0x2, s4  }
0xa: {  	s4 =	sadd.s32 $0x7C00, s5;
	s26 =	simm.s32 $0x0;
	s7 =	smul.u32 $0x500, s6  }
0xb: {  	s11 =	sshrl.u32 s10, $0x1;
	s28 =	sshrl.u32 s13, $0x2;
	s6 =	smul.u32 $0x28000, s6  }
0xc: {  	s9 =	sadd.s32 s9, s8;
	s10 =	ssub.s32 s10, s11;
	s13 =	sadd.s32 s28, s2  }
0xd: {  	s11 =	sadd.s32 s8, s30;
	s7 =	sadd.s32 s7, s5;
	s9 =	sshrl.u32 s9, $0x3  }
0xe: {  	s15 =	sadd.s32 $0x4000, s13;
	s16 =	sadd.s32 $0x8000, s13;
	s17 =	sadd.s32 $0xC000, s13  }
0xf: {  	s18 =	sadd.s32 $0x10000, s13;
	s6 =	sadd.s32 s12, s6;
	s14 =	sor.u32 $0xC000, s11  }
0x10: {  	s19 =	sor.u32 $0x8000, s11;
	s10 =	smax.u32 s10, $0x1;
	s13 =	sshrl.u32 s13, $0x3  }
0x11: {  	s9 =	sadd.s32 s9, s5;
	s5 =	sor.u32 $0x1C03, s29;
	s7 =	sadd.s32 $0x542C00, s7  }
0x12: {  	s8 =	sadd.s32 $0x800, s6;
	s14 =	sshrl.u32 s14, $0x3;
	s31 =	sshrl.u32 s19, $0x3  }
0x13: {  	s15 =	sshrl.u32 s15, $0x3;
	s16 =	sshrl.u32 s16, $0x3;
	s17 =	sshrl.u32 s17, $0x3  }
0x14: {  	s18 =	sshrl.u32 s18, $0x3;
	s19 =	simm.s32 $0x2800;
	s9 =	sadd.s32 $0x8400, s9  }
0x15: {  	s11 =	sadd.s32 s14, s12;
	s12 =	sadd.s32 s31, s12;
	s14 =	simm.s32 $0x3  }
.LBB2_1:
0x16: {  	[spmem:s13], [sflag:s5] =	dma.local [hbm:s4], $0x800  }
0x17: {  	_ =	swait.ge [sflag:s14], $0x800  }
0x18: {  	[sflag:s14] =	ssyncset.done $0x0  }
0x19: {  	[sflag:s14] =	ssyncadd.s32 $0xFFFFF800  }
0x1a: {  	[spmem:s15], [sflag:s5] =	dma.local [hbm:s4], $0x800  }
0x1b: {  	_ =	swait.ge [sflag:s14], $0x800  }
0x1c: {  	[sflag:s14] =	ssyncset.done $0x0  }
0x1d: {  	[sflag:s14] =	ssyncadd.s32 $0xFFFFF800  }
0x1e: {  	[spmem:s16], [sflag:s5] =	dma.local [hbm:s4], $0x800  }
0x1f: {  	_ =	swait.ge [sflag:s14], $0x800  }
0x20: {  	[sflag:s14] =	ssyncset.done $0x0  }
0x21: {  	[sflag:s14] =	ssyncadd.s32 $0xFFFFF800  }
0x22: {  	[spmem:s17], [sflag:s5] =	dma.local [hbm:s4], $0x800  }
0x23: {  	_ =	swait.ge [sflag:s14], $0x800  }
0x24: {  	[sflag:s14] =	ssyncset.done $0x0  }
0x25: {  	[sflag:s14] =	ssyncadd.s32 $0xFFFFF800  }
0x26: {  	[spmem:s18], [sflag:s5] =	dma.local [hbm:s4], $0x800  }
0x27: {  	_ =	swait.ge [sflag:s14], $0x800  }
0x28: {  	[sflag:s14] =	ssyncset.done $0x0  }
0x29: {  	[sflag:s14] =	ssyncadd.s32 $0xFFFFF800  }
0x2a: {  	[tilespmem:s3], [sflag:$0x3] =	stream.linear.gather [hbm4b:s7+s3], $0x2800, $0x38;
	[tilespmem:$0x1E800] =	vst v63  }
0x2b: {  	_ =	swait.ge [sflag:s14], $0x2800  }
0x2c: {  	[sflag:s14] =	ssyncset.done $0x0  }
0x2d: {  	[sflag:s14] =	ssyncadd.s32 $0xFFFFD800  }
0x2e: {  	[bflag:$0x0] =	sbarrier.arrive $0xFFFF  }
0x2f: {  	[tilespmem:s19], [sflag:$0x1] =	stream.linear.gather [hbm4b:s6+s3], $0x4000, $0x38;
	[tilespmem:$0x1E800] =	vst v63  }
0x30: {  	_ = 	snop  }
0x31: {  	[tilespmem:s20], [sflag:$0x2] =	stream.linear.gather [hbm4b:s8+s3], $0x4000, $0x38;
	[tilespmem:$0x1E800] =	vst v63  }
0x32: {  	_ =	swait.ge [sflag:s21], $0x4000  }
0x33: {  	[sflag:s21] =	ssyncset.done $0x0  }
0x34: {  	s28 =	simm.s32 $0x0;
	[sflag:s21] =	ssyncadd.s32 $0xFFFFC000  }
0x35: {  	[spmem:s2] =	stream.indirect.scatter.add.f32 [tilespmem:s19], [sflag:$0x3], $0x80, s28, s22, $0xb8;
	[tilespmem:$0x1E800] =	vst v63  }
0x36: {  	_ =	swait.ge [sflag:s14], $0x4000  }
0x37: {  	[sflag:s14] =	ssyncset.done $0x0  }
0x38: {  	s28 =	sadd.s32 $0x0, s12;
	[sflag:s14] =	ssyncadd.s32 $0xFFFFC000  }
0x39: {  	[tilespmem:s19], [sflag:$0x1] =	stream.linear.gather [hbm4b:s28+s3], $0x4000, $0x38;
	[tilespmem:$0x1E800] =	vst v63  }
0x3a: {  	_ =	swait.ge [sflag:s23], $0x4000  }
0x3b: {  	[sflag:s23] =	ssyncset.done $0x0  }
0x3c: {  	[sflag:s23] =	ssyncadd.s32 $0xFFFFC000  }
0x3d: {  	[spmem:s2] =	stream.indirect.scatter.add.f32 [tilespmem:s20], [sflag:$0x3], $0x80, s22, s22, $0xb8;
	[tilespmem:$0x1E800] =	vst v63  }
0x3e: {  	_ =	swait.ge [sflag:s14], $0x4000  }
0x3f: {  	s30 =	sadd.s32 $0x0, s11;
	[sflag:s14] =	ssyncset.done $0x0  }
0x40: {  	s29 =	simm.s32 $0x180;
	s28 =	simm.s32 $0x1000;
	[sflag:s14] =	ssyncadd.s32 $0xFFFFC000  }
.LBB2_2:
0x41: {  	[tilespmem:s20], [sflag:$0x2] =	stream.linear.gather [hbm4b:s30+s3], $0x4000, $0x38;
	[tilespmem:$0x1E800] =	vst v63  }
0x42: {  	s30 =	smov.u32 s28  }
0x43: {  	p0 =	sne.s32 s28, $0x26000;
	s28 =	sadd.s32 $0x1000, s28;
	_ =	swait.ge [sflag:s21], $0x4000  }
0x44: {  	[sflag:s21] =	ssyncset.done $0x0  }
0x45: {  	s31 =	sadd.s32 $0xFFFFFF80, s29;
	[sflag:s21] =	ssyncadd.s32 $0xFFFFC000  }
0x46: {  	[spmem:s2] =	stream.indirect.scatter.add.f32 [tilespmem:s19], [sflag:$0x3], $0x80, s31, s22, $0xb8;
	[tilespmem:$0x1E800] =	vst v63  }
0x47: {  	_ =	swait.ge [sflag:s14], $0x4000  }
0x48: {  	[sflag:s14] =	ssyncset.done $0x0  }
0x49: {  	s31 =	sadd.s32 s30, s12;
	[sflag:s14] =	ssyncadd.s32 $0xFFFFC000  }
0x4a: {  	[tilespmem:s19], [sflag:$0x1] =	stream.linear.gather [hbm4b:s31+s3], $0x4000, $0x38;
	[tilespmem:$0x1E800] =	vst v63  }
0x4b: {  	_ =	swait.ge [sflag:s23], $0x4000  }
0x4c: {  	[sflag:s23] =	ssyncset.done $0x0  }
.Ltmp0:
0x4d: {  	[sflag:s23] =	ssyncadd.s32 $0xFFFFC000;
	(pc) =	sbr.rel @p0 .LBB2_2-.Ltmp0, $4  }
0x4e: {  	[spmem:s2] =	stream.indirect.scatter.add.f32 [tilespmem:s20], [sflag:$0x3], $0x80, s29, s22, $0xb8;
	[tilespmem:$0x1E800] =	vst v63  }
0x4f: {  	_ =	swait.ge [sflag:s14], $0x4000  }
0x50: {  	[sflag:s14] =	ssyncset.done $0x0  }
0x51: {  	s30 =	sadd.s32 s30, s11;
	s29 =	sadd.s32 $0x100, s29;
	[sflag:s14] =	ssyncadd.s32 $0xFFFFC000  }
0x52: {  	[tilespmem:s20], [sflag:$0x2] =	stream.linear.gather [hbm4b:s30+s3], $0x4000, $0x38;
	[tilespmem:$0x1E800] =	vst v63  }
0x53: {  	_ =	swait.ge [sflag:s21], $0x4000  }
0x54: {  	[sflag:s21] =	ssyncset.done $0x0  }
0x55: {  	[sflag:s21] =	ssyncadd.s32 $0xFFFFC000  }
0x56: {  	[spmem:s2] =	stream.indirect.scatter.add.f32 [tilespmem:s19], [sflag:$0x3], $0x80, s24, s22, $0xb8;
	[tilespmem:$0x1E800] =	vst v63  }
0x57: {  	_ =	swait.ge [sflag:s14], $0x4000  }
0x58: {  	[sflag:s14] =	ssyncset.done $0x0  }
0x59: {  	[sflag:s14] =	ssyncadd.s32 $0xFFFFC000  }
0x5a: {  	_ =	swait.ge [sflag:s23], $0x4000  }
0x5b: {  	[sflag:s23] =	ssyncset.done $0x0  }
0x5c: {  	[sflag:s23] =	ssyncadd.s32 $0xFFFFC000  }
0x5d: {  	[spmem:s2] =	stream.indirect.scatter.add.f32 [tilespmem:s20], [sflag:$0x3], $0x80, s25, s22, $0xb8;
	[tilespmem:$0x1E800] =	vst v63  }
0x5e: {  	_ =	swait.ge [sflag:s14], $0x4000  }
0x5f: {  	s26 =	sadd.s32 $0x1, s26;
	[sflag:s14] =	ssyncset.done $0x0  }
0x60: {  	p0 =	sne.s32 s26, s10;
	[sflag:s14] =	ssyncadd.s32 $0xFFFFC000  }
.Ltmp1:
0x61: {  	[bflag:$0x0] =	sbarrier.arrive $0xFFFF;
	(pc) =	sbr.rel @p0 .LBB2_1-.Ltmp1, $4  }
0x62: {  	[hbm:s9], [sflag:s5] =	dma.local [spmem:s13], $0x2800  }
0x63: {  	_ =	swait.ge [sflag:s14], $0x2800  }
0x64: {  	[sflag:s14] =	ssyncset.done $0x0  }
0x65: {  	[sflag:s14] =	ssyncadd.s32 $0xFFFFD800  }
0x66: {  	_ =	sfence.sel $0x180000  }
0x67: {  	[bflag:$0x0] =	sbarrier.arrive $0xFFFF  }
0x68: {  	p0 =	sne.s32 s0, $0x0;
	_ =	strace $0x90000056  }
0x69: {  	s0 =	sadd.s32 @!p0 $0x100000, s1;
	[bflag:$0x2] =	sbarrier.arrive $0xFFFF  }
0x6a: {  	[sflag:s0] =	ssyncadd.tile.s32 @!p0 $0x1;
	_ =	shalt  }
.Lfunc_end2:
_tile_overlayer_lowered:
.L_overlay_start_2:
0x6b: {  	(tag) =	ssettag $0x2  }
0x6c: {  	s0 =	rddreg [dreg:$0x0];
	s2 =	stileid.u32  }
0x6d: {  	s1 =	rddreg [dreg:$0x1];
	p0 =	sne.s32 s2, $0x0  }
0x6e: {  	s3 =	rddreg [dreg:$0x2];
	[bflag:$0x3] =	sbarrier.arrive $0xFFFF;
	s2 =	simm.s32 @!p0 $0x1C03  }
0x6f: {  	[timem:s3], [sflag:s2] =	dma.local @!p0 [hbm:s0], s1  }
0x70: {  	s0 =	simm.s32 @!p0 $0x3  }
0x71: {  	_ =	swait.ge @!p0 [sflag:s0], s1  }
0x72: {  	s1 =	ssub.s32 @!p0 $0x0, s1;
	[sflag:s0] =	ssyncset.done @!p0 $0x0  }
0x73: {  	[sflag:s0] =	ssyncadd.s32 @!p0 s1  }
0x74: {  	[bflag:$0x3] =	sbarrier.arrive $0xFFFF  }
0x75: {  	_ =	shalt  }

</sc_bundles>
